<compile_context>
chip_gen: v7x
topology: tpu7x:2x2x1
jax: 0.10.2.dev20260603
libtpu: 0.0.44.dev20260713+nightly
codegen_flags: <defaults>
</compile_context>

<pallas_src>
import functools

import jax
import jax.numpy as jnp
from jax import lax
from jax.experimental import pallas as pl
from jax.experimental.pallas import tpu as pltpu
from jax.experimental.pallas import tpu_sc as plsc

_REG_COEF = 2.0
_CLS_COEF = 1.0
_COST_POINT = 0.1
_TOP_K = 4
_BIG = 1e30


def _match_kernel(px_ref, py_ref, l0_ref, l1_ref, gx_ref, gy_ref,
                  idx_ref, lp0_ref, lp1_ref, *, q_len, g_tile):
    px = px_ref[0]
    py = py_ref[0]
    l0 = l0_ref[0]
    l1 = l1_ref[0]
    gx = jnp.transpose(gx_ref[0], (1, 0))
    gy = jnp.transpose(gy_ref[0], (1, 0))

    m = jnp.maximum(l0, l1)
    lse = m + jnp.log(jnp.exp(l0 - m) + jnp.exp(l1 - m))
    p0 = jnp.exp(l0 - lse)

    @pl.when(pl.program_id(1) == 0)
    def _write_logps():
        lp0_ref[0] = l0 - lse
        lp1_ref[0] = l1 - lse

    dx = gx - px
    dy = gy - py
    d2 = dx * dx + dy * dy
    cost = _COST_POINT * jnp.sqrt(d2) - p0

    nl = 128
    nj = q_len // nl
    tv = [jnp.full((g_tile, nl), _BIG, jnp.float32) for _ in range(_TOP_K)]
    ti = [jnp.zeros((g_tile, nl), jnp.int32) for _ in range(_TOP_K)]
    for j in range(nj):
        w = cost[:, j * nl:(j + 1) * nl]
        c0 = w < tv[0]
        c1 = w < tv[1]
        c2 = w < tv[2]
        c3 = w < tv[3]
        tv3 = jnp.where(c3, jnp.where(c2, tv[2], w), tv[3])
        ti3 = jnp.where(c3, jnp.where(c2, ti[2], j), ti[3])
        tv2 = jnp.where(c2, jnp.where(c1, tv[1], w), tv[2])
        ti2 = jnp.where(c2, jnp.where(c1, ti[1], j), ti[2])
        tv1 = jnp.where(c1, jnp.where(c0, tv[0], w), tv[1])
        ti1 = jnp.where(c1, jnp.where(c0, ti[0], j), ti[1])
        tv0 = jnp.where(c0, w, tv[0])
        ti0 = jnp.where(c0, j, ti[0])
        tv = [tv0, tv1, tv2, tv3]
        ti = [ti0, ti1, ti2, ti3]

    lane = lax.broadcasted_iota(jnp.int32, (g_tile, nl), 1)
    vals = jnp.concatenate(tv, axis=1)
    qidx = jnp.concatenate([t * nl + lane for t in ti], axis=1)
    rows = []
    for k in range(_TOP_K):
        v = jnp.min(vals, axis=1, keepdims=True)
        qsel = jnp.min(jnp.where(vals == v, qidx, q_len),
                       axis=1, keepdims=True)
        rows.append(jnp.transpose(qsel, (1, 0)))
        if k + 1 < _TOP_K:
            vals = jnp.where(qidx == qsel, _BIG, vals)
    idx_ref[0] = jnp.concatenate(rows, axis=0)


def _sc_loss_kernel(idx_hbm, px_hbm, py_hbm, gx_hbm, gy_hbm, lp0_hbm,
                    lp1_hbm, reg_out, cls_out, pxv, pyv, gxv, gyv, idxv,
                    idxg, onesv, markv, lp0v, lp1v, accv, mark_sh):
    c = lax.axis_index("c")
    s = lax.axis_index("s")
    r0 = 2 * s
    b = r0 // _TOP_K
    zero16 = jnp.zeros((16,), jnp.float32)

    @pl.when(c == 0)
    def _zero_marks():
        def zbody(i, carry):
            markv[pl.ds(i * 16, 16)] = zero16
            return carry
        lax.fori_loop(0, 128, zbody, 0)
        pltpu.sync_copy(markv, mark_sh.at[pl.ds(s * 2048, 2048)])
        for i in range(8):
            onesv[pl.ds(i * 16, 16)] = jnp.ones((16,), jnp.float32)

    @pl.when(c == 1)
    def _reg():
        pltpu.sync_copy(px_hbm.at[b], pxv)
        pltpu.sync_copy(py_hbm.at[b], pyv)
        pltpu.sync_copy(gx_hbm.at[b], gxv)
        pltpu.sync_copy(gy_hbm.at[b], gyv)
        acc = zero16
        for r in (r0, r0 + 1):
            pltpu.sync_copy(idx_hbm.at[r], idxv)

            def rbody(i, a):
                qv = idxv[pl.ds(i * 16, 16)]
                pxg = plsc.load_gather(pxv, [qv])
                pyg = plsc.load_gather(pyv, [qv])
                gxl = gxv[pl.ds(i * 16, 16)]
                gyl = gyv[pl.ds(i * 16, 16)]
                ddx = pxg - gxl
                ddy = pyg - gyl
                return a + ddx * ddx + ddy * ddy
            acc = lax.fori_loop(0, 64, rbody, acc)
        accv[...] = acc
        pltpu.sync_copy(accv, reg_out.at[s])

    plsc.subcore_barrier()

    @pl.when(c == 0)
    def _scatter_marks():
        boff = b * 4096
        for r in (r0, r0 + 1):
            pltpu.sync_copy(idx_hbm.at[r], idxv)
            for c8 in range(8):
                for j in range(8):
                    off = c8 * 128 + j * 16
                    idxg[c8, pl.ds(j * 16, 16)] = idxv[pl.ds(off, 16)] + boff
                pltpu.sync_copy(onesv, mark_sh.at[idxg.at[c8]], add=True)

    plsc.subcore_barrier()

    @pl.when(c == 0)
    def _cls():
        base = s * 2048
        pltpu.sync_copy(mark_sh.at[pl.ds(base, 2048)], markv)
        pltpu.sync_copy(lp0_hbm.at[pl.ds(base, 2048)], lp0v)
        pltpu.sync_copy(lp1_hbm.at[pl.ds(base, 2048)], lp1v)

        def cbody(i, a):
            sl = pl.ds(i * 16, 16)
            matched = markv[sl] > 0.0
            return a + jnp.where(matched, lp0v[sl], lp1v[sl])
        acc = lax.fori_loop(0, 128, cbody, zero16)
        accv[...] = acc
        pltpu.sync_copy(accv, cls_out.at[s])


@jax.jit
def kernel(pred_coords, pred_logits, gt_coords, gt_labels, gt_masks):
    del gt_labels, gt_masks
    B, Q, _ = pred_coords.shape
    G = gt_coords.shape[1]
    g_tile = 1024
    num_g_tiles = G // g_tile

    px = pred_coords[..., 0].reshape(B, 1, Q)
    py = pred_coords[..., 1].reshape(B, 1, Q)
    l0 = pred_logits[..., 0].reshape(B, 1, Q)
    l1 = pred_logits[..., 1].reshape(B, 1, Q)
    gx = gt_coords[..., 0].reshape(B, 1, G)
    gy = gt_coords[..., 1].reshape(B, 1, G)

    body = functools.partial(_match_kernel, q_len=Q, g_tile=g_tile)
    q_spec = pl.BlockSpec((1, 1, Q), lambda b, j: (b, 0, 0))
    g_spec = pl.BlockSpec((1, 1, g_tile), lambda b, j: (b, 0, j))
    idxq, lp0, lp1 = pl.pallas_call(
        body,
        grid=(B, num_g_tiles),
        in_specs=[q_spec, q_spec, q_spec, q_spec, g_spec, g_spec],
        out_specs=[pl.BlockSpec((1, _TOP_K, g_tile), lambda b, j: (b, 0, j)),
                   q_spec, q_spec],
        out_shape=[jax.ShapeDtypeStruct((B, _TOP_K, G), jnp.int32),
                   jax.ShapeDtypeStruct((B, 1, Q), jnp.float32),
                   jax.ShapeDtypeStruct((B, 1, Q), jnp.float32)],
    )(px, py, l0, l1, gx, gy)

    sc_body = functools.partial(
        pl.kernel,
        mesh=plsc.VectorSubcoreMesh(core_axis_name="c", subcore_axis_name="s"),
        compiler_params=pltpu.CompilerParams(needs_layout_passes=False),
        out_type=[jax.ShapeDtypeStruct((16, 16), jnp.float32),
                  jax.ShapeDtypeStruct((16, 16), jnp.float32)],
        scratch_types=[
            pltpu.VMEM((Q,), jnp.float32),
            pltpu.VMEM((Q,), jnp.float32),
            pltpu.VMEM((G,), jnp.float32),
            pltpu.VMEM((G,), jnp.float32),
            pltpu.VMEM((G,), jnp.int32),
            pltpu.VMEM((8, 128), jnp.int32),
            pltpu.VMEM((128,), jnp.float32),
            pltpu.VMEM((2048,), jnp.float32),
            pltpu.VMEM((2048,), jnp.float32),
            pltpu.VMEM((2048,), jnp.float32),
            pltpu.VMEM((16,), jnp.float32),
            pltpu.VMEM_SHARED((B * Q,), jnp.float32),
        ],
    )(_sc_loss_kernel)
    reg_part, cls_part = sc_body(
        idxq.reshape(B * _TOP_K, G),
        pred_coords[..., 0], pred_coords[..., 1],
        gt_coords[..., 0], gt_coords[..., 1],
        lp0.reshape(B * Q), lp1.reshape(B * Q))

    denom = jnp.float32(B * _TOP_K * G * 2)
    reg_loss = jnp.sum(reg_part) * jnp.float32(_REG_COEF) / denom
    cls_loss = -jnp.sum(cls_part) * jnp.float32(_CLS_COEF) / jnp.float32(B * Q)
    return reg_loss, cls_loss

# --- scband reference (transcript-rebuilt; emitter-appended) ---
"""Pipeline reference for scband-de-nu-closs-87170656239837 (READ-ONLY COPY).

The authoritative reference and input builder live on the scoring server;
editing this copy changes nothing except your own understanding.
"""

import jax, jax.numpy as jnp
import numpy as np

REG_COEF = 2.0
CLS_COEF = 1.0
COST_POINT = 0.1
COST_CLASS = 1.0
TOP_K = 4
N_CLS = 1


def setup_inputs(seed: int = 0) -> dict:
    key = jax.random.key(seed)
    k1, k2, k3, k4 = jax.random.split(key, 4)
    B, Q, G = 8, 4096, 1024
    pred_coords = jax.random.uniform(k1, (B, Q, 2), dtype=jnp.float32)
    pred_logits = jax.random.normal(k2, (B, Q, N_CLS + 1), dtype=jnp.float32)
    gt_coords = jax.random.uniform(k3, (B, G, 2), dtype=jnp.float32)
    gt_labels = jax.random.randint(k4, (B, G), 0, N_CLS).astype(jnp.int32)
    gt_masks = jnp.ones((B, G), dtype=bool)
    return {
        "pred_coords": pred_coords,
        "pred_logits": pred_logits,
        "gt_coords": gt_coords,
        "gt_labels": gt_labels,
        "gt_masks": gt_masks,
    }


def _matcher(pred_coords, pred_logits, gt_coords, gt_labels, gt_masks):
    # Matcher runs under torch.no_grad() in the original; all inputs are
    # stop_gradient'd by the caller.
    pred_probs = jax.nn.softmax(pred_logits, axis=-1)
    diff = pred_coords[:, :, None, :] - gt_coords[:, None, :, :]
    cost_point = jnp.sqrt(jnp.sum(diff * diff, axis=-1))  # cdist p=2, [B,Q,G]
    gl = jnp.broadcast_to(gt_labels[:, None, :], cost_point.shape)
    cost_class = -jnp.take_along_axis(pred_probs, gl, axis=2)  # [B,Q,G]
    C = COST_POINT * cost_point + COST_CLASS * cost_class
    C = jnp.where(gt_masks[:, None, :], C, jnp.inf)
    # topk smallest over query dim (dim=-2)
    Ct = jnp.transpose(C, (0, 2, 1))  # [B,G,Q]
    _, idx = jax.lax.top_k(-Ct, TOP_K)  # [B,G,k]
    return jnp.transpose(idx, (0, 2, 1))  # [B,k,G]


def _forward(pred_coords, pred_logits, gt_coords, gt_labels, gt_masks):
    topk_idx = _matcher(
        jax.lax.stop_gradient(pred_coords),
        jax.lax.stop_gradient(pred_logits),
        jax.lax.stop_gradient(gt_coords),
        gt_labels,
        gt_masks,
    )
    B, Q = pred_logits.shape[:2]
    G = gt_coords.shape[1]
    k = TOP_K
    batch_idx = jnp.broadcast_to(jnp.arange(B)[:, None, None], (B, k, G))
    matched_pred_coords = pred_coords[batch_idx, topk_idx]  # [B,k,G,2]
    target_coords = jnp.broadcast_to(gt_coords[:, None, :, :], (B, k, G, 2))
    valid = jnp.broadcast_to(gt_masks[:, None, :], (B, k, G))
    vf = valid.astype(jnp.float32)
    denom = jnp.maximum(jnp.sum(vf) * 2.0, 1.0)
    # mse over valid matched pairs (masked mean, equivalent to boolean-select + mean)
    reg_loss = jnp.sum(((matched_pred_coords - target_coords) ** 2) * vf[..., None]) / denom
    reg_loss = reg_loss * REG_COEF
    # classification targets: background (=N_CLS) everywhere, 0 at matched valid queries
    idx_b = jnp.where(valid, batch_idx, B)  # out-of-bounds for invalid -> dropped
    labels = jnp.full((B, Q), N_CLS, dtype=jnp.int32)
    labels = labels.at[idx_b.reshape(-1), topk_idx.reshape(-1)].set(0, mode="drop")
    logits_flat = pred_logits.reshape(-1, N_CLS + 1)
    labels_flat = labels.reshape(-1)
    logp = jax.nn.log_softmax(logits_flat, axis=-1)
    cls_loss = -jnp.mean(jnp.take_along_axis(logp, labels_flat[:, None], axis=1)) * CLS_COEF
    return reg_loss, cls_loss


def reference(pred_coords, pred_logits, gt_coords, gt_labels, gt_masks):
    return _forward(pred_coords, pred_logits, gt_coords, gt_labels, gt_masks)

if __name__ == "__main__":
    import jax
    _d = setup_inputs()
    print(jax.jit(kernel)(*tuple(_d.values())))

</pallas_src>

<mosaic_0001>
#map = affine_map<(d0, d1) -> (0, 0)>
#map1 = affine_map<(d0, d1) -> (0)>
module attributes {stable_mosaic.version = 14 : i64} {
  func.func @_sc_loss_kernel(%arg0: i32, %arg1: i32, %arg2: memref<32x1024xi32, #tpu.memory_space<hbm>>, %arg3: memref<8x4096xf32, #tpu.memory_space<hbm>>, %arg4: memref<8x4096xf32, #tpu.memory_space<hbm>>, %arg5: memref<8x1024xf32, #tpu.memory_space<hbm>>, %arg6: memref<8x1024xf32, #tpu.memory_space<hbm>>, %arg7: memref<32768xf32, #tpu.memory_space<hbm>>, %arg8: memref<32768xf32, #tpu.memory_space<hbm>>, %arg9: memref<16x16xf32, #tpu.memory_space<hbm>>, %arg10: memref<16x16xf32, #tpu.memory_space<hbm>>, %arg11: memref<4096xf32, #tpu.memory_space<vmem>>, %arg12: memref<4096xf32, #tpu.memory_space<vmem>>, %arg13: memref<1024xf32, #tpu.memory_space<vmem>>, %arg14: memref<1024xf32, #tpu.memory_space<vmem>>, %arg15: memref<1024xi32, #tpu.memory_space<vmem>>, %arg16: memref<8x128xi32, #tpu.memory_space<vmem>>, %arg17: memref<128xf32, #tpu.memory_space<vmem>>, %arg18: memref<2048xf32, #tpu.memory_space<vmem>>, %arg19: memref<2048xf32, #tpu.memory_space<vmem>>, %arg20: memref<2048xf32, #tpu.memory_space<vmem>>, %arg21: memref<16xf32, #tpu.memory_space<vmem>>, %arg22: memref<32768xf32, #tpu.memory_space<vmem_shared>>) attributes {dimension_semantics = [#tpu.dimension_semantics<core_parallel>, #tpu.dimension_semantics<subcore_parallel>], iteration_bounds = array<i64: 2, 16>, scalar_prefetch = 0 : i64, scratch_operands = 12 : i64, tpu.core_type = #tpu.core_type<sc_vector_subcore>, window_params = [{transform_indices = #map}, {transform_indices = #map}, {transform_indices = #map}, {transform_indices = #map}, {transform_indices = #map}, {transform_indices = #map1}, {transform_indices = #map1}, {transform_indices = #map}, {transform_indices = #map}]} {
    %mul3A = arith.constant 2 : i32
    %mul3A_0 = arith.muli %mul3A, %arg1 : i32
    %jit3A = arith.constant 4 : i32
    %div3A = arith.divsi %mul3A_0, %jit3A : i32
    %sign3A = arith.constant 0 : i32
    %sign3A_1 = arith.cmpi sgt, %mul3A_0, %sign3A : i32
    %sign3A_2 = arith.extui %sign3A_1 : i1 to i32
    %sign3A_3 = arith.constant 0 : i32
    %sign3A_4 = arith.cmpi slt, %mul3A_0, %sign3A_3 : i32
    %sign3A_5 = arith.extui %sign3A_4 : i1 to i32
    %sign3A_6 = arith.subi %sign3A_2, %sign3A_5 : i32
    %sign3A_7 = arith.constant 0 : i32
    %sign3A_8 = arith.cmpi sgt, %jit3A, %sign3A_7 : i32
    %sign3A_9 = arith.extui %sign3A_8 : i1 to i32
    %sign3A_10 = arith.constant 0 : i32
    %sign3A_11 = arith.cmpi slt, %jit3A, %sign3A_10 : i32
    %sign3A_12 = arith.extui %sign3A_11 : i1 to i32
    %sign3A_13 = arith.subi %sign3A_9, %sign3A_12 : i32
    %ne3A = arith.cmpi ne, %sign3A_6, %sign3A_13 : i32
    %rem3A = arith.remsi %mul3A_0, %jit3A : i32
    %ne3A_14 = arith.constant 0 : i32
    %ne3A_15 = arith.cmpi ne, %rem3A, %ne3A_14 : i32
    %and3A = arith.andi %ne3A, %ne3A_15 : i1
    %sub3A = arith.constant 1 : i32
    %sub3A_16 = arith.subi %div3A, %sub3A : i32
    %select_n3A = arith.select %and3A, %sub3A_16, %div3A : i32
    %broadcast_in_dim3A = arith.constant 0.000000e+00 : f32
    %broadcast_in_dim3A_17 = vector.broadcast %broadcast_in_dim3A : f32 to vector<16xf32>
    %eq3A = arith.constant 0 : i32
    %eq3A_18 = arith.cmpi eq, %arg0, %eq3A : i32
    %convert_element_type3A = arith.extui %eq3A_18 : i1 to i32
    %cond3A = arith.constant 0 : i32
    %cond3A_19 = arith.cmpi ne, %convert_element_type3A, %cond3A : i32
    scf.if %cond3A_19 {
      %scan3A = arith.constant 0 : i32
      %scan3A_36 = arith.constant 0 : i32
      %scan3A_37 = arith.constant 128 : i32
      %scan3A_38 = arith.addi %scan3A_36, %scan3A_37 : i32
      %scan3A_39 = arith.constant 1 : i32
      scf.for %scan3A_74 = %scan3A_36 to %scan3A_38 step %scan3A_39  : i32 {
        %mul3A_75 = arith.constant 16 : i32
        %mul3A_76 = arith.muli %scan3A_74, %mul3A_75 : i32
        %swap3A_77 = arith.index_cast %mul3A_76 : i32 to index
        %swap3A_78 = tpu.vector_load %arg18[%swap3A_77] {strides = array<i32>} : memref<2048xf32, #tpu.memory_space<vmem>>, vector<16xf32>,
        tpu.vector_store %arg18[%swap3A_77], %broadcast_in_dim3A_17 {strides = array<i32>} : memref<2048xf32, #tpu.memory_space<vmem>>, vector<16xf32>,
      }
      %scan3A_40 = arith.constant 128 : i32
      %mul3A_41 = arith.constant 2048 : i32
      %mul3A_42 = arith.muli %arg1, %mul3A_41 : i32
      "tpu.region"() ({
        %run_scoped3A = tpu.sem_alloc : memref<!tpu.dma_semaphore, #tpu.memory_space<semaphore_mem>>
        %dma_start3A = tpu.memref_slice %arg22[%mul3A_42] : memref<32768xf32, #tpu.memory_space<vmem_shared>> -> memref<2048xf32, #tpu.memory_space<vmem_shared>>
        %dma_start3A_74 = tpu.memref_slice %arg22[%mul3A_42] : memref<32768xf32, #tpu.memory_space<vmem_shared>> -> memref<2048xf32, #tpu.memory_space<vmem_shared>>
        tpu.enqueue_dma source(%arg18 : memref<2048xf32, #tpu.memory_space<vmem>>) target(%dma_start3A_74 : memref<2048xf32, #tpu.memory_space<vmem_shared>>) target_semaphore(%run_scoped3A : memref<!tpu.dma_semaphore, #tpu.memory_space<semaphore_mem>>)
        %dma_wait3A = tpu.memref_slice %arg22[%mul3A_42] : memref<32768xf32, #tpu.memory_space<vmem_shared>> -> memref<2048xf32, #tpu.memory_space<vmem_shared>>
        %dma_wait3A_75 = tpu.memref_slice %arg22[%mul3A_42] : memref<32768xf32, #tpu.memory_space<vmem_shared>> -> memref<2048xf32, #tpu.memory_space<vmem_shared>>
        tpu.wait_dma2 semaphore(%run_scoped3A : memref<!tpu.dma_semaphore, #tpu.memory_space<semaphore_mem>>) src(%arg18 : memref<2048xf32, #tpu.memory_space<vmem>>) dst(%dma_wait3A_75 : memref<2048xf32, #tpu.memory_space<vmem_shared>>)
        tpu.yield
      }) : () -> ()
      %broadcast_in_dim3A_43 = arith.constant 1.000000e+00 : f32
      %broadcast_in_dim3A_44 = vector.broadcast %broadcast_in_dim3A_43 : f32 to vector<16xf32>
      %swap3A = arith.constant 0 : index
      %swap3A_45 = tpu.vector_load %arg17[%swap3A] {strides = array<i32>} : memref<128xf32, #tpu.memory_space<vmem>>, vector<16xf32>,
      tpu.vector_store %arg17[%swap3A], %broadcast_in_dim3A_44 {strides = array<i32>} : memref<128xf32, #tpu.memory_space<vmem>>, vector<16xf32>,
      %broadcast_in_dim3A_46 = arith.constant 1.000000e+00 : f32
      %broadcast_in_dim3A_47 = vector.broadcast %broadcast_in_dim3A_46 : f32 to vector<16xf32>
      %swap3A_48 = arith.constant 16 : index
      %swap3A_49 = tpu.vector_load %arg17[%swap3A_48] {strides = array<i32>} : memref<128xf32, #tpu.memory_space<vmem>>, vector<16xf32>,
      tpu.vector_store %arg17[%swap3A_48], %broadcast_in_dim3A_47 {strides = array<i32>} : memref<128xf32, #tpu.memory_space<vmem>>, vector<16xf32>,
      %broadcast_in_dim3A_50 = arith.constant 1.000000e+00 : f32
      %broadcast_in_dim3A_51 = vector.broadcast %broadcast_in_dim3A_50 : f32 to vector<16xf32>
      %swap3A_52 = arith.constant 32 : index
      %swap3A_53 = tpu.vector_load %arg17[%swap3A_52] {strides = array<i32>} : memref<128xf32, #tpu.memory_space<vmem>>, vector<16xf32>,
      tpu.vector_store %arg17[%swap3A_52], %broadcast_in_dim3A_51 {strides = array<i32>} : memref<128xf32, #tpu.memory_space<vmem>>, vector<16xf32>,
      %broadcast_in_dim3A_54 = arith.constant 1.000000e+00 : f32
      %broadcast_in_dim3A_55 = vector.broadcast %broadcast_in_dim3A_54 : f32 to vector<16xf32>
      %swap3A_56 = arith.constant 48 : index
      %swap3A_57 = tpu.vector_load %arg17[%swap3A_56] {strides = array<i32>} : memref<128xf32, #tpu.memory_space<vmem>>, vector<16xf32>,
      tpu.vector_store %arg17[%swap3A_56], %broadcast_in_dim3A_55 {strides = array<i32>} : memref<128xf32, #tpu.memory_space<vmem>>, vector<16xf32>,
      %broadcast_in_dim3A_58 = arith.constant 1.000000e+00 : f32
      %broadcast_in_dim3A_59 = vector.broadcast %broadcast_in_dim3A_58 : f32 to vector<16xf32>
      %swap3A_60 = arith.constant 64 : index
      %swap3A_61 = tpu.vector_load %arg17[%swap3A_60] {strides = array<i32>} : memref<128xf32, #tpu.memory_space<vmem>>, vector<16xf32>,
      tpu.vector_store %arg17[%swap3A_60], %broadcast_in_dim3A_59 {strides = array<i32>} : memref<128xf32, #tpu.memory_space<vmem>>, vector<16xf32>,
      %broadcast_in_dim3A_62 = arith.constant 1.000000e+00 : f32
      %broadcast_in_dim3A_63 = vector.broadcast %broadcast_in_dim3A_62 : f32 to vector<16xf32>
      %swap3A_64 = arith.constant 80 : index
      %swap3A_65 = tpu.vector_load %arg17[%swap3A_64] {strides = array<i32>} : memref<128xf32, #tpu.memory_space<vmem>>, vector<16xf32>,
      tpu.vector_store %arg17[%swap3A_64], %broadcast_in_dim3A_63 {strides = array<i32>} : memref<128xf32, #tpu.memory_space<vmem>>, vector<16xf32>,
      %broadcast_in_dim3A_66 = arith.constant 1.000000e+00 : f32
      %broadcast_in_dim3A_67 = vector.broadcast %broadcast_in_dim3A_66 : f32 to vector<16xf32>
      %swap3A_68 = arith.constant 96 : index
      %swap3A_69 = tpu.vector_load %arg17[%swap3A_68] {strides = array<i32>} : memref<128xf32, #tpu.memory_space<vmem>>, vector<16xf32>,
      tpu.vector_store %arg17[%swap3A_68], %broadcast_in_dim3A_67 {strides = array<i32>} : memref<128xf32, #tpu.memory_space<vmem>>, vector<16xf32>,
      %broadcast_in_dim3A_70 = arith.constant 1.000000e+00 : f32
      %broadcast_in_dim3A_71 = vector.broadcast %broadcast_in_dim3A_70 : f32 to vector<16xf32>
      %swap3A_72 = arith.constant 112 : index
      %swap3A_73 = tpu.vector_load %arg17[%swap3A_72] {strides = array<i32>} : memref<128xf32, #tpu.memory_space<vmem>>, vector<16xf32>,
      tpu.vector_store %arg17[%swap3A_72], %broadcast_in_dim3A_71 {strides = array<i32>} : memref<128xf32, #tpu.memory_space<vmem>>, vector<16xf32>,
    } else {
    }
    %eq3A_20 = arith.constant 1 : i32
    %eq3A_21 = arith.cmpi eq, %arg0, %eq3A_20 : i32
    %convert_element_type3A_22 = arith.extui %eq3A_21 : i1 to i32
    %cond3A_23 = arith.constant 0 : i32
    %cond3A_24 = arith.cmpi ne, %convert_element_type3A_22, %cond3A_23 : i32
    scf.if %cond3A_24 {
      "tpu.region"() ({
        %run_scoped3A = tpu.sem_alloc : memref<!tpu.dma_semaphore, #tpu.memory_space<semaphore_mem>>
        %dma_start3A = arith.constant 0 : i32
        %dma_start3A_49 = tpu.memref_slice %arg3[%select_n3A, %dma_start3A] : memref<8x4096xf32, #tpu.memory_space<hbm>> -> memref<1x4096xf32, #tpu.memory_space<hbm>>
        %dma_start3A_50 = tpu.memref_squeeze %dma_start3A_49 : memref<1x4096xf32, #tpu.memory_space<hbm>> -> memref<4096xf32, #tpu.memory_space<hbm>>
        %dma_start3A_51 = arith.constant 0 : i32
        %dma_start3A_52 = tpu.memref_slice %arg3[%select_n3A, %dma_start3A_51] : memref<8x4096xf32, #tpu.memory_space<hbm>> -> memref<1x4096xf32, #tpu.memory_space<hbm>>
        %dma_start3A_53 = tpu.memref_squeeze %dma_start3A_52 : memref<1x4096xf32, #tpu.memory_space<hbm>> -> memref<4096xf32, #tpu.memory_space<hbm>>
        tpu.enqueue_dma source(%dma_start3A_53 : memref<4096xf32, #tpu.memory_space<hbm>>) target(%arg11 : memref<4096xf32, #tpu.memory_space<vmem>>) target_semaphore(%run_scoped3A : memref<!tpu.dma_semaphore, #tpu.memory_space<semaphore_mem>>)
        %dma_wait3A = arith.constant 0 : i32
        %dma_wait3A_54 = tpu.memref_slice %arg3[%select_n3A, %dma_wait3A] : memref<8x4096xf32, #tpu.memory_space<hbm>> -> memref<1x4096xf32, #tpu.memory_space<hbm>>
        %dma_wait3A_55 = tpu.memref_squeeze %dma_wait3A_54 : memref<1x4096xf32, #tpu.memory_space<hbm>> -> memref<4096xf32, #tpu.memory_space<hbm>>
        %dma_wait3A_56 = arith.constant 0 : i32
        %dma_wait3A_57 = tpu.memref_slice %arg3[%select_n3A, %dma_wait3A_56] : memref<8x4096xf32, #tpu.memory_space<hbm>> -> memref<1x4096xf32, #tpu.memory_space<hbm>>
        %dma_wait3A_58 = tpu.memref_squeeze %dma_wait3A_57 : memref<1x4096xf32, #tpu.memory_space<hbm>> -> memref<4096xf32, #tpu.memory_space<hbm>>
        tpu.wait_dma2 semaphore(%run_scoped3A : memref<!tpu.dma_semaphore, #tpu.memory_space<semaphore_mem>>) src(%dma_wait3A_58 : memref<4096xf32, #tpu.memory_space<hbm>>) dst(%arg11 : memref<4096xf32, #tpu.memory_space<vmem>>)
        tpu.yield
      }) : () -> ()
      "tpu.region"() ({
        %run_scoped3A = tpu.sem_alloc : memref<!tpu.dma_semaphore, #tpu.memory_space<semaphore_mem>>
        %dma_start3A = arith.constant 0 : i32
        %dma_start3A_49 = tpu.memref_slice %arg4[%select_n3A, %dma_start3A] : memref<8x4096xf32, #tpu.memory_space<hbm>> -> memref<1x4096xf32, #tpu.memory_space<hbm>>
        %dma_start3A_50 = tpu.memref_squeeze %dma_start3A_49 : memref<1x4096xf32, #tpu.memory_space<hbm>> -> memref<4096xf32, #tpu.memory_space<hbm>>
        %dma_start3A_51 = arith.constant 0 : i32
        %dma_start3A_52 = tpu.memref_slice %arg4[%select_n3A, %dma_start3A_51] : memref<8x4096xf32, #tpu.memory_space<hbm>> -> memref<1x4096xf32, #tpu.memory_space<hbm>>
        %dma_start3A_53 = tpu.memref_squeeze %dma_start3A_52 : memref<1x4096xf32, #tpu.memory_space<hbm>> -> memref<4096xf32, #tpu.memory_space<hbm>>
        tpu.enqueue_dma source(%dma_start3A_53 : memref<4096xf32, #tpu.memory_space<hbm>>) target(%arg12 : memref<4096xf32, #tpu.memory_space<vmem>>) target_semaphore(%run_scoped3A : memref<!tpu.dma_semaphore, #tpu.memory_space<semaphore_mem>>)
        %dma_wait3A = arith.constant 0 : i32
        %dma_wait3A_54 = tpu.memref_slice %arg4[%select_n3A, %dma_wait3A] : memref<8x4096xf32, #tpu.memory_space<hbm>> -> memref<1x4096xf32, #tpu.memory_space<hbm>>
        %dma_wait3A_55 = tpu.memref_squeeze %dma_wait3A_54 : memref<1x4096xf32, #tpu.memory_space<hbm>> -> memref<4096xf32, #tpu.memory_space<hbm>>
        %dma_wait3A_56 = arith.constant 0 : i32
        %dma_wait3A_57 = tpu.memref_slice %arg4[%select_n3A, %dma_wait3A_56] : memref<8x4096xf32, #tpu.memory_space<hbm>> -> memref<1x4096xf32, #tpu.memory_space<hbm>>
        %dma_wait3A_58 = tpu.memref_squeeze %dma_wait3A_57 : memref<1x4096xf32, #tpu.memory_space<hbm>> -> memref<4096xf32, #tpu.memory_space<hbm>>
        tpu.wait_dma2 semaphore(%run_scoped3A : memref<!tpu.dma_semaphore, #tpu.memory_space<semaphore_mem>>) src(%dma_wait3A_58 : memref<4096xf32, #tpu.memory_space<hbm>>) dst(%arg12 : memref<4096xf32, #tpu.memory_space<vmem>>)
        tpu.yield
      }) : () -> ()
      "tpu.region"() ({
        %run_scoped3A = tpu.sem_alloc : memref<!tpu.dma_semaphore, #tpu.memory_space<semaphore_mem>>
        %dma_start3A = arith.constant 0 : i32
        %dma_start3A_49 = tpu.memref_slice %arg5[%select_n3A, %dma_start3A] : memref<8x1024xf32, #tpu.memory_space<hbm>> -> memref<1x1024xf32, #tpu.memory_space<hbm>>
        %dma_start3A_50 = tpu.memref_squeeze %dma_start3A_49 : memref<1x1024xf32, #tpu.memory_space<hbm>> -> memref<1024xf32, #tpu.memory_space<hbm>>
        %dma_start3A_51 = arith.constant 0 : i32
        %dma_start3A_52 = tpu.memref_slice %arg5[%select_n3A, %dma_start3A_51] : memref<8x1024xf32, #tpu.memory_space<hbm>> -> memref<1x1024xf32, #tpu.memory_space<hbm>>
        %dma_start3A_53 = tpu.memref_squeeze %dma_start3A_52 : memref<1x1024xf32, #tpu.memory_space<hbm>> -> memref<1024xf32, #tpu.memory_space<hbm>>
        tpu.enqueue_dma source(%dma_start3A_53 : memref<1024xf32, #tpu.memory_space<hbm>>) target(%arg13 : memref<1024xf32, #tpu.memory_space<vmem>>) target_semaphore(%run_scoped3A : memref<!tpu.dma_semaphore, #tpu.memory_space<semaphore_mem>>)
        %dma_wait3A = arith.constant 0 : i32
        %dma_wait3A_54 = tpu.memref_slice %arg5[%select_n3A, %dma_wait3A] : memref<8x1024xf32, #tpu.memory_space<hbm>> -> memref<1x1024xf32, #tpu.memory_space<hbm>>
        %dma_wait3A_55 = tpu.memref_squeeze %dma_wait3A_54 : memref<1x1024xf32, #tpu.memory_space<hbm>> -> memref<1024xf32, #tpu.memory_space<hbm>>
        %dma_wait3A_56 = arith.constant 0 : i32
        %dma_wait3A_57 = tpu.memref_slice %arg5[%select_n3A, %dma_wait3A_56] : memref<8x1024xf32, #tpu.memory_space<hbm>> -> memref<1x1024xf32, #tpu.memory_space<hbm>>
        %dma_wait3A_58 = tpu.memref_squeeze %dma_wait3A_57 : memref<1x1024xf32, #tpu.memory_space<hbm>> -> memref<1024xf32, #tpu.memory_space<hbm>>
        tpu.wait_dma2 semaphore(%run_scoped3A : memref<!tpu.dma_semaphore, #tpu.memory_space<semaphore_mem>>) src(%dma_wait3A_58 : memref<1024xf32, #tpu.memory_space<hbm>>) dst(%arg13 : memref<1024xf32, #tpu.memory_space<vmem>>)
        tpu.yield
      }) : () -> ()
      "tpu.region"() ({
        %run_scoped3A = tpu.sem_alloc : memref<!tpu.dma_semaphore, #tpu.memory_space<semaphore_mem>>
        %dma_start3A = arith.constant 0 : i32
        %dma_start3A_49 = tpu.memref_slice %arg6[%select_n3A, %dma_start3A] : memref<8x1024xf32, #tpu.memory_space<hbm>> -> memref<1x1024xf32, #tpu.memory_space<hbm>>
        %dma_start3A_50 = tpu.memref_squeeze %dma_start3A_49 : memref<1x1024xf32, #tpu.memory_space<hbm>> -> memref<1024xf32, #tpu.memory_space<hbm>>
        %dma_start3A_51 = arith.constant 0 : i32
        %dma_start3A_52 = tpu.memref_slice %arg6[%select_n3A, %dma_start3A_51] : memref<8x1024xf32, #tpu.memory_space<hbm>> -> memref<1x1024xf32, #tpu.memory_space<hbm>>
        %dma_start3A_53 = tpu.memref_squeeze %dma_start3A_52 : memref<1x1024xf32, #tpu.memory_space<hbm>> -> memref<1024xf32, #tpu.memory_space<hbm>>
        tpu.enqueue_dma source(%dma_start3A_53 : memref<1024xf32, #tpu.memory_space<hbm>>) target(%arg14 : memref<1024xf32, #tpu.memory_space<vmem>>) target_semaphore(%run_scoped3A : memref<!tpu.dma_semaphore, #tpu.memory_space<semaphore_mem>>)
        %dma_wait3A = arith.constant 0 : i32
        %dma_wait3A_54 = tpu.memref_slice %arg6[%select_n3A, %dma_wait3A] : memref<8x1024xf32, #tpu.memory_space<hbm>> -> memref<1x1024xf32, #tpu.memory_space<hbm>>
        %dma_wait3A_55 = tpu.memref_squeeze %dma_wait3A_54 : memref<1x1024xf32, #tpu.memory_space<hbm>> -> memref<1024xf32, #tpu.memory_space<hbm>>
        %dma_wait3A_56 = arith.constant 0 : i32
        %dma_wait3A_57 = tpu.memref_slice %arg6[%select_n3A, %dma_wait3A_56] : memref<8x1024xf32, #tpu.memory_space<hbm>> -> memref<1x1024xf32, #tpu.memory_space<hbm>>
        %dma_wait3A_58 = tpu.memref_squeeze %dma_wait3A_57 : memref<1x1024xf32, #tpu.memory_space<hbm>> -> memref<1024xf32, #tpu.memory_space<hbm>>
        tpu.wait_dma2 semaphore(%run_scoped3A : memref<!tpu.dma_semaphore, #tpu.memory_space<semaphore_mem>>) src(%dma_wait3A_58 : memref<1024xf32, #tpu.memory_space<hbm>>) dst(%arg14 : memref<1024xf32, #tpu.memory_space<vmem>>)
        tpu.yield
      }) : () -> ()
      %add3A = arith.constant 1 : i32
      %add3A_36 = arith.addi %mul3A_0, %add3A : i32
      "tpu.region"() ({
        %run_scoped3A = tpu.sem_alloc : memref<!tpu.dma_semaphore, #tpu.memory_space<semaphore_mem>>
        %dma_start3A = arith.constant 0 : i32
        %dma_start3A_49 = tpu.memref_slice %arg2[%mul3A_0, %dma_start3A] : memref<32x1024xi32, #tpu.memory_space<hbm>> -> memref<1x1024xi32, #tpu.memory_space<hbm>>
        %dma_start3A_50 = tpu.memref_squeeze %dma_start3A_49 : memref<1x1024xi32, #tpu.memory_space<hbm>> -> memref<1024xi32, #tpu.memory_space<hbm>>
        %dma_start3A_51 = arith.constant 0 : i32
        %dma_start3A_52 = tpu.memref_slice %arg2[%mul3A_0, %dma_start3A_51] : memref<32x1024xi32, #tpu.memory_space<hbm>> -> memref<1x1024xi32, #tpu.memory_space<hbm>>
        %dma_start3A_53 = tpu.memref_squeeze %dma_start3A_52 : memref<1x1024xi32, #tpu.memory_space<hbm>> -> memref<1024xi32, #tpu.memory_space<hbm>>
        tpu.enqueue_dma source(%dma_start3A_53 : memref<1024xi32, #tpu.memory_space<hbm>>) target(%arg15 : memref<1024xi32, #tpu.memory_space<vmem>>) target_semaphore(%run_scoped3A : memref<!tpu.dma_semaphore, #tpu.memory_space<semaphore_mem>>)
        %dma_wait3A = arith.constant 0 : i32
        %dma_wait3A_54 = tpu.memref_slice %arg2[%mul3A_0, %dma_wait3A] : memref<32x1024xi32, #tpu.memory_space<hbm>> -> memref<1x1024xi32, #tpu.memory_space<hbm>>
        %dma_wait3A_55 = tpu.memref_squeeze %dma_wait3A_54 : memref<1x1024xi32, #tpu.memory_space<hbm>> -> memref<1024xi32, #tpu.memory_space<hbm>>
        %dma_wait3A_56 = arith.constant 0 : i32
        %dma_wait3A_57 = tpu.memref_slice %arg2[%mul3A_0, %dma_wait3A_56] : memref<32x1024xi32, #tpu.memory_space<hbm>> -> memref<1x1024xi32, #tpu.memory_space<hbm>>
        %dma_wait3A_58 = tpu.memref_squeeze %dma_wait3A_57 : memref<1x1024xi32, #tpu.memory_space<hbm>> -> memref<1024xi32, #tpu.memory_space<hbm>>
        tpu.wait_dma2 semaphore(%run_scoped3A : memref<!tpu.dma_semaphore, #tpu.memory_space<semaphore_mem>>) src(%dma_wait3A_58 : memref<1024xi32, #tpu.memory_space<hbm>>) dst(%arg15 : memref<1024xi32, #tpu.memory_space<vmem>>)
        tpu.yield
      }) : () -> ()
      %scan3A = arith.constant 0 : i32
      %scan3A_37 = arith.constant 64 : i32
      %scan3A_38 = arith.addi %scan3A, %scan3A_37 : i32
      %scan3A_39 = arith.constant 1 : i32
      %scan3A_40 = scf.for %scan3A_49 = %scan3A to %scan3A_38 step %scan3A_39 iter_args(%scan3A_50 = %broadcast_in_dim3A_17) -> (vector<16xf32>)  : i32 {
        %mul3A_51 = arith.constant 16 : i32
        %mul3A_52 = arith.muli %scan3A_49, %mul3A_51 : i32
        %get3A = arith.index_cast %mul3A_52 : i32 to index
        %get3A_53 = tpu.vector_load %arg15[%get3A] {strides = array<i32>} : memref<1024xi32, #tpu.memory_space<vmem>>, vector<16xi32>,
        %gather3A = tpu.vector_load_idx %arg11[%get3A_53] : memref<4096xf32, #tpu.memory_space<vmem>>[vector<16xi32>], vector<16xf32>,
        %gather3A_54 = tpu.vector_load_idx %arg12[%get3A_53] : memref<4096xf32, #tpu.memory_space<vmem>>[vector<16xi32>], vector<16xf32>,
        %mul3A_55 = arith.constant 16 : i32
        %mul3A_56 = arith.muli %scan3A_49, %mul3A_55 : i32
        %get3A_57 = arith.index_cast %mul3A_56 : i32 to index
        %get3A_58 = tpu.vector_load %arg13[%get3A_57] {strides = array<i32>} : memref<1024xf32, #tpu.memory_space<vmem>>, vector<16xf32>,
        %mul3A_59 = arith.constant 16 : i32
        %mul3A_60 = arith.muli %scan3A_49, %mul3A_59 : i32
        %get3A_61 = arith.index_cast %mul3A_60 : i32 to index
        %get3A_62 = tpu.vector_load %arg14[%get3A_61] {strides = array<i32>} : memref<1024xf32, #tpu.memory_space<vmem>>, vector<16xf32>,
        %sub3A_63 = arith.subf %gather3A, %get3A_58 : vector<16xf32>
        %sub3A_64 = arith.subf %gather3A_54, %get3A_62 : vector<16xf32>
        %mul3A_65 = arith.mulf %sub3A_63, %sub3A_63 : vector<16xf32>
        %add3A_66 = arith.addf %scan3A_50, %mul3A_65 : vector<16xf32>
        %mul3A_67 = arith.mulf %sub3A_64, %sub3A_64 : vector<16xf32>
        %add3A_68 = arith.addf %add3A_66, %mul3A_67 : vector<16xf32>
        scf.yield %add3A_68 : vector<16xf32>
      }
      %scan3A_41 = arith.constant 64 : i32
      "tpu.region"() ({
        %run_scoped3A = tpu.sem_alloc : memref<!tpu.dma_semaphore, #tpu.memory_space<semaphore_mem>>
        %dma_start3A = arith.constant 0 : i32
        %dma_start3A_49 = tpu.memref_slice %arg2[%add3A_36, %dma_start3A] : memref<32x1024xi32, #tpu.memory_space<hbm>> -> memref<1x1024xi32, #tpu.memory_space<hbm>>
        %dma_start3A_50 = tpu.memref_squeeze %dma_start3A_49 : memref<1x1024xi32, #tpu.memory_space<hbm>> -> memref<1024xi32, #tpu.memory_space<hbm>>
        %dma_start3A_51 = arith.constant 0 : i32
        %dma_start3A_52 = tpu.memref_slice %arg2[%add3A_36, %dma_start3A_51] : memref<32x1024xi32, #tpu.memory_space<hbm>> -> memref<1x1024xi32, #tpu.memory_space<hbm>>
        %dma_start3A_53 = tpu.memref_squeeze %dma_start3A_52 : memref<1x1024xi32, #tpu.memory_space<hbm>> -> memref<1024xi32, #tpu.memory_space<hbm>>
        tpu.enqueue_dma source(%dma_start3A_53 : memref<1024xi32, #tpu.memory_space<hbm>>) target(%arg15 : memref<1024xi32, #tpu.memory_space<vmem>>) target_semaphore(%run_scoped3A : memref<!tpu.dma_semaphore, #tpu.memory_space<semaphore_mem>>)
        %dma_wait3A = arith.constant 0 : i32
        %dma_wait3A_54 = tpu.memref_slice %arg2[%add3A_36, %dma_wait3A] : memref<32x1024xi32, #tpu.memory_space<hbm>> -> memref<1x1024xi32, #tpu.memory_space<hbm>>
        %dma_wait3A_55 = tpu.memref_squeeze %dma_wait3A_54 : memref<1x1024xi32, #tpu.memory_space<hbm>> -> memref<1024xi32, #tpu.memory_space<hbm>>
        %dma_wait3A_56 = arith.constant 0 : i32
        %dma_wait3A_57 = tpu.memref_slice %arg2[%add3A_36, %dma_wait3A_56] : memref<32x1024xi32, #tpu.memory_space<hbm>> -> memref<1x1024xi32, #tpu.memory_space<hbm>>
        %dma_wait3A_58 = tpu.memref_squeeze %dma_wait3A_57 : memref<1x1024xi32, #tpu.memory_space<hbm>> -> memref<1024xi32, #tpu.memory_space<hbm>>
        tpu.wait_dma2 semaphore(%run_scoped3A : memref<!tpu.dma_semaphore, #tpu.memory_space<semaphore_mem>>) src(%dma_wait3A_58 : memref<1024xi32, #tpu.memory_space<hbm>>) dst(%arg15 : memref<1024xi32, #tpu.memory_space<vmem>>)
        tpu.yield
      }) : () -> ()
      %scan3A_42 = arith.constant 0 : i32
      %scan3A_43 = arith.constant 64 : i32
      %scan3A_44 = arith.addi %scan3A_42, %scan3A_43 : i32
      %scan3A_45 = arith.constant 1 : i32
      %scan3A_46 = scf.for %scan3A_49 = %scan3A_42 to %scan3A_44 step %scan3A_45 iter_args(%scan3A_50 = %scan3A_40) -> (vector<16xf32>)  : i32 {
        %mul3A_51 = arith.constant 16 : i32
        %mul3A_52 = arith.muli %scan3A_49, %mul3A_51 : i32
        %get3A = arith.index_cast %mul3A_52 : i32 to index
        %get3A_53 = tpu.vector_load %arg15[%get3A] {strides = array<i32>} : memref<1024xi32, #tpu.memory_space<vmem>>, vector<16xi32>,
        %gather3A = tpu.vector_load_idx %arg11[%get3A_53] : memref<4096xf32, #tpu.memory_space<vmem>>[vector<16xi32>], vector<16xf32>,
        %gather3A_54 = tpu.vector_load_idx %arg12[%get3A_53] : memref<4096xf32, #tpu.memory_space<vmem>>[vector<16xi32>], vector<16xf32>,
        %mul3A_55 = arith.constant 16 : i32
        %mul3A_56 = arith.muli %scan3A_49, %mul3A_55 : i32
        %get3A_57 = arith.index_cast %mul3A_56 : i32 to index
        %get3A_58 = tpu.vector_load %arg13[%get3A_57] {strides = array<i32>} : memref<1024xf32, #tpu.memory_space<vmem>>, vector<16xf32>,
        %mul3A_59 = arith.constant 16 : i32
        %mul3A_60 = arith.muli %scan3A_49, %mul3A_59 : i32
        %get3A_61 = arith.index_cast %mul3A_60 : i32 to index
        %get3A_62 = tpu.vector_load %arg14[%get3A_61] {strides = array<i32>} : memref<1024xf32, #tpu.memory_space<vmem>>, vector<16xf32>,
        %sub3A_63 = arith.subf %gather3A, %get3A_58 : vector<16xf32>
        %sub3A_64 = arith.subf %gather3A_54, %get3A_62 : vector<16xf32>
        %mul3A_65 = arith.mulf %sub3A_63, %sub3A_63 : vector<16xf32>
        %add3A_66 = arith.addf %scan3A_50, %mul3A_65 : vector<16xf32>
        %mul3A_67 = arith.mulf %sub3A_64, %sub3A_64 : vector<16xf32>
        %add3A_68 = arith.addf %add3A_66, %mul3A_67 : vector<16xf32>
        scf.yield %add3A_68 : vector<16xf32>
      }
      %scan3A_47 = arith.constant 64 : i32
      %swap3A = arith.constant 0 : index
      %swap3A_48 = tpu.vector_load %arg21[%swap3A] {strides = array<i32>} : memref<16xf32, #tpu.memory_space<vmem>>, vector<16xf32>,
      tpu.vector_store %arg21[%swap3A], %scan3A_46 {strides = array<i32>} : memref<16xf32, #tpu.memory_space<vmem>>, vector<16xf32>,
      "tpu.region"() ({
        %run_scoped3A = tpu.sem_alloc : memref<!tpu.dma_semaphore, #tpu.memory_space<semaphore_mem>>
        %dma_start3A = arith.constant 0 : i32
        %dma_start3A_49 = tpu.memref_slice %arg9[%arg1, %dma_start3A] : memref<16x16xf32, #tpu.memory_space<hbm>> -> memref<1x16xf32, #tpu.memory_space<hbm>>
        %dma_start3A_50 = tpu.memref_squeeze %dma_start3A_49 : memref<1x16xf32, #tpu.memory_space<hbm>> -> memref<16xf32, #tpu.memory_space<hbm>>
        %dma_start3A_51 = arith.constant 0 : i32
        %dma_start3A_52 = tpu.memref_slice %arg9[%arg1, %dma_start3A_51] : memref<16x16xf32, #tpu.memory_space<hbm>> -> memref<1x16xf32, #tpu.memory_space<hbm>>
        %dma_start3A_53 = tpu.memref_squeeze %dma_start3A_52 : memref<1x16xf32, #tpu.memory_space<hbm>> -> memref<16xf32, #tpu.memory_space<hbm>>
        tpu.enqueue_dma source(%arg21 : memref<16xf32, #tpu.memory_space<vmem>>) target(%dma_start3A_53 : memref<16xf32, #tpu.memory_space<hbm>>) target_semaphore(%run_scoped3A : memref<!tpu.dma_semaphore, #tpu.memory_space<semaphore_mem>>)
        %dma_wait3A = arith.constant 0 : i32
        %dma_wait3A_54 = tpu.memref_slice %arg9[%arg1, %dma_wait3A] : memref<16x16xf32, #tpu.memory_space<hbm>> -> memref<1x16xf32, #tpu.memory_space<hbm>>
        %dma_wait3A_55 = tpu.memref_squeeze %dma_wait3A_54 : memref<1x16xf32, #tpu.memory_space<hbm>> -> memref<16xf32, #tpu.memory_space<hbm>>
        %dma_wait3A_56 = arith.constant 0 : i32
        %dma_wait3A_57 = tpu.memref_slice %arg9[%arg1, %dma_wait3A_56] : memref<16x16xf32, #tpu.memory_space<hbm>> -> memref<1x16xf32, #tpu.memory_space<hbm>>
        %dma_wait3A_58 = tpu.memref_squeeze %dma_wait3A_57 : memref<1x16xf32, #tpu.memory_space<hbm>> -> memref<16xf32, #tpu.memory_space<hbm>>
        tpu.wait_dma2 semaphore(%run_scoped3A : memref<!tpu.dma_semaphore, #tpu.memory_space<semaphore_mem>>) src(%arg21 : memref<16xf32, #tpu.memory_space<vmem>>) dst(%dma_wait3A_58 : memref<16xf32, #tpu.memory_space<hbm>>)
        tpu.yield
      }) : () -> ()
    } else {
    }
    %barrier3A = arith.constant 0 : index
    tpu.barrier barrier_id(%barrier3A)
    %eq3A_25 = arith.constant 0 : i32
    %eq3A_26 = arith.cmpi eq, %arg0, %eq3A_25 : i32
    %convert_element_type3A_27 = arith.extui %eq3A_26 : i1 to i32
    %cond3A_28 = arith.constant 0 : i32
    %cond3A_29 = arith.cmpi ne, %convert_element_type3A_27, %cond3A_28 : i32
    scf.if %cond3A_29 {
      %mul3A_36 = arith.constant 4096 : i32
      %mul3A_37 = arith.muli %select_n3A, %mul3A_36 : i32
      %add3A = arith.constant 1 : i32
      %add3A_38 = arith.addi %mul3A_0, %add3A : i32
      "tpu.region"() ({
        %run_scoped3A_1076 = tpu.sem_alloc : memref<!tpu.dma_semaphore, #tpu.memory_space<semaphore_mem>>
        %dma_start3A = arith.constant 0 : i32
        %dma_start3A_1077 = tpu.memref_slice %arg2[%mul3A_0, %dma_start3A] : memref<32x1024xi32, #tpu.memory_space<hbm>> -> memref<1x1024xi32, #tpu.memory_space<hbm>>
        %dma_start3A_1078 = tpu.memref_squeeze %dma_start3A_1077 : memref<1x1024xi32, #tpu.memory_space<hbm>> -> memref<1024xi32, #tpu.memory_space<hbm>>
        %dma_start3A_1079 = arith.constant 0 : i32
        %dma_start3A_1080 = tpu.memref_slice %arg2[%mul3A_0, %dma_start3A_1079] : memref<32x1024xi32, #tpu.memory_space<hbm>> -> memref<1x1024xi32, #tpu.memory_space<hbm>>
        %dma_start3A_1081 = tpu.memref_squeeze %dma_start3A_1080 : memref<1x1024xi32, #tpu.memory_space<hbm>> -> memref<1024xi32, #tpu.memory_space<hbm>>
        tpu.enqueue_dma source(%dma_start3A_1081 : memref<1024xi32, #tpu.memory_space<hbm>>) target(%arg15 : memref<1024xi32, #tpu.memory_space<vmem>>) target_semaphore(%run_scoped3A_1076 : memref<!tpu.dma_semaphore, #tpu.memory_space<semaphore_mem>>)
        %dma_wait3A = arith.constant 0 : i32
        %dma_wait3A_1082 = tpu.memref_slice %arg2[%mul3A_0, %dma_wait3A] : memref<32x1024xi32, #tpu.memory_space<hbm>> -> memref<1x1024xi32, #tpu.memory_space<hbm>>
        %dma_wait3A_1083 = tpu.memref_squeeze %dma_wait3A_1082 : memref<1x1024xi32, #tpu.memory_space<hbm>> -> memref<1024xi32, #tpu.memory_space<hbm>>
        %dma_wait3A_1084 = arith.constant 0 : i32
        %dma_wait3A_1085 = tpu.memref_slice %arg2[%mul3A_0, %dma_wait3A_1084] : memref<32x1024xi32, #tpu.memory_space<hbm>> -> memref<1x1024xi32, #tpu.memory_space<hbm>>
        %dma_wait3A_1086 = tpu.memref_squeeze %dma_wait3A_1085 : memref<1x1024xi32, #tpu.memory_space<hbm>> -> memref<1024xi32, #tpu.memory_space<hbm>>
        tpu.wait_dma2 semaphore(%run_scoped3A_1076 : memref<!tpu.dma_semaphore, #tpu.memory_space<semaphore_mem>>) src(%dma_wait3A_1086 : memref<1024xi32, #tpu.memory_space<hbm>>) dst(%arg15 : memref<1024xi32, #tpu.memory_space<vmem>>)
        tpu.yield
      }) : () -> ()
      %get3A = arith.constant 0 : index
      %get3A_39 = tpu.vector_load %arg15[%get3A] {strides = array<i32>} : memref<1024xi32, #tpu.memory_space<vmem>>, vector<16xi32>,
      %add3A_40 = vector.broadcast %mul3A_37 : i32 to vector<16xi32>
      %add3A_41 = arith.addi %get3A_39, %add3A_40 : vector<16xi32>
      %swap3A = arith.constant 0 : i32
      %swap3A_42 = arith.index_cast %swap3A : i32 to index
      %swap3A_43 = arith.constant 0 : index
      %swap3A_44 = tpu.vector_load %arg16[%swap3A_42, %swap3A_43] {strides = array<i32>} : memref<8x128xi32, #tpu.memory_space<vmem>>, vector<16xi32>,
      tpu.vector_store %arg16[%swap3A_42, %swap3A_43], %add3A_41 {strides = array<i32>} : memref<8x128xi32, #tpu.memory_space<vmem>>, vector<16xi32>,
      %get3A_45 = arith.constant 16 : index
      %get3A_46 = tpu.vector_load %arg15[%get3A_45] {strides = array<i32>} : memref<1024xi32, #tpu.memory_space<vmem>>, vector<16xi32>,
      %add3A_47 = vector.broadcast %mul3A_37 : i32 to vector<16xi32>
      %add3A_48 = arith.addi %get3A_46, %add3A_47 : vector<16xi32>
      %swap3A_49 = arith.constant 0 : i32
      %swap3A_50 = arith.index_cast %swap3A_49 : i32 to index
      %swap3A_51 = arith.constant 16 : index
      %swap3A_52 = tpu.vector_load %arg16[%swap3A_50, %swap3A_51] {strides = array<i32>} : memref<8x128xi32, #tpu.memory_space<vmem>>, vector<16xi32>,
      tpu.vector_store %arg16[%swap3A_50, %swap3A_51], %add3A_48 {strides = array<i32>} : memref<8x128xi32, #tpu.memory_space<vmem>>, vector<16xi32>,
      %get3A_53 = arith.constant 32 : index
      %get3A_54 = tpu.vector_load %arg15[%get3A_53] {strides = array<i32>} : memref<1024xi32, #tpu.memory_space<vmem>>, vector<16xi32>,
      %add3A_55 = vector.broadcast %mul3A_37 : i32 to vector<16xi32>
      %add3A_56 = arith.addi %get3A_54, %add3A_55 : vector<16xi32>
      %swap3A_57 = arith.constant 0 : i32
      %swap3A_58 = arith.index_cast %swap3A_57 : i32 to index
      %swap3A_59 = arith.constant 32 : index
      %swap3A_60 = tpu.vector_load %arg16[%swap3A_58, %swap3A_59] {strides = array<i32>} : memref<8x128xi32, #tpu.memory_space<vmem>>, vector<16xi32>,
      tpu.vector_store %arg16[%swap3A_58, %swap3A_59], %add3A_56 {strides = array<i32>} : memref<8x128xi32, #tpu.memory_space<vmem>>, vector<16xi32>,
      %get3A_61 = arith.constant 48 : index
      %get3A_62 = tpu.vector_load %arg15[%get3A_61] {strides = array<i32>} : memref<1024xi32, #tpu.memory_space<vmem>>, vector<16xi32>,
      %add3A_63 = vector.broadcast %mul3A_37 : i32 to vector<16xi32>
      %add3A_64 = arith.addi %get3A_62, %add3A_63 : vector<16xi32>
      %swap3A_65 = arith.constant 0 : i32
      %swap3A_66 = arith.index_cast %swap3A_65 : i32 to index
      %swap3A_67 = arith.constant 48 : index
      %swap3A_68 = tpu.vector_load %arg16[%swap3A_66, %swap3A_67] {strides = array<i32>} : memref<8x128xi32, #tpu.memory_space<vmem>>, vector<16xi32>,
      tpu.vector_store %arg16[%swap3A_66, %swap3A_67], %add3A_64 {strides = array<i32>} : memref<8x128xi32, #tpu.memory_space<vmem>>, vector<16xi32>,
      %get3A_69 = arith.constant 64 : index
      %get3A_70 = tpu.vector_load %arg15[%get3A_69] {strides = array<i32>} : memref<1024xi32, #tpu.memory_space<vmem>>, vector<16xi32>,
      %add3A_71 = vector.broadcast %mul3A_37 : i32 to vector<16xi32>
      %add3A_72 = arith.addi %get3A_70, %add3A_71 : vector<16xi32>
      %swap3A_73 = arith.constant 0 : i32
      %swap3A_74 = arith.index_cast %swap3A_73 : i32 to index
      %swap3A_75 = arith.constant 64 : index
      %swap3A_76 = tpu.vector_load %arg16[%swap3A_74, %swap3A_75] {strides = array<i32>} : memref<8x128xi32, #tpu.memory_space<vmem>>, vector<16xi32>,
      tpu.vector_store %arg16[%swap3A_74, %swap3A_75], %add3A_72 {strides = array<i32>} : memref<8x128xi32, #tpu.memory_space<vmem>>, vector<16xi32>,
      %get3A_77 = arith.constant 80 : index
      %get3A_78 = tpu.vector_load %arg15[%get3A_77] {strides = array<i32>} : memref<1024xi32, #tpu.memory_space<vmem>>, vector<16xi32>,
      %add3A_79 = vector.broadcast %mul3A_37 : i32 to vector<16xi32>
      %add3A_80 = arith.addi %get3A_78, %add3A_79 : vector<16xi32>
      %swap3A_81 = arith.constant 0 : i32
      %swap3A_82 = arith.index_cast %swap3A_81 : i32 to index
      %swap3A_83 = arith.constant 80 : index
      %swap3A_84 = tpu.vector_load %arg16[%swap3A_82, %swap3A_83] {strides = array<i32>} : memref<8x128xi32, #tpu.memory_space<vmem>>, vector<16xi32>,
      tpu.vector_store %arg16[%swap3A_82, %swap3A_83], %add3A_80 {strides = array<i32>} : memref<8x128xi32, #tpu.memory_space<vmem>>, vector<16xi32>,
      %get3A_85 = arith.constant 96 : index
      %get3A_86 = tpu.vector_load %arg15[%get3A_85] {strides = array<i32>} : memref<1024xi32, #tpu.memory_space<vmem>>, vector<16xi32>,
      %add3A_87 = vector.broadcast %mul3A_37 : i32 to vector<16xi32>
      %add3A_88 = arith.addi %get3A_86, %add3A_87 : vector<16xi32>
      %swap3A_89 = arith.constant 0 : i32
      %swap3A_90 = arith.index_cast %swap3A_89 : i32 to index
      %swap3A_91 = arith.constant 96 : index
      %swap3A_92 = tpu.vector_load %arg16[%swap3A_90, %swap3A_91] {strides = array<i32>} : memref<8x128xi32, #tpu.memory_space<vmem>>, vector<16xi32>,
      tpu.vector_store %arg16[%swap3A_90, %swap3A_91], %add3A_88 {strides = array<i32>} : memref<8x128xi32, #tpu.memory_space<vmem>>, vector<16xi32>,
      %get3A_93 = arith.constant 112 : index
      %get3A_94 = tpu.vector_load %arg15[%get3A_93] {strides = array<i32>} : memref<1024xi32, #tpu.memory_space<vmem>>, vector<16xi32>,
      %add3A_95 = vector.broadcast %mul3A_37 : i32 to vector<16xi32>
      %add3A_96 = arith.addi %get3A_94, %add3A_95 : vector<16xi32>
      %swap3A_97 = arith.constant 0 : i32
      %swap3A_98 = arith.index_cast %swap3A_97 : i32 to index
      %swap3A_99 = arith.constant 112 : index
      %swap3A_100 = tpu.vector_load %arg16[%swap3A_98, %swap3A_99] {strides = array<i32>} : memref<8x128xi32, #tpu.memory_space<vmem>>, vector<16xi32>,
      tpu.vector_store %arg16[%swap3A_98, %swap3A_99], %add3A_96 {strides = array<i32>} : memref<8x128xi32, #tpu.memory_space<vmem>>, vector<16xi32>,
      %run_scoped3A = arith.constant 0 : i32
      "tpu.region"() ({
        %run_scoped3A_1076 = tpu.sem_alloc : memref<!tpu.dma_semaphore, #tpu.memory_space<semaphore_mem>>
        %dma_start3A = arith.constant 0 : i32
        %dma_start3A_1077 = tpu.memref_slice %arg16[%run_scoped3A, %dma_start3A] : memref<8x128xi32, #tpu.memory_space<vmem>> -> memref<1x128xi32, #tpu.memory_space<vmem>>
        %dma_start3A_1078 = tpu.memref_squeeze %dma_start3A_1077 : memref<1x128xi32, #tpu.memory_space<vmem>> -> memref<128xi32, #tpu.memory_space<vmem>>
        %dma_start3A_1079 = arith.constant 0 : i32
        %dma_start3A_1080 = tpu.memref_slice %arg22[%dma_start3A_1079] : memref<32768xf32, #tpu.memory_space<vmem_shared>> -> memref<32768xf32, #tpu.memory_space<vmem_shared>>
        tpu.enqueue_indirect_dma source(%arg17 : memref<128xf32, #tpu.memory_space<vmem>>) target(%dma_start3A_1080 : memref<32768xf32, #tpu.memory_space<vmem_shared>>) offsets(%dma_start3A_1078 : memref<128xi32, #tpu.memory_space<vmem>>) semaphore(%run_scoped3A_1076 : memref<!tpu.dma_semaphore, #tpu.memory_space<semaphore_mem>>) {add = true}
        %dma_wait3A = arith.constant 0 : i32
        %dma_wait3A_1081 = tpu.memref_slice %arg16[%run_scoped3A, %dma_wait3A] : memref<8x128xi32, #tpu.memory_space<vmem>> -> memref<1x128xi32, #tpu.memory_space<vmem>>
        %dma_wait3A_1082 = tpu.memref_squeeze %dma_wait3A_1081 : memref<1x128xi32, #tpu.memory_space<vmem>> -> memref<128xi32, #tpu.memory_space<vmem>>
        %dma_wait3A_1083 = arith.constant 0 : i32
        %dma_wait3A_1084 = tpu.memref_slice %arg22[%dma_wait3A_1083] : memref<32768xf32, #tpu.memory_space<vmem_shared>> -> memref<32768xf32, #tpu.memory_space<vmem_shared>>
        tpu.wait_indirect_dma semaphore(%run_scoped3A_1076 : memref<!tpu.dma_semaphore, #tpu.memory_space<semaphore_mem>>) src(%arg17 : memref<128xf32, #tpu.memory_space<vmem>>) dst(%dma_wait3A_1084 : memref<32768xf32, #tpu.memory_space<vmem_shared>>)
        tpu.yield
      }) : () -> ()
      %get3A_101 = arith.constant 128 : index
      %get3A_102 = tpu.vector_load %arg15[%get3A_101] {strides = array<i32>} : memref<1024xi32, #tpu.memory_space<vmem>>, vector<16xi32>,
      %add3A_103 = vector.broadcast %mul3A_37 : i32 to vector<16xi32>
      %add3A_104 = arith.addi %get3A_102, %add3A_103 : vector<16xi32>
      %swap3A_105 = arith.constant 1 : i32
      %swap3A_106 = arith.index_cast %swap3A_105 : i32 to index
      %swap3A_107 = arith.constant 0 : index
      %swap3A_108 = tpu.vector_load %arg16[%swap3A_106, %swap3A_107] {strides = array<i32>} : memref<8x128xi32, #tpu.memory_space<vmem>>, vector<16xi32>,
      tpu.vector_store %arg16[%swap3A_106, %swap3A_107], %add3A_104 {strides = array<i32>} : memref<8x128xi32, #tpu.memory_space<vmem>>, vector<16xi32>,
      %get3A_109 = arith.constant 144 : index
      %get3A_110 = tpu.vector_load %arg15[%get3A_109] {strides = array<i32>} : memref<1024xi32, #tpu.memory_space<vmem>>, vector<16xi32>,
      %add3A_111 = vector.broadcast %mul3A_37 : i32 to vector<16xi32>
      %add3A_112 = arith.addi %get3A_110, %add3A_111 : vector<16xi32>
      %swap3A_113 = arith.constant 1 : i32
      %swap3A_114 = arith.index_cast %swap3A_113 : i32 to index
      %swap3A_115 = arith.constant 16 : index
      %swap3A_116 = tpu.vector_load %arg16[%swap3A_114, %swap3A_115] {strides = array<i32>} : memref<8x128xi32, #tpu.memory_space<vmem>>, vector<16xi32>,
      tpu.vector_store %arg16[%swap3A_114, %swap3A_115], %add3A_112 {strides = array<i32>} : memref<8x128xi32, #tpu.memory_space<vmem>>, vector<16xi32>,
      %get3A_117 = arith.constant 160 : index
      %get3A_118 = tpu.vector_load %arg15[%get3A_117] {strides = array<i32>} : memref<1024xi32, #tpu.memory_space<vmem>>, vector<16xi32>,
      %add3A_119 = vector.broadcast %mul3A_37 : i32 to vector<16xi32>
      %add3A_120 = arith.addi %get3A_118, %add3A_119 : vector<16xi32>
      %swap3A_121 = arith.constant 1 : i32
      %swap3A_122 = arith.index_cast %swap3A_121 : i32 to index
      %swap3A_123 = arith.constant 32 : index
      %swap3A_124 = tpu.vector_load %arg16[%swap3A_122, %swap3A_123] {strides = array<i32>} : memref<8x128xi32, #tpu.memory_space<vmem>>, vector<16xi32>,
      tpu.vector_store %arg16[%swap3A_122, %swap3A_123], %add3A_120 {strides = array<i32>} : memref<8x128xi32, #tpu.memory_space<vmem>>, vector<16xi32>,
      %get3A_125 = arith.constant 176 : index
      %get3A_126 = tpu.vector_load %arg15[%get3A_125] {strides = array<i32>} : memref<1024xi32, #tpu.memory_space<vmem>>, vector<16xi32>,
      %add3A_127 = vector.broadcast %mul3A_37 : i32 to vector<16xi32>
      %add3A_128 = arith.addi %get3A_126, %add3A_127 : vector<16xi32>
      %swap3A_129 = arith.constant 1 : i32
      %swap3A_130 = arith.index_cast %swap3A_129 : i32 to index
      %swap3A_131 = arith.constant 48 : index
      %swap3A_132 = tpu.vector_load %arg16[%swap3A_130, %swap3A_131] {strides = array<i32>} : memref<8x128xi32, #tpu.memory_space<vmem>>, vector<16xi32>,
      tpu.vector_store %arg16[%swap3A_130, %swap3A_131], %add3A_128 {strides = array<i32>} : memref<8x128xi32, #tpu.memory_space<vmem>>, vector<16xi32>,
      %get3A_133 = arith.constant 192 : index
      %get3A_134 = tpu.vector_load %arg15[%get3A_133] {strides = array<i32>} : memref<1024xi32, #tpu.memory_space<vmem>>, vector<16xi32>,
      %add3A_135 = vector.broadcast %mul3A_37 : i32 to vector<16xi32>
      %add3A_136 = arith.addi %get3A_134, %add3A_135 : vector<16xi32>
      %swap3A_137 = arith.constant 1 : i32
      %swap3A_138 = arith.index_cast %swap3A_137 : i32 to index
      %swap3A_139 = arith.constant 64 : index
      %swap3A_140 = tpu.vector_load %arg16[%swap3A_138, %swap3A_139] {strides = array<i32>} : memref<8x128xi32, #tpu.memory_space<vmem>>, vector<16xi32>,
      tpu.vector_store %arg16[%swap3A_138, %swap3A_139], %add3A_136 {strides = array<i32>} : memref<8x128xi32, #tpu.memory_space<vmem>>, vector<16xi32>,
      %get3A_141 = arith.constant 208 : index
      %get3A_142 = tpu.vector_load %arg15[%get3A_141] {strides = array<i32>} : memref<1024xi32, #tpu.memory_space<vmem>>, vector<16xi32>,
      %add3A_143 = vector.broadcast %mul3A_37 : i32 to vector<16xi32>
      %add3A_144 = arith.addi %get3A_142, %add3A_143 : vector<16xi32>
      %swap3A_145 = arith.constant 1 : i32
      %swap3A_146 = arith.index_cast %swap3A_145 : i32 to index
      %swap3A_147 = arith.constant 80 : index
      %swap3A_148 = tpu.vector_load %arg16[%swap3A_146, %swap3A_147] {strides = array<i32>} : memref<8x128xi32, #tpu.memory_space<vmem>>, vector<16xi32>,
      tpu.vector_store %arg16[%swap3A_146, %swap3A_147], %add3A_144 {strides = array<i32>} : memref<8x128xi32, #tpu.memory_space<vmem>>, vector<16xi32>,
      %get3A_149 = arith.constant 224 : index
      %get3A_150 = tpu.vector_load %arg15[%get3A_149] {strides = array<i32>} : memref<1024xi32, #tpu.memory_space<vmem>>, vector<16xi32>,
      %add3A_151 = vector.broadcast %mul3A_37 : i32 to vector<16xi32>
      %add3A_152 = arith.addi %get3A_150, %add3A_151 : vector<16xi32>
      %swap3A_153 = arith.constant 1 : i32
      %swap3A_154 = arith.index_cast %swap3A_153 : i32 to index
      %swap3A_155 = arith.constant 96 : index
      %swap3A_156 = tpu.vector_load %arg16[%swap3A_154, %swap3A_155] {strides = array<i32>} : memref<8x128xi32, #tpu.memory_space<vmem>>, vector<16xi32>,
      tpu.vector_store %arg16[%swap3A_154, %swap3A_155], %add3A_152 {strides = array<i32>} : memref<8x128xi32, #tpu.memory_space<vmem>>, vector<16xi32>,
      %get3A_157 = arith.constant 240 : index
      %get3A_158 = tpu.vector_load %arg15[%get3A_157] {strides = array<i32>} : memref<1024xi32, #tpu.memory_space<vmem>>, vector<16xi32>,
      %add3A_159 = vector.broadcast %mul3A_37 : i32 to vector<16xi32>
      %add3A_160 = arith.addi %get3A_158, %add3A_159 : vector<16xi32>
      %swap3A_161 = arith.constant 1 : i32
      %swap3A_162 = arith.index_cast %swap3A_161 : i32 to index
      %swap3A_163 = arith.constant 112 : index
      %swap3A_164 = tpu.vector_load %arg16[%swap3A_162, %swap3A_163] {strides = array<i32>} : memref<8x128xi32, #tpu.memory_space<vmem>>, vector<16xi32>,
      tpu.vector_store %arg16[%swap3A_162, %swap3A_163], %add3A_160 {strides = array<i32>} : memref<8x128xi32, #tpu.memory_space<vmem>>, vector<16xi32>,
      %run_scoped3A_165 = arith.constant 1 : i32
      "tpu.region"() ({
        %run_scoped3A_1076 = tpu.sem_alloc : memref<!tpu.dma_semaphore, #tpu.memory_space<semaphore_mem>>
        %dma_start3A = arith.constant 0 : i32
        %dma_start3A_1077 = tpu.memref_slice %arg16[%run_scoped3A_165, %dma_start3A] : memref<8x128xi32, #tpu.memory_space<vmem>> -> memref<1x128xi32, #tpu.memory_space<vmem>>
        %dma_start3A_1078 = tpu.memref_squeeze %dma_start3A_1077 : memref<1x128xi32, #tpu.memory_space<vmem>> -> memref<128xi32, #tpu.memory_space<vmem>>
        %dma_start3A_1079 = arith.constant 0 : i32
        %dma_start3A_1080 = tpu.memref_slice %arg22[%dma_start3A_1079] : memref<32768xf32, #tpu.memory_space<vmem_shared>> -> memref<32768xf32, #tpu.memory_space<vmem_shared>>
        tpu.enqueue_indirect_dma source(%arg17 : memref<128xf32, #tpu.memory_space<vmem>>) target(%dma_start3A_1080 : memref<32768xf32, #tpu.memory_space<vmem_shared>>) offsets(%dma_start3A_1078 : memref<128xi32, #tpu.memory_space<vmem>>) semaphore(%run_scoped3A_1076 : memref<!tpu.dma_semaphore, #tpu.memory_space<semaphore_mem>>) {add = true}
        %dma_wait3A = arith.constant 0 : i32
        %dma_wait3A_1081 = tpu.memref_slice %arg16[%run_scoped3A_165, %dma_wait3A] : memref<8x128xi32, #tpu.memory_space<vmem>> -> memref<1x128xi32, #tpu.memory_space<vmem>>
        %dma_wait3A_1082 = tpu.memref_squeeze %dma_wait3A_1081 : memref<1x128xi32, #tpu.memory_space<vmem>> -> memref<128xi32, #tpu.memory_space<vmem>>
        %dma_wait3A_1083 = arith.constant 0 : i32
        %dma_wait3A_1084 = tpu.memref_slice %arg22[%dma_wait3A_1083] : memref<32768xf32, #tpu.memory_space<vmem_shared>> -> memref<32768xf32, #tpu.memory_space<vmem_shared>>
        tpu.wait_indirect_dma semaphore(%run_scoped3A_1076 : memref<!tpu.dma_semaphore, #tpu.memory_space<semaphore_mem>>) src(%arg17 : memref<128xf32, #tpu.memory_space<vmem>>) dst(%dma_wait3A_1084 : memref<32768xf32, #tpu.memory_space<vmem_shared>>)
        tpu.yield
      }) : () -> ()
      %get3A_166 = arith.constant 256 : index
      %get3A_167 = tpu.vector_load %arg15[%get3A_166] {strides = array<i32>} : memref<1024xi32, #tpu.memory_space<vmem>>, vector<16xi32>,
      %add3A_168 = vector.broadcast %mul3A_37 : i32 to vector<16xi32>
      %add3A_169 = arith.addi %get3A_167, %add3A_168 : vector<16xi32>
      %swap3A_170 = arith.constant 2 : i32
      %swap3A_171 = arith.index_cast %swap3A_170 : i32 to index
      %swap3A_172 = arith.constant 0 : index
      %swap3A_173 = tpu.vector_load %arg16[%swap3A_171, %swap3A_172] {strides = array<i32>} : memref<8x128xi32, #tpu.memory_space<vmem>>, vector<16xi32>,
      tpu.vector_store %arg16[%swap3A_171, %swap3A_172], %add3A_169 {strides = array<i32>} : memref<8x128xi32, #tpu.memory_space<vmem>>, vector<16xi32>,
      %get3A_174 = arith.constant 272 : index
      %get3A_175 = tpu.vector_load %arg15[%get3A_174] {strides = array<i32>} : memref<1024xi32, #tpu.memory_space<vmem>>, vector<16xi32>,
      %add3A_176 = vector.broadcast %mul3A_37 : i32 to vector<16xi32>
      %add3A_177 = arith.addi %get3A_175, %add3A_176 : vector<16xi32>
      %swap3A_178 = arith.constant 2 : i32
      %swap3A_179 = arith.index_cast %swap3A_178 : i32 to index
      %swap3A_180 = arith.constant 16 : index
      %swap3A_181 = tpu.vector_load %arg16[%swap3A_179, %swap3A_180] {strides = array<i32>} : memref<8x128xi32, #tpu.memory_space<vmem>>, vector<16xi32>,
      tpu.vector_store %arg16[%swap3A_179, %swap3A_180], %add3A_177 {strides = array<i32>} : memref<8x128xi32, #tpu.memory_space<vmem>>, vector<16xi32>,
      %get3A_182 = arith.constant 288 : index
      %get3A_183 = tpu.vector_load %arg15[%get3A_182] {strides = array<i32>} : memref<1024xi32, #tpu.memory_space<vmem>>, vector<16xi32>,
      %add3A_184 = vector.broadcast %mul3A_37 : i32 to vector<16xi32>
      %add3A_185 = arith.addi %get3A_183, %add3A_184 : vector<16xi32>
      %swap3A_186 = arith.constant 2 : i32
      %swap3A_187 = arith.index_cast %swap3A_186 : i32 to index
      %swap3A_188 = arith.constant 32 : index
      %swap3A_189 = tpu.vector_load %arg16[%swap3A_187, %swap3A_188] {strides = array<i32>} : memref<8x128xi32, #tpu.memory_space<vmem>>, vector<16xi32>,
      tpu.vector_store %arg16[%swap3A_187, %swap3A_188], %add3A_185 {strides = array<i32>} : memref<8x128xi32, #tpu.memory_space<vmem>>, vector<16xi32>,
      %get3A_190 = arith.constant 304 : index
      %get3A_191 = tpu.vector_load %arg15[%get3A_190] {strides = array<i32>} : memref<1024xi32, #tpu.memory_space<vmem>>, vector<16xi32>,
      %add3A_192 = vector.broadcast %mul3A_37 : i32 to vector<16xi32>
      %add3A_193 = arith.addi %get3A_191, %add3A_192 : vector<16xi32>
      %swap3A_194 = arith.constant 2 : i32
      %swap3A_195 = arith.index_cast %swap3A_194 : i32 to index
      %swap3A_196 = arith.constant 48 : index
      %swap3A_197 = tpu.vector_load %arg16[%swap3A_195, %swap3A_196] {strides = array<i32>} : memref<8x128xi32, #tpu.memory_space<vmem>>, vector<16xi32>,
      tpu.vector_store %arg16[%swap3A_195, %swap3A_196], %add3A_193 {strides = array<i32>} : memref<8x128xi32, #tpu.memory_space<vmem>>, vector<16xi32>,
      %get3A_198 = arith.constant 320 : index
      %get3A_199 = tpu.vector_load %arg15[%get3A_198] {strides = array<i32>} : memref<1024xi32, #tpu.memory_space<vmem>>, vector<16xi32>,
      %add3A_200 = vector.broadcast %mul3A_37 : i32 to vector<16xi32>
      %add3A_201 = arith.addi %get3A_199, %add3A_200 : vector<16xi32>
      %swap3A_202 = arith.constant 2 : i32
      %swap3A_203 = arith.index_cast %swap3A_202 : i32 to index
      %swap3A_204 = arith.constant 64 : index
      %swap3A_205 = tpu.vector_load %arg16[%swap3A_203, %swap3A_204] {strides = array<i32>} : memref<8x128xi32, #tpu.memory_space<vmem>>, vector<16xi32>,
      tpu.vector_store %arg16[%swap3A_203, %swap3A_204], %add3A_201 {strides = array<i32>} : memref<8x128xi32, #tpu.memory_space<vmem>>, vector<16xi32>,
      %get3A_206 = arith.constant 336 : index
      %get3A_207 = tpu.vector_load %arg15[%get3A_206] {strides = array<i32>} : memref<1024xi32, #tpu.memory_space<vmem>>, vector<16xi32>,
      %add3A_208 = vector.broadcast %mul3A_37 : i32 to vector<16xi32>
      %add3A_209 = arith.addi %get3A_207, %add3A_208 : vector<16xi32>
      %swap3A_210 = arith.constant 2 : i32
      %swap3A_211 = arith.index_cast %swap3A_210 : i32 to index
      %swap3A_212 = arith.constant 80 : index
      %swap3A_213 = tpu.vector_load %arg16[%swap3A_211, %swap3A_212] {strides = array<i32>} : memref<8x128xi32, #tpu.memory_space<vmem>>, vector<16xi32>,
      tpu.vector_store %arg16[%swap3A_211, %swap3A_212], %add3A_209 {strides = array<i32>} : memref<8x128xi32, #tpu.memory_space<vmem>>, vector<16xi32>,
      %get3A_214 = arith.constant 352 : index
      %get3A_215 = tpu.vector_load %arg15[%get3A_214] {strides = array<i32>} : memref<1024xi32, #tpu.memory_space<vmem>>, vector<16xi32>,
      %add3A_216 = vector.broadcast %mul3A_37 : i32 to vector<16xi32>
      %add3A_217 = arith.addi %get3A_215, %add3A_216 : vector<16xi32>
      %swap3A_218 = arith.constant 2 : i32
      %swap3A_219 = arith.index_cast %swap3A_218 : i32 to index
      %swap3A_220 = arith.constant 96 : index
      %swap3A_221 = tpu.vector_load %arg16[%swap3A_219, %swap3A_220] {strides = array<i32>} : memref<8x128xi32, #tpu.memory_space<vmem>>, vector<16xi32>,
      tpu.vector_store %arg16[%swap3A_219, %swap3A_220], %add3A_217 {strides = array<i32>} : memref<8x128xi32, #tpu.memory_space<vmem>>, vector<16xi32>,
      %get3A_222 = arith.constant 368 : index
      %get3A_223 = tpu.vector_load %arg15[%get3A_222] {strides = array<i32>} : memref<1024xi32, #tpu.memory_space<vmem>>, vector<16xi32>,
      %add3A_224 = vector.broadcast %mul3A_37 : i32 to vector<16xi32>
      %add3A_225 = arith.addi %get3A_223, %add3A_224 : vector<16xi32>
      %swap3A_226 = arith.constant 2 : i32
      %swap3A_227 = arith.index_cast %swap3A_226 : i32 to index
      %swap3A_228 = arith.constant 112 : index
      %swap3A_229 = tpu.vector_load %arg16[%swap3A_227, %swap3A_228] {strides = array<i32>} : memref<8x128xi32, #tpu.memory_space<vmem>>, vector<16xi32>,
      tpu.vector_store %arg16[%swap3A_227, %swap3A_228], %add3A_225 {strides = array<i32>} : memref<8x128xi32, #tpu.memory_space<vmem>>, vector<16xi32>,
      %run_scoped3A_230 = arith.constant 2 : i32
      "tpu.region"() ({
        %run_scoped3A_1076 = tpu.sem_alloc : memref<!tpu.dma_semaphore, #tpu.memory_space<semaphore_mem>>
        %dma_start3A = arith.constant 0 : i32
        %dma_start3A_1077 = tpu.memref_slice %arg16[%run_scoped3A_230, %dma_start3A] : memref<8x128xi32, #tpu.memory_space<vmem>> -> memref<1x128xi32, #tpu.memory_space<vmem>>
        %dma_start3A_1078 = tpu.memref_squeeze %dma_start3A_1077 : memref<1x128xi32, #tpu.memory_space<vmem>> -> memref<128xi32, #tpu.memory_space<vmem>>
        %dma_start3A_1079 = arith.constant 0 : i32
        %dma_start3A_1080 = tpu.memref_slice %arg22[%dma_start3A_1079] : memref<32768xf32, #tpu.memory_space<vmem_shared>> -> memref<32768xf32, #tpu.memory_space<vmem_shared>>
        tpu.enqueue_indirect_dma source(%arg17 : memref<128xf32, #tpu.memory_space<vmem>>) target(%dma_start3A_1080 : memref<32768xf32, #tpu.memory_space<vmem_shared>>) offsets(%dma_start3A_1078 : memref<128xi32, #tpu.memory_space<vmem>>) semaphore(%run_scoped3A_1076 : memref<!tpu.dma_semaphore, #tpu.memory_space<semaphore_mem>>) {add = true}
        %dma_wait3A = arith.constant 0 : i32
        %dma_wait3A_1081 = tpu.memref_slice %arg16[%run_scoped3A_230, %dma_wait3A] : memref<8x128xi32, #tpu.memory_space<vmem>> -> memref<1x128xi32, #tpu.memory_space<vmem>>
        %dma_wait3A_1082 = tpu.memref_squeeze %dma_wait3A_1081 : memref<1x128xi32, #tpu.memory_space<vmem>> -> memref<128xi32, #tpu.memory_space<vmem>>
        %dma_wait3A_1083 = arith.constant 0 : i32
        %dma_wait3A_1084 = tpu.memref_slice %arg22[%dma_wait3A_1083] : memref<32768xf32, #tpu.memory_space<vmem_shared>> -> memref<32768xf32, #tpu.memory_space<vmem_shared>>
        tpu.wait_indirect_dma semaphore(%run_scoped3A_1076 : memref<!tpu.dma_semaphore, #tpu.memory_space<semaphore_mem>>) src(%arg17 : memref<128xf32, #tpu.memory_space<vmem>>) dst(%dma_wait3A_1084 : memref<32768xf32, #tpu.memory_space<vmem_shared>>)
        tpu.yield
      }) : () -> ()
      %get3A_231 = arith.constant 384 : index
      %get3A_232 = tpu.vector_load %arg15[%get3A_231] {strides = array<i32>} : memref<1024xi32, #tpu.memory_space<vmem>>, vector<16xi32>,
      %add3A_233 = vector.broadcast %mul3A_37 : i32 to vector<16xi32>
      %add3A_234 = arith.addi %get3A_232, %add3A_233 : vector<16xi32>
      %swap3A_235 = arith.constant 3 : i32
      %swap3A_236 = arith.index_cast %swap3A_235 : i32 to index
      %swap3A_237 = arith.constant 0 : index
      %swap3A_238 = tpu.vector_load %arg16[%swap3A_236, %swap3A_237] {strides = array<i32>} : memref<8x128xi32, #tpu.memory_space<vmem>>, vector<16xi32>,
      tpu.vector_store %arg16[%swap3A_236, %swap3A_237], %add3A_234 {strides = array<i32>} : memref<8x128xi32, #tpu.memory_space<vmem>>, vector<16xi32>,
      %get3A_239 = arith.constant 400 : index
      %get3A_240 = tpu.vector_load %arg15[%get3A_239] {strides = array<i32>} : memref<1024xi32, #tpu.memory_space<vmem>>, vector<16xi32>,
      %add3A_241 = vector.broadcast %mul3A_37 : i32 to vector<16xi32>
      %add3A_242 = arith.addi %get3A_240, %add3A_241 : vector<16xi32>
      %swap3A_243 = arith.constant 3 : i32
      %swap3A_244 = arith.index_cast %swap3A_243 : i32 to index
      %swap3A_245 = arith.constant 16 : index
      %swap3A_246 = tpu.vector_load %arg16[%swap3A_244, %swap3A_245] {strides = array<i32>} : memref<8x128xi32, #tpu.memory_space<vmem>>, vector<16xi32>,
      tpu.vector_store %arg16[%swap3A_244, %swap3A_245], %add3A_242 {strides = array<i32>} : memref<8x128xi32, #tpu.memory_space<vmem>>, vector<16xi32>,
      %get3A_247 = arith.constant 416 : index
      %get3A_248 = tpu.vector_load %arg15[%get3A_247] {strides = array<i32>} : memref<1024xi32, #tpu.memory_space<vmem>>, vector<16xi32>,
      %add3A_249 = vector.broadcast %mul3A_37 : i32 to vector<16xi32>
      %add3A_250 = arith.addi %get3A_248, %add3A_249 : vector<16xi32>
      %swap3A_251 = arith.constant 3 : i32
      %swap3A_252 = arith.index_cast %swap3A_251 : i32 to index
      %swap3A_253 = arith.constant 32 : index
      %swap3A_254 = tpu.vector_load %arg16[%swap3A_252, %swap3A_253] {strides = array<i32>} : memref<8x128xi32, #tpu.memory_space<vmem>>, vector<16xi32>,
      tpu.vector_store %arg16[%swap3A_252, %swap3A_253], %add3A_250 {strides = array<i32>} : memref<8x128xi32, #tpu.memory_space<vmem>>, vector<16xi32>,
      %get3A_255 = arith.constant 432 : index
      %get3A_256 = tpu.vector_load %arg15[%get3A_255] {strides = array<i32>} : memref<1024xi32, #tpu.memory_space<vmem>>, vector<16xi32>,
      %add3A_257 = vector.broadcast %mul3A_37 : i32 to vector<16xi32>
      %add3A_258 = arith.addi %get3A_256, %add3A_257 : vector<16xi32>
      %swap3A_259 = arith.constant 3 : i32
      %swap3A_260 = arith.index_cast %swap3A_259 : i32 to index
      %swap3A_261 = arith.constant 48 : index
      %swap3A_262 = tpu.vector_load %arg16[%swap3A_260, %swap3A_261] {strides = array<i32>} : memref<8x128xi32, #tpu.memory_space<vmem>>, vector<16xi32>,
      tpu.vector_store %arg16[%swap3A_260, %swap3A_261], %add3A_258 {strides = array<i32>} : memref<8x128xi32, #tpu.memory_space<vmem>>, vector<16xi32>,
      %get3A_263 = arith.constant 448 : index
      %get3A_264 = tpu.vector_load %arg15[%get3A_263] {strides = array<i32>} : memref<1024xi32, #tpu.memory_space<vmem>>, vector<16xi32>,
      %add3A_265 = vector.broadcast %mul3A_37 : i32 to vector<16xi32>
      %add3A_266 = arith.addi %get3A_264, %add3A_265 : vector<16xi32>
      %swap3A_267 = arith.constant 3 : i32
      %swap3A_268 = arith.index_cast %swap3A_267 : i32 to index
      %swap3A_269 = arith.constant 64 : index
      %swap3A_270 = tpu.vector_load %arg16[%swap3A_268, %swap3A_269] {strides = array<i32>} : memref<8x128xi32, #tpu.memory_space<vmem>>, vector<16xi32>,
      tpu.vector_store %arg16[%swap3A_268, %swap3A_269], %add3A_266 {strides = array<i32>} : memref<8x128xi32, #tpu.memory_space<vmem>>, vector<16xi32>,
      %get3A_271 = arith.constant 464 : index
      %get3A_272 = tpu.vector_load %arg15[%get3A_271] {strides = array<i32>} : memref<1024xi32, #tpu.memory_space<vmem>>, vector<16xi32>,
      %add3A_273 = vector.broadcast %mul3A_37 : i32 to vector<16xi32>
      %add3A_274 = arith.addi %get3A_272, %add3A_273 : vector<16xi32>
      %swap3A_275 = arith.constant 3 : i32
      %swap3A_276 = arith.index_cast %swap3A_275 : i32 to index
      %swap3A_277 = arith.constant 80 : index
      %swap3A_278 = tpu.vector_load %arg16[%swap3A_276, %swap3A_277] {strides = array<i32>} : memref<8x128xi32, #tpu.memory_space<vmem>>, vector<16xi32>,
      tpu.vector_store %arg16[%swap3A_276, %swap3A_277], %add3A_274 {strides = array<i32>} : memref<8x128xi32, #tpu.memory_space<vmem>>, vector<16xi32>,
      %get3A_279 = arith.constant 480 : index
      %get3A_280 = tpu.vector_load %arg15[%get3A_279] {strides = array<i32>} : memref<1024xi32, #tpu.memory_space<vmem>>, vector<16xi32>,
      %add3A_281 = vector.broadcast %mul3A_37 : i32 to vector<16xi32>
      %add3A_282 = arith.addi %get3A_280, %add3A_281 : vector<16xi32>
      %swap3A_283 = arith.constant 3 : i32
      %swap3A_284 = arith.index_cast %swap3A_283 : i32 to index
      %swap3A_285 = arith.constant 96 : index
      %swap3A_286 = tpu.vector_load %arg16[%swap3A_284, %swap3A_285] {strides = array<i32>} : memref<8x128xi32, #tpu.memory_space<vmem>>, vector<16xi32>,
      tpu.vector_store %arg16[%swap3A_284, %swap3A_285], %add3A_282 {strides = array<i32>} : memref<8x128xi32, #tpu.memory_space<vmem>>, vector<16xi32>,
      %get3A_287 = arith.constant 496 : index
      %get3A_288 = tpu.vector_load %arg15[%get3A_287] {strides = array<i32>} : memref<1024xi32, #tpu.memory_space<vmem>>, vector<16xi32>,
      %add3A_289 = vector.broadcast %mul3A_37 : i32 to vector<16xi32>
      %add3A_290 = arith.addi %get3A_288, %add3A_289 : vector<16xi32>
      %swap3A_291 = arith.constant 3 : i32
      %swap3A_292 = arith.index_cast %swap3A_291 : i32 to index
      %swap3A_293 = arith.constant 112 : index
      %swap3A_294 = tpu.vector_load %arg16[%swap3A_292, %swap3A_293] {strides = array<i32>} : memref<8x128xi32, #tpu.memory_space<vmem>>, vector<16xi32>,
      tpu.vector_store %arg16[%swap3A_292, %swap3A_293], %add3A_290 {strides = array<i32>} : memref<8x128xi32, #tpu.memory_space<vmem>>, vector<16xi32>,
      %run_scoped3A_295 = arith.constant 3 : i32
      "tpu.region"() ({
        %run_scoped3A_1076 = tpu.sem_alloc : memref<!tpu.dma_semaphore, #tpu.memory_space<semaphore_mem>>
        %dma_start3A = arith.constant 0 : i32
        %dma_start3A_1077 = tpu.memref_slice %arg16[%run_scoped3A_295, %dma_start3A] : memref<8x128xi32, #tpu.memory_space<vmem>> -> memref<1x128xi32, #tpu.memory_space<vmem>>
        %dma_start3A_1078 = tpu.memref_squeeze %dma_start3A_1077 : memref<1x128xi32, #tpu.memory_space<vmem>> -> memref<128xi32, #tpu.memory_space<vmem>>
        %dma_start3A_1079 = arith.constant 0 : i32
        %dma_start3A_1080 = tpu.memref_slice %arg22[%dma_start3A_1079] : memref<32768xf32, #tpu.memory_space<vmem_shared>> -> memref<32768xf32, #tpu.memory_space<vmem_shared>>
        tpu.enqueue_indirect_dma source(%arg17 : memref<128xf32, #tpu.memory_space<vmem>>) target(%dma_start3A_1080 : memref<32768xf32, #tpu.memory_space<vmem_shared>>) offsets(%dma_start3A_1078 : memref<128xi32, #tpu.memory_space<vmem>>) semaphore(%run_scoped3A_1076 : memref<!tpu.dma_semaphore, #tpu.memory_space<semaphore_mem>>) {add = true}
        %dma_wait3A = arith.constant 0 : i32
        %dma_wait3A_1081 = tpu.memref_slice %arg16[%run_scoped3A_295, %dma_wait3A] : memref<8x128xi32, #tpu.memory_space<vmem>> -> memref<1x128xi32, #tpu.memory_space<vmem>>
        %dma_wait3A_1082 = tpu.memref_squeeze %dma_wait3A_1081 : memref<1x128xi32, #tpu.memory_space<vmem>> -> memref<128xi32, #tpu.memory_space<vmem>>
        %dma_wait3A_1083 = arith.constant 0 : i32
        %dma_wait3A_1084 = tpu.memref_slice %arg22[%dma_wait3A_1083] : memref<32768xf32, #tpu.memory_space<vmem_shared>> -> memref<32768xf32, #tpu.memory_space<vmem_shared>>
        tpu.wait_indirect_dma semaphore(%run_scoped3A_1076 : memref<!tpu.dma_semaphore, #tpu.memory_space<semaphore_mem>>) src(%arg17 : memref<128xf32, #tpu.memory_space<vmem>>) dst(%dma_wait3A_1084 : memref<32768xf32, #tpu.memory_space<vmem_shared>>)
        tpu.yield
      }) : () -> ()
      %get3A_296 = arith.constant 512 : index
      %get3A_297 = tpu.vector_load %arg15[%get3A_296] {strides = array<i32>} : memref<1024xi32, #tpu.memory_space<vmem>>, vector<16xi32>,
      %add3A_298 = vector.broadcast %mul3A_37 : i32 to vector<16xi32>
      %add3A_299 = arith.addi %get3A_297, %add3A_298 : vector<16xi32>
      %swap3A_300 = arith.constant 4 : i32
      %swap3A_301 = arith.index_cast %swap3A_300 : i32 to index
      %swap3A_302 = arith.constant 0 : index
      %swap3A_303 = tpu.vector_load %arg16[%swap3A_301, %swap3A_302] {strides = array<i32>} : memref<8x128xi32, #tpu.memory_space<vmem>>, vector<16xi32>,
      tpu.vector_store %arg16[%swap3A_301, %swap3A_302], %add3A_299 {strides = array<i32>} : memref<8x128xi32, #tpu.memory_space<vmem>>, vector<16xi32>,
      %get3A_304 = arith.constant 528 : index
      %get3A_305 = tpu.vector_load %arg15[%get3A_304] {strides = array<i32>} : memref<1024xi32, #tpu.memory_space<vmem>>, vector<16xi32>,
      %add3A_306 = vector.broadcast %mul3A_37 : i32 to vector<16xi32>
      %add3A_307 = arith.addi %get3A_305, %add3A_306 : vector<16xi32>
      %swap3A_308 = arith.constant 4 : i32
      %swap3A_309 = arith.index_cast %swap3A_308 : i32 to index
      %swap3A_310 = arith.constant 16 : index
      %swap3A_311 = tpu.vector_load %arg16[%swap3A_309, %swap3A_310] {strides = array<i32>} : memref<8x128xi32, #tpu.memory_space<vmem>>, vector<16xi32>,
      tpu.vector_store %arg16[%swap3A_309, %swap3A_310], %add3A_307 {strides = array<i32>} : memref<8x128xi32, #tpu.memory_space<vmem>>, vector<16xi32>,
      %get3A_312 = arith.constant 544 : index
      %get3A_313 = tpu.vector_load %arg15[%get3A_312] {strides = array<i32>} : memref<1024xi32, #tpu.memory_space<vmem>>, vector<16xi32>,
      %add3A_314 = vector.broadcast %mul3A_37 : i32 to vector<16xi32>
      %add3A_315 = arith.addi %get3A_313, %add3A_314 : vector<16xi32>
      %swap3A_316 = arith.constant 4 : i32
      %swap3A_317 = arith.index_cast %swap3A_316 : i32 to index
      %swap3A_318 = arith.constant 32 : index
      %swap3A_319 = tpu.vector_load %arg16[%swap3A_317, %swap3A_318] {strides = array<i32>} : memref<8x128xi32, #tpu.memory_space<vmem>>, vector<16xi32>,
      tpu.vector_store %arg16[%swap3A_317, %swap3A_318], %add3A_315 {strides = array<i32>} : memref<8x128xi32, #tpu.memory_space<vmem>>, vector<16xi32>,
      %get3A_320 = arith.constant 560 : index
      %get3A_321 = tpu.vector_load %arg15[%get3A_320] {strides = array<i32>} : memref<1024xi32, #tpu.memory_space<vmem>>, vector<16xi32>,
      %add3A_322 = vector.broadcast %mul3A_37 : i32 to vector<16xi32>
      %add3A_323 = arith.addi %get3A_321, %add3A_322 : vector<16xi32>
      %swap3A_324 = arith.constant 4 : i32
      %swap3A_325 = arith.index_cast %swap3A_324 : i32 to index
      %swap3A_326 = arith.constant 48 : index
      %swap3A_327 = tpu.vector_load %arg16[%swap3A_325, %swap3A_326] {strides = array<i32>} : memref<8x128xi32, #tpu.memory_space<vmem>>, vector<16xi32>,
      tpu.vector_store %arg16[%swap3A_325, %swap3A_326], %add3A_323 {strides = array<i32>} : memref<8x128xi32, #tpu.memory_space<vmem>>, vector<16xi32>,
      %get3A_328 = arith.constant 576 : index
      %get3A_329 = tpu.vector_load %arg15[%get3A_328] {strides = array<i32>} : memref<1024xi32, #tpu.memory_space<vmem>>, vector<16xi32>,
      %add3A_330 = vector.broadcast %mul3A_37 : i32 to vector<16xi32>
      %add3A_331 = arith.addi %get3A_329, %add3A_330 : vector<16xi32>
      %swap3A_332 = arith.constant 4 : i32
      %swap3A_333 = arith.index_cast %swap3A_332 : i32 to index
      %swap3A_334 = arith.constant 64 : index
      %swap3A_335 = tpu.vector_load %arg16[%swap3A_333, %swap3A_334] {strides = array<i32>} : memref<8x128xi32, #tpu.memory_space<vmem>>, vector<16xi32>,
      tpu.vector_store %arg16[%swap3A_333, %swap3A_334], %add3A_331 {strides = array<i32>} : memref<8x128xi32, #tpu.memory_space<vmem>>, vector<16xi32>,
      %get3A_336 = arith.constant 592 : index
      %get3A_337 = tpu.vector_load %arg15[%get3A_336] {strides = array<i32>} : memref<1024xi32, #tpu.memory_space<vmem>>, vector<16xi32>,
      %add3A_338 = vector.broadcast %mul3A_37 : i32 to vector<16xi32>
      %add3A_339 = arith.addi %get3A_337, %add3A_338 : vector<16xi32>
      %swap3A_340 = arith.constant 4 : i32
      %swap3A_341 = arith.index_cast %swap3A_340 : i32 to index
      %swap3A_342 = arith.constant 80 : index
      %swap3A_343 = tpu.vector_load %arg16[%swap3A_341, %swap3A_342] {strides = array<i32>} : memref<8x128xi32, #tpu.memory_space<vmem>>, vector<16xi32>,
      tpu.vector_store %arg16[%swap3A_341, %swap3A_342], %add3A_339 {strides = array<i32>} : memref<8x128xi32, #tpu.memory_space<vmem>>, vector<16xi32>,
      %get3A_344 = arith.constant 608 : index
      %get3A_345 = tpu.vector_load %arg15[%get3A_344] {strides = array<i32>} : memref<1024xi32, #tpu.memory_space<vmem>>, vector<16xi32>,
      %add3A_346 = vector.broadcast %mul3A_37 : i32 to vector<16xi32>
      %add3A_347 = arith.addi %get3A_345, %add3A_346 : vector<16xi32>
      %swap3A_348 = arith.constant 4 : i32
      %swap3A_349 = arith.index_cast %swap3A_348 : i32 to index
      %swap3A_350 = arith.constant 96 : index
      %swap3A_351 = tpu.vector_load %arg16[%swap3A_349, %swap3A_350] {strides = array<i32>} : memref<8x128xi32, #tpu.memory_space<vmem>>, vector<16xi32>,
      tpu.vector_store %arg16[%swap3A_349, %swap3A_350], %add3A_347 {strides = array<i32>} : memref<8x128xi32, #tpu.memory_space<vmem>>, vector<16xi32>,
      %get3A_352 = arith.constant 624 : index
      %get3A_353 = tpu.vector_load %arg15[%get3A_352] {strides = array<i32>} : memref<1024xi32, #tpu.memory_space<vmem>>, vector<16xi32>,
      %add3A_354 = vector.broadcast %mul3A_37 : i32 to vector<16xi32>
      %add3A_355 = arith.addi %get3A_353, %add3A_354 : vector<16xi32>
      %swap3A_356 = arith.constant 4 : i32
      %swap3A_357 = arith.index_cast %swap3A_356 : i32 to index
      %swap3A_358 = arith.constant 112 : index
      %swap3A_359 = tpu.vector_load %arg16[%swap3A_357, %swap3A_358] {strides = array<i32>} : memref<8x128xi32, #tpu.memory_space<vmem>>, vector<16xi32>,
      tpu.vector_store %arg16[%swap3A_357, %swap3A_358], %add3A_355 {strides = array<i32>} : memref<8x128xi32, #tpu.memory_space<vmem>>, vector<16xi32>,
      %run_scoped3A_360 = arith.constant 4 : i32
      "tpu.region"() ({
        %run_scoped3A_1076 = tpu.sem_alloc : memref<!tpu.dma_semaphore, #tpu.memory_space<semaphore_mem>>
        %dma_start3A = arith.constant 0 : i32
        %dma_start3A_1077 = tpu.memref_slice %arg16[%run_scoped3A_360, %dma_start3A] : memref<8x128xi32, #tpu.memory_space<vmem>> -> memref<1x128xi32, #tpu.memory_space<vmem>>
        %dma_start3A_1078 = tpu.memref_squeeze %dma_start3A_1077 : memref<1x128xi32, #tpu.memory_space<vmem>> -> memref<128xi32, #tpu.memory_space<vmem>>
        %dma_start3A_1079 = arith.constant 0 : i32
        %dma_start3A_1080 = tpu.memref_slice %arg22[%dma_start3A_1079] : memref<32768xf32, #tpu.memory_space<vmem_shared>> -> memref<32768xf32, #tpu.memory_space<vmem_shared>>
        tpu.enqueue_indirect_dma source(%arg17 : memref<128xf32, #tpu.memory_space<vmem>>) target(%dma_start3A_1080 : memref<32768xf32, #tpu.memory_space<vmem_shared>>) offsets(%dma_start3A_1078 : memref<128xi32, #tpu.memory_space<vmem>>) semaphore(%run_scoped3A_1076 : memref<!tpu.dma_semaphore, #tpu.memory_space<semaphore_mem>>) {add = true}
        %dma_wait3A = arith.constant 0 : i32
        %dma_wait3A_1081 = tpu.memref_slice %arg16[%run_scoped3A_360, %dma_wait3A] : memref<8x128xi32, #tpu.memory_space<vmem>> -> memref<1x128xi32, #tpu.memory_space<vmem>>
        %dma_wait3A_1082 = tpu.memref_squeeze %dma_wait3A_1081 : memref<1x128xi32, #tpu.memory_space<vmem>> -> memref<128xi32, #tpu.memory_space<vmem>>
        %dma_wait3A_1083 = arith.constant 0 : i32
        %dma_wait3A_1084 = tpu.memref_slice %arg22[%dma_wait3A_1083] : memref<32768xf32, #tpu.memory_space<vmem_shared>> -> memref<32768xf32, #tpu.memory_space<vmem_shared>>
        tpu.wait_indirect_dma semaphore(%run_scoped3A_1076 : memref<!tpu.dma_semaphore, #tpu.memory_space<semaphore_mem>>) src(%arg17 : memref<128xf32, #tpu.memory_space<vmem>>) dst(%dma_wait3A_1084 : memref<32768xf32, #tpu.memory_space<vmem_shared>>)
        tpu.yield
      }) : () -> ()
      %get3A_361 = arith.constant 640 : index
      %get3A_362 = tpu.vector_load %arg15[%get3A_361] {strides = array<i32>} : memref<1024xi32, #tpu.memory_space<vmem>>, vector<16xi32>,
      %add3A_363 = vector.broadcast %mul3A_37 : i32 to vector<16xi32>
      %add3A_364 = arith.addi %get3A_362, %add3A_363 : vector<16xi32>
      %swap3A_365 = arith.constant 5 : i32
      %swap3A_366 = arith.index_cast %swap3A_365 : i32 to index
      %swap3A_367 = arith.constant 0 : index
      %swap3A_368 = tpu.vector_load %arg16[%swap3A_366, %swap3A_367] {strides = array<i32>} : memref<8x128xi32, #tpu.memory_space<vmem>>, vector<16xi32>,
      tpu.vector_store %arg16[%swap3A_366, %swap3A_367], %add3A_364 {strides = array<i32>} : memref<8x128xi32, #tpu.memory_space<vmem>>, vector<16xi32>,
      %get3A_369 = arith.constant 656 : index
      %get3A_370 = tpu.vector_load %arg15[%get3A_369] {strides = array<i32>} : memref<1024xi32, #tpu.memory_space<vmem>>, vector<16xi32>,
      %add3A_371 = vector.broadcast %mul3A_37 : i32 to vector<16xi32>
      %add3A_372 = arith.addi %get3A_370, %add3A_371 : vector<16xi32>
      %swap3A_373 = arith.constant 5 : i32
      %swap3A_374 = arith.index_cast %swap3A_373 : i32 to index
      %swap3A_375 = arith.constant 16 : index
      %swap3A_376 = tpu.vector_load %arg16[%swap3A_374, %swap3A_375] {strides = array<i32>} : memref<8x128xi32, #tpu.memory_space<vmem>>, vector<16xi32>,
      tpu.vector_store %arg16[%swap3A_374, %swap3A_375], %add3A_372 {strides = array<i32>} : memref<8x128xi32, #tpu.memory_space<vmem>>, vector<16xi32>,
      %get3A_377 = arith.constant 672 : index
      %get3A_378 = tpu.vector_load %arg15[%get3A_377] {strides = array<i32>} : memref<1024xi32, #tpu.memory_space<vmem>>, vector<16xi32>,
      %add3A_379 = vector.broadcast %mul3A_37 : i32 to vector<16xi32>
      %add3A_380 = arith.addi %get3A_378, %add3A_379 : vector<16xi32>
      %swap3A_381 = arith.constant 5 : i32
      %swap3A_382 = arith.index_cast %swap3A_381 : i32 to index
      %swap3A_383 = arith.constant 32 : index
      %swap3A_384 = tpu.vector_load %arg16[%swap3A_382, %swap3A_383] {strides = array<i32>} : memref<8x128xi32, #tpu.memory_space<vmem>>, vector<16xi32>,
      tpu.vector_store %arg16[%swap3A_382, %swap3A_383], %add3A_380 {strides = array<i32>} : memref<8x128xi32, #tpu.memory_space<vmem>>, vector<16xi32>,
      %get3A_385 = arith.constant 688 : index
      %get3A_386 = tpu.vector_load %arg15[%get3A_385] {strides = array<i32>} : memref<1024xi32, #tpu.memory_space<vmem>>, vector<16xi32>,
      %add3A_387 = vector.broadcast %mul3A_37 : i32 to vector<16xi32>
      %add3A_388 = arith.addi %get3A_386, %add3A_387 : vector<16xi32>
      %swap3A_389 = arith.constant 5 : i32
      %swap3A_390 = arith.index_cast %swap3A_389 : i32 to index
      %swap3A_391 = arith.constant 48 : index
      %swap3A_392 = tpu.vector_load %arg16[%swap3A_390, %swap3A_391] {strides = array<i32>} : memref<8x128xi32, #tpu.memory_space<vmem>>, vector<16xi32>,
      tpu.vector_store %arg16[%swap3A_390, %swap3A_391], %add3A_388 {strides = array<i32>} : memref<8x128xi32, #tpu.memory_space<vmem>>, vector<16xi32>,
      %get3A_393 = arith.constant 704 : index
      %get3A_394 = tpu.vector_load %arg15[%get3A_393] {strides = array<i32>} : memref<1024xi32, #tpu.memory_space<vmem>>, vector<16xi32>,
      %add3A_395 = vector.broadcast %mul3A_37 : i32 to vector<16xi32>
      %add3A_396 = arith.addi %get3A_394, %add3A_395 : vector<16xi32>
      %swap3A_397 = arith.constant 5 : i32
      %swap3A_398 = arith.index_cast %swap3A_397 : i32 to index
      %swap3A_399 = arith.constant 64 : index
      %swap3A_400 = tpu.vector_load %arg16[%swap3A_398, %swap3A_399] {strides = array<i32>} : memref<8x128xi32, #tpu.memory_space<vmem>>, vector<16xi32>,
      tpu.vector_store %arg16[%swap3A_398, %swap3A_399], %add3A_396 {strides = array<i32>} : memref<8x128xi32, #tpu.memory_space<vmem>>, vector<16xi32>,
      %get3A_401 = arith.constant 720 : index
      %get3A_402 = tpu.vector_load %arg15[%get3A_401] {strides = array<i32>} : memref<1024xi32, #tpu.memory_space<vmem>>, vector<16xi32>,
      %add3A_403 = vector.broadcast %mul3A_37 : i32 to vector<16xi32>
      %add3A_404 = arith.addi %get3A_402, %add3A_403 : vector<16xi32>
      %swap3A_405 = arith.constant 5 : i32
      %swap3A_406 = arith.index_cast %swap3A_405 : i32 to index
      %swap3A_407 = arith.constant 80 : index
      %swap3A_408 = tpu.vector_load %arg16[%swap3A_406, %swap3A_407] {strides = array<i32>} : memref<8x128xi32, #tpu.memory_space<vmem>>, vector<16xi32>,
      tpu.vector_store %arg16[%swap3A_406, %swap3A_407], %add3A_404 {strides = array<i32>} : memref<8x128xi32, #tpu.memory_space<vmem>>, vector<16xi32>,
      %get3A_409 = arith.constant 736 : index
      %get3A_410 = tpu.vector_load %arg15[%get3A_409] {strides = array<i32>} : memref<1024xi32, #tpu.memory_space<vmem>>, vector<16xi32>,
      %add3A_411 = vector.broadcast %mul3A_37 : i32 to vector<16xi32>
      %add3A_412 = arith.addi %get3A_410, %add3A_411 : vector<16xi32>
      %swap3A_413 = arith.constant 5 : i32
      %swap3A_414 = arith.index_cast %swap3A_413 : i32 to index
      %swap3A_415 = arith.constant 96 : index
      %swap3A_416 = tpu.vector_load %arg16[%swap3A_414, %swap3A_415] {strides = array<i32>} : memref<8x128xi32, #tpu.memory_space<vmem>>, vector<16xi32>,
      tpu.vector_store %arg16[%swap3A_414, %swap3A_415], %add3A_412 {strides = array<i32>} : memref<8x128xi32, #tpu.memory_space<vmem>>, vector<16xi32>,
      %get3A_417 = arith.constant 752 : index
      %get3A_418 = tpu.vector_load %arg15[%get3A_417] {strides = array<i32>} : memref<1024xi32, #tpu.memory_space<vmem>>, vector<16xi32>,
      %add3A_419 = vector.broadcast %mul3A_37 : i32 to vector<16xi32>
      %add3A_420 = arith.addi %get3A_418, %add3A_419 : vector<16xi32>
      %swap3A_421 = arith.constant 5 : i32
      %swap3A_422 = arith.index_cast %swap3A_421 : i32 to index
      %swap3A_423 = arith.constant 112 : index
      %swap3A_424 = tpu.vector_load %arg16[%swap3A_422, %swap3A_423] {strides = array<i32>} : memref<8x128xi32, #tpu.memory_space<vmem>>, vector<16xi32>,
      tpu.vector_store %arg16[%swap3A_422, %swap3A_423], %add3A_420 {strides = array<i32>} : memref<8x128xi32, #tpu.memory_space<vmem>>, vector<16xi32>,
      %run_scoped3A_425 = arith.constant 5 : i32
      "tpu.region"() ({
        %run_scoped3A_1076 = tpu.sem_alloc : memref<!tpu.dma_semaphore, #tpu.memory_space<semaphore_mem>>
        %dma_start3A = arith.constant 0 : i32
        %dma_start3A_1077 = tpu.memref_slice %arg16[%run_scoped3A_425, %dma_start3A] : memref<8x128xi32, #tpu.memory_space<vmem>> -> memref<1x128xi32, #tpu.memory_space<vmem>>
        %dma_start3A_1078 = tpu.memref_squeeze %dma_start3A_1077 : memref<1x128xi32, #tpu.memory_space<vmem>> -> memref<128xi32, #tpu.memory_space<vmem>>
        %dma_start3A_1079 = arith.constant 0 : i32
        %dma_start3A_1080 = tpu.memref_slice %arg22[%dma_start3A_1079] : memref<32768xf32, #tpu.memory_space<vmem_shared>> -> memref<32768xf32, #tpu.memory_space<vmem_shared>>
        tpu.enqueue_indirect_dma source(%arg17 : memref<128xf32, #tpu.memory_space<vmem>>) target(%dma_start3A_1080 : memref<32768xf32, #tpu.memory_space<vmem_shared>>) offsets(%dma_start3A_1078 : memref<128xi32, #tpu.memory_space<vmem>>) semaphore(%run_scoped3A_1076 : memref<!tpu.dma_semaphore, #tpu.memory_space<semaphore_mem>>) {add = true}
        %dma_wait3A = arith.constant 0 : i32
        %dma_wait3A_1081 = tpu.memref_slice %arg16[%run_scoped3A_425, %dma_wait3A] : memref<8x128xi32, #tpu.memory_space<vmem>> -> memref<1x128xi32, #tpu.memory_space<vmem>>
        %dma_wait3A_1082 = tpu.memref_squeeze %dma_wait3A_1081 : memref<1x128xi32, #tpu.memory_space<vmem>> -> memref<128xi32, #tpu.memory_space<vmem>>
        %dma_wait3A_1083 = arith.constant 0 : i32
        %dma_wait3A_1084 = tpu.memref_slice %arg22[%dma_wait3A_1083] : memref<32768xf32, #tpu.memory_space<vmem_shared>> -> memref<32768xf32, #tpu.memory_space<vmem_shared>>
        tpu.wait_indirect_dma semaphore(%run_scoped3A_1076 : memref<!tpu.dma_semaphore, #tpu.memory_space<semaphore_mem>>) src(%arg17 : memref<128xf32, #tpu.memory_space<vmem>>) dst(%dma_wait3A_1084 : memref<32768xf32, #tpu.memory_space<vmem_shared>>)
        tpu.yield
      }) : () -> ()
      %get3A_426 = arith.constant 768 : index
      %get3A_427 = tpu.vector_load %arg15[%get3A_426] {strides = array<i32>} : memref<1024xi32, #tpu.memory_space<vmem>>, vector<16xi32>,
      %add3A_428 = vector.broadcast %mul3A_37 : i32 to vector<16xi32>
      %add3A_429 = arith.addi %get3A_427, %add3A_428 : vector<16xi32>
      %swap3A_430 = arith.constant 6 : i32
      %swap3A_431 = arith.index_cast %swap3A_430 : i32 to index
      %swap3A_432 = arith.constant 0 : index
      %swap3A_433 = tpu.vector_load %arg16[%swap3A_431, %swap3A_432] {strides = array<i32>} : memref<8x128xi32, #tpu.memory_space<vmem>>, vector<16xi32>,
      tpu.vector_store %arg16[%swap3A_431, %swap3A_432], %add3A_429 {strides = array<i32>} : memref<8x128xi32, #tpu.memory_space<vmem>>, vector<16xi32>,
      %get3A_434 = arith.constant 784 : index
      %get3A_435 = tpu.vector_load %arg15[%get3A_434] {strides = array<i32>} : memref<1024xi32, #tpu.memory_space<vmem>>, vector<16xi32>,
      %add3A_436 = vector.broadcast %mul3A_37 : i32 to vector<16xi32>
      %add3A_437 = arith.addi %get3A_435, %add3A_436 : vector<16xi32>
      %swap3A_438 = arith.constant 6 : i32
      %swap3A_439 = arith.index_cast %swap3A_438 : i32 to index
      %swap3A_440 = arith.constant 16 : index
      %swap3A_441 = tpu.vector_load %arg16[%swap3A_439, %swap3A_440] {strides = array<i32>} : memref<8x128xi32, #tpu.memory_space<vmem>>, vector<16xi32>,
      tpu.vector_store %arg16[%swap3A_439, %swap3A_440], %add3A_437 {strides = array<i32>} : memref<8x128xi32, #tpu.memory_space<vmem>>, vector<16xi32>,
      %get3A_442 = arith.constant 800 : index
      %get3A_443 = tpu.vector_load %arg15[%get3A_442] {strides = array<i32>} : memref<1024xi32, #tpu.memory_space<vmem>>, vector<16xi32>,
      %add3A_444 = vector.broadcast %mul3A_37 : i32 to vector<16xi32>
      %add3A_445 = arith.addi %get3A_443, %add3A_444 : vector<16xi32>
      %swap3A_446 = arith.constant 6 : i32
      %swap3A_447 = arith.index_cast %swap3A_446 : i32 to index
      %swap3A_448 = arith.constant 32 : index
      %swap3A_449 = tpu.vector_load %arg16[%swap3A_447, %swap3A_448] {strides = array<i32>} : memref<8x128xi32, #tpu.memory_space<vmem>>, vector<16xi32>,
      tpu.vector_store %arg16[%swap3A_447, %swap3A_448], %add3A_445 {strides = array<i32>} : memref<8x128xi32, #tpu.memory_space<vmem>>, vector<16xi32>,
      %get3A_450 = arith.constant 816 : index
      %get3A_451 = tpu.vector_load %arg15[%get3A_450] {strides = array<i32>} : memref<1024xi32, #tpu.memory_space<vmem>>, vector<16xi32>,
      %add3A_452 = vector.broadcast %mul3A_37 : i32 to vector<16xi32>
      %add3A_453 = arith.addi %get3A_451, %add3A_452 : vector<16xi32>
      %swap3A_454 = arith.constant 6 : i32
      %swap3A_455 = arith.index_cast %swap3A_454 : i32 to index
      %swap3A_456 = arith.constant 48 : index
      %swap3A_457 = tpu.vector_load %arg16[%swap3A_455, %swap3A_456] {strides = array<i32>} : memref<8x128xi32, #tpu.memory_space<vmem>>, vector<16xi32>,
      tpu.vector_store %arg16[%swap3A_455, %swap3A_456], %add3A_453 {strides = array<i32>} : memref<8x128xi32, #tpu.memory_space<vmem>>, vector<16xi32>,
      %get3A_458 = arith.constant 832 : index
      %get3A_459 = tpu.vector_load %arg15[%get3A_458] {strides = array<i32>} : memref<1024xi32, #tpu.memory_space<vmem>>, vector<16xi32>,
      %add3A_460 = vector.broadcast %mul3A_37 : i32 to vector<16xi32>
      %add3A_461 = arith.addi %get3A_459, %add3A_460 : vector<16xi32>
      %swap3A_462 = arith.constant 6 : i32
      %swap3A_463 = arith.index_cast %swap3A_462 : i32 to index
      %swap3A_464 = arith.constant 64 : index
      %swap3A_465 = tpu.vector_load %arg16[%swap3A_463, %swap3A_464] {strides = array<i32>} : memref<8x128xi32, #tpu.memory_space<vmem>>, vector<16xi32>,
      tpu.vector_store %arg16[%swap3A_463, %swap3A_464], %add3A_461 {strides = array<i32>} : memref<8x128xi32, #tpu.memory_space<vmem>>, vector<16xi32>,
      %get3A_466 = arith.constant 848 : index
      %get3A_467 = tpu.vector_load %arg15[%get3A_466] {strides = array<i32>} : memref<1024xi32, #tpu.memory_space<vmem>>, vector<16xi32>,
      %add3A_468 = vector.broadcast %mul3A_37 : i32 to vector<16xi32>
      %add3A_469 = arith.addi %get3A_467, %add3A_468 : vector<16xi32>
      %swap3A_470 = arith.constant 6 : i32
      %swap3A_471 = arith.index_cast %swap3A_470 : i32 to index
      %swap3A_472 = arith.constant 80 : index
      %swap3A_473 = tpu.vector_load %arg16[%swap3A_471, %swap3A_472] {strides = array<i32>} : memref<8x128xi32, #tpu.memory_space<vmem>>, vector<16xi32>,
      tpu.vector_store %arg16[%swap3A_471, %swap3A_472], %add3A_469 {strides = array<i32>} : memref<8x128xi32, #tpu.memory_space<vmem>>, vector<16xi32>,
      %get3A_474 = arith.constant 864 : index
      %get3A_475 = tpu.vector_load %arg15[%get3A_474] {strides = array<i32>} : memref<1024xi32, #tpu.memory_space<vmem>>, vector<16xi32>,
      %add3A_476 = vector.broadcast %mul3A_37 : i32 to vector<16xi32>
      %add3A_477 = arith.addi %get3A_475, %add3A_476 : vector<16xi32>
      %swap3A_478 = arith.constant 6 : i32
      %swap3A_479 = arith.index_cast %swap3A_478 : i32 to index
      %swap3A_480 = arith.constant 96 : index
      %swap3A_481 = tpu.vector_load %arg16[%swap3A_479, %swap3A_480] {strides = array<i32>} : memref<8x128xi32, #tpu.memory_space<vmem>>, vector<16xi32>,
      tpu.vector_store %arg16[%swap3A_479, %swap3A_480], %add3A_477 {strides = array<i32>} : memref<8x128xi32, #tpu.memory_space<vmem>>, vector<16xi32>,
      %get3A_482 = arith.constant 880 : index
      %get3A_483 = tpu.vector_load %arg15[%get3A_482] {strides = array<i32>} : memref<1024xi32, #tpu.memory_space<vmem>>, vector<16xi32>,
      %add3A_484 = vector.broadcast %mul3A_37 : i32 to vector<16xi32>
      %add3A_485 = arith.addi %get3A_483, %add3A_484 : vector<16xi32>
      %swap3A_486 = arith.constant 6 : i32
      %swap3A_487 = arith.index_cast %swap3A_486 : i32 to index
      %swap3A_488 = arith.constant 112 : index
      %swap3A_489 = tpu.vector_load %arg16[%swap3A_487, %swap3A_488] {strides = array<i32>} : memref<8x128xi32, #tpu.memory_space<vmem>>, vector<16xi32>,
      tpu.vector_store %arg16[%swap3A_487, %swap3A_488], %add3A_485 {strides = array<i32>} : memref<8x128xi32, #tpu.memory_space<vmem>>, vector<16xi32>,
      %run_scoped3A_490 = arith.constant 6 : i32
      "tpu.region"() ({
        %run_scoped3A_1076 = tpu.sem_alloc : memref<!tpu.dma_semaphore, #tpu.memory_space<semaphore_mem>>
        %dma_start3A = arith.constant 0 : i32
        %dma_start3A_1077 = tpu.memref_slice %arg16[%run_scoped3A_490, %dma_start3A] : memref<8x128xi32, #tpu.memory_space<vmem>> -> memref<1x128xi32, #tpu.memory_space<vmem>>
        %dma_start3A_1078 = tpu.memref_squeeze %dma_start3A_1077 : memref<1x128xi32, #tpu.memory_space<vmem>> -> memref<128xi32, #tpu.memory_space<vmem>>
        %dma_start3A_1079 = arith.constant 0 : i32
        %dma_start3A_1080 = tpu.memref_slice %arg22[%dma_start3A_1079] : memref<32768xf32, #tpu.memory_space<vmem_shared>> -> memref<32768xf32, #tpu.memory_space<vmem_shared>>
        tpu.enqueue_indirect_dma source(%arg17 : memref<128xf32, #tpu.memory_space<vmem>>) target(%dma_start3A_1080 : memref<32768xf32, #tpu.memory_space<vmem_shared>>) offsets(%dma_start3A_1078 : memref<128xi32, #tpu.memory_space<vmem>>) semaphore(%run_scoped3A_1076 : memref<!tpu.dma_semaphore, #tpu.memory_space<semaphore_mem>>) {add = true}
        %dma_wait3A = arith.constant 0 : i32
        %dma_wait3A_1081 = tpu.memref_slice %arg16[%run_scoped3A_490, %dma_wait3A] : memref<8x128xi32, #tpu.memory_space<vmem>> -> memref<1x128xi32, #tpu.memory_space<vmem>>
        %dma_wait3A_1082 = tpu.memref_squeeze %dma_wait3A_1081 : memref<1x128xi32, #tpu.memory_space<vmem>> -> memref<128xi32, #tpu.memory_space<vmem>>
        %dma_wait3A_1083 = arith.constant 0 : i32
        %dma_wait3A_1084 = tpu.memref_slice %arg22[%dma_wait3A_1083] : memref<32768xf32, #tpu.memory_space<vmem_shared>> -> memref<32768xf32, #tpu.memory_space<vmem_shared>>
        tpu.wait_indirect_dma semaphore(%run_scoped3A_1076 : memref<!tpu.dma_semaphore, #tpu.memory_space<semaphore_mem>>) src(%arg17 : memref<128xf32, #tpu.memory_space<vmem>>) dst(%dma_wait3A_1084 : memref<32768xf32, #tpu.memory_space<vmem_shared>>)
        tpu.yield
      }) : () -> ()
      %get3A_491 = arith.constant 896 : index
      %get3A_492 = tpu.vector_load %arg15[%get3A_491] {strides = array<i32>} : memref<1024xi32, #tpu.memory_space<vmem>>, vector<16xi32>,
      %add3A_493 = vector.broadcast %mul3A_37 : i32 to vector<16xi32>
      %add3A_494 = arith.addi %get3A_492, %add3A_493 : vector<16xi32>
      %swap3A_495 = arith.constant 7 : i32
      %swap3A_496 = arith.index_cast %swap3A_495 : i32 to index
      %swap3A_497 = arith.constant 0 : index
      %swap3A_498 = tpu.vector_load %arg16[%swap3A_496, %swap3A_497] {strides = array<i32>} : memref<8x128xi32, #tpu.memory_space<vmem>>, vector<16xi32>,
      tpu.vector_store %arg16[%swap3A_496, %swap3A_497], %add3A_494 {strides = array<i32>} : memref<8x128xi32, #tpu.memory_space<vmem>>, vector<16xi32>,
      %get3A_499 = arith.constant 912 : index
      %get3A_500 = tpu.vector_load %arg15[%get3A_499] {strides = array<i32>} : memref<1024xi32, #tpu.memory_space<vmem>>, vector<16xi32>,
      %add3A_501 = vector.broadcast %mul3A_37 : i32 to vector<16xi32>
      %add3A_502 = arith.addi %get3A_500, %add3A_501 : vector<16xi32>
      %swap3A_503 = arith.constant 7 : i32
      %swap3A_504 = arith.index_cast %swap3A_503 : i32 to index
      %swap3A_505 = arith.constant 16 : index
      %swap3A_506 = tpu.vector_load %arg16[%swap3A_504, %swap3A_505] {strides = array<i32>} : memref<8x128xi32, #tpu.memory_space<vmem>>, vector<16xi32>,
      tpu.vector_store %arg16[%swap3A_504, %swap3A_505], %add3A_502 {strides = array<i32>} : memref<8x128xi32, #tpu.memory_space<vmem>>, vector<16xi32>,
      %get3A_507 = arith.constant 928 : index
      %get3A_508 = tpu.vector_load %arg15[%get3A_507] {strides = array<i32>} : memref<1024xi32, #tpu.memory_space<vmem>>, vector<16xi32>,
      %add3A_509 = vector.broadcast %mul3A_37 : i32 to vector<16xi32>
      %add3A_510 = arith.addi %get3A_508, %add3A_509 : vector<16xi32>
      %swap3A_511 = arith.constant 7 : i32
      %swap3A_512 = arith.index_cast %swap3A_511 : i32 to index
      %swap3A_513 = arith.constant 32 : index
      %swap3A_514 = tpu.vector_load %arg16[%swap3A_512, %swap3A_513] {strides = array<i32>} : memref<8x128xi32, #tpu.memory_space<vmem>>, vector<16xi32>,
      tpu.vector_store %arg16[%swap3A_512, %swap3A_513], %add3A_510 {strides = array<i32>} : memref<8x128xi32, #tpu.memory_space<vmem>>, vector<16xi32>,
      %get3A_515 = arith.constant 944 : index
      %get3A_516 = tpu.vector_load %arg15[%get3A_515] {strides = array<i32>} : memref<1024xi32, #tpu.memory_space<vmem>>, vector<16xi32>,
      %add3A_517 = vector.broadcast %mul3A_37 : i32 to vector<16xi32>
      %add3A_518 = arith.addi %get3A_516, %add3A_517 : vector<16xi32>
      %swap3A_519 = arith.constant 7 : i32
      %swap3A_520 = arith.index_cast %swap3A_519 : i32 to index
      %swap3A_521 = arith.constant 48 : index
      %swap3A_522 = tpu.vector_load %arg16[%swap3A_520, %swap3A_521] {strides = array<i32>} : memref<8x128xi32, #tpu.memory_space<vmem>>, vector<16xi32>,
      tpu.vector_store %arg16[%swap3A_520, %swap3A_521], %add3A_518 {strides = array<i32>} : memref<8x128xi32, #tpu.memory_space<vmem>>, vector<16xi32>,
      %get3A_523 = arith.constant 960 : index
      %get3A_524 = tpu.vector_load %arg15[%get3A_523] {strides = array<i32>} : memref<1024xi32, #tpu.memory_space<vmem>>, vector<16xi32>,
      %add3A_525 = vector.broadcast %mul3A_37 : i32 to vector<16xi32>
      %add3A_526 = arith.addi %get3A_524, %add3A_525 : vector<16xi32>
      %swap3A_527 = arith.constant 7 : i32
      %swap3A_528 = arith.index_cast %swap3A_527 : i32 to index
      %swap3A_529 = arith.constant 64 : index
      %swap3A_530 = tpu.vector_load %arg16[%swap3A_528, %swap3A_529] {strides = array<i32>} : memref<8x128xi32, #tpu.memory_space<vmem>>, vector<16xi32>,
      tpu.vector_store %arg16[%swap3A_528, %swap3A_529], %add3A_526 {strides = array<i32>} : memref<8x128xi32, #tpu.memory_space<vmem>>, vector<16xi32>,
      %get3A_531 = arith.constant 976 : index
      %get3A_532 = tpu.vector_load %arg15[%get3A_531] {strides = array<i32>} : memref<1024xi32, #tpu.memory_space<vmem>>, vector<16xi32>,
      %add3A_533 = vector.broadcast %mul3A_37 : i32 to vector<16xi32>
      %add3A_534 = arith.addi %get3A_532, %add3A_533 : vector<16xi32>
      %swap3A_535 = arith.constant 7 : i32
      %swap3A_536 = arith.index_cast %swap3A_535 : i32 to index
      %swap3A_537 = arith.constant 80 : index
      %swap3A_538 = tpu.vector_load %arg16[%swap3A_536, %swap3A_537] {strides = array<i32>} : memref<8x128xi32, #tpu.memory_space<vmem>>, vector<16xi32>,
      tpu.vector_store %arg16[%swap3A_536, %swap3A_537], %add3A_534 {strides = array<i32>} : memref<8x128xi32, #tpu.memory_space<vmem>>, vector<16xi32>,
      %get3A_539 = arith.constant 992 : index
      %get3A_540 = tpu.vector_load %arg15[%get3A_539] {strides = array<i32>} : memref<1024xi32, #tpu.memory_space<vmem>>, vector<16xi32>,
      %add3A_541 = vector.broadcast %mul3A_37 : i32 to vector<16xi32>
      %add3A_542 = arith.addi %get3A_540, %add3A_541 : vector<16xi32>
      %swap3A_543 = arith.constant 7 : i32
      %swap3A_544 = arith.index_cast %swap3A_543 : i32 to index
      %swap3A_545 = arith.constant 96 : index
      %swap3A_546 = tpu.vector_load %arg16[%swap3A_544, %swap3A_545] {strides = array<i32>} : memref<8x128xi32, #tpu.memory_space<vmem>>, vector<16xi32>,
      tpu.vector_store %arg16[%swap3A_544, %swap3A_545], %add3A_542 {strides = array<i32>} : memref<8x128xi32, #tpu.memory_space<vmem>>, vector<16xi32>,
      %get3A_547 = arith.constant 1008 : index
      %get3A_548 = tpu.vector_load %arg15[%get3A_547] {strides = array<i32>} : memref<1024xi32, #tpu.memory_space<vmem>>, vector<16xi32>,
      %add3A_549 = vector.broadcast %mul3A_37 : i32 to vector<16xi32>
      %add3A_550 = arith.addi %get3A_548, %add3A_549 : vector<16xi32>
      %swap3A_551 = arith.constant 7 : i32
      %swap3A_552 = arith.index_cast %swap3A_551 : i32 to index
      %swap3A_553 = arith.constant 112 : index
      %swap3A_554 = tpu.vector_load %arg16[%swap3A_552, %swap3A_553] {strides = array<i32>} : memref<8x128xi32, #tpu.memory_space<vmem>>, vector<16xi32>,
      tpu.vector_store %arg16[%swap3A_552, %swap3A_553], %add3A_550 {strides = array<i32>} : memref<8x128xi32, #tpu.memory_space<vmem>>, vector<16xi32>,
      %run_scoped3A_555 = arith.constant 7 : i32
      "tpu.region"() ({
        %run_scoped3A_1076 = tpu.sem_alloc : memref<!tpu.dma_semaphore, #tpu.memory_space<semaphore_mem>>
        %dma_start3A = arith.constant 0 : i32
        %dma_start3A_1077 = tpu.memref_slice %arg16[%run_scoped3A_555, %dma_start3A] : memref<8x128xi32, #tpu.memory_space<vmem>> -> memref<1x128xi32, #tpu.memory_space<vmem>>
        %dma_start3A_1078 = tpu.memref_squeeze %dma_start3A_1077 : memref<1x128xi32, #tpu.memory_space<vmem>> -> memref<128xi32, #tpu.memory_space<vmem>>
        %dma_start3A_1079 = arith.constant 0 : i32
        %dma_start3A_1080 = tpu.memref_slice %arg22[%dma_start3A_1079] : memref<32768xf32, #tpu.memory_space<vmem_shared>> -> memref<32768xf32, #tpu.memory_space<vmem_shared>>
        tpu.enqueue_indirect_dma source(%arg17 : memref<128xf32, #tpu.memory_space<vmem>>) target(%dma_start3A_1080 : memref<32768xf32, #tpu.memory_space<vmem_shared>>) offsets(%dma_start3A_1078 : memref<128xi32, #tpu.memory_space<vmem>>) semaphore(%run_scoped3A_1076 : memref<!tpu.dma_semaphore, #tpu.memory_space<semaphore_mem>>) {add = true}
        %dma_wait3A = arith.constant 0 : i32
        %dma_wait3A_1081 = tpu.memref_slice %arg16[%run_scoped3A_555, %dma_wait3A] : memref<8x128xi32, #tpu.memory_space<vmem>> -> memref<1x128xi32, #tpu.memory_space<vmem>>
        %dma_wait3A_1082 = tpu.memref_squeeze %dma_wait3A_1081 : memref<1x128xi32, #tpu.memory_space<vmem>> -> memref<128xi32, #tpu.memory_space<vmem>>
        %dma_wait3A_1083 = arith.constant 0 : i32
        %dma_wait3A_1084 = tpu.memref_slice %arg22[%dma_wait3A_1083] : memref<32768xf32, #tpu.memory_space<vmem_shared>> -> memref<32768xf32, #tpu.memory_space<vmem_shared>>
        tpu.wait_indirect_dma semaphore(%run_scoped3A_1076 : memref<!tpu.dma_semaphore, #tpu.memory_space<semaphore_mem>>) src(%arg17 : memref<128xf32, #tpu.memory_space<vmem>>) dst(%dma_wait3A_1084 : memref<32768xf32, #tpu.memory_space<vmem_shared>>)
        tpu.yield
      }) : () -> ()
      "tpu.region"() ({
        %run_scoped3A_1076 = tpu.sem_alloc : memref<!tpu.dma_semaphore, #tpu.memory_space<semaphore_mem>>
        %dma_start3A = arith.constant 0 : i32
        %dma_start3A_1077 = tpu.memref_slice %arg2[%add3A_38, %dma_start3A] : memref<32x1024xi32, #tpu.memory_space<hbm>> -> memref<1x1024xi32, #tpu.memory_space<hbm>>
        %dma_start3A_1078 = tpu.memref_squeeze %dma_start3A_1077 : memref<1x1024xi32, #tpu.memory_space<hbm>> -> memref<1024xi32, #tpu.memory_space<hbm>>
        %dma_start3A_1079 = arith.constant 0 : i32
        %dma_start3A_1080 = tpu.memref_slice %arg2[%add3A_38, %dma_start3A_1079] : memref<32x1024xi32, #tpu.memory_space<hbm>> -> memref<1x1024xi32, #tpu.memory_space<hbm>>
        %dma_start3A_1081 = tpu.memref_squeeze %dma_start3A_1080 : memref<1x1024xi32, #tpu.memory_space<hbm>> -> memref<1024xi32, #tpu.memory_space<hbm>>
        tpu.enqueue_dma source(%dma_start3A_1081 : memref<1024xi32, #tpu.memory_space<hbm>>) target(%arg15 : memref<1024xi32, #tpu.memory_space<vmem>>) target_semaphore(%run_scoped3A_1076 : memref<!tpu.dma_semaphore, #tpu.memory_space<semaphore_mem>>)
        %dma_wait3A = arith.constant 0 : i32
        %dma_wait3A_1082 = tpu.memref_slice %arg2[%add3A_38, %dma_wait3A] : memref<32x1024xi32, #tpu.memory_space<hbm>> -> memref<1x1024xi32, #tpu.memory_space<hbm>>
        %dma_wait3A_1083 = tpu.memref_squeeze %dma_wait3A_1082 : memref<1x1024xi32, #tpu.memory_space<hbm>> -> memref<1024xi32, #tpu.memory_space<hbm>>
        %dma_wait3A_1084 = arith.constant 0 : i32
        %dma_wait3A_1085 = tpu.memref_slice %arg2[%add3A_38, %dma_wait3A_1084] : memref<32x1024xi32, #tpu.memory_space<hbm>> -> memref<1x1024xi32, #tpu.memory_space<hbm>>
        %dma_wait3A_1086 = tpu.memref_squeeze %dma_wait3A_1085 : memref<1x1024xi32, #tpu.memory_space<hbm>> -> memref<1024xi32, #tpu.memory_space<hbm>>
        tpu.wait_dma2 semaphore(%run_scoped3A_1076 : memref<!tpu.dma_semaphore, #tpu.memory_space<semaphore_mem>>) src(%dma_wait3A_1086 : memref<1024xi32, #tpu.memory_space<hbm>>) dst(%arg15 : memref<1024xi32, #tpu.memory_space<vmem>>)
        tpu.yield
      }) : () -> ()
      %get3A_556 = arith.constant 0 : index
      %get3A_557 = tpu.vector_load %arg15[%get3A_556] {strides = array<i32>} : memref<1024xi32, #tpu.memory_space<vmem>>, vector<16xi32>,
      %add3A_558 = vector.broadcast %mul3A_37 : i32 to vector<16xi32>
      %add3A_559 = arith.addi %get3A_557, %add3A_558 : vector<16xi32>
      %swap3A_560 = arith.constant 0 : i32
      %swap3A_561 = arith.index_cast %swap3A_560 : i32 to index
      %swap3A_562 = arith.constant 0 : index
      %swap3A_563 = tpu.vector_load %arg16[%swap3A_561, %swap3A_562] {strides = array<i32>} : memref<8x128xi32, #tpu.memory_space<vmem>>, vector<16xi32>,
      tpu.vector_store %arg16[%swap3A_561, %swap3A_562], %add3A_559 {strides = array<i32>} : memref<8x128xi32, #tpu.memory_space<vmem>>, vector<16xi32>,
      %get3A_564 = arith.constant 16 : index
      %get3A_565 = tpu.vector_load %arg15[%get3A_564] {strides = array<i32>} : memref<1024xi32, #tpu.memory_space<vmem>>, vector<16xi32>,
      %add3A_566 = vector.broadcast %mul3A_37 : i32 to vector<16xi32>
      %add3A_567 = arith.addi %get3A_565, %add3A_566 : vector<16xi32>
      %swap3A_568 = arith.constant 0 : i32
      %swap3A_569 = arith.index_cast %swap3A_568 : i32 to index
      %swap3A_570 = arith.constant 16 : index
      %swap3A_571 = tpu.vector_load %arg16[%swap3A_569, %swap3A_570] {strides = array<i32>} : memref<8x128xi32, #tpu.memory_space<vmem>>, vector<16xi32>,
      tpu.vector_store %arg16[%swap3A_569, %swap3A_570], %add3A_567 {strides = array<i32>} : memref<8x128xi32, #tpu.memory_space<vmem>>, vector<16xi32>,
      %get3A_572 = arith.constant 32 : index
      %get3A_573 = tpu.vector_load %arg15[%get3A_572] {strides = array<i32>} : memref<1024xi32, #tpu.memory_space<vmem>>, vector<16xi32>,
      %add3A_574 = vector.broadcast %mul3A_37 : i32 to vector<16xi32>
      %add3A_575 = arith.addi %get3A_573, %add3A_574 : vector<16xi32>
      %swap3A_576 = arith.constant 0 : i32
      %swap3A_577 = arith.index_cast %swap3A_576 : i32 to index
      %swap3A_578 = arith.constant 32 : index
      %swap3A_579 = tpu.vector_load %arg16[%swap3A_577, %swap3A_578] {strides = array<i32>} : memref<8x128xi32, #tpu.memory_space<vmem>>, vector<16xi32>,
      tpu.vector_store %arg16[%swap3A_577, %swap3A_578], %add3A_575 {strides = array<i32>} : memref<8x128xi32, #tpu.memory_space<vmem>>, vector<16xi32>,
      %get3A_580 = arith.constant 48 : index
      %get3A_581 = tpu.vector_load %arg15[%get3A_580] {strides = array<i32>} : memref<1024xi32, #tpu.memory_space<vmem>>, vector<16xi32>,
      %add3A_582 = vector.broadcast %mul3A_37 : i32 to vector<16xi32>
      %add3A_583 = arith.addi %get3A_581, %add3A_582 : vector<16xi32>
      %swap3A_584 = arith.constant 0 : i32
      %swap3A_585 = arith.index_cast %swap3A_584 : i32 to index
      %swap3A_586 = arith.constant 48 : index
      %swap3A_587 = tpu.vector_load %arg16[%swap3A_585, %swap3A_586] {strides = array<i32>} : memref<8x128xi32, #tpu.memory_space<vmem>>, vector<16xi32>,
      tpu.vector_store %arg16[%swap3A_585, %swap3A_586], %add3A_583 {strides = array<i32>} : memref<8x128xi32, #tpu.memory_space<vmem>>, vector<16xi32>,
      %get3A_588 = arith.constant 64 : index
      %get3A_589 = tpu.vector_load %arg15[%get3A_588] {strides = array<i32>} : memref<1024xi32, #tpu.memory_space<vmem>>, vector<16xi32>,
      %add3A_590 = vector.broadcast %mul3A_37 : i32 to vector<16xi32>
      %add3A_591 = arith.addi %get3A_589, %add3A_590 : vector<16xi32>
      %swap3A_592 = arith.constant 0 : i32
      %swap3A_593 = arith.index_cast %swap3A_592 : i32 to index
      %swap3A_594 = arith.constant 64 : index
      %swap3A_595 = tpu.vector_load %arg16[%swap3A_593, %swap3A_594] {strides = array<i32>} : memref<8x128xi32, #tpu.memory_space<vmem>>, vector<16xi32>,
      tpu.vector_store %arg16[%swap3A_593, %swap3A_594], %add3A_591 {strides = array<i32>} : memref<8x128xi32, #tpu.memory_space<vmem>>, vector<16xi32>,
      %get3A_596 = arith.constant 80 : index
      %get3A_597 = tpu.vector_load %arg15[%get3A_596] {strides = array<i32>} : memref<1024xi32, #tpu.memory_space<vmem>>, vector<16xi32>,
      %add3A_598 = vector.broadcast %mul3A_37 : i32 to vector<16xi32>
      %add3A_599 = arith.addi %get3A_597, %add3A_598 : vector<16xi32>
      %swap3A_600 = arith.constant 0 : i32
      %swap3A_601 = arith.index_cast %swap3A_600 : i32 to index
      %swap3A_602 = arith.constant 80 : index
      %swap3A_603 = tpu.vector_load %arg16[%swap3A_601, %swap3A_602] {strides = array<i32>} : memref<8x128xi32, #tpu.memory_space<vmem>>, vector<16xi32>,
      tpu.vector_store %arg16[%swap3A_601, %swap3A_602], %add3A_599 {strides = array<i32>} : memref<8x128xi32, #tpu.memory_space<vmem>>, vector<16xi32>,
      %get3A_604 = arith.constant 96 : index
      %get3A_605 = tpu.vector_load %arg15[%get3A_604] {strides = array<i32>} : memref<1024xi32, #tpu.memory_space<vmem>>, vector<16xi32>,
      %add3A_606 = vector.broadcast %mul3A_37 : i32 to vector<16xi32>
      %add3A_607 = arith.addi %get3A_605, %add3A_606 : vector<16xi32>
      %swap3A_608 = arith.constant 0 : i32
      %swap3A_609 = arith.index_cast %swap3A_608 : i32 to index
      %swap3A_610 = arith.constant 96 : index
      %swap3A_611 = tpu.vector_load %arg16[%swap3A_609, %swap3A_610] {strides = array<i32>} : memref<8x128xi32, #tpu.memory_space<vmem>>, vector<16xi32>,
      tpu.vector_store %arg16[%swap3A_609, %swap3A_610], %add3A_607 {strides = array<i32>} : memref<8x128xi32, #tpu.memory_space<vmem>>, vector<16xi32>,
      %get3A_612 = arith.constant 112 : index
      %get3A_613 = tpu.vector_load %arg15[%get3A_612] {strides = array<i32>} : memref<1024xi32, #tpu.memory_space<vmem>>, vector<16xi32>,
      %add3A_614 = vector.broadcast %mul3A_37 : i32 to vector<16xi32>
      %add3A_615 = arith.addi %get3A_613, %add3A_614 : vector<16xi32>
      %swap3A_616 = arith.constant 0 : i32
      %swap3A_617 = arith.index_cast %swap3A_616 : i32 to index
      %swap3A_618 = arith.constant 112 : index
      %swap3A_619 = tpu.vector_load %arg16[%swap3A_617, %swap3A_618] {strides = array<i32>} : memref<8x128xi32, #tpu.memory_space<vmem>>, vector<16xi32>,
      tpu.vector_store %arg16[%swap3A_617, %swap3A_618], %add3A_615 {strides = array<i32>} : memref<8x128xi32, #tpu.memory_space<vmem>>, vector<16xi32>,
      %run_scoped3A_620 = arith.constant 0 : i32
      "tpu.region"() ({
        %run_scoped3A_1076 = tpu.sem_alloc : memref<!tpu.dma_semaphore, #tpu.memory_space<semaphore_mem>>
        %dma_start3A = arith.constant 0 : i32
        %dma_start3A_1077 = tpu.memref_slice %arg16[%run_scoped3A_620, %dma_start3A] : memref<8x128xi32, #tpu.memory_space<vmem>> -> memref<1x128xi32, #tpu.memory_space<vmem>>
        %dma_start3A_1078 = tpu.memref_squeeze %dma_start3A_1077 : memref<1x128xi32, #tpu.memory_space<vmem>> -> memref<128xi32, #tpu.memory_space<vmem>>
        %dma_start3A_1079 = arith.constant 0 : i32
        %dma_start3A_1080 = tpu.memref_slice %arg22[%dma_start3A_1079] : memref<32768xf32, #tpu.memory_space<vmem_shared>> -> memref<32768xf32, #tpu.memory_space<vmem_shared>>
        tpu.enqueue_indirect_dma source(%arg17 : memref<128xf32, #tpu.memory_space<vmem>>) target(%dma_start3A_1080 : memref<32768xf32, #tpu.memory_space<vmem_shared>>) offsets(%dma_start3A_1078 : memref<128xi32, #tpu.memory_space<vmem>>) semaphore(%run_scoped3A_1076 : memref<!tpu.dma_semaphore, #tpu.memory_space<semaphore_mem>>) {add = true}
        %dma_wait3A = arith.constant 0 : i32
        %dma_wait3A_1081 = tpu.memref_slice %arg16[%run_scoped3A_620, %dma_wait3A] : memref<8x128xi32, #tpu.memory_space<vmem>> -> memref<1x128xi32, #tpu.memory_space<vmem>>
        %dma_wait3A_1082 = tpu.memref_squeeze %dma_wait3A_1081 : memref<1x128xi32, #tpu.memory_space<vmem>> -> memref<128xi32, #tpu.memory_space<vmem>>
        %dma_wait3A_1083 = arith.constant 0 : i32
        %dma_wait3A_1084 = tpu.memref_slice %arg22[%dma_wait3A_1083] : memref<32768xf32, #tpu.memory_space<vmem_shared>> -> memref<32768xf32, #tpu.memory_space<vmem_shared>>
        tpu.wait_indirect_dma semaphore(%run_scoped3A_1076 : memref<!tpu.dma_semaphore, #tpu.memory_space<semaphore_mem>>) src(%arg17 : memref<128xf32, #tpu.memory_space<vmem>>) dst(%dma_wait3A_1084 : memref<32768xf32, #tpu.memory_space<vmem_shared>>)
        tpu.yield
      }) : () -> ()
      %get3A_621 = arith.constant 128 : index
      %get3A_622 = tpu.vector_load %arg15[%get3A_621] {strides = array<i32>} : memref<1024xi32, #tpu.memory_space<vmem>>, vector<16xi32>,
      %add3A_623 = vector.broadcast %mul3A_37 : i32 to vector<16xi32>
      %add3A_624 = arith.addi %get3A_622, %add3A_623 : vector<16xi32>
      %swap3A_625 = arith.constant 1 : i32
      %swap3A_626 = arith.index_cast %swap3A_625 : i32 to index
      %swap3A_627 = arith.constant 0 : index
      %swap3A_628 = tpu.vector_load %arg16[%swap3A_626, %swap3A_627] {strides = array<i32>} : memref<8x128xi32, #tpu.memory_space<vmem>>, vector<16xi32>,
      tpu.vector_store %arg16[%swap3A_626, %swap3A_627], %add3A_624 {strides = array<i32>} : memref<8x128xi32, #tpu.memory_space<vmem>>, vector<16xi32>,
      %get3A_629 = arith.constant 144 : index
      %get3A_630 = tpu.vector_load %arg15[%get3A_629] {strides = array<i32>} : memref<1024xi32, #tpu.memory_space<vmem>>, vector<16xi32>,
      %add3A_631 = vector.broadcast %mul3A_37 : i32 to vector<16xi32>
      %add3A_632 = arith.addi %get3A_630, %add3A_631 : vector<16xi32>
      %swap3A_633 = arith.constant 1 : i32
      %swap3A_634 = arith.index_cast %swap3A_633 : i32 to index
      %swap3A_635 = arith.constant 16 : index
      %swap3A_636 = tpu.vector_load %arg16[%swap3A_634, %swap3A_635] {strides = array<i32>} : memref<8x128xi32, #tpu.memory_space<vmem>>, vector<16xi32>,
      tpu.vector_store %arg16[%swap3A_634, %swap3A_635], %add3A_632 {strides = array<i32>} : memref<8x128xi32, #tpu.memory_space<vmem>>, vector<16xi32>,
      %get3A_637 = arith.constant 160 : index
      %get3A_638 = tpu.vector_load %arg15[%get3A_637] {strides = array<i32>} : memref<1024xi32, #tpu.memory_space<vmem>>, vector<16xi32>,
      %add3A_639 = vector.broadcast %mul3A_37 : i32 to vector<16xi32>
      %add3A_640 = arith.addi %get3A_638, %add3A_639 : vector<16xi32>
      %swap3A_641 = arith.constant 1 : i32
      %swap3A_642 = arith.index_cast %swap3A_641 : i32 to index
      %swap3A_643 = arith.constant 32 : index
      %swap3A_644 = tpu.vector_load %arg16[%swap3A_642, %swap3A_643] {strides = array<i32>} : memref<8x128xi32, #tpu.memory_space<vmem>>, vector<16xi32>,
      tpu.vector_store %arg16[%swap3A_642, %swap3A_643], %add3A_640 {strides = array<i32>} : memref<8x128xi32, #tpu.memory_space<vmem>>, vector<16xi32>,
      %get3A_645 = arith.constant 176 : index
      %get3A_646 = tpu.vector_load %arg15[%get3A_645] {strides = array<i32>} : memref<1024xi32, #tpu.memory_space<vmem>>, vector<16xi32>,
      %add3A_647 = vector.broadcast %mul3A_37 : i32 to vector<16xi32>
      %add3A_648 = arith.addi %get3A_646, %add3A_647 : vector<16xi32>
      %swap3A_649 = arith.constant 1 : i32
      %swap3A_650 = arith.index_cast %swap3A_649 : i32 to index
      %swap3A_651 = arith.constant 48 : index
      %swap3A_652 = tpu.vector_load %arg16[%swap3A_650, %swap3A_651] {strides = array<i32>} : memref<8x128xi32, #tpu.memory_space<vmem>>, vector<16xi32>,
      tpu.vector_store %arg16[%swap3A_650, %swap3A_651], %add3A_648 {strides = array<i32>} : memref<8x128xi32, #tpu.memory_space<vmem>>, vector<16xi32>,
      %get3A_653 = arith.constant 192 : index
      %get3A_654 = tpu.vector_load %arg15[%get3A_653] {strides = array<i32>} : memref<1024xi32, #tpu.memory_space<vmem>>, vector<16xi32>,
      %add3A_655 = vector.broadcast %mul3A_37 : i32 to vector<16xi32>
      %add3A_656 = arith.addi %get3A_654, %add3A_655 : vector<16xi32>
      %swap3A_657 = arith.constant 1 : i32
      %swap3A_658 = arith.index_cast %swap3A_657 : i32 to index
      %swap3A_659 = arith.constant 64 : index
      %swap3A_660 = tpu.vector_load %arg16[%swap3A_658, %swap3A_659] {strides = array<i32>} : memref<8x128xi32, #tpu.memory_space<vmem>>, vector<16xi32>,
      tpu.vector_store %arg16[%swap3A_658, %swap3A_659], %add3A_656 {strides = array<i32>} : memref<8x128xi32, #tpu.memory_space<vmem>>, vector<16xi32>,
      %get3A_661 = arith.constant 208 : index
      %get3A_662 = tpu.vector_load %arg15[%get3A_661] {strides = array<i32>} : memref<1024xi32, #tpu.memory_space<vmem>>, vector<16xi32>,
      %add3A_663 = vector.broadcast %mul3A_37 : i32 to vector<16xi32>
      %add3A_664 = arith.addi %get3A_662, %add3A_663 : vector<16xi32>
      %swap3A_665 = arith.constant 1 : i32
      %swap3A_666 = arith.index_cast %swap3A_665 : i32 to index
      %swap3A_667 = arith.constant 80 : index
      %swap3A_668 = tpu.vector_load %arg16[%swap3A_666, %swap3A_667] {strides = array<i32>} : memref<8x128xi32, #tpu.memory_space<vmem>>, vector<16xi32>,
      tpu.vector_store %arg16[%swap3A_666, %swap3A_667], %add3A_664 {strides = array<i32>} : memref<8x128xi32, #tpu.memory_space<vmem>>, vector<16xi32>,
      %get3A_669 = arith.constant 224 : index
      %get3A_670 = tpu.vector_load %arg15[%get3A_669] {strides = array<i32>} : memref<1024xi32, #tpu.memory_space<vmem>>, vector<16xi32>,
      %add3A_671 = vector.broadcast %mul3A_37 : i32 to vector<16xi32>
      %add3A_672 = arith.addi %get3A_670, %add3A_671 : vector<16xi32>
      %swap3A_673 = arith.constant 1 : i32
      %swap3A_674 = arith.index_cast %swap3A_673 : i32 to index
      %swap3A_675 = arith.constant 96 : index
      %swap3A_676 = tpu.vector_load %arg16[%swap3A_674, %swap3A_675] {strides = array<i32>} : memref<8x128xi32, #tpu.memory_space<vmem>>, vector<16xi32>,
      tpu.vector_store %arg16[%swap3A_674, %swap3A_675], %add3A_672 {strides = array<i32>} : memref<8x128xi32, #tpu.memory_space<vmem>>, vector<16xi32>,
      %get3A_677 = arith.constant 240 : index
      %get3A_678 = tpu.vector_load %arg15[%get3A_677] {strides = array<i32>} : memref<1024xi32, #tpu.memory_space<vmem>>, vector<16xi32>,
      %add3A_679 = vector.broadcast %mul3A_37 : i32 to vector<16xi32>
      %add3A_680 = arith.addi %get3A_678, %add3A_679 : vector<16xi32>
      %swap3A_681 = arith.constant 1 : i32
      %swap3A_682 = arith.index_cast %swap3A_681 : i32 to index
      %swap3A_683 = arith.constant 112 : index
      %swap3A_684 = tpu.vector_load %arg16[%swap3A_682, %swap3A_683] {strides = array<i32>} : memref<8x128xi32, #tpu.memory_space<vmem>>, vector<16xi32>,
      tpu.vector_store %arg16[%swap3A_682, %swap3A_683], %add3A_680 {strides = array<i32>} : memref<8x128xi32, #tpu.memory_space<vmem>>, vector<16xi32>,
      %run_scoped3A_685 = arith.constant 1 : i32
      "tpu.region"() ({
        %run_scoped3A_1076 = tpu.sem_alloc : memref<!tpu.dma_semaphore, #tpu.memory_space<semaphore_mem>>
        %dma_start3A = arith.constant 0 : i32
        %dma_start3A_1077 = tpu.memref_slice %arg16[%run_scoped3A_685, %dma_start3A] : memref<8x128xi32, #tpu.memory_space<vmem>> -> memref<1x128xi32, #tpu.memory_space<vmem>>
        %dma_start3A_1078 = tpu.memref_squeeze %dma_start3A_1077 : memref<1x128xi32, #tpu.memory_space<vmem>> -> memref<128xi32, #tpu.memory_space<vmem>>
        %dma_start3A_1079 = arith.constant 0 : i32
        %dma_start3A_1080 = tpu.memref_slice %arg22[%dma_start3A_1079] : memref<32768xf32, #tpu.memory_space<vmem_shared>> -> memref<32768xf32, #tpu.memory_space<vmem_shared>>
        tpu.enqueue_indirect_dma source(%arg17 : memref<128xf32, #tpu.memory_space<vmem>>) target(%dma_start3A_1080 : memref<32768xf32, #tpu.memory_space<vmem_shared>>) offsets(%dma_start3A_1078 : memref<128xi32, #tpu.memory_space<vmem>>) semaphore(%run_scoped3A_1076 : memref<!tpu.dma_semaphore, #tpu.memory_space<semaphore_mem>>) {add = true}
        %dma_wait3A = arith.constant 0 : i32
        %dma_wait3A_1081 = tpu.memref_slice %arg16[%run_scoped3A_685, %dma_wait3A] : memref<8x128xi32, #tpu.memory_space<vmem>> -> memref<1x128xi32, #tpu.memory_space<vmem>>
        %dma_wait3A_1082 = tpu.memref_squeeze %dma_wait3A_1081 : memref<1x128xi32, #tpu.memory_space<vmem>> -> memref<128xi32, #tpu.memory_space<vmem>>
        %dma_wait3A_1083 = arith.constant 0 : i32
        %dma_wait3A_1084 = tpu.memref_slice %arg22[%dma_wait3A_1083] : memref<32768xf32, #tpu.memory_space<vmem_shared>> -> memref<32768xf32, #tpu.memory_space<vmem_shared>>
        tpu.wait_indirect_dma semaphore(%run_scoped3A_1076 : memref<!tpu.dma_semaphore, #tpu.memory_space<semaphore_mem>>) src(%arg17 : memref<128xf32, #tpu.memory_space<vmem>>) dst(%dma_wait3A_1084 : memref<32768xf32, #tpu.memory_space<vmem_shared>>)
        tpu.yield
      }) : () -> ()
      %get3A_686 = arith.constant 256 : index
      %get3A_687 = tpu.vector_load %arg15[%get3A_686] {strides = array<i32>} : memref<1024xi32, #tpu.memory_space<vmem>>, vector<16xi32>,
      %add3A_688 = vector.broadcast %mul3A_37 : i32 to vector<16xi32>
      %add3A_689 = arith.addi %get3A_687, %add3A_688 : vector<16xi32>
      %swap3A_690 = arith.constant 2 : i32
      %swap3A_691 = arith.index_cast %swap3A_690 : i32 to index
      %swap3A_692 = arith.constant 0 : index
      %swap3A_693 = tpu.vector_load %arg16[%swap3A_691, %swap3A_692] {strides = array<i32>} : memref<8x128xi32, #tpu.memory_space<vmem>>, vector<16xi32>,
      tpu.vector_store %arg16[%swap3A_691, %swap3A_692], %add3A_689 {strides = array<i32>} : memref<8x128xi32, #tpu.memory_space<vmem>>, vector<16xi32>,
      %get3A_694 = arith.constant 272 : index
      %get3A_695 = tpu.vector_load %arg15[%get3A_694] {strides = array<i32>} : memref<1024xi32, #tpu.memory_space<vmem>>, vector<16xi32>,
      %add3A_696 = vector.broadcast %mul3A_37 : i32 to vector<16xi32>
      %add3A_697 = arith.addi %get3A_695, %add3A_696 : vector<16xi32>
      %swap3A_698 = arith.constant 2 : i32
      %swap3A_699 = arith.index_cast %swap3A_698 : i32 to index
      %swap3A_700 = arith.constant 16 : index
      %swap3A_701 = tpu.vector_load %arg16[%swap3A_699, %swap3A_700] {strides = array<i32>} : memref<8x128xi32, #tpu.memory_space<vmem>>, vector<16xi32>,
      tpu.vector_store %arg16[%swap3A_699, %swap3A_700], %add3A_697 {strides = array<i32>} : memref<8x128xi32, #tpu.memory_space<vmem>>, vector<16xi32>,
      %get3A_702 = arith.constant 288 : index
      %get3A_703 = tpu.vector_load %arg15[%get3A_702] {strides = array<i32>} : memref<1024xi32, #tpu.memory_space<vmem>>, vector<16xi32>,
      %add3A_704 = vector.broadcast %mul3A_37 : i32 to vector<16xi32>
      %add3A_705 = arith.addi %get3A_703, %add3A_704 : vector<16xi32>
      %swap3A_706 = arith.constant 2 : i32
      %swap3A_707 = arith.index_cast %swap3A_706 : i32 to index
      %swap3A_708 = arith.constant 32 : index
      %swap3A_709 = tpu.vector_load %arg16[%swap3A_707, %swap3A_708] {strides = array<i32>} : memref<8x128xi32, #tpu.memory_space<vmem>>, vector<16xi32>,
      tpu.vector_store %arg16[%swap3A_707, %swap3A_708], %add3A_705 {strides = array<i32>} : memref<8x128xi32, #tpu.memory_space<vmem>>, vector<16xi32>,
      %get3A_710 = arith.constant 304 : index
      %get3A_711 = tpu.vector_load %arg15[%get3A_710] {strides = array<i32>} : memref<1024xi32, #tpu.memory_space<vmem>>, vector<16xi32>,
      %add3A_712 = vector.broadcast %mul3A_37 : i32 to vector<16xi32>
      %add3A_713 = arith.addi %get3A_711, %add3A_712 : vector<16xi32>
      %swap3A_714 = arith.constant 2 : i32
      %swap3A_715 = arith.index_cast %swap3A_714 : i32 to index
      %swap3A_716 = arith.constant 48 : index
      %swap3A_717 = tpu.vector_load %arg16[%swap3A_715, %swap3A_716] {strides = array<i32>} : memref<8x128xi32, #tpu.memory_space<vmem>>, vector<16xi32>,
      tpu.vector_store %arg16[%swap3A_715, %swap3A_716], %add3A_713 {strides = array<i32>} : memref<8x128xi32, #tpu.memory_space<vmem>>, vector<16xi32>,
      %get3A_718 = arith.constant 320 : index
      %get3A_719 = tpu.vector_load %arg15[%get3A_718] {strides = array<i32>} : memref<1024xi32, #tpu.memory_space<vmem>>, vector<16xi32>,
      %add3A_720 = vector.broadcast %mul3A_37 : i32 to vector<16xi32>
      %add3A_721 = arith.addi %get3A_719, %add3A_720 : vector<16xi32>
      %swap3A_722 = arith.constant 2 : i32
      %swap3A_723 = arith.index_cast %swap3A_722 : i32 to index
      %swap3A_724 = arith.constant 64 : index
      %swap3A_725 = tpu.vector_load %arg16[%swap3A_723, %swap3A_724] {strides = array<i32>} : memref<8x128xi32, #tpu.memory_space<vmem>>, vector<16xi32>,
      tpu.vector_store %arg16[%swap3A_723, %swap3A_724], %add3A_721 {strides = array<i32>} : memref<8x128xi32, #tpu.memory_space<vmem>>, vector<16xi32>,
      %get3A_726 = arith.constant 336 : index
      %get3A_727 = tpu.vector_load %arg15[%get3A_726] {strides = array<i32>} : memref<1024xi32, #tpu.memory_space<vmem>>, vector<16xi32>,
      %add3A_728 = vector.broadcast %mul3A_37 : i32 to vector<16xi32>
      %add3A_729 = arith.addi %get3A_727, %add3A_728 : vector<16xi32>
      %swap3A_730 = arith.constant 2 : i32
      %swap3A_731 = arith.index_cast %swap3A_730 : i32 to index
      %swap3A_732 = arith.constant 80 : index
      %swap3A_733 = tpu.vector_load %arg16[%swap3A_731, %swap3A_732] {strides = array<i32>} : memref<8x128xi32, #tpu.memory_space<vmem>>, vector<16xi32>,
      tpu.vector_store %arg16[%swap3A_731, %swap3A_732], %add3A_729 {strides = array<i32>} : memref<8x128xi32, #tpu.memory_space<vmem>>, vector<16xi32>,
      %get3A_734 = arith.constant 352 : index
      %get3A_735 = tpu.vector_load %arg15[%get3A_734] {strides = array<i32>} : memref<1024xi32, #tpu.memory_space<vmem>>, vector<16xi32>,
      %add3A_736 = vector.broadcast %mul3A_37 : i32 to vector<16xi32>
      %add3A_737 = arith.addi %get3A_735, %add3A_736 : vector<16xi32>
      %swap3A_738 = arith.constant 2 : i32
      %swap3A_739 = arith.index_cast %swap3A_738 : i32 to index
      %swap3A_740 = arith.constant 96 : index
      %swap3A_741 = tpu.vector_load %arg16[%swap3A_739, %swap3A_740] {strides = array<i32>} : memref<8x128xi32, #tpu.memory_space<vmem>>, vector<16xi32>,
      tpu.vector_store %arg16[%swap3A_739, %swap3A_740], %add3A_737 {strides = array<i32>} : memref<8x128xi32, #tpu.memory_space<vmem>>, vector<16xi32>,
      %get3A_742 = arith.constant 368 : index
      %get3A_743 = tpu.vector_load %arg15[%get3A_742] {strides = array<i32>} : memref<1024xi32, #tpu.memory_space<vmem>>, vector<16xi32>,
      %add3A_744 = vector.broadcast %mul3A_37 : i32 to vector<16xi32>
      %add3A_745 = arith.addi %get3A_743, %add3A_744 : vector<16xi32>
      %swap3A_746 = arith.constant 2 : i32
      %swap3A_747 = arith.index_cast %swap3A_746 : i32 to index
      %swap3A_748 = arith.constant 112 : index
      %swap3A_749 = tpu.vector_load %arg16[%swap3A_747, %swap3A_748] {strides = array<i32>} : memref<8x128xi32, #tpu.memory_space<vmem>>, vector<16xi32>,
      tpu.vector_store %arg16[%swap3A_747, %swap3A_748], %add3A_745 {strides = array<i32>} : memref<8x128xi32, #tpu.memory_space<vmem>>, vector<16xi32>,
      %run_scoped3A_750 = arith.constant 2 : i32
      "tpu.region"() ({
        %run_scoped3A_1076 = tpu.sem_alloc : memref<!tpu.dma_semaphore, #tpu.memory_space<semaphore_mem>>
        %dma_start3A = arith.constant 0 : i32
        %dma_start3A_1077 = tpu.memref_slice %arg16[%run_scoped3A_750, %dma_start3A] : memref<8x128xi32, #tpu.memory_space<vmem>> -> memref<1x128xi32, #tpu.memory_space<vmem>>
        %dma_start3A_1078 = tpu.memref_squeeze %dma_start3A_1077 : memref<1x128xi32, #tpu.memory_space<vmem>> -> memref<128xi32, #tpu.memory_space<vmem>>
        %dma_start3A_1079 = arith.constant 0 : i32
        %dma_start3A_1080 = tpu.memref_slice %arg22[%dma_start3A_1079] : memref<32768xf32, #tpu.memory_space<vmem_shared>> -> memref<32768xf32, #tpu.memory_space<vmem_shared>>
        tpu.enqueue_indirect_dma source(%arg17 : memref<128xf32, #tpu.memory_space<vmem>>) target(%dma_start3A_1080 : memref<32768xf32, #tpu.memory_space<vmem_shared>>) offsets(%dma_start3A_1078 : memref<128xi32, #tpu.memory_space<vmem>>) semaphore(%run_scoped3A_1076 : memref<!tpu.dma_semaphore, #tpu.memory_space<semaphore_mem>>) {add = true}
        %dma_wait3A = arith.constant 0 : i32
        %dma_wait3A_1081 = tpu.memref_slice %arg16[%run_scoped3A_750, %dma_wait3A] : memref<8x128xi32, #tpu.memory_space<vmem>> -> memref<1x128xi32, #tpu.memory_space<vmem>>
        %dma_wait3A_1082 = tpu.memref_squeeze %dma_wait3A_1081 : memref<1x128xi32, #tpu.memory_space<vmem>> -> memref<128xi32, #tpu.memory_space<vmem>>
        %dma_wait3A_1083 = arith.constant 0 : i32
        %dma_wait3A_1084 = tpu.memref_slice %arg22[%dma_wait3A_1083] : memref<32768xf32, #tpu.memory_space<vmem_shared>> -> memref<32768xf32, #tpu.memory_space<vmem_shared>>
        tpu.wait_indirect_dma semaphore(%run_scoped3A_1076 : memref<!tpu.dma_semaphore, #tpu.memory_space<semaphore_mem>>) src(%arg17 : memref<128xf32, #tpu.memory_space<vmem>>) dst(%dma_wait3A_1084 : memref<32768xf32, #tpu.memory_space<vmem_shared>>)
        tpu.yield
      }) : () -> ()
      %get3A_751 = arith.constant 384 : index
      %get3A_752 = tpu.vector_load %arg15[%get3A_751] {strides = array<i32>} : memref<1024xi32, #tpu.memory_space<vmem>>, vector<16xi32>,
      %add3A_753 = vector.broadcast %mul3A_37 : i32 to vector<16xi32>
      %add3A_754 = arith.addi %get3A_752, %add3A_753 : vector<16xi32>
      %swap3A_755 = arith.constant 3 : i32
      %swap3A_756 = arith.index_cast %swap3A_755 : i32 to index
      %swap3A_757 = arith.constant 0 : index
      %swap3A_758 = tpu.vector_load %arg16[%swap3A_756, %swap3A_757] {strides = array<i32>} : memref<8x128xi32, #tpu.memory_space<vmem>>, vector<16xi32>,
      tpu.vector_store %arg16[%swap3A_756, %swap3A_757], %add3A_754 {strides = array<i32>} : memref<8x128xi32, #tpu.memory_space<vmem>>, vector<16xi32>,
      %get3A_759 = arith.constant 400 : index
      %get3A_760 = tpu.vector_load %arg15[%get3A_759] {strides = array<i32>} : memref<1024xi32, #tpu.memory_space<vmem>>, vector<16xi32>,
      %add3A_761 = vector.broadcast %mul3A_37 : i32 to vector<16xi32>
      %add3A_762 = arith.addi %get3A_760, %add3A_761 : vector<16xi32>
      %swap3A_763 = arith.constant 3 : i32
      %swap3A_764 = arith.index_cast %swap3A_763 : i32 to index
      %swap3A_765 = arith.constant 16 : index
      %swap3A_766 = tpu.vector_load %arg16[%swap3A_764, %swap3A_765] {strides = array<i32>} : memref<8x128xi32, #tpu.memory_space<vmem>>, vector<16xi32>,
      tpu.vector_store %arg16[%swap3A_764, %swap3A_765], %add3A_762 {strides = array<i32>} : memref<8x128xi32, #tpu.memory_space<vmem>>, vector<16xi32>,
      %get3A_767 = arith.constant 416 : index
      %get3A_768 = tpu.vector_load %arg15[%get3A_767] {strides = array<i32>} : memref<1024xi32, #tpu.memory_space<vmem>>, vector<16xi32>,
      %add3A_769 = vector.broadcast %mul3A_37 : i32 to vector<16xi32>
      %add3A_770 = arith.addi %get3A_768, %add3A_769 : vector<16xi32>
      %swap3A_771 = arith.constant 3 : i32
      %swap3A_772 = arith.index_cast %swap3A_771 : i32 to index
      %swap3A_773 = arith.constant 32 : index
      %swap3A_774 = tpu.vector_load %arg16[%swap3A_772, %swap3A_773] {strides = array<i32>} : memref<8x128xi32, #tpu.memory_space<vmem>>, vector<16xi32>,
      tpu.vector_store %arg16[%swap3A_772, %swap3A_773], %add3A_770 {strides = array<i32>} : memref<8x128xi32, #tpu.memory_space<vmem>>, vector<16xi32>,
      %get3A_775 = arith.constant 432 : index
      %get3A_776 = tpu.vector_load %arg15[%get3A_775] {strides = array<i32>} : memref<1024xi32, #tpu.memory_space<vmem>>, vector<16xi32>,
      %add3A_777 = vector.broadcast %mul3A_37 : i32 to vector<16xi32>
      %add3A_778 = arith.addi %get3A_776, %add3A_777 : vector<16xi32>
      %swap3A_779 = arith.constant 3 : i32
      %swap3A_780 = arith.index_cast %swap3A_779 : i32 to index
      %swap3A_781 = arith.constant 48 : index
      %swap3A_782 = tpu.vector_load %arg16[%swap3A_780, %swap3A_781] {strides = array<i32>} : memref<8x128xi32, #tpu.memory_space<vmem>>, vector<16xi32>,
      tpu.vector_store %arg16[%swap3A_780, %swap3A_781], %add3A_778 {strides = array<i32>} : memref<8x128xi32, #tpu.memory_space<vmem>>, vector<16xi32>,
      %get3A_783 = arith.constant 448 : index
      %get3A_784 = tpu.vector_load %arg15[%get3A_783] {strides = array<i32>} : memref<1024xi32, #tpu.memory_space<vmem>>, vector<16xi32>,
      %add3A_785 = vector.broadcast %mul3A_37 : i32 to vector<16xi32>
      %add3A_786 = arith.addi %get3A_784, %add3A_785 : vector<16xi32>
      %swap3A_787 = arith.constant 3 : i32
      %swap3A_788 = arith.index_cast %swap3A_787 : i32 to index
      %swap3A_789 = arith.constant 64 : index
      %swap3A_790 = tpu.vector_load %arg16[%swap3A_788, %swap3A_789] {strides = array<i32>} : memref<8x128xi32, #tpu.memory_space<vmem>>, vector<16xi32>,
      tpu.vector_store %arg16[%swap3A_788, %swap3A_789], %add3A_786 {strides = array<i32>} : memref<8x128xi32, #tpu.memory_space<vmem>>, vector<16xi32>,
      %get3A_791 = arith.constant 464 : index
      %get3A_792 = tpu.vector_load %arg15[%get3A_791] {strides = array<i32>} : memref<1024xi32, #tpu.memory_space<vmem>>, vector<16xi32>,
      %add3A_793 = vector.broadcast %mul3A_37 : i32 to vector<16xi32>
      %add3A_794 = arith.addi %get3A_792, %add3A_793 : vector<16xi32>
      %swap3A_795 = arith.constant 3 : i32
      %swap3A_796 = arith.index_cast %swap3A_795 : i32 to index
      %swap3A_797 = arith.constant 80 : index
      %swap3A_798 = tpu.vector_load %arg16[%swap3A_796, %swap3A_797] {strides = array<i32>} : memref<8x128xi32, #tpu.memory_space<vmem>>, vector<16xi32>,
      tpu.vector_store %arg16[%swap3A_796, %swap3A_797], %add3A_794 {strides = array<i32>} : memref<8x128xi32, #tpu.memory_space<vmem>>, vector<16xi32>,
      %get3A_799 = arith.constant 480 : index
      %get3A_800 = tpu.vector_load %arg15[%get3A_799] {strides = array<i32>} : memref<1024xi32, #tpu.memory_space<vmem>>, vector<16xi32>,
      %add3A_801 = vector.broadcast %mul3A_37 : i32 to vector<16xi32>
      %add3A_802 = arith.addi %get3A_800, %add3A_801 : vector<16xi32>
      %swap3A_803 = arith.constant 3 : i32
      %swap3A_804 = arith.index_cast %swap3A_803 : i32 to index
      %swap3A_805 = arith.constant 96 : index
      %swap3A_806 = tpu.vector_load %arg16[%swap3A_804, %swap3A_805] {strides = array<i32>} : memref<8x128xi32, #tpu.memory_space<vmem>>, vector<16xi32>,
      tpu.vector_store %arg16[%swap3A_804, %swap3A_805], %add3A_802 {strides = array<i32>} : memref<8x128xi32, #tpu.memory_space<vmem>>, vector<16xi32>,
      %get3A_807 = arith.constant 496 : index
      %get3A_808 = tpu.vector_load %arg15[%get3A_807] {strides = array<i32>} : memref<1024xi32, #tpu.memory_space<vmem>>, vector<16xi32>,
      %add3A_809 = vector.broadcast %mul3A_37 : i32 to vector<16xi32>
      %add3A_810 = arith.addi %get3A_808, %add3A_809 : vector<16xi32>
      %swap3A_811 = arith.constant 3 : i32
      %swap3A_812 = arith.index_cast %swap3A_811 : i32 to index
      %swap3A_813 = arith.constant 112 : index
      %swap3A_814 = tpu.vector_load %arg16[%swap3A_812, %swap3A_813] {strides = array<i32>} : memref<8x128xi32, #tpu.memory_space<vmem>>, vector<16xi32>,
      tpu.vector_store %arg16[%swap3A_812, %swap3A_813], %add3A_810 {strides = array<i32>} : memref<8x128xi32, #tpu.memory_space<vmem>>, vector<16xi32>,
      %run_scoped3A_815 = arith.constant 3 : i32
      "tpu.region"() ({
        %run_scoped3A_1076 = tpu.sem_alloc : memref<!tpu.dma_semaphore, #tpu.memory_space<semaphore_mem>>
        %dma_start3A = arith.constant 0 : i32
        %dma_start3A_1077 = tpu.memref_slice %arg16[%run_scoped3A_815, %dma_start3A] : memref<8x128xi32, #tpu.memory_space<vmem>> -> memref<1x128xi32, #tpu.memory_space<vmem>>
        %dma_start3A_1078 = tpu.memref_squeeze %dma_start3A_1077 : memref<1x128xi32, #tpu.memory_space<vmem>> -> memref<128xi32, #tpu.memory_space<vmem>>
        %dma_start3A_1079 = arith.constant 0 : i32
        %dma_start3A_1080 = tpu.memref_slice %arg22[%dma_start3A_1079] : memref<32768xf32, #tpu.memory_space<vmem_shared>> -> memref<32768xf32, #tpu.memory_space<vmem_shared>>
        tpu.enqueue_indirect_dma source(%arg17 : memref<128xf32, #tpu.memory_space<vmem>>) target(%dma_start3A_1080 : memref<32768xf32, #tpu.memory_space<vmem_shared>>) offsets(%dma_start3A_1078 : memref<128xi32, #tpu.memory_space<vmem>>) semaphore(%run_scoped3A_1076 : memref<!tpu.dma_semaphore, #tpu.memory_space<semaphore_mem>>) {add = true}
        %dma_wait3A = arith.constant 0 : i32
        %dma_wait3A_1081 = tpu.memref_slice %arg16[%run_scoped3A_815, %dma_wait3A] : memref<8x128xi32, #tpu.memory_space<vmem>> -> memref<1x128xi32, #tpu.memory_space<vmem>>
        %dma_wait3A_1082 = tpu.memref_squeeze %dma_wait3A_1081 : memref<1x128xi32, #tpu.memory_space<vmem>> -> memref<128xi32, #tpu.memory_space<vmem>>
        %dma_wait3A_1083 = arith.constant 0 : i32
        %dma_wait3A_1084 = tpu.memref_slice %arg22[%dma_wait3A_1083] : memref<32768xf32, #tpu.memory_space<vmem_shared>> -> memref<32768xf32, #tpu.memory_space<vmem_shared>>
        tpu.wait_indirect_dma semaphore(%run_scoped3A_1076 : memref<!tpu.dma_semaphore, #tpu.memory_space<semaphore_mem>>) src(%arg17 : memref<128xf32, #tpu.memory_space<vmem>>) dst(%dma_wait3A_1084 : memref<32768xf32, #tpu.memory_space<vmem_shared>>)
        tpu.yield
      }) : () -> ()
      %get3A_816 = arith.constant 512 : index
      %get3A_817 = tpu.vector_load %arg15[%get3A_816] {strides = array<i32>} : memref<1024xi32, #tpu.memory_space<vmem>>, vector<16xi32>,
      %add3A_818 = vector.broadcast %mul3A_37 : i32 to vector<16xi32>
      %add3A_819 = arith.addi %get3A_817, %add3A_818 : vector<16xi32>
      %swap3A_820 = arith.constant 4 : i32
      %swap3A_821 = arith.index_cast %swap3A_820 : i32 to index
      %swap3A_822 = arith.constant 0 : index
      %swap3A_823 = tpu.vector_load %arg16[%swap3A_821, %swap3A_822] {strides = array<i32>} : memref<8x128xi32, #tpu.memory_space<vmem>>, vector<16xi32>,
      tpu.vector_store %arg16[%swap3A_821, %swap3A_822], %add3A_819 {strides = array<i32>} : memref<8x128xi32, #tpu.memory_space<vmem>>, vector<16xi32>,
      %get3A_824 = arith.constant 528 : index
      %get3A_825 = tpu.vector_load %arg15[%get3A_824] {strides = array<i32>} : memref<1024xi32, #tpu.memory_space<vmem>>, vector<16xi32>,
      %add3A_826 = vector.broadcast %mul3A_37 : i32 to vector<16xi32>
      %add3A_827 = arith.addi %get3A_825, %add3A_826 : vector<16xi32>
      %swap3A_828 = arith.constant 4 : i32
      %swap3A_829 = arith.index_cast %swap3A_828 : i32 to index
      %swap3A_830 = arith.constant 16 : index
      %swap3A_831 = tpu.vector_load %arg16[%swap3A_829, %swap3A_830] {strides = array<i32>} : memref<8x128xi32, #tpu.memory_space<vmem>>, vector<16xi32>,
      tpu.vector_store %arg16[%swap3A_829, %swap3A_830], %add3A_827 {strides = array<i32>} : memref<8x128xi32, #tpu.memory_space<vmem>>, vector<16xi32>,
      %get3A_832 = arith.constant 544 : index
      %get3A_833 = tpu.vector_load %arg15[%get3A_832] {strides = array<i32>} : memref<1024xi32, #tpu.memory_space<vmem>>, vector<16xi32>,
      %add3A_834 = vector.broadcast %mul3A_37 : i32 to vector<16xi32>
      %add3A_835 = arith.addi %get3A_833, %add3A_834 : vector<16xi32>
      %swap3A_836 = arith.constant 4 : i32
      %swap3A_837 = arith.index_cast %swap3A_836 : i32 to index
      %swap3A_838 = arith.constant 32 : index
      %swap3A_839 = tpu.vector_load %arg16[%swap3A_837, %swap3A_838] {strides = array<i32>} : memref<8x128xi32, #tpu.memory_space<vmem>>, vector<16xi32>,
      tpu.vector_store %arg16[%swap3A_837, %swap3A_838], %add3A_835 {strides = array<i32>} : memref<8x128xi32, #tpu.memory_space<vmem>>, vector<16xi32>,
      %get3A_840 = arith.constant 560 : index
      %get3A_841 = tpu.vector_load %arg15[%get3A_840] {strides = array<i32>} : memref<1024xi32, #tpu.memory_space<vmem>>, vector<16xi32>,
      %add3A_842 = vector.broadcast %mul3A_37 : i32 to vector<16xi32>
      %add3A_843 = arith.addi %get3A_841, %add3A_842 : vector<16xi32>
      %swap3A_844 = arith.constant 4 : i32
      %swap3A_845 = arith.index_cast %swap3A_844 : i32 to index
      %swap3A_846 = arith.constant 48 : index
      %swap3A_847 = tpu.vector_load %arg16[%swap3A_845, %swap3A_846] {strides = array<i32>} : memref<8x128xi32, #tpu.memory_space<vmem>>, vector<16xi32>,
      tpu.vector_store %arg16[%swap3A_845, %swap3A_846], %add3A_843 {strides = array<i32>} : memref<8x128xi32, #tpu.memory_space<vmem>>, vector<16xi32>,
      %get3A_848 = arith.constant 576 : index
      %get3A_849 = tpu.vector_load %arg15[%get3A_848] {strides = array<i32>} : memref<1024xi32, #tpu.memory_space<vmem>>, vector<16xi32>,
      %add3A_850 = vector.broadcast %mul3A_37 : i32 to vector<16xi32>
      %add3A_851 = arith.addi %get3A_849, %add3A_850 : vector<16xi32>
      %swap3A_852 = arith.constant 4 : i32
      %swap3A_853 = arith.index_cast %swap3A_852 : i32 to index
      %swap3A_854 = arith.constant 64 : index
      %swap3A_855 = tpu.vector_load %arg16[%swap3A_853, %swap3A_854] {strides = array<i32>} : memref<8x128xi32, #tpu.memory_space<vmem>>, vector<16xi32>,
      tpu.vector_store %arg16[%swap3A_853, %swap3A_854], %add3A_851 {strides = array<i32>} : memref<8x128xi32, #tpu.memory_space<vmem>>, vector<16xi32>,
      %get3A_856 = arith.constant 592 : index
      %get3A_857 = tpu.vector_load %arg15[%get3A_856] {strides = array<i32>} : memref<1024xi32, #tpu.memory_space<vmem>>, vector<16xi32>,
      %add3A_858 = vector.broadcast %mul3A_37 : i32 to vector<16xi32>
      %add3A_859 = arith.addi %get3A_857, %add3A_858 : vector<16xi32>
      %swap3A_860 = arith.constant 4 : i32
      %swap3A_861 = arith.index_cast %swap3A_860 : i32 to index
      %swap3A_862 = arith.constant 80 : index
      %swap3A_863 = tpu.vector_load %arg16[%swap3A_861, %swap3A_862] {strides = array<i32>} : memref<8x128xi32, #tpu.memory_space<vmem>>, vector<16xi32>,
      tpu.vector_store %arg16[%swap3A_861, %swap3A_862], %add3A_859 {strides = array<i32>} : memref<8x128xi32, #tpu.memory_space<vmem>>, vector<16xi32>,
      %get3A_864 = arith.constant 608 : index
      %get3A_865 = tpu.vector_load %arg15[%get3A_864] {strides = array<i32>} : memref<1024xi32, #tpu.memory_space<vmem>>, vector<16xi32>,
      %add3A_866 = vector.broadcast %mul3A_37 : i32 to vector<16xi32>
      %add3A_867 = arith.addi %get3A_865, %add3A_866 : vector<16xi32>
      %swap3A_868 = arith.constant 4 : i32
      %swap3A_869 = arith.index_cast %swap3A_868 : i32 to index
      %swap3A_870 = arith.constant 96 : index
      %swap3A_871 = tpu.vector_load %arg16[%swap3A_869, %swap3A_870] {strides = array<i32>} : memref<8x128xi32, #tpu.memory_space<vmem>>, vector<16xi32>,
      tpu.vector_store %arg16[%swap3A_869, %swap3A_870], %add3A_867 {strides = array<i32>} : memref<8x128xi32, #tpu.memory_space<vmem>>, vector<16xi32>,
      %get3A_872 = arith.constant 624 : index
      %get3A_873 = tpu.vector_load %arg15[%get3A_872] {strides = array<i32>} : memref<1024xi32, #tpu.memory_space<vmem>>, vector<16xi32>,
      %add3A_874 = vector.broadcast %mul3A_37 : i32 to vector<16xi32>
      %add3A_875 = arith.addi %get3A_873, %add3A_874 : vector<16xi32>
      %swap3A_876 = arith.constant 4 : i32
      %swap3A_877 = arith.index_cast %swap3A_876 : i32 to index
      %swap3A_878 = arith.constant 112 : index
      %swap3A_879 = tpu.vector_load %arg16[%swap3A_877, %swap3A_878] {strides = array<i32>} : memref<8x128xi32, #tpu.memory_space<vmem>>, vector<16xi32>,
      tpu.vector_store %arg16[%swap3A_877, %swap3A_878], %add3A_875 {strides = array<i32>} : memref<8x128xi32, #tpu.memory_space<vmem>>, vector<16xi32>,
      %run_scoped3A_880 = arith.constant 4 : i32
      "tpu.region"() ({
        %run_scoped3A_1076 = tpu.sem_alloc : memref<!tpu.dma_semaphore, #tpu.memory_space<semaphore_mem>>
        %dma_start3A = arith.constant 0 : i32
        %dma_start3A_1077 = tpu.memref_slice %arg16[%run_scoped3A_880, %dma_start3A] : memref<8x128xi32, #tpu.memory_space<vmem>> -> memref<1x128xi32, #tpu.memory_space<vmem>>
        %dma_start3A_1078 = tpu.memref_squeeze %dma_start3A_1077 : memref<1x128xi32, #tpu.memory_space<vmem>> -> memref<128xi32, #tpu.memory_space<vmem>>
        %dma_start3A_1079 = arith.constant 0 : i32
        %dma_start3A_1080 = tpu.memref_slice %arg22[%dma_start3A_1079] : memref<32768xf32, #tpu.memory_space<vmem_shared>> -> memref<32768xf32, #tpu.memory_space<vmem_shared>>
        tpu.enqueue_indirect_dma source(%arg17 : memref<128xf32, #tpu.memory_space<vmem>>) target(%dma_start3A_1080 : memref<32768xf32, #tpu.memory_space<vmem_shared>>) offsets(%dma_start3A_1078 : memref<128xi32, #tpu.memory_space<vmem>>) semaphore(%run_scoped3A_1076 : memref<!tpu.dma_semaphore, #tpu.memory_space<semaphore_mem>>) {add = true}
        %dma_wait3A = arith.constant 0 : i32
        %dma_wait3A_1081 = tpu.memref_slice %arg16[%run_scoped3A_880, %dma_wait3A] : memref<8x128xi32, #tpu.memory_space<vmem>> -> memref<1x128xi32, #tpu.memory_space<vmem>>
        %dma_wait3A_1082 = tpu.memref_squeeze %dma_wait3A_1081 : memref<1x128xi32, #tpu.memory_space<vmem>> -> memref<128xi32, #tpu.memory_space<vmem>>
        %dma_wait3A_1083 = arith.constant 0 : i32
        %dma_wait3A_1084 = tpu.memref_slice %arg22[%dma_wait3A_1083] : memref<32768xf32, #tpu.memory_space<vmem_shared>> -> memref<32768xf32, #tpu.memory_space<vmem_shared>>
        tpu.wait_indirect_dma semaphore(%run_scoped3A_1076 : memref<!tpu.dma_semaphore, #tpu.memory_space<semaphore_mem>>) src(%arg17 : memref<128xf32, #tpu.memory_space<vmem>>) dst(%dma_wait3A_1084 : memref<32768xf32, #tpu.memory_space<vmem_shared>>)
        tpu.yield
      }) : () -> ()
      %get3A_881 = arith.constant 640 : index
      %get3A_882 = tpu.vector_load %arg15[%get3A_881] {strides = array<i32>} : memref<1024xi32, #tpu.memory_space<vmem>>, vector<16xi32>,
      %add3A_883 = vector.broadcast %mul3A_37 : i32 to vector<16xi32>
      %add3A_884 = arith.addi %get3A_882, %add3A_883 : vector<16xi32>
      %swap3A_885 = arith.constant 5 : i32
      %swap3A_886 = arith.index_cast %swap3A_885 : i32 to index
      %swap3A_887 = arith.constant 0 : index
      %swap3A_888 = tpu.vector_load %arg16[%swap3A_886, %swap3A_887] {strides = array<i32>} : memref<8x128xi32, #tpu.memory_space<vmem>>, vector<16xi32>,
      tpu.vector_store %arg16[%swap3A_886, %swap3A_887], %add3A_884 {strides = array<i32>} : memref<8x128xi32, #tpu.memory_space<vmem>>, vector<16xi32>,
      %get3A_889 = arith.constant 656 : index
      %get3A_890 = tpu.vector_load %arg15[%get3A_889] {strides = array<i32>} : memref<1024xi32, #tpu.memory_space<vmem>>, vector<16xi32>,
      %add3A_891 = vector.broadcast %mul3A_37 : i32 to vector<16xi32>
      %add3A_892 = arith.addi %get3A_890, %add3A_891 : vector<16xi32>
      %swap3A_893 = arith.constant 5 : i32
      %swap3A_894 = arith.index_cast %swap3A_893 : i32 to index
      %swap3A_895 = arith.constant 16 : index
      %swap3A_896 = tpu.vector_load %arg16[%swap3A_894, %swap3A_895] {strides = array<i32>} : memref<8x128xi32, #tpu.memory_space<vmem>>, vector<16xi32>,
      tpu.vector_store %arg16[%swap3A_894, %swap3A_895], %add3A_892 {strides = array<i32>} : memref<8x128xi32, #tpu.memory_space<vmem>>, vector<16xi32>,
      %get3A_897 = arith.constant 672 : index
      %get3A_898 = tpu.vector_load %arg15[%get3A_897] {strides = array<i32>} : memref<1024xi32, #tpu.memory_space<vmem>>, vector<16xi32>,
      %add3A_899 = vector.broadcast %mul3A_37 : i32 to vector<16xi32>
      %add3A_900 = arith.addi %get3A_898, %add3A_899 : vector<16xi32>
      %swap3A_901 = arith.constant 5 : i32
      %swap3A_902 = arith.index_cast %swap3A_901 : i32 to index
      %swap3A_903 = arith.constant 32 : index
      %swap3A_904 = tpu.vector_load %arg16[%swap3A_902, %swap3A_903] {strides = array<i32>} : memref<8x128xi32, #tpu.memory_space<vmem>>, vector<16xi32>,
      tpu.vector_store %arg16[%swap3A_902, %swap3A_903], %add3A_900 {strides = array<i32>} : memref<8x128xi32, #tpu.memory_space<vmem>>, vector<16xi32>,
      %get3A_905 = arith.constant 688 : index
      %get3A_906 = tpu.vector_load %arg15[%get3A_905] {strides = array<i32>} : memref<1024xi32, #tpu.memory_space<vmem>>, vector<16xi32>,
      %add3A_907 = vector.broadcast %mul3A_37 : i32 to vector<16xi32>
      %add3A_908 = arith.addi %get3A_906, %add3A_907 : vector<16xi32>
      %swap3A_909 = arith.constant 5 : i32
      %swap3A_910 = arith.index_cast %swap3A_909 : i32 to index
      %swap3A_911 = arith.constant 48 : index
      %swap3A_912 = tpu.vector_load %arg16[%swap3A_910, %swap3A_911] {strides = array<i32>} : memref<8x128xi32, #tpu.memory_space<vmem>>, vector<16xi32>,
      tpu.vector_store %arg16[%swap3A_910, %swap3A_911], %add3A_908 {strides = array<i32>} : memref<8x128xi32, #tpu.memory_space<vmem>>, vector<16xi32>,
      %get3A_913 = arith.constant 704 : index
      %get3A_914 = tpu.vector_load %arg15[%get3A_913] {strides = array<i32>} : memref<1024xi32, #tpu.memory_space<vmem>>, vector<16xi32>,
      %add3A_915 = vector.broadcast %mul3A_37 : i32 to vector<16xi32>
      %add3A_916 = arith.addi %get3A_914, %add3A_915 : vector<16xi32>
      %swap3A_917 = arith.constant 5 : i32
      %swap3A_918 = arith.index_cast %swap3A_917 : i32 to index
      %swap3A_919 = arith.constant 64 : index
      %swap3A_920 = tpu.vector_load %arg16[%swap3A_918, %swap3A_919] {strides = array<i32>} : memref<8x128xi32, #tpu.memory_space<vmem>>, vector<16xi32>,
      tpu.vector_store %arg16[%swap3A_918, %swap3A_919], %add3A_916 {strides = array<i32>} : memref<8x128xi32, #tpu.memory_space<vmem>>, vector<16xi32>,
      %get3A_921 = arith.constant 720 : index
      %get3A_922 = tpu.vector_load %arg15[%get3A_921] {strides = array<i32>} : memref<1024xi32, #tpu.memory_space<vmem>>, vector<16xi32>,
      %add3A_923 = vector.broadcast %mul3A_37 : i32 to vector<16xi32>
      %add3A_924 = arith.addi %get3A_922, %add3A_923 : vector<16xi32>
      %swap3A_925 = arith.constant 5 : i32
      %swap3A_926 = arith.index_cast %swap3A_925 : i32 to index
      %swap3A_927 = arith.constant 80 : index
      %swap3A_928 = tpu.vector_load %arg16[%swap3A_926, %swap3A_927] {strides = array<i32>} : memref<8x128xi32, #tpu.memory_space<vmem>>, vector<16xi32>,
      tpu.vector_store %arg16[%swap3A_926, %swap3A_927], %add3A_924 {strides = array<i32>} : memref<8x128xi32, #tpu.memory_space<vmem>>, vector<16xi32>,
      %get3A_929 = arith.constant 736 : index
      %get3A_930 = tpu.vector_load %arg15[%get3A_929] {strides = array<i32>} : memref<1024xi32, #tpu.memory_space<vmem>>, vector<16xi32>,
      %add3A_931 = vector.broadcast %mul3A_37 : i32 to vector<16xi32>
      %add3A_932 = arith.addi %get3A_930, %add3A_931 : vector<16xi32>
      %swap3A_933 = arith.constant 5 : i32
      %swap3A_934 = arith.index_cast %swap3A_933 : i32 to index
      %swap3A_935 = arith.constant 96 : index
      %swap3A_936 = tpu.vector_load %arg16[%swap3A_934, %swap3A_935] {strides = array<i32>} : memref<8x128xi32, #tpu.memory_space<vmem>>, vector<16xi32>,
      tpu.vector_store %arg16[%swap3A_934, %swap3A_935], %add3A_932 {strides = array<i32>} : memref<8x128xi32, #tpu.memory_space<vmem>>, vector<16xi32>,
      %get3A_937 = arith.constant 752 : index
      %get3A_938 = tpu.vector_load %arg15[%get3A_937] {strides = array<i32>} : memref<1024xi32, #tpu.memory_space<vmem>>, vector<16xi32>,
      %add3A_939 = vector.broadcast %mul3A_37 : i32 to vector<16xi32>
      %add3A_940 = arith.addi %get3A_938, %add3A_939 : vector<16xi32>
      %swap3A_941 = arith.constant 5 : i32
      %swap3A_942 = arith.index_cast %swap3A_941 : i32 to index
      %swap3A_943 = arith.constant 112 : index
      %swap3A_944 = tpu.vector_load %arg16[%swap3A_942, %swap3A_943] {strides = array<i32>} : memref<8x128xi32, #tpu.memory_space<vmem>>, vector<16xi32>,
      tpu.vector_store %arg16[%swap3A_942, %swap3A_943], %add3A_940 {strides = array<i32>} : memref<8x128xi32, #tpu.memory_space<vmem>>, vector<16xi32>,
      %run_scoped3A_945 = arith.constant 5 : i32
      "tpu.region"() ({
        %run_scoped3A_1076 = tpu.sem_alloc : memref<!tpu.dma_semaphore, #tpu.memory_space<semaphore_mem>>
        %dma_start3A = arith.constant 0 : i32
        %dma_start3A_1077 = tpu.memref_slice %arg16[%run_scoped3A_945, %dma_start3A] : memref<8x128xi32, #tpu.memory_space<vmem>> -> memref<1x128xi32, #tpu.memory_space<vmem>>
        %dma_start3A_1078 = tpu.memref_squeeze %dma_start3A_1077 : memref<1x128xi32, #tpu.memory_space<vmem>> -> memref<128xi32, #tpu.memory_space<vmem>>
        %dma_start3A_1079 = arith.constant 0 : i32
        %dma_start3A_1080 = tpu.memref_slice %arg22[%dma_start3A_1079] : memref<32768xf32, #tpu.memory_space<vmem_shared>> -> memref<32768xf32, #tpu.memory_space<vmem_shared>>
        tpu.enqueue_indirect_dma source(%arg17 : memref<128xf32, #tpu.memory_space<vmem>>) target(%dma_start3A_1080 : memref<32768xf32, #tpu.memory_space<vmem_shared>>) offsets(%dma_start3A_1078 : memref<128xi32, #tpu.memory_space<vmem>>) semaphore(%run_scoped3A_1076 : memref<!tpu.dma_semaphore, #tpu.memory_space<semaphore_mem>>) {add = true}
        %dma_wait3A = arith.constant 0 : i32
        %dma_wait3A_1081 = tpu.memref_slice %arg16[%run_scoped3A_945, %dma_wait3A] : memref<8x128xi32, #tpu.memory_space<vmem>> -> memref<1x128xi32, #tpu.memory_space<vmem>>
        %dma_wait3A_1082 = tpu.memref_squeeze %dma_wait3A_1081 : memref<1x128xi32, #tpu.memory_space<vmem>> -> memref<128xi32, #tpu.memory_space<vmem>>
        %dma_wait3A_1083 = arith.constant 0 : i32
        %dma_wait3A_1084 = tpu.memref_slice %arg22[%dma_wait3A_1083] : memref<32768xf32, #tpu.memory_space<vmem_shared>> -> memref<32768xf32, #tpu.memory_space<vmem_shared>>
        tpu.wait_indirect_dma semaphore(%run_scoped3A_1076 : memref<!tpu.dma_semaphore, #tpu.memory_space<semaphore_mem>>) src(%arg17 : memref<128xf32, #tpu.memory_space<vmem>>) dst(%dma_wait3A_1084 : memref<32768xf32, #tpu.memory_space<vmem_shared>>)
        tpu.yield
      }) : () -> ()
      %get3A_946 = arith.constant 768 : index
      %get3A_947 = tpu.vector_load %arg15[%get3A_946] {strides = array<i32>} : memref<1024xi32, #tpu.memory_space<vmem>>, vector<16xi32>,
      %add3A_948 = vector.broadcast %mul3A_37 : i32 to vector<16xi32>
      %add3A_949 = arith.addi %get3A_947, %add3A_948 : vector<16xi32>
      %swap3A_950 = arith.constant 6 : i32
      %swap3A_951 = arith.index_cast %swap3A_950 : i32 to index
      %swap3A_952 = arith.constant 0 : index
      %swap3A_953 = tpu.vector_load %arg16[%swap3A_951, %swap3A_952] {strides = array<i32>} : memref<8x128xi32, #tpu.memory_space<vmem>>, vector<16xi32>,
      tpu.vector_store %arg16[%swap3A_951, %swap3A_952], %add3A_949 {strides = array<i32>} : memref<8x128xi32, #tpu.memory_space<vmem>>, vector<16xi32>,
      %get3A_954 = arith.constant 784 : index
      %get3A_955 = tpu.vector_load %arg15[%get3A_954] {strides = array<i32>} : memref<1024xi32, #tpu.memory_space<vmem>>, vector<16xi32>,
      %add3A_956 = vector.broadcast %mul3A_37 : i32 to vector<16xi32>
      %add3A_957 = arith.addi %get3A_955, %add3A_956 : vector<16xi32>
      %swap3A_958 = arith.constant 6 : i32
      %swap3A_959 = arith.index_cast %swap3A_958 : i32 to index
      %swap3A_960 = arith.constant 16 : index
      %swap3A_961 = tpu.vector_load %arg16[%swap3A_959, %swap3A_960] {strides = array<i32>} : memref<8x128xi32, #tpu.memory_space<vmem>>, vector<16xi32>,
      tpu.vector_store %arg16[%swap3A_959, %swap3A_960], %add3A_957 {strides = array<i32>} : memref<8x128xi32, #tpu.memory_space<vmem>>, vector<16xi32>,
      %get3A_962 = arith.constant 800 : index
      %get3A_963 = tpu.vector_load %arg15[%get3A_962] {strides = array<i32>} : memref<1024xi32, #tpu.memory_space<vmem>>, vector<16xi32>,
      %add3A_964 = vector.broadcast %mul3A_37 : i32 to vector<16xi32>
      %add3A_965 = arith.addi %get3A_963, %add3A_964 : vector<16xi32>
      %swap3A_966 = arith.constant 6 : i32
      %swap3A_967 = arith.index_cast %swap3A_966 : i32 to index
      %swap3A_968 = arith.constant 32 : index
      %swap3A_969 = tpu.vector_load %arg16[%swap3A_967, %swap3A_968] {strides = array<i32>} : memref<8x128xi32, #tpu.memory_space<vmem>>, vector<16xi32>,
      tpu.vector_store %arg16[%swap3A_967, %swap3A_968], %add3A_965 {strides = array<i32>} : memref<8x128xi32, #tpu.memory_space<vmem>>, vector<16xi32>,
      %get3A_970 = arith.constant 816 : index
      %get3A_971 = tpu.vector_load %arg15[%get3A_970] {strides = array<i32>} : memref<1024xi32, #tpu.memory_space<vmem>>, vector<16xi32>,
      %add3A_972 = vector.broadcast %mul3A_37 : i32 to vector<16xi32>
      %add3A_973 = arith.addi %get3A_971, %add3A_972 : vector<16xi32>
      %swap3A_974 = arith.constant 6 : i32
      %swap3A_975 = arith.index_cast %swap3A_974 : i32 to index
      %swap3A_976 = arith.constant 48 : index
      %swap3A_977 = tpu.vector_load %arg16[%swap3A_975, %swap3A_976] {strides = array<i32>} : memref<8x128xi32, #tpu.memory_space<vmem>>, vector<16xi32>,
      tpu.vector_store %arg16[%swap3A_975, %swap3A_976], %add3A_973 {strides = array<i32>} : memref<8x128xi32, #tpu.memory_space<vmem>>, vector<16xi32>,
      %get3A_978 = arith.constant 832 : index
      %get3A_979 = tpu.vector_load %arg15[%get3A_978] {strides = array<i32>} : memref<1024xi32, #tpu.memory_space<vmem>>, vector<16xi32>,
      %add3A_980 = vector.broadcast %mul3A_37 : i32 to vector<16xi32>
      %add3A_981 = arith.addi %get3A_979, %add3A_980 : vector<16xi32>
      %swap3A_982 = arith.constant 6 : i32
      %swap3A_983 = arith.index_cast %swap3A_982 : i32 to index
      %swap3A_984 = arith.constant 64 : index
      %swap3A_985 = tpu.vector_load %arg16[%swap3A_983, %swap3A_984] {strides = array<i32>} : memref<8x128xi32, #tpu.memory_space<vmem>>, vector<16xi32>,
      tpu.vector_store %arg16[%swap3A_983, %swap3A_984], %add3A_981 {strides = array<i32>} : memref<8x128xi32, #tpu.memory_space<vmem>>, vector<16xi32>,
      %get3A_986 = arith.constant 848 : index
      %get3A_987 = tpu.vector_load %arg15[%get3A_986] {strides = array<i32>} : memref<1024xi32, #tpu.memory_space<vmem>>, vector<16xi32>,
      %add3A_988 = vector.broadcast %mul3A_37 : i32 to vector<16xi32>
      %add3A_989 = arith.addi %get3A_987, %add3A_988 : vector<16xi32>
      %swap3A_990 = arith.constant 6 : i32
      %swap3A_991 = arith.index_cast %swap3A_990 : i32 to index
      %swap3A_992 = arith.constant 80 : index
      %swap3A_993 = tpu.vector_load %arg16[%swap3A_991, %swap3A_992] {strides = array<i32>} : memref<8x128xi32, #tpu.memory_space<vmem>>, vector<16xi32>,
      tpu.vector_store %arg16[%swap3A_991, %swap3A_992], %add3A_989 {strides = array<i32>} : memref<8x128xi32, #tpu.memory_space<vmem>>, vector<16xi32>,
      %get3A_994 = arith.constant 864 : index
      %get3A_995 = tpu.vector_load %arg15[%get3A_994] {strides = array<i32>} : memref<1024xi32, #tpu.memory_space<vmem>>, vector<16xi32>,
      %add3A_996 = vector.broadcast %mul3A_37 : i32 to vector<16xi32>
      %add3A_997 = arith.addi %get3A_995, %add3A_996 : vector<16xi32>
      %swap3A_998 = arith.constant 6 : i32
      %swap3A_999 = arith.index_cast %swap3A_998 : i32 to index
      %swap3A_1000 = arith.constant 96 : index
      %swap3A_1001 = tpu.vector_load %arg16[%swap3A_999, %swap3A_1000] {strides = array<i32>} : memref<8x128xi32, #tpu.memory_space<vmem>>, vector<16xi32>,
      tpu.vector_store %arg16[%swap3A_999, %swap3A_1000], %add3A_997 {strides = array<i32>} : memref<8x128xi32, #tpu.memory_space<vmem>>, vector<16xi32>,
      %get3A_1002 = arith.constant 880 : index
      %get3A_1003 = tpu.vector_load %arg15[%get3A_1002] {strides = array<i32>} : memref<1024xi32, #tpu.memory_space<vmem>>, vector<16xi32>,
      %add3A_1004 = vector.broadcast %mul3A_37 : i32 to vector<16xi32>
      %add3A_1005 = arith.addi %get3A_1003, %add3A_1004 : vector<16xi32>
      %swap3A_1006 = arith.constant 6 : i32
      %swap3A_1007 = arith.index_cast %swap3A_1006 : i32 to index
      %swap3A_1008 = arith.constant 112 : index
      %swap3A_1009 = tpu.vector_load %arg16[%swap3A_1007, %swap3A_1008] {strides = array<i32>} : memref<8x128xi32, #tpu.memory_space<vmem>>, vector<16xi32>,
      tpu.vector_store %arg16[%swap3A_1007, %swap3A_1008], %add3A_1005 {strides = array<i32>} : memref<8x128xi32, #tpu.memory_space<vmem>>, vector<16xi32>,
      %run_scoped3A_1010 = arith.constant 6 : i32
      "tpu.region"() ({
        %run_scoped3A_1076 = tpu.sem_alloc : memref<!tpu.dma_semaphore, #tpu.memory_space<semaphore_mem>>
        %dma_start3A = arith.constant 0 : i32
        %dma_start3A_1077 = tpu.memref_slice %arg16[%run_scoped3A_1010, %dma_start3A] : memref<8x128xi32, #tpu.memory_space<vmem>> -> memref<1x128xi32, #tpu.memory_space<vmem>>
        %dma_start3A_1078 = tpu.memref_squeeze %dma_start3A_1077 : memref<1x128xi32, #tpu.memory_space<vmem>> -> memref<128xi32, #tpu.memory_space<vmem>>
        %dma_start3A_1079 = arith.constant 0 : i32
        %dma_start3A_1080 = tpu.memref_slice %arg22[%dma_start3A_1079] : memref<32768xf32, #tpu.memory_space<vmem_shared>> -> memref<32768xf32, #tpu.memory_space<vmem_shared>>
        tpu.enqueue_indirect_dma source(%arg17 : memref<128xf32, #tpu.memory_space<vmem>>) target(%dma_start3A_1080 : memref<32768xf32, #tpu.memory_space<vmem_shared>>) offsets(%dma_start3A_1078 : memref<128xi32, #tpu.memory_space<vmem>>) semaphore(%run_scoped3A_1076 : memref<!tpu.dma_semaphore, #tpu.memory_space<semaphore_mem>>) {add = true}
        %dma_wait3A = arith.constant 0 : i32
        %dma_wait3A_1081 = tpu.memref_slice %arg16[%run_scoped3A_1010, %dma_wait3A] : memref<8x128xi32, #tpu.memory_space<vmem>> -> memref<1x128xi32, #tpu.memory_space<vmem>>
        %dma_wait3A_1082 = tpu.memref_squeeze %dma_wait3A_1081 : memref<1x128xi32, #tpu.memory_space<vmem>> -> memref<128xi32, #tpu.memory_space<vmem>>
        %dma_wait3A_1083 = arith.constant 0 : i32
        %dma_wait3A_1084 = tpu.memref_slice %arg22[%dma_wait3A_1083] : memref<32768xf32, #tpu.memory_space<vmem_shared>> -> memref<32768xf32, #tpu.memory_space<vmem_shared>>
        tpu.wait_indirect_dma semaphore(%run_scoped3A_1076 : memref<!tpu.dma_semaphore, #tpu.memory_space<semaphore_mem>>) src(%arg17 : memref<128xf32, #tpu.memory_space<vmem>>) dst(%dma_wait3A_1084 : memref<32768xf32, #tpu.memory_space<vmem_shared>>)
        tpu.yield
      }) : () -> ()
      %get3A_1011 = arith.constant 896 : index
      %get3A_1012 = tpu.vector_load %arg15[%get3A_1011] {strides = array<i32>} : memref<1024xi32, #tpu.memory_space<vmem>>, vector<16xi32>,
      %add3A_1013 = vector.broadcast %mul3A_37 : i32 to vector<16xi32>
      %add3A_1014 = arith.addi %get3A_1012, %add3A_1013 : vector<16xi32>
      %swap3A_1015 = arith.constant 7 : i32
      %swap3A_1016 = arith.index_cast %swap3A_1015 : i32 to index
      %swap3A_1017 = arith.constant 0 : index
      %swap3A_1018 = tpu.vector_load %arg16[%swap3A_1016, %swap3A_1017] {strides = array<i32>} : memref<8x128xi32, #tpu.memory_space<vmem>>, vector<16xi32>,
      tpu.vector_store %arg16[%swap3A_1016, %swap3A_1017], %add3A_1014 {strides = array<i32>} : memref<8x128xi32, #tpu.memory_space<vmem>>, vector<16xi32>,
      %get3A_1019 = arith.constant 912 : index
      %get3A_1020 = tpu.vector_load %arg15[%get3A_1019] {strides = array<i32>} : memref<1024xi32, #tpu.memory_space<vmem>>, vector<16xi32>,
      %add3A_1021 = vector.broadcast %mul3A_37 : i32 to vector<16xi32>
      %add3A_1022 = arith.addi %get3A_1020, %add3A_1021 : vector<16xi32>
      %swap3A_1023 = arith.constant 7 : i32
      %swap3A_1024 = arith.index_cast %swap3A_1023 : i32 to index
      %swap3A_1025 = arith.constant 16 : index
      %swap3A_1026 = tpu.vector_load %arg16[%swap3A_1024, %swap3A_1025] {strides = array<i32>} : memref<8x128xi32, #tpu.memory_space<vmem>>, vector<16xi32>,
      tpu.vector_store %arg16[%swap3A_1024, %swap3A_1025], %add3A_1022 {strides = array<i32>} : memref<8x128xi32, #tpu.memory_space<vmem>>, vector<16xi32>,
      %get3A_1027 = arith.constant 928 : index
      %get3A_1028 = tpu.vector_load %arg15[%get3A_1027] {strides = array<i32>} : memref<1024xi32, #tpu.memory_space<vmem>>, vector<16xi32>,
      %add3A_1029 = vector.broadcast %mul3A_37 : i32 to vector<16xi32>
      %add3A_1030 = arith.addi %get3A_1028, %add3A_1029 : vector<16xi32>
      %swap3A_1031 = arith.constant 7 : i32
      %swap3A_1032 = arith.index_cast %swap3A_1031 : i32 to index
      %swap3A_1033 = arith.constant 32 : index
      %swap3A_1034 = tpu.vector_load %arg16[%swap3A_1032, %swap3A_1033] {strides = array<i32>} : memref<8x128xi32, #tpu.memory_space<vmem>>, vector<16xi32>,
      tpu.vector_store %arg16[%swap3A_1032, %swap3A_1033], %add3A_1030 {strides = array<i32>} : memref<8x128xi32, #tpu.memory_space<vmem>>, vector<16xi32>,
      %get3A_1035 = arith.constant 944 : index
      %get3A_1036 = tpu.vector_load %arg15[%get3A_1035] {strides = array<i32>} : memref<1024xi32, #tpu.memory_space<vmem>>, vector<16xi32>,
      %add3A_1037 = vector.broadcast %mul3A_37 : i32 to vector<16xi32>
      %add3A_1038 = arith.addi %get3A_1036, %add3A_1037 : vector<16xi32>
      %swap3A_1039 = arith.constant 7 : i32
      %swap3A_1040 = arith.index_cast %swap3A_1039 : i32 to index
      %swap3A_1041 = arith.constant 48 : index
      %swap3A_1042 = tpu.vector_load %arg16[%swap3A_1040, %swap3A_1041] {strides = array<i32>} : memref<8x128xi32, #tpu.memory_space<vmem>>, vector<16xi32>,
      tpu.vector_store %arg16[%swap3A_1040, %swap3A_1041], %add3A_1038 {strides = array<i32>} : memref<8x128xi32, #tpu.memory_space<vmem>>, vector<16xi32>,
      %get3A_1043 = arith.constant 960 : index
      %get3A_1044 = tpu.vector_load %arg15[%get3A_1043] {strides = array<i32>} : memref<1024xi32, #tpu.memory_space<vmem>>, vector<16xi32>,
      %add3A_1045 = vector.broadcast %mul3A_37 : i32 to vector<16xi32>
      %add3A_1046 = arith.addi %get3A_1044, %add3A_1045 : vector<16xi32>
      %swap3A_1047 = arith.constant 7 : i32
      %swap3A_1048 = arith.index_cast %swap3A_1047 : i32 to index
      %swap3A_1049 = arith.constant 64 : index
      %swap3A_1050 = tpu.vector_load %arg16[%swap3A_1048, %swap3A_1049] {strides = array<i32>} : memref<8x128xi32, #tpu.memory_space<vmem>>, vector<16xi32>,
      tpu.vector_store %arg16[%swap3A_1048, %swap3A_1049], %add3A_1046 {strides = array<i32>} : memref<8x128xi32, #tpu.memory_space<vmem>>, vector<16xi32>,
      %get3A_1051 = arith.constant 976 : index
      %get3A_1052 = tpu.vector_load %arg15[%get3A_1051] {strides = array<i32>} : memref<1024xi32, #tpu.memory_space<vmem>>, vector<16xi32>,
      %add3A_1053 = vector.broadcast %mul3A_37 : i32 to vector<16xi32>
      %add3A_1054 = arith.addi %get3A_1052, %add3A_1053 : vector<16xi32>
      %swap3A_1055 = arith.constant 7 : i32
      %swap3A_1056 = arith.index_cast %swap3A_1055 : i32 to index
      %swap3A_1057 = arith.constant 80 : index
      %swap3A_1058 = tpu.vector_load %arg16[%swap3A_1056, %swap3A_1057] {strides = array<i32>} : memref<8x128xi32, #tpu.memory_space<vmem>>, vector<16xi32>,
      tpu.vector_store %arg16[%swap3A_1056, %swap3A_1057], %add3A_1054 {strides = array<i32>} : memref<8x128xi32, #tpu.memory_space<vmem>>, vector<16xi32>,
      %get3A_1059 = arith.constant 992 : index
      %get3A_1060 = tpu.vector_load %arg15[%get3A_1059] {strides = array<i32>} : memref<1024xi32, #tpu.memory_space<vmem>>, vector<16xi32>,
      %add3A_1061 = vector.broadcast %mul3A_37 : i32 to vector<16xi32>
      %add3A_1062 = arith.addi %get3A_1060, %add3A_1061 : vector<16xi32>
      %swap3A_1063 = arith.constant 7 : i32
      %swap3A_1064 = arith.index_cast %swap3A_1063 : i32 to index
      %swap3A_1065 = arith.constant 96 : index
      %swap3A_1066 = tpu.vector_load %arg16[%swap3A_1064, %swap3A_1065] {strides = array<i32>} : memref<8x128xi32, #tpu.memory_space<vmem>>, vector<16xi32>,
      tpu.vector_store %arg16[%swap3A_1064, %swap3A_1065], %add3A_1062 {strides = array<i32>} : memref<8x128xi32, #tpu.memory_space<vmem>>, vector<16xi32>,
      %get3A_1067 = arith.constant 1008 : index
      %get3A_1068 = tpu.vector_load %arg15[%get3A_1067] {strides = array<i32>} : memref<1024xi32, #tpu.memory_space<vmem>>, vector<16xi32>,
      %add3A_1069 = vector.broadcast %mul3A_37 : i32 to vector<16xi32>
      %add3A_1070 = arith.addi %get3A_1068, %add3A_1069 : vector<16xi32>
      %swap3A_1071 = arith.constant 7 : i32
      %swap3A_1072 = arith.index_cast %swap3A_1071 : i32 to index
      %swap3A_1073 = arith.constant 112 : index
      %swap3A_1074 = tpu.vector_load %arg16[%swap3A_1072, %swap3A_1073] {strides = array<i32>} : memref<8x128xi32, #tpu.memory_space<vmem>>, vector<16xi32>,
      tpu.vector_store %arg16[%swap3A_1072, %swap3A_1073], %add3A_1070 {strides = array<i32>} : memref<8x128xi32, #tpu.memory_space<vmem>>, vector<16xi32>,
      %run_scoped3A_1075 = arith.constant 7 : i32
      "tpu.region"() ({
        %run_scoped3A_1076 = tpu.sem_alloc : memref<!tpu.dma_semaphore, #tpu.memory_space<semaphore_mem>>
        %dma_start3A = arith.constant 0 : i32
        %dma_start3A_1077 = tpu.memref_slice %arg16[%run_scoped3A_1075, %dma_start3A] : memref<8x128xi32, #tpu.memory_space<vmem>> -> memref<1x128xi32, #tpu.memory_space<vmem>>
        %dma_start3A_1078 = tpu.memref_squeeze %dma_start3A_1077 : memref<1x128xi32, #tpu.memory_space<vmem>> -> memref<128xi32, #tpu.memory_space<vmem>>
        %dma_start3A_1079 = arith.constant 0 : i32
        %dma_start3A_1080 = tpu.memref_slice %arg22[%dma_start3A_1079] : memref<32768xf32, #tpu.memory_space<vmem_shared>> -> memref<32768xf32, #tpu.memory_space<vmem_shared>>
        tpu.enqueue_indirect_dma source(%arg17 : memref<128xf32, #tpu.memory_space<vmem>>) target(%dma_start3A_1080 : memref<32768xf32, #tpu.memory_space<vmem_shared>>) offsets(%dma_start3A_1078 : memref<128xi32, #tpu.memory_space<vmem>>) semaphore(%run_scoped3A_1076 : memref<!tpu.dma_semaphore, #tpu.memory_space<semaphore_mem>>) {add = true}
        %dma_wait3A = arith.constant 0 : i32
        %dma_wait3A_1081 = tpu.memref_slice %arg16[%run_scoped3A_1075, %dma_wait3A] : memref<8x128xi32, #tpu.memory_space<vmem>> -> memref<1x128xi32, #tpu.memory_space<vmem>>
        %dma_wait3A_1082 = tpu.memref_squeeze %dma_wait3A_1081 : memref<1x128xi32, #tpu.memory_space<vmem>> -> memref<128xi32, #tpu.memory_space<vmem>>
        %dma_wait3A_1083 = arith.constant 0 : i32
        %dma_wait3A_1084 = tpu.memref_slice %arg22[%dma_wait3A_1083] : memref<32768xf32, #tpu.memory_space<vmem_shared>> -> memref<32768xf32, #tpu.memory_space<vmem_shared>>
        tpu.wait_indirect_dma semaphore(%run_scoped3A_1076 : memref<!tpu.dma_semaphore, #tpu.memory_space<semaphore_mem>>) src(%arg17 : memref<128xf32, #tpu.memory_space<vmem>>) dst(%dma_wait3A_1084 : memref<32768xf32, #tpu.memory_space<vmem_shared>>)
        tpu.yield
      }) : () -> ()
    } else {
    }
    %barrier3A_30 = arith.constant 0 : index
    tpu.barrier barrier_id(%barrier3A_30)
    %eq3A_31 = arith.constant 0 : i32
    %eq3A_32 = arith.cmpi eq, %arg0, %eq3A_31 : i32
    %convert_element_type3A_33 = arith.extui %eq3A_32 : i1 to i32
    %cond3A_34 = arith.constant 0 : i32
    %cond3A_35 = arith.cmpi ne, %convert_element_type3A_33, %cond3A_34 : i32
    scf.if %cond3A_35 {
      %mul3A_36 = arith.constant 2048 : i32
      %mul3A_37 = arith.muli %arg1, %mul3A_36 : i32
      "tpu.region"() ({
        %run_scoped3A = tpu.sem_alloc : memref<!tpu.dma_semaphore, #tpu.memory_space<semaphore_mem>>
        %dma_start3A = tpu.memref_slice %arg22[%mul3A_37] : memref<32768xf32, #tpu.memory_space<vmem_shared>> -> memref<2048xf32, #tpu.memory_space<vmem_shared>>
        %dma_start3A_44 = tpu.memref_slice %arg22[%mul3A_37] : memref<32768xf32, #tpu.memory_space<vmem_shared>> -> memref<2048xf32, #tpu.memory_space<vmem_shared>>
        tpu.enqueue_dma source(%dma_start3A_44 : memref<2048xf32, #tpu.memory_space<vmem_shared>>) target(%arg18 : memref<2048xf32, #tpu.memory_space<vmem>>) target_semaphore(%run_scoped3A : memref<!tpu.dma_semaphore, #tpu.memory_space<semaphore_mem>>)
        %dma_wait3A = tpu.memref_slice %arg22[%mul3A_37] : memref<32768xf32, #tpu.memory_space<vmem_shared>> -> memref<2048xf32, #tpu.memory_space<vmem_shared>>
        %dma_wait3A_45 = tpu.memref_slice %arg22[%mul3A_37] : memref<32768xf32, #tpu.memory_space<vmem_shared>> -> memref<2048xf32, #tpu.memory_space<vmem_shared>>
        tpu.wait_dma2 semaphore(%run_scoped3A : memref<!tpu.dma_semaphore, #tpu.memory_space<semaphore_mem>>) src(%dma_wait3A_45 : memref<2048xf32, #tpu.memory_space<vmem_shared>>) dst(%arg18 : memref<2048xf32, #tpu.memory_space<vmem>>)
        tpu.yield
      }) : () -> ()
      "tpu.region"() ({
        %run_scoped3A = tpu.sem_alloc : memref<!tpu.dma_semaphore, #tpu.memory_space<semaphore_mem>>
        %dma_start3A = tpu.memref_slice %arg7[%mul3A_37] : memref<32768xf32, #tpu.memory_space<hbm>> -> memref<2048xf32, #tpu.memory_space<hbm>>
        %dma_start3A_44 = tpu.memref_slice %arg7[%mul3A_37] : memref<32768xf32, #tpu.memory_space<hbm>> -> memref<2048xf32, #tpu.memory_space<hbm>>
        tpu.enqueue_dma source(%dma_start3A_44 : memref<2048xf32, #tpu.memory_space<hbm>>) target(%arg19 : memref<2048xf32, #tpu.memory_space<vmem>>) target_semaphore(%run_scoped3A : memref<!tpu.dma_semaphore, #tpu.memory_space<semaphore_mem>>)
        %dma_wait3A = tpu.memref_slice %arg7[%mul3A_37] : memref<32768xf32, #tpu.memory_space<hbm>> -> memref<2048xf32, #tpu.memory_space<hbm>>
        %dma_wait3A_45 = tpu.memref_slice %arg7[%mul3A_37] : memref<32768xf32, #tpu.memory_space<hbm>> -> memref<2048xf32, #tpu.memory_space<hbm>>
        tpu.wait_dma2 semaphore(%run_scoped3A : memref<!tpu.dma_semaphore, #tpu.memory_space<semaphore_mem>>) src(%dma_wait3A_45 : memref<2048xf32, #tpu.memory_space<hbm>>) dst(%arg19 : memref<2048xf32, #tpu.memory_space<vmem>>)
        tpu.yield
      }) : () -> ()
      "tpu.region"() ({
        %run_scoped3A = tpu.sem_alloc : memref<!tpu.dma_semaphore, #tpu.memory_space<semaphore_mem>>
        %dma_start3A = tpu.memref_slice %arg8[%mul3A_37] : memref<32768xf32, #tpu.memory_space<hbm>> -> memref<2048xf32, #tpu.memory_space<hbm>>
        %dma_start3A_44 = tpu.memref_slice %arg8[%mul3A_37] : memref<32768xf32, #tpu.memory_space<hbm>> -> memref<2048xf32, #tpu.memory_space<hbm>>
        tpu.enqueue_dma source(%dma_start3A_44 : memref<2048xf32, #tpu.memory_space<hbm>>) target(%arg20 : memref<2048xf32, #tpu.memory_space<vmem>>) target_semaphore(%run_scoped3A : memref<!tpu.dma_semaphore, #tpu.memory_space<semaphore_mem>>)
        %dma_wait3A = tpu.memref_slice %arg8[%mul3A_37] : memref<32768xf32, #tpu.memory_space<hbm>> -> memref<2048xf32, #tpu.memory_space<hbm>>
        %dma_wait3A_45 = tpu.memref_slice %arg8[%mul3A_37] : memref<32768xf32, #tpu.memory_space<hbm>> -> memref<2048xf32, #tpu.memory_space<hbm>>
        tpu.wait_dma2 semaphore(%run_scoped3A : memref<!tpu.dma_semaphore, #tpu.memory_space<semaphore_mem>>) src(%dma_wait3A_45 : memref<2048xf32, #tpu.memory_space<hbm>>) dst(%arg20 : memref<2048xf32, #tpu.memory_space<vmem>>)
        tpu.yield
      }) : () -> ()
      %scan3A = arith.constant 0 : i32
      %scan3A_38 = arith.constant 128 : i32
      %scan3A_39 = arith.addi %scan3A, %scan3A_38 : i32
      %scan3A_40 = arith.constant 1 : i32
      %scan3A_41 = scf.for %scan3A_44 = %scan3A to %scan3A_39 step %scan3A_40 iter_args(%scan3A_45 = %broadcast_in_dim3A_17) -> (vector<16xf32>)  : i32 {
        %mul3A_46 = arith.constant 16 : i32
        %mul3A_47 = arith.muli %scan3A_44, %mul3A_46 : i32
        %get3A = arith.index_cast %mul3A_47 : i32 to index
        %get3A_48 = tpu.vector_load %arg18[%get3A] {strides = array<i32>} : memref<2048xf32, #tpu.memory_space<vmem>>, vector<16xf32>,
        %gt3A = arith.constant 0.000000e+00 : f32
        %gt3A_49 = vector.broadcast %gt3A : f32 to vector<16xf32>
        %gt3A_50 = arith.cmpf ogt, %get3A_48, %gt3A_49 : vector<16xf32>
        %get3A_51 = arith.index_cast %mul3A_47 : i32 to index
        %get3A_52 = tpu.vector_load %arg19[%get3A_51] {strides = array<i32>} : memref<2048xf32, #tpu.memory_space<vmem>>, vector<16xf32>,
        %get3A_53 = arith.index_cast %mul3A_47 : i32 to index
        %get3A_54 = tpu.vector_load %arg20[%get3A_53] {strides = array<i32>} : memref<2048xf32, #tpu.memory_space<vmem>>, vector<16xf32>,
        %select_n3A_55 = arith.select %gt3A_50, %get3A_52, %get3A_54 : vector<16xi1>, vector<16xf32>
        %add3A = arith.addf %scan3A_45, %select_n3A_55 : vector<16xf32>
        scf.yield %add3A : vector<16xf32>
      }
      %scan3A_42 = arith.constant 128 : i32
      %swap3A = arith.constant 0 : index
      %swap3A_43 = tpu.vector_load %arg21[%swap3A] {strides = array<i32>} : memref<16xf32, #tpu.memory_space<vmem>>, vector<16xf32>,
      tpu.vector_store %arg21[%swap3A], %scan3A_41 {strides = array<i32>} : memref<16xf32, #tpu.memory_space<vmem>>, vector<16xf32>,
      "tpu.region"() ({
        %run_scoped3A = tpu.sem_alloc : memref<!tpu.dma_semaphore, #tpu.memory_space<semaphore_mem>>
        %dma_start3A = arith.constant 0 : i32
        %dma_start3A_44 = tpu.memref_slice %arg10[%arg1, %dma_start3A] : memref<16x16xf32, #tpu.memory_space<hbm>> -> memref<1x16xf32, #tpu.memory_space<hbm>>
        %dma_start3A_45 = tpu.memref_squeeze %dma_start3A_44 : memref<1x16xf32, #tpu.memory_space<hbm>> -> memref<16xf32, #tpu.memory_space<hbm>>
        %dma_start3A_46 = arith.constant 0 : i32
        %dma_start3A_47 = tpu.memref_slice %arg10[%arg1, %dma_start3A_46] : memref<16x16xf32, #tpu.memory_space<hbm>> -> memref<1x16xf32, #tpu.memory_space<hbm>>
        %dma_start3A_48 = tpu.memref_squeeze %dma_start3A_47 : memref<1x16xf32, #tpu.memory_space<hbm>> -> memref<16xf32, #tpu.memory_space<hbm>>
        tpu.enqueue_dma source(%arg21 : memref<16xf32, #tpu.memory_space<vmem>>) target(%dma_start3A_48 : memref<16xf32, #tpu.memory_space<hbm>>) target_semaphore(%run_scoped3A : memref<!tpu.dma_semaphore, #tpu.memory_space<semaphore_mem>>)
        %dma_wait3A = arith.constant 0 : i32
        %dma_wait3A_49 = tpu.memref_slice %arg10[%arg1, %dma_wait3A] : memref<16x16xf32, #tpu.memory_space<hbm>> -> memref<1x16xf32, #tpu.memory_space<hbm>>
        %dma_wait3A_50 = tpu.memref_squeeze %dma_wait3A_49 : memref<1x16xf32, #tpu.memory_space<hbm>> -> memref<16xf32, #tpu.memory_space<hbm>>
        %dma_wait3A_51 = arith.constant 0 : i32
        %dma_wait3A_52 = tpu.memref_slice %arg10[%arg1, %dma_wait3A_51] : memref<16x16xf32, #tpu.memory_space<hbm>> -> memref<1x16xf32, #tpu.memory_space<hbm>>
        %dma_wait3A_53 = tpu.memref_squeeze %dma_wait3A_52 : memref<1x16xf32, #tpu.memory_space<hbm>> -> memref<16xf32, #tpu.memory_space<hbm>>
        tpu.wait_dma2 semaphore(%run_scoped3A : memref<!tpu.dma_semaphore, #tpu.memory_space<semaphore_mem>>) src(%arg21 : memref<16xf32, #tpu.memory_space<vmem>>) dst(%dma_wait3A_53 : memref<16xf32, #tpu.memory_space<hbm>>)
        tpu.yield
      }) : () -> ()
    } else {
    }
    return
  }
}

module attributes {stable_mosaic.version = 14 : i64} {
  func.func @_match_kernel(%arg0: i32, %arg1: i32, %arg2: memref<1x1x4096xf32, #tpu.memory_space<vmem>>, %arg3: memref<1x1x4096xf32, #tpu.memory_space<vmem>>, %arg4: memref<1x1x4096xf32, #tpu.memory_space<vmem>>, %arg5: memref<1x1x4096xf32, #tpu.memory_space<vmem>>, %arg6: memref<1x1x1024xf32, #tpu.memory_space<vmem>>, %arg7: memref<1x1x1024xf32, #tpu.memory_space<vmem>>, %arg8: memref<1x4x1024xi32, #tpu.memory_space<vmem>>, %arg9: memref<1x1x4096xf32, #tpu.memory_space<vmem>>, %arg10: memref<1x1x4096xf32, #tpu.memory_space<vmem>>) attributes {dimension_semantics = [#tpu.dimension_semantics<arbitrary>, #tpu.dimension_semantics<arbitrary>], iteration_bounds = array<i64: 8, 1>, scalar_prefetch = 0 : i64, scratch_operands = 0 : i64, tpu.core_type = #tpu.core_type<tc>, window_params = [{transform_indices = @transform_0, window_bounds = array<i64: 1, 1, 4096>}, {transform_indices = @transform_1, window_bounds = array<i64: 1, 1, 4096>}, {transform_indices = @transform_2, window_bounds = array<i64: 1, 1, 4096>}, {transform_indices = @transform_3, window_bounds = array<i64: 1, 1, 4096>}, {transform_indices = @transform_4, window_bounds = array<i64: 1, 1, 1024>}, {transform_indices = @transform_5, window_bounds = array<i64: 1, 1, 1024>}, {transform_indices = @transform_6, window_bounds = array<i64: 1, 4, 1024>}, {transform_indices = @transform_7, window_bounds = array<i64: 1, 1, 4096>}, {transform_indices = @transform_8, window_bounds = array<i64: 1, 1, 4096>}]} {
    %get3A = arith.constant 0 : index
    %get3A_0 = arith.constant 0 : index
    %get3A_1 = arith.constant 0 : index
    %get3A_2 = vector.load %arg2[%get3A, %get3A_0, %get3A_1] : memref<1x1x4096xf32, #tpu.memory_space<vmem>>, vector<1x1x4096xf32>
    %get3A_3 = vector.shape_cast %get3A_2 : vector<1x1x4096xf32> to vector<1x4096xf32>
    %get3A_4 = arith.constant 0 : index
    %get3A_5 = arith.constant 0 : index
    %get3A_6 = arith.constant 0 : index
    %get3A_7 = vector.load %arg3[%get3A_4, %get3A_5, %get3A_6] : memref<1x1x4096xf32, #tpu.memory_space<vmem>>, vector<1x1x4096xf32>
    %get3A_8 = vector.shape_cast %get3A_7 : vector<1x1x4096xf32> to vector<1x4096xf32>
    %get3A_9 = arith.constant 0 : index
    %get3A_10 = arith.constant 0 : index
    %get3A_11 = arith.constant 0 : index
    %get3A_12 = vector.load %arg4[%get3A_9, %get3A_10, %get3A_11] : memref<1x1x4096xf32, #tpu.memory_space<vmem>>, vector<1x1x4096xf32>
    %get3A_13 = vector.shape_cast %get3A_12 : vector<1x1x4096xf32> to vector<1x4096xf32>
    %get3A_14 = arith.constant 0 : index
    %get3A_15 = arith.constant 0 : index
    %get3A_16 = arith.constant 0 : index
    %get3A_17 = vector.load %arg5[%get3A_14, %get3A_15, %get3A_16] : memref<1x1x4096xf32, #tpu.memory_space<vmem>>, vector<1x1x4096xf32>
    %get3A_18 = vector.shape_cast %get3A_17 : vector<1x1x4096xf32> to vector<1x4096xf32>
    %get3A_19 = arith.constant 0 : index
    %get3A_20 = arith.constant 0 : index
    %get3A_21 = arith.constant 0 : index
    %get3A_22 = vector.load %arg6[%get3A_19, %get3A_20, %get3A_21] : memref<1x1x1024xf32, #tpu.memory_space<vmem>>, vector<1x1x1024xf32>
    %get3A_23 = vector.shape_cast %get3A_22 : vector<1x1x1024xf32> to vector<1x1024xf32>
    %transpose3A = tpu.transpose %get3A_23, [1, 0] : vector<1x1024xf32> -> vector<1024x1xf32>
    %get3A_24 = arith.constant 0 : index
    %get3A_25 = arith.constant 0 : index
    %get3A_26 = arith.constant 0 : index
    %get3A_27 = vector.load %arg7[%get3A_24, %get3A_25, %get3A_26] : memref<1x1x1024xf32, #tpu.memory_space<vmem>>, vector<1x1x1024xf32>
    %get3A_28 = vector.shape_cast %get3A_27 : vector<1x1x1024xf32> to vector<1x1024xf32>
    %transpose3A_29 = tpu.transpose %get3A_28, [1, 0] : vector<1x1024xf32> -> vector<1024x1xf32>
    %max3A = arith.maximumf %get3A_13, %get3A_18 : vector<1x4096xf32>
    %sub3A = arith.subf %get3A_13, %max3A : vector<1x4096xf32>
    %exp3A = math.exp %sub3A : vector<1x4096xf32>
    %sub3A_30 = arith.subf %get3A_18, %max3A : vector<1x4096xf32>
    %exp3A_31 = math.exp %sub3A_30 : vector<1x4096xf32>
    %add3A = arith.addf %exp3A, %exp3A_31 : vector<1x4096xf32>
    %log3A = math.log %add3A : vector<1x4096xf32>
    %add3A_32 = arith.addf %max3A, %log3A : vector<1x4096xf32>
    %sub3A_33 = arith.subf %get3A_13, %add3A_32 : vector<1x4096xf32>
    %exp3A_34 = math.exp %sub3A_33 : vector<1x4096xf32>
    %eq3A = arith.constant 0 : i32
    %eq3A_35 = arith.cmpi eq, %arg1, %eq3A : i32
    %convert_element_type3A = arith.extui %eq3A_35 : i1 to i32
    %cond3A = arith.constant 0 : i32
    %cond3A_36 = arith.cmpi ne, %convert_element_type3A, %cond3A : i32
    scf.if %cond3A_36 {
      %sub3A_1010 = arith.subf %get3A_13, %add3A_32 : vector<1x4096xf32>
      %swap3A_1011 = arith.constant 0 : index
      %swap3A_1012 = arith.constant 0 : index
      %swap3A_1013 = arith.constant 0 : index
      %swap3A_1014 = vector.load %arg9[%swap3A_1011, %swap3A_1012, %swap3A_1013] : memref<1x1x4096xf32, #tpu.memory_space<vmem>>, vector<1x1x4096xf32>
      %swap3A_1015 = vector.shape_cast %swap3A_1014 : vector<1x1x4096xf32> to vector<1x4096xf32>
      %swap3A_1016 = vector.shape_cast %sub3A_1010 : vector<1x4096xf32> to vector<1x1x4096xf32>
      tpu.vector_store %arg9[%swap3A_1011, %swap3A_1012, %swap3A_1013], %swap3A_1016 {strides = array<i32>} : memref<1x1x4096xf32, #tpu.memory_space<vmem>>, vector<1x1x4096xf32>,
      %sub3A_1017 = arith.subf %get3A_18, %add3A_32 : vector<1x4096xf32>
      %swap3A_1018 = arith.constant 0 : index
      %swap3A_1019 = arith.constant 0 : index
      %swap3A_1020 = arith.constant 0 : index
      %swap3A_1021 = vector.load %arg10[%swap3A_1018, %swap3A_1019, %swap3A_1020] : memref<1x1x4096xf32, #tpu.memory_space<vmem>>, vector<1x1x4096xf32>
      %swap3A_1022 = vector.shape_cast %swap3A_1021 : vector<1x1x4096xf32> to vector<1x4096xf32>
      %swap3A_1023 = vector.shape_cast %sub3A_1017 : vector<1x4096xf32> to vector<1x1x4096xf32>
      tpu.vector_store %arg10[%swap3A_1018, %swap3A_1019, %swap3A_1020], %swap3A_1023 {strides = array<i32>} : memref<1x1x4096xf32, #tpu.memory_space<vmem>>, vector<1x1x4096xf32>,
    } else {
    }
    %sub3A_37 = vector.broadcast %transpose3A : vector<1024x1xf32> to vector<1024x4096xf32>
    %sub3A_38 = vector.broadcast %get3A_3 : vector<1x4096xf32> to vector<1024x4096xf32>
    %sub3A_39 = arith.subf %sub3A_37, %sub3A_38 : vector<1024x4096xf32>
    %sub3A_40 = vector.broadcast %transpose3A_29 : vector<1024x1xf32> to vector<1024x4096xf32>
    %sub3A_41 = vector.broadcast %get3A_8 : vector<1x4096xf32> to vector<1024x4096xf32>
    %sub3A_42 = arith.subf %sub3A_40, %sub3A_41 : vector<1024x4096xf32>
    %mul3A = arith.mulf %sub3A_39, %sub3A_39 : vector<1024x4096xf32>
    %mul3A_43 = arith.mulf %sub3A_42, %sub3A_42 : vector<1024x4096xf32>
    %add3A_44 = arith.addf %mul3A, %mul3A_43 : vector<1024x4096xf32>
    %sqrt3A = math.sqrt %add3A_44 : vector<1024x4096xf32>
    %mul3A_45 = arith.constant 1.000000e-01 : f32
    %mul3A_46 = vector.broadcast %mul3A_45 : f32 to vector<1024x4096xf32>
    %mul3A_47 = arith.mulf %mul3A_46, %sqrt3A : vector<1024x4096xf32>
    %sub3A_48 = vector.broadcast %exp3A_34 : vector<1x4096xf32> to vector<1024x4096xf32>
    %sub3A_49 = arith.subf %mul3A_47, %sub3A_48 : vector<1024x4096xf32>
    %broadcast_in_dim3A = arith.constant 1.000000e+30 : f32
    %broadcast_in_dim3A_50 = vector.broadcast %broadcast_in_dim3A : f32 to vector<1024x128xf32>
    %broadcast_in_dim3A_51 = arith.constant 1.000000e+30 : f32
    %broadcast_in_dim3A_52 = vector.broadcast %broadcast_in_dim3A_51 : f32 to vector<1024x128xf32>
    %broadcast_in_dim3A_53 = arith.constant 1.000000e+30 : f32
    %broadcast_in_dim3A_54 = vector.broadcast %broadcast_in_dim3A_53 : f32 to vector<1024x128xf32>
    %broadcast_in_dim3A_55 = arith.constant 1.000000e+30 : f32
    %broadcast_in_dim3A_56 = vector.broadcast %broadcast_in_dim3A_55 : f32 to vector<1024x128xf32>
    %broadcast_in_dim3A_57 = arith.constant 0 : i32
    %broadcast_in_dim3A_58 = vector.broadcast %broadcast_in_dim3A_57 : i32 to vector<1024x128xi32>
    %broadcast_in_dim3A_59 = arith.constant 0 : i32
    %broadcast_in_dim3A_60 = vector.broadcast %broadcast_in_dim3A_59 : i32 to vector<1024x128xi32>
    %broadcast_in_dim3A_61 = arith.constant 0 : i32
    %broadcast_in_dim3A_62 = vector.broadcast %broadcast_in_dim3A_61 : i32 to vector<1024x128xi32>
    %broadcast_in_dim3A_63 = arith.constant 0 : i32
    %broadcast_in_dim3A_64 = vector.broadcast %broadcast_in_dim3A_63 : i32 to vector<1024x128xi32>
    %slice3A = vector.extract_strided_slice %sub3A_49 {offsets = [0, 0], sizes = [1024, 128], strides = [1, 1]} : vector<1024x4096xf32> to vector<1024x128xf32>
    %lt3A = arith.cmpf olt, %slice3A, %broadcast_in_dim3A_50 : vector<1024x128xf32>
    %lt3A_65 = arith.cmpf olt, %slice3A, %broadcast_in_dim3A_52 : vector<1024x128xf32>
    %lt3A_66 = arith.cmpf olt, %slice3A, %broadcast_in_dim3A_54 : vector<1024x128xf32>
    %lt3A_67 = arith.cmpf olt, %slice3A, %broadcast_in_dim3A_56 : vector<1024x128xf32>
    %select_n3A = arith.select %lt3A_66, %broadcast_in_dim3A_54, %slice3A : vector<1024x128xi1>, vector<1024x128xf32>
    %select_n3A_68 = arith.select %lt3A_67, %select_n3A, %broadcast_in_dim3A_56 : vector<1024x128xi1>, vector<1024x128xf32>
    %jit3A = arith.constant 0 : i32
    %broadcast_in_dim3A_69 = vector.broadcast %jit3A : i32 to vector<1024x128xi32>
    %select_n3A_70 = arith.select %lt3A_66, %broadcast_in_dim3A_62, %broadcast_in_dim3A_69 : vector<1024x128xi1>, vector<1024x128xi32>
    %select_n3A_71 = arith.select %lt3A_67, %select_n3A_70, %broadcast_in_dim3A_64 : vector<1024x128xi1>, vector<1024x128xi32>
    %select_n3A_72 = arith.select %lt3A_65, %broadcast_in_dim3A_52, %slice3A : vector<1024x128xi1>, vector<1024x128xf32>
    %select_n3A_73 = arith.select %lt3A_66, %select_n3A_72, %broadcast_in_dim3A_54 : vector<1024x128xi1>, vector<1024x128xf32>
    %jit3A_74 = arith.constant 0 : i32
    %broadcast_in_dim3A_75 = vector.broadcast %jit3A_74 : i32 to vector<1024x128xi32>
    %select_n3A_76 = arith.select %lt3A_65, %broadcast_in_dim3A_60, %broadcast_in_dim3A_75 : vector<1024x128xi1>, vector<1024x128xi32>
    %select_n3A_77 = arith.select %lt3A_66, %select_n3A_76, %broadcast_in_dim3A_62 : vector<1024x128xi1>, vector<1024x128xi32>
    %select_n3A_78 = arith.select %lt3A, %broadcast_in_dim3A_50, %slice3A : vector<1024x128xi1>, vector<1024x128xf32>
    %select_n3A_79 = arith.select %lt3A_65, %select_n3A_78, %broadcast_in_dim3A_52 : vector<1024x128xi1>, vector<1024x128xf32>
    %jit3A_80 = arith.constant 0 : i32
    %broadcast_in_dim3A_81 = vector.broadcast %jit3A_80 : i32 to vector<1024x128xi32>
    %select_n3A_82 = arith.select %lt3A, %broadcast_in_dim3A_58, %broadcast_in_dim3A_81 : vector<1024x128xi1>, vector<1024x128xi32>
    %select_n3A_83 = arith.select %lt3A_65, %select_n3A_82, %broadcast_in_dim3A_60 : vector<1024x128xi1>, vector<1024x128xi32>
    %select_n3A_84 = arith.select %lt3A, %slice3A, %broadcast_in_dim3A_50 : vector<1024x128xi1>, vector<1024x128xf32>
    %jit3A_85 = arith.constant 0 : i32
    %broadcast_in_dim3A_86 = vector.broadcast %jit3A_85 : i32 to vector<1024x128xi32>
    %select_n3A_87 = arith.select %lt3A, %broadcast_in_dim3A_86, %broadcast_in_dim3A_58 : vector<1024x128xi1>, vector<1024x128xi32>
    %slice3A_88 = vector.extract_strided_slice %sub3A_49 {offsets = [0, 128], sizes = [1024, 128], strides = [1, 1]} : vector<1024x4096xf32> to vector<1024x128xf32>
    %lt3A_89 = arith.cmpf olt, %slice3A_88, %select_n3A_84 : vector<1024x128xf32>
    %lt3A_90 = arith.cmpf olt, %slice3A_88, %select_n3A_79 : vector<1024x128xf32>
    %lt3A_91 = arith.cmpf olt, %slice3A_88, %select_n3A_73 : vector<1024x128xf32>
    %lt3A_92 = arith.cmpf olt, %slice3A_88, %select_n3A_68 : vector<1024x128xf32>
    %select_n3A_93 = arith.select %lt3A_91, %select_n3A_73, %slice3A_88 : vector<1024x128xi1>, vector<1024x128xf32>
    %select_n3A_94 = arith.select %lt3A_92, %select_n3A_93, %select_n3A_68 : vector<1024x128xi1>, vector<1024x128xf32>
    %jit3A_95 = arith.constant 1 : i32
    %broadcast_in_dim3A_96 = vector.broadcast %jit3A_95 : i32 to vector<1024x128xi32>
    %select_n3A_97 = arith.select %lt3A_91, %select_n3A_77, %broadcast_in_dim3A_96 : vector<1024x128xi1>, vector<1024x128xi32>
    %select_n3A_98 = arith.select %lt3A_92, %select_n3A_97, %select_n3A_71 : vector<1024x128xi1>, vector<1024x128xi32>
    %select_n3A_99 = arith.select %lt3A_90, %select_n3A_79, %slice3A_88 : vector<1024x128xi1>, vector<1024x128xf32>
    %select_n3A_100 = arith.select %lt3A_91, %select_n3A_99, %select_n3A_73 : vector<1024x128xi1>, vector<1024x128xf32>
    %jit3A_101 = arith.constant 1 : i32
    %broadcast_in_dim3A_102 = vector.broadcast %jit3A_101 : i32 to vector<1024x128xi32>
    %select_n3A_103 = arith.select %lt3A_90, %select_n3A_83, %broadcast_in_dim3A_102 : vector<1024x128xi1>, vector<1024x128xi32>
    %select_n3A_104 = arith.select %lt3A_91, %select_n3A_103, %select_n3A_77 : vector<1024x128xi1>, vector<1024x128xi32>
    %select_n3A_105 = arith.select %lt3A_89, %select_n3A_84, %slice3A_88 : vector<1024x128xi1>, vector<1024x128xf32>
    %select_n3A_106 = arith.select %lt3A_90, %select_n3A_105, %select_n3A_79 : vector<1024x128xi1>, vector<1024x128xf32>
    %jit3A_107 = arith.constant 1 : i32
    %broadcast_in_dim3A_108 = vector.broadcast %jit3A_107 : i32 to vector<1024x128xi32>
    %select_n3A_109 = arith.select %lt3A_89, %select_n3A_87, %broadcast_in_dim3A_108 : vector<1024x128xi1>, vector<1024x128xi32>
    %select_n3A_110 = arith.select %lt3A_90, %select_n3A_109, %select_n3A_83 : vector<1024x128xi1>, vector<1024x128xi32>
    %select_n3A_111 = arith.select %lt3A_89, %slice3A_88, %select_n3A_84 : vector<1024x128xi1>, vector<1024x128xf32>
    %jit3A_112 = arith.constant 1 : i32
    %broadcast_in_dim3A_113 = vector.broadcast %jit3A_112 : i32 to vector<1024x128xi32>
    %select_n3A_114 = arith.select %lt3A_89, %broadcast_in_dim3A_113, %select_n3A_87 : vector<1024x128xi1>, vector<1024x128xi32>
    %slice3A_115 = vector.extract_strided_slice %sub3A_49 {offsets = [0, 256], sizes = [1024, 128], strides = [1, 1]} : vector<1024x4096xf32> to vector<1024x128xf32>
    %lt3A_116 = arith.cmpf olt, %slice3A_115, %select_n3A_111 : vector<1024x128xf32>
    %lt3A_117 = arith.cmpf olt, %slice3A_115, %select_n3A_106 : vector<1024x128xf32>
    %lt3A_118 = arith.cmpf olt, %slice3A_115, %select_n3A_100 : vector<1024x128xf32>
    %lt3A_119 = arith.cmpf olt, %slice3A_115, %select_n3A_94 : vector<1024x128xf32>
    %select_n3A_120 = arith.select %lt3A_118, %select_n3A_100, %slice3A_115 : vector<1024x128xi1>, vector<1024x128xf32>
    %select_n3A_121 = arith.select %lt3A_119, %select_n3A_120, %select_n3A_94 : vector<1024x128xi1>, vector<1024x128xf32>
    %jit3A_122 = arith.constant 2 : i32
    %broadcast_in_dim3A_123 = vector.broadcast %jit3A_122 : i32 to vector<1024x128xi32>
    %select_n3A_124 = arith.select %lt3A_118, %select_n3A_104, %broadcast_in_dim3A_123 : vector<1024x128xi1>, vector<1024x128xi32>
    %select_n3A_125 = arith.select %lt3A_119, %select_n3A_124, %select_n3A_98 : vector<1024x128xi1>, vector<1024x128xi32>
    %select_n3A_126 = arith.select %lt3A_117, %select_n3A_106, %slice3A_115 : vector<1024x128xi1>, vector<1024x128xf32>
    %select_n3A_127 = arith.select %lt3A_118, %select_n3A_126, %select_n3A_100 : vector<1024x128xi1>, vector<1024x128xf32>
    %jit3A_128 = arith.constant 2 : i32
    %broadcast_in_dim3A_129 = vector.broadcast %jit3A_128 : i32 to vector<1024x128xi32>
    %select_n3A_130 = arith.select %lt3A_117, %select_n3A_110, %broadcast_in_dim3A_129 : vector<1024x128xi1>, vector<1024x128xi32>
    %select_n3A_131 = arith.select %lt3A_118, %select_n3A_130, %select_n3A_104 : vector<1024x128xi1>, vector<1024x128xi32>
    %select_n3A_132 = arith.select %lt3A_116, %select_n3A_111, %slice3A_115 : vector<1024x128xi1>, vector<1024x128xf32>
    %select_n3A_133 = arith.select %lt3A_117, %select_n3A_132, %select_n3A_106 : vector<1024x128xi1>, vector<1024x128xf32>
    %jit3A_134 = arith.constant 2 : i32
    %broadcast_in_dim3A_135 = vector.broadcast %jit3A_134 : i32 to vector<1024x128xi32>
    %select_n3A_136 = arith.select %lt3A_116, %select_n3A_114, %broadcast_in_dim3A_135 : vector<1024x128xi1>, vector<1024x128xi32>
    %select_n3A_137 = arith.select %lt3A_117, %select_n3A_136, %select_n3A_110 : vector<1024x128xi1>, vector<1024x128xi32>
    %select_n3A_138 = arith.select %lt3A_116, %slice3A_115, %select_n3A_111 : vector<1024x128xi1>, vector<1024x128xf32>
    %jit3A_139 = arith.constant 2 : i32
    %broadcast_in_dim3A_140 = vector.broadcast %jit3A_139 : i32 to vector<1024x128xi32>
    %select_n3A_141 = arith.select %lt3A_116, %broadcast_in_dim3A_140, %select_n3A_114 : vector<1024x128xi1>, vector<1024x128xi32>
    %slice3A_142 = vector.extract_strided_slice %sub3A_49 {offsets = [0, 384], sizes = [1024, 128], strides = [1, 1]} : vector<1024x4096xf32> to vector<1024x128xf32>
    %lt3A_143 = arith.cmpf olt, %slice3A_142, %select_n3A_138 : vector<1024x128xf32>
    %lt3A_144 = arith.cmpf olt, %slice3A_142, %select_n3A_133 : vector<1024x128xf32>
    %lt3A_145 = arith.cmpf olt, %slice3A_142, %select_n3A_127 : vector<1024x128xf32>
    %lt3A_146 = arith.cmpf olt, %slice3A_142, %select_n3A_121 : vector<1024x128xf32>
    %select_n3A_147 = arith.select %lt3A_145, %select_n3A_127, %slice3A_142 : vector<1024x128xi1>, vector<1024x128xf32>
    %select_n3A_148 = arith.select %lt3A_146, %select_n3A_147, %select_n3A_121 : vector<1024x128xi1>, vector<1024x128xf32>
    %jit3A_149 = arith.constant 3 : i32
    %broadcast_in_dim3A_150 = vector.broadcast %jit3A_149 : i32 to vector<1024x128xi32>
    %select_n3A_151 = arith.select %lt3A_145, %select_n3A_131, %broadcast_in_dim3A_150 : vector<1024x128xi1>, vector<1024x128xi32>
    %select_n3A_152 = arith.select %lt3A_146, %select_n3A_151, %select_n3A_125 : vector<1024x128xi1>, vector<1024x128xi32>
    %select_n3A_153 = arith.select %lt3A_144, %select_n3A_133, %slice3A_142 : vector<1024x128xi1>, vector<1024x128xf32>
    %select_n3A_154 = arith.select %lt3A_145, %select_n3A_153, %select_n3A_127 : vector<1024x128xi1>, vector<1024x128xf32>
    %jit3A_155 = arith.constant 3 : i32
    %broadcast_in_dim3A_156 = vector.broadcast %jit3A_155 : i32 to vector<1024x128xi32>
    %select_n3A_157 = arith.select %lt3A_144, %select_n3A_137, %broadcast_in_dim3A_156 : vector<1024x128xi1>, vector<1024x128xi32>
    %select_n3A_158 = arith.select %lt3A_145, %select_n3A_157, %select_n3A_131 : vector<1024x128xi1>, vector<1024x128xi32>
    %select_n3A_159 = arith.select %lt3A_143, %select_n3A_138, %slice3A_142 : vector<1024x128xi1>, vector<1024x128xf32>
    %select_n3A_160 = arith.select %lt3A_144, %select_n3A_159, %select_n3A_133 : vector<1024x128xi1>, vector<1024x128xf32>
    %jit3A_161 = arith.constant 3 : i32
    %broadcast_in_dim3A_162 = vector.broadcast %jit3A_161 : i32 to vector<1024x128xi32>
    %select_n3A_163 = arith.select %lt3A_143, %select_n3A_141, %broadcast_in_dim3A_162 : vector<1024x128xi1>, vector<1024x128xi32>
    %select_n3A_164 = arith.select %lt3A_144, %select_n3A_163, %select_n3A_137 : vector<1024x128xi1>, vector<1024x128xi32>
    %select_n3A_165 = arith.select %lt3A_143, %slice3A_142, %select_n3A_138 : vector<1024x128xi1>, vector<1024x128xf32>
    %jit3A_166 = arith.constant 3 : i32
    %broadcast_in_dim3A_167 = vector.broadcast %jit3A_166 : i32 to vector<1024x128xi32>
    %select_n3A_168 = arith.select %lt3A_143, %broadcast_in_dim3A_167, %select_n3A_141 : vector<1024x128xi1>, vector<1024x128xi32>
    %slice3A_169 = vector.extract_strided_slice %sub3A_49 {offsets = [0, 512], sizes = [1024, 128], strides = [1, 1]} : vector<1024x4096xf32> to vector<1024x128xf32>
    %lt3A_170 = arith.cmpf olt, %slice3A_169, %select_n3A_165 : vector<1024x128xf32>
    %lt3A_171 = arith.cmpf olt, %slice3A_169, %select_n3A_160 : vector<1024x128xf32>
    %lt3A_172 = arith.cmpf olt, %slice3A_169, %select_n3A_154 : vector<1024x128xf32>
    %lt3A_173 = arith.cmpf olt, %slice3A_169, %select_n3A_148 : vector<1024x128xf32>
    %select_n3A_174 = arith.select %lt3A_172, %select_n3A_154, %slice3A_169 : vector<1024x128xi1>, vector<1024x128xf32>
    %select_n3A_175 = arith.select %lt3A_173, %select_n3A_174, %select_n3A_148 : vector<1024x128xi1>, vector<1024x128xf32>
    %jit3A_176 = arith.constant 4 : i32
    %broadcast_in_dim3A_177 = vector.broadcast %jit3A_176 : i32 to vector<1024x128xi32>
    %select_n3A_178 = arith.select %lt3A_172, %select_n3A_158, %broadcast_in_dim3A_177 : vector<1024x128xi1>, vector<1024x128xi32>
    %select_n3A_179 = arith.select %lt3A_173, %select_n3A_178, %select_n3A_152 : vector<1024x128xi1>, vector<1024x128xi32>
    %select_n3A_180 = arith.select %lt3A_171, %select_n3A_160, %slice3A_169 : vector<1024x128xi1>, vector<1024x128xf32>
    %select_n3A_181 = arith.select %lt3A_172, %select_n3A_180, %select_n3A_154 : vector<1024x128xi1>, vector<1024x128xf32>
    %jit3A_182 = arith.constant 4 : i32
    %broadcast_in_dim3A_183 = vector.broadcast %jit3A_182 : i32 to vector<1024x128xi32>
    %select_n3A_184 = arith.select %lt3A_171, %select_n3A_164, %broadcast_in_dim3A_183 : vector<1024x128xi1>, vector<1024x128xi32>
    %select_n3A_185 = arith.select %lt3A_172, %select_n3A_184, %select_n3A_158 : vector<1024x128xi1>, vector<1024x128xi32>
    %select_n3A_186 = arith.select %lt3A_170, %select_n3A_165, %slice3A_169 : vector<1024x128xi1>, vector<1024x128xf32>
    %select_n3A_187 = arith.select %lt3A_171, %select_n3A_186, %select_n3A_160 : vector<1024x128xi1>, vector<1024x128xf32>
    %jit3A_188 = arith.constant 4 : i32
    %broadcast_in_dim3A_189 = vector.broadcast %jit3A_188 : i32 to vector<1024x128xi32>
    %select_n3A_190 = arith.select %lt3A_170, %select_n3A_168, %broadcast_in_dim3A_189 : vector<1024x128xi1>, vector<1024x128xi32>
    %select_n3A_191 = arith.select %lt3A_171, %select_n3A_190, %select_n3A_164 : vector<1024x128xi1>, vector<1024x128xi32>
    %select_n3A_192 = arith.select %lt3A_170, %slice3A_169, %select_n3A_165 : vector<1024x128xi1>, vector<1024x128xf32>
    %jit3A_193 = arith.constant 4 : i32
    %broadcast_in_dim3A_194 = vector.broadcast %jit3A_193 : i32 to vector<1024x128xi32>
    %select_n3A_195 = arith.select %lt3A_170, %broadcast_in_dim3A_194, %select_n3A_168 : vector<1024x128xi1>, vector<1024x128xi32>
    %slice3A_196 = vector.extract_strided_slice %sub3A_49 {offsets = [0, 640], sizes = [1024, 128], strides = [1, 1]} : vector<1024x4096xf32> to vector<1024x128xf32>
    %lt3A_197 = arith.cmpf olt, %slice3A_196, %select_n3A_192 : vector<1024x128xf32>
    %lt3A_198 = arith.cmpf olt, %slice3A_196, %select_n3A_187 : vector<1024x128xf32>
    %lt3A_199 = arith.cmpf olt, %slice3A_196, %select_n3A_181 : vector<1024x128xf32>
    %lt3A_200 = arith.cmpf olt, %slice3A_196, %select_n3A_175 : vector<1024x128xf32>
    %select_n3A_201 = arith.select %lt3A_199, %select_n3A_181, %slice3A_196 : vector<1024x128xi1>, vector<1024x128xf32>
    %select_n3A_202 = arith.select %lt3A_200, %select_n3A_201, %select_n3A_175 : vector<1024x128xi1>, vector<1024x128xf32>
    %jit3A_203 = arith.constant 5 : i32
    %broadcast_in_dim3A_204 = vector.broadcast %jit3A_203 : i32 to vector<1024x128xi32>
    %select_n3A_205 = arith.select %lt3A_199, %select_n3A_185, %broadcast_in_dim3A_204 : vector<1024x128xi1>, vector<1024x128xi32>
    %select_n3A_206 = arith.select %lt3A_200, %select_n3A_205, %select_n3A_179 : vector<1024x128xi1>, vector<1024x128xi32>
    %select_n3A_207 = arith.select %lt3A_198, %select_n3A_187, %slice3A_196 : vector<1024x128xi1>, vector<1024x128xf32>
    %select_n3A_208 = arith.select %lt3A_199, %select_n3A_207, %select_n3A_181 : vector<1024x128xi1>, vector<1024x128xf32>
    %jit3A_209 = arith.constant 5 : i32
    %broadcast_in_dim3A_210 = vector.broadcast %jit3A_209 : i32 to vector<1024x128xi32>
    %select_n3A_211 = arith.select %lt3A_198, %select_n3A_191, %broadcast_in_dim3A_210 : vector<1024x128xi1>, vector<1024x128xi32>
    %select_n3A_212 = arith.select %lt3A_199, %select_n3A_211, %select_n3A_185 : vector<1024x128xi1>, vector<1024x128xi32>
    %select_n3A_213 = arith.select %lt3A_197, %select_n3A_192, %slice3A_196 : vector<1024x128xi1>, vector<1024x128xf32>
    %select_n3A_214 = arith.select %lt3A_198, %select_n3A_213, %select_n3A_187 : vector<1024x128xi1>, vector<1024x128xf32>
    %jit3A_215 = arith.constant 5 : i32
    %broadcast_in_dim3A_216 = vector.broadcast %jit3A_215 : i32 to vector<1024x128xi32>
    %select_n3A_217 = arith.select %lt3A_197, %select_n3A_195, %broadcast_in_dim3A_216 : vector<1024x128xi1>, vector<1024x128xi32>
    %select_n3A_218 = arith.select %lt3A_198, %select_n3A_217, %select_n3A_191 : vector<1024x128xi1>, vector<1024x128xi32>
    %select_n3A_219 = arith.select %lt3A_197, %slice3A_196, %select_n3A_192 : vector<1024x128xi1>, vector<1024x128xf32>
    %jit3A_220 = arith.constant 5 : i32
    %broadcast_in_dim3A_221 = vector.broadcast %jit3A_220 : i32 to vector<1024x128xi32>
    %select_n3A_222 = arith.select %lt3A_197, %broadcast_in_dim3A_221, %select_n3A_195 : vector<1024x128xi1>, vector<1024x128xi32>
    %slice3A_223 = vector.extract_strided_slice %sub3A_49 {offsets = [0, 768], sizes = [1024, 128], strides = [1, 1]} : vector<1024x4096xf32> to vector<1024x128xf32>
    %lt3A_224 = arith.cmpf olt, %slice3A_223, %select_n3A_219 : vector<1024x128xf32>
    %lt3A_225 = arith.cmpf olt, %slice3A_223, %select_n3A_214 : vector<1024x128xf32>
    %lt3A_226 = arith.cmpf olt, %slice3A_223, %select_n3A_208 : vector<1024x128xf32>
    %lt3A_227 = arith.cmpf olt, %slice3A_223, %select_n3A_202 : vector<1024x128xf32>
    %select_n3A_228 = arith.select %lt3A_226, %select_n3A_208, %slice3A_223 : vector<1024x128xi1>, vector<1024x128xf32>
    %select_n3A_229 = arith.select %lt3A_227, %select_n3A_228, %select_n3A_202 : vector<1024x128xi1>, vector<1024x128xf32>
    %jit3A_230 = arith.constant 6 : i32
    %broadcast_in_dim3A_231 = vector.broadcast %jit3A_230 : i32 to vector<1024x128xi32>
    %select_n3A_232 = arith.select %lt3A_226, %select_n3A_212, %broadcast_in_dim3A_231 : vector<1024x128xi1>, vector<1024x128xi32>
    %select_n3A_233 = arith.select %lt3A_227, %select_n3A_232, %select_n3A_206 : vector<1024x128xi1>, vector<1024x128xi32>
    %select_n3A_234 = arith.select %lt3A_225, %select_n3A_214, %slice3A_223 : vector<1024x128xi1>, vector<1024x128xf32>
    %select_n3A_235 = arith.select %lt3A_226, %select_n3A_234, %select_n3A_208 : vector<1024x128xi1>, vector<1024x128xf32>
    %jit3A_236 = arith.constant 6 : i32
    %broadcast_in_dim3A_237 = vector.broadcast %jit3A_236 : i32 to vector<1024x128xi32>
    %select_n3A_238 = arith.select %lt3A_225, %select_n3A_218, %broadcast_in_dim3A_237 : vector<1024x128xi1>, vector<1024x128xi32>
    %select_n3A_239 = arith.select %lt3A_226, %select_n3A_238, %select_n3A_212 : vector<1024x128xi1>, vector<1024x128xi32>
    %select_n3A_240 = arith.select %lt3A_224, %select_n3A_219, %slice3A_223 : vector<1024x128xi1>, vector<1024x128xf32>
    %select_n3A_241 = arith.select %lt3A_225, %select_n3A_240, %select_n3A_214 : vector<1024x128xi1>, vector<1024x128xf32>
    %jit3A_242 = arith.constant 6 : i32
    %broadcast_in_dim3A_243 = vector.broadcast %jit3A_242 : i32 to vector<1024x128xi32>
    %select_n3A_244 = arith.select %lt3A_224, %select_n3A_222, %broadcast_in_dim3A_243 : vector<1024x128xi1>, vector<1024x128xi32>
    %select_n3A_245 = arith.select %lt3A_225, %select_n3A_244, %select_n3A_218 : vector<1024x128xi1>, vector<1024x128xi32>
    %select_n3A_246 = arith.select %lt3A_224, %slice3A_223, %select_n3A_219 : vector<1024x128xi1>, vector<1024x128xf32>
    %jit3A_247 = arith.constant 6 : i32
    %broadcast_in_dim3A_248 = vector.broadcast %jit3A_247 : i32 to vector<1024x128xi32>
    %select_n3A_249 = arith.select %lt3A_224, %broadcast_in_dim3A_248, %select_n3A_222 : vector<1024x128xi1>, vector<1024x128xi32>
    %slice3A_250 = vector.extract_strided_slice %sub3A_49 {offsets = [0, 896], sizes = [1024, 128], strides = [1, 1]} : vector<1024x4096xf32> to vector<1024x128xf32>
    %lt3A_251 = arith.cmpf olt, %slice3A_250, %select_n3A_246 : vector<1024x128xf32>
    %lt3A_252 = arith.cmpf olt, %slice3A_250, %select_n3A_241 : vector<1024x128xf32>
    %lt3A_253 = arith.cmpf olt, %slice3A_250, %select_n3A_235 : vector<1024x128xf32>
    %lt3A_254 = arith.cmpf olt, %slice3A_250, %select_n3A_229 : vector<1024x128xf32>
    %select_n3A_255 = arith.select %lt3A_253, %select_n3A_235, %slice3A_250 : vector<1024x128xi1>, vector<1024x128xf32>
    %select_n3A_256 = arith.select %lt3A_254, %select_n3A_255, %select_n3A_229 : vector<1024x128xi1>, vector<1024x128xf32>
    %jit3A_257 = arith.constant 7 : i32
    %broadcast_in_dim3A_258 = vector.broadcast %jit3A_257 : i32 to vector<1024x128xi32>
    %select_n3A_259 = arith.select %lt3A_253, %select_n3A_239, %broadcast_in_dim3A_258 : vector<1024x128xi1>, vector<1024x128xi32>
    %select_n3A_260 = arith.select %lt3A_254, %select_n3A_259, %select_n3A_233 : vector<1024x128xi1>, vector<1024x128xi32>
    %select_n3A_261 = arith.select %lt3A_252, %select_n3A_241, %slice3A_250 : vector<1024x128xi1>, vector<1024x128xf32>
    %select_n3A_262 = arith.select %lt3A_253, %select_n3A_261, %select_n3A_235 : vector<1024x128xi1>, vector<1024x128xf32>
    %jit3A_263 = arith.constant 7 : i32
    %broadcast_in_dim3A_264 = vector.broadcast %jit3A_263 : i32 to vector<1024x128xi32>
    %select_n3A_265 = arith.select %lt3A_252, %select_n3A_245, %broadcast_in_dim3A_264 : vector<1024x128xi1>, vector<1024x128xi32>
    %select_n3A_266 = arith.select %lt3A_253, %select_n3A_265, %select_n3A_239 : vector<1024x128xi1>, vector<1024x128xi32>
    %select_n3A_267 = arith.select %lt3A_251, %select_n3A_246, %slice3A_250 : vector<1024x128xi1>, vector<1024x128xf32>
    %select_n3A_268 = arith.select %lt3A_252, %select_n3A_267, %select_n3A_241 : vector<1024x128xi1>, vector<1024x128xf32>
    %jit3A_269 = arith.constant 7 : i32
    %broadcast_in_dim3A_270 = vector.broadcast %jit3A_269 : i32 to vector<1024x128xi32>
    %select_n3A_271 = arith.select %lt3A_251, %select_n3A_249, %broadcast_in_dim3A_270 : vector<1024x128xi1>, vector<1024x128xi32>
    %select_n3A_272 = arith.select %lt3A_252, %select_n3A_271, %select_n3A_245 : vector<1024x128xi1>, vector<1024x128xi32>
    %select_n3A_273 = arith.select %lt3A_251, %slice3A_250, %select_n3A_246 : vector<1024x128xi1>, vector<1024x128xf32>
    %jit3A_274 = arith.constant 7 : i32
    %broadcast_in_dim3A_275 = vector.broadcast %jit3A_274 : i32 to vector<1024x128xi32>
    %select_n3A_276 = arith.select %lt3A_251, %broadcast_in_dim3A_275, %select_n3A_249 : vector<1024x128xi1>, vector<1024x128xi32>
    %slice3A_277 = vector.extract_strided_slice %sub3A_49 {offsets = [0, 1024], sizes = [1024, 128], strides = [1, 1]} : vector<1024x4096xf32> to vector<1024x128xf32>
    %lt3A_278 = arith.cmpf olt, %slice3A_277, %select_n3A_273 : vector<1024x128xf32>
    %lt3A_279 = arith.cmpf olt, %slice3A_277, %select_n3A_268 : vector<1024x128xf32>
    %lt3A_280 = arith.cmpf olt, %slice3A_277, %select_n3A_262 : vector<1024x128xf32>
    %lt3A_281 = arith.cmpf olt, %slice3A_277, %select_n3A_256 : vector<1024x128xf32>
    %select_n3A_282 = arith.select %lt3A_280, %select_n3A_262, %slice3A_277 : vector<1024x128xi1>, vector<1024x128xf32>
    %select_n3A_283 = arith.select %lt3A_281, %select_n3A_282, %select_n3A_256 : vector<1024x128xi1>, vector<1024x128xf32>
    %jit3A_284 = arith.constant 8 : i32
    %broadcast_in_dim3A_285 = vector.broadcast %jit3A_284 : i32 to vector<1024x128xi32>
    %select_n3A_286 = arith.select %lt3A_280, %select_n3A_266, %broadcast_in_dim3A_285 : vector<1024x128xi1>, vector<1024x128xi32>
    %select_n3A_287 = arith.select %lt3A_281, %select_n3A_286, %select_n3A_260 : vector<1024x128xi1>, vector<1024x128xi32>
    %select_n3A_288 = arith.select %lt3A_279, %select_n3A_268, %slice3A_277 : vector<1024x128xi1>, vector<1024x128xf32>
    %select_n3A_289 = arith.select %lt3A_280, %select_n3A_288, %select_n3A_262 : vector<1024x128xi1>, vector<1024x128xf32>
    %jit3A_290 = arith.constant 8 : i32
    %broadcast_in_dim3A_291 = vector.broadcast %jit3A_290 : i32 to vector<1024x128xi32>
    %select_n3A_292 = arith.select %lt3A_279, %select_n3A_272, %broadcast_in_dim3A_291 : vector<1024x128xi1>, vector<1024x128xi32>
    %select_n3A_293 = arith.select %lt3A_280, %select_n3A_292, %select_n3A_266 : vector<1024x128xi1>, vector<1024x128xi32>
    %select_n3A_294 = arith.select %lt3A_278, %select_n3A_273, %slice3A_277 : vector<1024x128xi1>, vector<1024x128xf32>
    %select_n3A_295 = arith.select %lt3A_279, %select_n3A_294, %select_n3A_268 : vector<1024x128xi1>, vector<1024x128xf32>
    %jit3A_296 = arith.constant 8 : i32
    %broadcast_in_dim3A_297 = vector.broadcast %jit3A_296 : i32 to vector<1024x128xi32>
    %select_n3A_298 = arith.select %lt3A_278, %select_n3A_276, %broadcast_in_dim3A_297 : vector<1024x128xi1>, vector<1024x128xi32>
    %select_n3A_299 = arith.select %lt3A_279, %select_n3A_298, %select_n3A_272 : vector<1024x128xi1>, vector<1024x128xi32>
    %select_n3A_300 = arith.select %lt3A_278, %slice3A_277, %select_n3A_273 : vector<1024x128xi1>, vector<1024x128xf32>
    %jit3A_301 = arith.constant 8 : i32
    %broadcast_in_dim3A_302 = vector.broadcast %jit3A_301 : i32 to vector<1024x128xi32>
    %select_n3A_303 = arith.select %lt3A_278, %broadcast_in_dim3A_302, %select_n3A_276 : vector<1024x128xi1>, vector<1024x128xi32>
    %slice3A_304 = vector.extract_strided_slice %sub3A_49 {offsets = [0, 1152], sizes = [1024, 128], strides = [1, 1]} : vector<1024x4096xf32> to vector<1024x128xf32>
    %lt3A_305 = arith.cmpf olt, %slice3A_304, %select_n3A_300 : vector<1024x128xf32>
    %lt3A_306 = arith.cmpf olt, %slice3A_304, %select_n3A_295 : vector<1024x128xf32>
    %lt3A_307 = arith.cmpf olt, %slice3A_304, %select_n3A_289 : vector<1024x128xf32>
    %lt3A_308 = arith.cmpf olt, %slice3A_304, %select_n3A_283 : vector<1024x128xf32>
    %select_n3A_309 = arith.select %lt3A_307, %select_n3A_289, %slice3A_304 : vector<1024x128xi1>, vector<1024x128xf32>
    %select_n3A_310 = arith.select %lt3A_308, %select_n3A_309, %select_n3A_283 : vector<1024x128xi1>, vector<1024x128xf32>
    %jit3A_311 = arith.constant 9 : i32
    %broadcast_in_dim3A_312 = vector.broadcast %jit3A_311 : i32 to vector<1024x128xi32>
    %select_n3A_313 = arith.select %lt3A_307, %select_n3A_293, %broadcast_in_dim3A_312 : vector<1024x128xi1>, vector<1024x128xi32>
    %select_n3A_314 = arith.select %lt3A_308, %select_n3A_313, %select_n3A_287 : vector<1024x128xi1>, vector<1024x128xi32>
    %select_n3A_315 = arith.select %lt3A_306, %select_n3A_295, %slice3A_304 : vector<1024x128xi1>, vector<1024x128xf32>
    %select_n3A_316 = arith.select %lt3A_307, %select_n3A_315, %select_n3A_289 : vector<1024x128xi1>, vector<1024x128xf32>
    %jit3A_317 = arith.constant 9 : i32
    %broadcast_in_dim3A_318 = vector.broadcast %jit3A_317 : i32 to vector<1024x128xi32>
    %select_n3A_319 = arith.select %lt3A_306, %select_n3A_299, %broadcast_in_dim3A_318 : vector<1024x128xi1>, vector<1024x128xi32>
    %select_n3A_320 = arith.select %lt3A_307, %select_n3A_319, %select_n3A_293 : vector<1024x128xi1>, vector<1024x128xi32>
    %select_n3A_321 = arith.select %lt3A_305, %select_n3A_300, %slice3A_304 : vector<1024x128xi1>, vector<1024x128xf32>
    %select_n3A_322 = arith.select %lt3A_306, %select_n3A_321, %select_n3A_295 : vector<1024x128xi1>, vector<1024x128xf32>
    %jit3A_323 = arith.constant 9 : i32
    %broadcast_in_dim3A_324 = vector.broadcast %jit3A_323 : i32 to vector<1024x128xi32>
    %select_n3A_325 = arith.select %lt3A_305, %select_n3A_303, %broadcast_in_dim3A_324 : vector<1024x128xi1>, vector<1024x128xi32>
    %select_n3A_326 = arith.select %lt3A_306, %select_n3A_325, %select_n3A_299 : vector<1024x128xi1>, vector<1024x128xi32>
    %select_n3A_327 = arith.select %lt3A_305, %slice3A_304, %select_n3A_300 : vector<1024x128xi1>, vector<1024x128xf32>
    %jit3A_328 = arith.constant 9 : i32
    %broadcast_in_dim3A_329 = vector.broadcast %jit3A_328 : i32 to vector<1024x128xi32>
    %select_n3A_330 = arith.select %lt3A_305, %broadcast_in_dim3A_329, %select_n3A_303 : vector<1024x128xi1>, vector<1024x128xi32>
    %slice3A_331 = vector.extract_strided_slice %sub3A_49 {offsets = [0, 1280], sizes = [1024, 128], strides = [1, 1]} : vector<1024x4096xf32> to vector<1024x128xf32>
    %lt3A_332 = arith.cmpf olt, %slice3A_331, %select_n3A_327 : vector<1024x128xf32>
    %lt3A_333 = arith.cmpf olt, %slice3A_331, %select_n3A_322 : vector<1024x128xf32>
    %lt3A_334 = arith.cmpf olt, %slice3A_331, %select_n3A_316 : vector<1024x128xf32>
    %lt3A_335 = arith.cmpf olt, %slice3A_331, %select_n3A_310 : vector<1024x128xf32>
    %select_n3A_336 = arith.select %lt3A_334, %select_n3A_316, %slice3A_331 : vector<1024x128xi1>, vector<1024x128xf32>
    %select_n3A_337 = arith.select %lt3A_335, %select_n3A_336, %select_n3A_310 : vector<1024x128xi1>, vector<1024x128xf32>
    %jit3A_338 = arith.constant 10 : i32
    %broadcast_in_dim3A_339 = vector.broadcast %jit3A_338 : i32 to vector<1024x128xi32>
    %select_n3A_340 = arith.select %lt3A_334, %select_n3A_320, %broadcast_in_dim3A_339 : vector<1024x128xi1>, vector<1024x128xi32>
    %select_n3A_341 = arith.select %lt3A_335, %select_n3A_340, %select_n3A_314 : vector<1024x128xi1>, vector<1024x128xi32>
    %select_n3A_342 = arith.select %lt3A_333, %select_n3A_322, %slice3A_331 : vector<1024x128xi1>, vector<1024x128xf32>
    %select_n3A_343 = arith.select %lt3A_334, %select_n3A_342, %select_n3A_316 : vector<1024x128xi1>, vector<1024x128xf32>
    %jit3A_344 = arith.constant 10 : i32
    %broadcast_in_dim3A_345 = vector.broadcast %jit3A_344 : i32 to vector<1024x128xi32>
    %select_n3A_346 = arith.select %lt3A_333, %select_n3A_326, %broadcast_in_dim3A_345 : vector<1024x128xi1>, vector<1024x128xi32>
    %select_n3A_347 = arith.select %lt3A_334, %select_n3A_346, %select_n3A_320 : vector<1024x128xi1>, vector<1024x128xi32>
    %select_n3A_348 = arith.select %lt3A_332, %select_n3A_327, %slice3A_331 : vector<1024x128xi1>, vector<1024x128xf32>
    %select_n3A_349 = arith.select %lt3A_333, %select_n3A_348, %select_n3A_322 : vector<1024x128xi1>, vector<1024x128xf32>
    %jit3A_350 = arith.constant 10 : i32
    %broadcast_in_dim3A_351 = vector.broadcast %jit3A_350 : i32 to vector<1024x128xi32>
    %select_n3A_352 = arith.select %lt3A_332, %select_n3A_330, %broadcast_in_dim3A_351 : vector<1024x128xi1>, vector<1024x128xi32>
    %select_n3A_353 = arith.select %lt3A_333, %select_n3A_352, %select_n3A_326 : vector<1024x128xi1>, vector<1024x128xi32>
    %select_n3A_354 = arith.select %lt3A_332, %slice3A_331, %select_n3A_327 : vector<1024x128xi1>, vector<1024x128xf32>
    %jit3A_355 = arith.constant 10 : i32
    %broadcast_in_dim3A_356 = vector.broadcast %jit3A_355 : i32 to vector<1024x128xi32>
    %select_n3A_357 = arith.select %lt3A_332, %broadcast_in_dim3A_356, %select_n3A_330 : vector<1024x128xi1>, vector<1024x128xi32>
    %slice3A_358 = vector.extract_strided_slice %sub3A_49 {offsets = [0, 1408], sizes = [1024, 128], strides = [1, 1]} : vector<1024x4096xf32> to vector<1024x128xf32>
    %lt3A_359 = arith.cmpf olt, %slice3A_358, %select_n3A_354 : vector<1024x128xf32>
    %lt3A_360 = arith.cmpf olt, %slice3A_358, %select_n3A_349 : vector<1024x128xf32>
    %lt3A_361 = arith.cmpf olt, %slice3A_358, %select_n3A_343 : vector<1024x128xf32>
    %lt3A_362 = arith.cmpf olt, %slice3A_358, %select_n3A_337 : vector<1024x128xf32>
    %select_n3A_363 = arith.select %lt3A_361, %select_n3A_343, %slice3A_358 : vector<1024x128xi1>, vector<1024x128xf32>
    %select_n3A_364 = arith.select %lt3A_362, %select_n3A_363, %select_n3A_337 : vector<1024x128xi1>, vector<1024x128xf32>
    %jit3A_365 = arith.constant 11 : i32
    %broadcast_in_dim3A_366 = vector.broadcast %jit3A_365 : i32 to vector<1024x128xi32>
    %select_n3A_367 = arith.select %lt3A_361, %select_n3A_347, %broadcast_in_dim3A_366 : vector<1024x128xi1>, vector<1024x128xi32>
    %select_n3A_368 = arith.select %lt3A_362, %select_n3A_367, %select_n3A_341 : vector<1024x128xi1>, vector<1024x128xi32>
    %select_n3A_369 = arith.select %lt3A_360, %select_n3A_349, %slice3A_358 : vector<1024x128xi1>, vector<1024x128xf32>
    %select_n3A_370 = arith.select %lt3A_361, %select_n3A_369, %select_n3A_343 : vector<1024x128xi1>, vector<1024x128xf32>
    %jit3A_371 = arith.constant 11 : i32
    %broadcast_in_dim3A_372 = vector.broadcast %jit3A_371 : i32 to vector<1024x128xi32>
    %select_n3A_373 = arith.select %lt3A_360, %select_n3A_353, %broadcast_in_dim3A_372 : vector<1024x128xi1>, vector<1024x128xi32>
    %select_n3A_374 = arith.select %lt3A_361, %select_n3A_373, %select_n3A_347 : vector<1024x128xi1>, vector<1024x128xi32>
    %select_n3A_375 = arith.select %lt3A_359, %select_n3A_354, %slice3A_358 : vector<1024x128xi1>, vector<1024x128xf32>
    %select_n3A_376 = arith.select %lt3A_360, %select_n3A_375, %select_n3A_349 : vector<1024x128xi1>, vector<1024x128xf32>
    %jit3A_377 = arith.constant 11 : i32
    %broadcast_in_dim3A_378 = vector.broadcast %jit3A_377 : i32 to vector<1024x128xi32>
    %select_n3A_379 = arith.select %lt3A_359, %select_n3A_357, %broadcast_in_dim3A_378 : vector<1024x128xi1>, vector<1024x128xi32>
    %select_n3A_380 = arith.select %lt3A_360, %select_n3A_379, %select_n3A_353 : vector<1024x128xi1>, vector<1024x128xi32>
    %select_n3A_381 = arith.select %lt3A_359, %slice3A_358, %select_n3A_354 : vector<1024x128xi1>, vector<1024x128xf32>
    %jit3A_382 = arith.constant 11 : i32
    %broadcast_in_dim3A_383 = vector.broadcast %jit3A_382 : i32 to vector<1024x128xi32>
    %select_n3A_384 = arith.select %lt3A_359, %broadcast_in_dim3A_383, %select_n3A_357 : vector<1024x128xi1>, vector<1024x128xi32>
    %slice3A_385 = vector.extract_strided_slice %sub3A_49 {offsets = [0, 1536], sizes = [1024, 128], strides = [1, 1]} : vector<1024x4096xf32> to vector<1024x128xf32>
    %lt3A_386 = arith.cmpf olt, %slice3A_385, %select_n3A_381 : vector<1024x128xf32>
    %lt3A_387 = arith.cmpf olt, %slice3A_385, %select_n3A_376 : vector<1024x128xf32>
    %lt3A_388 = arith.cmpf olt, %slice3A_385, %select_n3A_370 : vector<1024x128xf32>
    %lt3A_389 = arith.cmpf olt, %slice3A_385, %select_n3A_364 : vector<1024x128xf32>
    %select_n3A_390 = arith.select %lt3A_388, %select_n3A_370, %slice3A_385 : vector<1024x128xi1>, vector<1024x128xf32>
    %select_n3A_391 = arith.select %lt3A_389, %select_n3A_390, %select_n3A_364 : vector<1024x128xi1>, vector<1024x128xf32>
    %jit3A_392 = arith.constant 12 : i32
    %broadcast_in_dim3A_393 = vector.broadcast %jit3A_392 : i32 to vector<1024x128xi32>
    %select_n3A_394 = arith.select %lt3A_388, %select_n3A_374, %broadcast_in_dim3A_393 : vector<1024x128xi1>, vector<1024x128xi32>
    %select_n3A_395 = arith.select %lt3A_389, %select_n3A_394, %select_n3A_368 : vector<1024x128xi1>, vector<1024x128xi32>
    %select_n3A_396 = arith.select %lt3A_387, %select_n3A_376, %slice3A_385 : vector<1024x128xi1>, vector<1024x128xf32>
    %select_n3A_397 = arith.select %lt3A_388, %select_n3A_396, %select_n3A_370 : vector<1024x128xi1>, vector<1024x128xf32>
    %jit3A_398 = arith.constant 12 : i32
    %broadcast_in_dim3A_399 = vector.broadcast %jit3A_398 : i32 to vector<1024x128xi32>
    %select_n3A_400 = arith.select %lt3A_387, %select_n3A_380, %broadcast_in_dim3A_399 : vector<1024x128xi1>, vector<1024x128xi32>
    %select_n3A_401 = arith.select %lt3A_388, %select_n3A_400, %select_n3A_374 : vector<1024x128xi1>, vector<1024x128xi32>
    %select_n3A_402 = arith.select %lt3A_386, %select_n3A_381, %slice3A_385 : vector<1024x128xi1>, vector<1024x128xf32>
    %select_n3A_403 = arith.select %lt3A_387, %select_n3A_402, %select_n3A_376 : vector<1024x128xi1>, vector<1024x128xf32>
    %jit3A_404 = arith.constant 12 : i32
    %broadcast_in_dim3A_405 = vector.broadcast %jit3A_404 : i32 to vector<1024x128xi32>
    %select_n3A_406 = arith.select %lt3A_386, %select_n3A_384, %broadcast_in_dim3A_405 : vector<1024x128xi1>, vector<1024x128xi32>
    %select_n3A_407 = arith.select %lt3A_387, %select_n3A_406, %select_n3A_380 : vector<1024x128xi1>, vector<1024x128xi32>
    %select_n3A_408 = arith.select %lt3A_386, %slice3A_385, %select_n3A_381 : vector<1024x128xi1>, vector<1024x128xf32>
    %jit3A_409 = arith.constant 12 : i32
    %broadcast_in_dim3A_410 = vector.broadcast %jit3A_409 : i32 to vector<1024x128xi32>
    %select_n3A_411 = arith.select %lt3A_386, %broadcast_in_dim3A_410, %select_n3A_384 : vector<1024x128xi1>, vector<1024x128xi32>
    %slice3A_412 = vector.extract_strided_slice %sub3A_49 {offsets = [0, 1664], sizes = [1024, 128], strides = [1, 1]} : vector<1024x4096xf32> to vector<1024x128xf32>
    %lt3A_413 = arith.cmpf olt, %slice3A_412, %select_n3A_408 : vector<1024x128xf32>
    %lt3A_414 = arith.cmpf olt, %slice3A_412, %select_n3A_403 : vector<1024x128xf32>
    %lt3A_415 = arith.cmpf olt, %slice3A_412, %select_n3A_397 : vector<1024x128xf32>
    %lt3A_416 = arith.cmpf olt, %slice3A_412, %select_n3A_391 : vector<1024x128xf32>
    %select_n3A_417 = arith.select %lt3A_415, %select_n3A_397, %slice3A_412 : vector<1024x128xi1>, vector<1024x128xf32>
    %select_n3A_418 = arith.select %lt3A_416, %select_n3A_417, %select_n3A_391 : vector<1024x128xi1>, vector<1024x128xf32>
    %jit3A_419 = arith.constant 13 : i32
    %broadcast_in_dim3A_420 = vector.broadcast %jit3A_419 : i32 to vector<1024x128xi32>
    %select_n3A_421 = arith.select %lt3A_415, %select_n3A_401, %broadcast_in_dim3A_420 : vector<1024x128xi1>, vector<1024x128xi32>
    %select_n3A_422 = arith.select %lt3A_416, %select_n3A_421, %select_n3A_395 : vector<1024x128xi1>, vector<1024x128xi32>
    %select_n3A_423 = arith.select %lt3A_414, %select_n3A_403, %slice3A_412 : vector<1024x128xi1>, vector<1024x128xf32>
    %select_n3A_424 = arith.select %lt3A_415, %select_n3A_423, %select_n3A_397 : vector<1024x128xi1>, vector<1024x128xf32>
    %jit3A_425 = arith.constant 13 : i32
    %broadcast_in_dim3A_426 = vector.broadcast %jit3A_425 : i32 to vector<1024x128xi32>
    %select_n3A_427 = arith.select %lt3A_414, %select_n3A_407, %broadcast_in_dim3A_426 : vector<1024x128xi1>, vector<1024x128xi32>
    %select_n3A_428 = arith.select %lt3A_415, %select_n3A_427, %select_n3A_401 : vector<1024x128xi1>, vector<1024x128xi32>
    %select_n3A_429 = arith.select %lt3A_413, %select_n3A_408, %slice3A_412 : vector<1024x128xi1>, vector<1024x128xf32>
    %select_n3A_430 = arith.select %lt3A_414, %select_n3A_429, %select_n3A_403 : vector<1024x128xi1>, vector<1024x128xf32>
    %jit3A_431 = arith.constant 13 : i32
    %broadcast_in_dim3A_432 = vector.broadcast %jit3A_431 : i32 to vector<1024x128xi32>
    %select_n3A_433 = arith.select %lt3A_413, %select_n3A_411, %broadcast_in_dim3A_432 : vector<1024x128xi1>, vector<1024x128xi32>
    %select_n3A_434 = arith.select %lt3A_414, %select_n3A_433, %select_n3A_407 : vector<1024x128xi1>, vector<1024x128xi32>
    %select_n3A_435 = arith.select %lt3A_413, %slice3A_412, %select_n3A_408 : vector<1024x128xi1>, vector<1024x128xf32>
    %jit3A_436 = arith.constant 13 : i32
    %broadcast_in_dim3A_437 = vector.broadcast %jit3A_436 : i32 to vector<1024x128xi32>
    %select_n3A_438 = arith.select %lt3A_413, %broadcast_in_dim3A_437, %select_n3A_411 : vector<1024x128xi1>, vector<1024x128xi32>
    %slice3A_439 = vector.extract_strided_slice %sub3A_49 {offsets = [0, 1792], sizes = [1024, 128], strides = [1, 1]} : vector<1024x4096xf32> to vector<1024x128xf32>
    %lt3A_440 = arith.cmpf olt, %slice3A_439, %select_n3A_435 : vector<1024x128xf32>
    %lt3A_441 = arith.cmpf olt, %slice3A_439, %select_n3A_430 : vector<1024x128xf32>
    %lt3A_442 = arith.cmpf olt, %slice3A_439, %select_n3A_424 : vector<1024x128xf32>
    %lt3A_443 = arith.cmpf olt, %slice3A_439, %select_n3A_418 : vector<1024x128xf32>
    %select_n3A_444 = arith.select %lt3A_442, %select_n3A_424, %slice3A_439 : vector<1024x128xi1>, vector<1024x128xf32>
    %select_n3A_445 = arith.select %lt3A_443, %select_n3A_444, %select_n3A_418 : vector<1024x128xi1>, vector<1024x128xf32>
    %jit3A_446 = arith.constant 14 : i32
    %broadcast_in_dim3A_447 = vector.broadcast %jit3A_446 : i32 to vector<1024x128xi32>
    %select_n3A_448 = arith.select %lt3A_442, %select_n3A_428, %broadcast_in_dim3A_447 : vector<1024x128xi1>, vector<1024x128xi32>
    %select_n3A_449 = arith.select %lt3A_443, %select_n3A_448, %select_n3A_422 : vector<1024x128xi1>, vector<1024x128xi32>
    %select_n3A_450 = arith.select %lt3A_441, %select_n3A_430, %slice3A_439 : vector<1024x128xi1>, vector<1024x128xf32>
    %select_n3A_451 = arith.select %lt3A_442, %select_n3A_450, %select_n3A_424 : vector<1024x128xi1>, vector<1024x128xf32>
    %jit3A_452 = arith.constant 14 : i32
    %broadcast_in_dim3A_453 = vector.broadcast %jit3A_452 : i32 to vector<1024x128xi32>
    %select_n3A_454 = arith.select %lt3A_441, %select_n3A_434, %broadcast_in_dim3A_453 : vector<1024x128xi1>, vector<1024x128xi32>
    %select_n3A_455 = arith.select %lt3A_442, %select_n3A_454, %select_n3A_428 : vector<1024x128xi1>, vector<1024x128xi32>
    %select_n3A_456 = arith.select %lt3A_440, %select_n3A_435, %slice3A_439 : vector<1024x128xi1>, vector<1024x128xf32>
    %select_n3A_457 = arith.select %lt3A_441, %select_n3A_456, %select_n3A_430 : vector<1024x128xi1>, vector<1024x128xf32>
    %jit3A_458 = arith.constant 14 : i32
    %broadcast_in_dim3A_459 = vector.broadcast %jit3A_458 : i32 to vector<1024x128xi32>
    %select_n3A_460 = arith.select %lt3A_440, %select_n3A_438, %broadcast_in_dim3A_459 : vector<1024x128xi1>, vector<1024x128xi32>
    %select_n3A_461 = arith.select %lt3A_441, %select_n3A_460, %select_n3A_434 : vector<1024x128xi1>, vector<1024x128xi32>
    %select_n3A_462 = arith.select %lt3A_440, %slice3A_439, %select_n3A_435 : vector<1024x128xi1>, vector<1024x128xf32>
    %jit3A_463 = arith.constant 14 : i32
    %broadcast_in_dim3A_464 = vector.broadcast %jit3A_463 : i32 to vector<1024x128xi32>
    %select_n3A_465 = arith.select %lt3A_440, %broadcast_in_dim3A_464, %select_n3A_438 : vector<1024x128xi1>, vector<1024x128xi32>
    %slice3A_466 = vector.extract_strided_slice %sub3A_49 {offsets = [0, 1920], sizes = [1024, 128], strides = [1, 1]} : vector<1024x4096xf32> to vector<1024x128xf32>
    %lt3A_467 = arith.cmpf olt, %slice3A_466, %select_n3A_462 : vector<1024x128xf32>
    %lt3A_468 = arith.cmpf olt, %slice3A_466, %select_n3A_457 : vector<1024x128xf32>
    %lt3A_469 = arith.cmpf olt, %slice3A_466, %select_n3A_451 : vector<1024x128xf32>
    %lt3A_470 = arith.cmpf olt, %slice3A_466, %select_n3A_445 : vector<1024x128xf32>
    %select_n3A_471 = arith.select %lt3A_469, %select_n3A_451, %slice3A_466 : vector<1024x128xi1>, vector<1024x128xf32>
    %select_n3A_472 = arith.select %lt3A_470, %select_n3A_471, %select_n3A_445 : vector<1024x128xi1>, vector<1024x128xf32>
    %jit3A_473 = arith.constant 15 : i32
    %broadcast_in_dim3A_474 = vector.broadcast %jit3A_473 : i32 to vector<1024x128xi32>
    %select_n3A_475 = arith.select %lt3A_469, %select_n3A_455, %broadcast_in_dim3A_474 : vector<1024x128xi1>, vector<1024x128xi32>
    %select_n3A_476 = arith.select %lt3A_470, %select_n3A_475, %select_n3A_449 : vector<1024x128xi1>, vector<1024x128xi32>
    %select_n3A_477 = arith.select %lt3A_468, %select_n3A_457, %slice3A_466 : vector<1024x128xi1>, vector<1024x128xf32>
    %select_n3A_478 = arith.select %lt3A_469, %select_n3A_477, %select_n3A_451 : vector<1024x128xi1>, vector<1024x128xf32>
    %jit3A_479 = arith.constant 15 : i32
    %broadcast_in_dim3A_480 = vector.broadcast %jit3A_479 : i32 to vector<1024x128xi32>
    %select_n3A_481 = arith.select %lt3A_468, %select_n3A_461, %broadcast_in_dim3A_480 : vector<1024x128xi1>, vector<1024x128xi32>
    %select_n3A_482 = arith.select %lt3A_469, %select_n3A_481, %select_n3A_455 : vector<1024x128xi1>, vector<1024x128xi32>
    %select_n3A_483 = arith.select %lt3A_467, %select_n3A_462, %slice3A_466 : vector<1024x128xi1>, vector<1024x128xf32>
    %select_n3A_484 = arith.select %lt3A_468, %select_n3A_483, %select_n3A_457 : vector<1024x128xi1>, vector<1024x128xf32>
    %jit3A_485 = arith.constant 15 : i32
    %broadcast_in_dim3A_486 = vector.broadcast %jit3A_485 : i32 to vector<1024x128xi32>
    %select_n3A_487 = arith.select %lt3A_467, %select_n3A_465, %broadcast_in_dim3A_486 : vector<1024x128xi1>, vector<1024x128xi32>
    %select_n3A_488 = arith.select %lt3A_468, %select_n3A_487, %select_n3A_461 : vector<1024x128xi1>, vector<1024x128xi32>
    %select_n3A_489 = arith.select %lt3A_467, %slice3A_466, %select_n3A_462 : vector<1024x128xi1>, vector<1024x128xf32>
    %jit3A_490 = arith.constant 15 : i32
    %broadcast_in_dim3A_491 = vector.broadcast %jit3A_490 : i32 to vector<1024x128xi32>
    %select_n3A_492 = arith.select %lt3A_467, %broadcast_in_dim3A_491, %select_n3A_465 : vector<1024x128xi1>, vector<1024x128xi32>
    %slice3A_493 = vector.extract_strided_slice %sub3A_49 {offsets = [0, 2048], sizes = [1024, 128], strides = [1, 1]} : vector<1024x4096xf32> to vector<1024x128xf32>
    %lt3A_494 = arith.cmpf olt, %slice3A_493, %select_n3A_489 : vector<1024x128xf32>
    %lt3A_495 = arith.cmpf olt, %slice3A_493, %select_n3A_484 : vector<1024x128xf32>
    %lt3A_496 = arith.cmpf olt, %slice3A_493, %select_n3A_478 : vector<1024x128xf32>
    %lt3A_497 = arith.cmpf olt, %slice3A_493, %select_n3A_472 : vector<1024x128xf32>
    %select_n3A_498 = arith.select %lt3A_496, %select_n3A_478, %slice3A_493 : vector<1024x128xi1>, vector<1024x128xf32>
    %select_n3A_499 = arith.select %lt3A_497, %select_n3A_498, %select_n3A_472 : vector<1024x128xi1>, vector<1024x128xf32>
    %jit3A_500 = arith.constant 16 : i32
    %broadcast_in_dim3A_501 = vector.broadcast %jit3A_500 : i32 to vector<1024x128xi32>
    %select_n3A_502 = arith.select %lt3A_496, %select_n3A_482, %broadcast_in_dim3A_501 : vector<1024x128xi1>, vector<1024x128xi32>
    %select_n3A_503 = arith.select %lt3A_497, %select_n3A_502, %select_n3A_476 : vector<1024x128xi1>, vector<1024x128xi32>
    %select_n3A_504 = arith.select %lt3A_495, %select_n3A_484, %slice3A_493 : vector<1024x128xi1>, vector<1024x128xf32>
    %select_n3A_505 = arith.select %lt3A_496, %select_n3A_504, %select_n3A_478 : vector<1024x128xi1>, vector<1024x128xf32>
    %jit3A_506 = arith.constant 16 : i32
    %broadcast_in_dim3A_507 = vector.broadcast %jit3A_506 : i32 to vector<1024x128xi32>
    %select_n3A_508 = arith.select %lt3A_495, %select_n3A_488, %broadcast_in_dim3A_507 : vector<1024x128xi1>, vector<1024x128xi32>
    %select_n3A_509 = arith.select %lt3A_496, %select_n3A_508, %select_n3A_482 : vector<1024x128xi1>, vector<1024x128xi32>
    %select_n3A_510 = arith.select %lt3A_494, %select_n3A_489, %slice3A_493 : vector<1024x128xi1>, vector<1024x128xf32>
    %select_n3A_511 = arith.select %lt3A_495, %select_n3A_510, %select_n3A_484 : vector<1024x128xi1>, vector<1024x128xf32>
    %jit3A_512 = arith.constant 16 : i32
    %broadcast_in_dim3A_513 = vector.broadcast %jit3A_512 : i32 to vector<1024x128xi32>
    %select_n3A_514 = arith.select %lt3A_494, %select_n3A_492, %broadcast_in_dim3A_513 : vector<1024x128xi1>, vector<1024x128xi32>
    %select_n3A_515 = arith.select %lt3A_495, %select_n3A_514, %select_n3A_488 : vector<1024x128xi1>, vector<1024x128xi32>
    %select_n3A_516 = arith.select %lt3A_494, %slice3A_493, %select_n3A_489 : vector<1024x128xi1>, vector<1024x128xf32>
    %jit3A_517 = arith.constant 16 : i32
    %broadcast_in_dim3A_518 = vector.broadcast %jit3A_517 : i32 to vector<1024x128xi32>
    %select_n3A_519 = arith.select %lt3A_494, %broadcast_in_dim3A_518, %select_n3A_492 : vector<1024x128xi1>, vector<1024x128xi32>
    %slice3A_520 = vector.extract_strided_slice %sub3A_49 {offsets = [0, 2176], sizes = [1024, 128], strides = [1, 1]} : vector<1024x4096xf32> to vector<1024x128xf32>
    %lt3A_521 = arith.cmpf olt, %slice3A_520, %select_n3A_516 : vector<1024x128xf32>
    %lt3A_522 = arith.cmpf olt, %slice3A_520, %select_n3A_511 : vector<1024x128xf32>
    %lt3A_523 = arith.cmpf olt, %slice3A_520, %select_n3A_505 : vector<1024x128xf32>
    %lt3A_524 = arith.cmpf olt, %slice3A_520, %select_n3A_499 : vector<1024x128xf32>
    %select_n3A_525 = arith.select %lt3A_523, %select_n3A_505, %slice3A_520 : vector<1024x128xi1>, vector<1024x128xf32>
    %select_n3A_526 = arith.select %lt3A_524, %select_n3A_525, %select_n3A_499 : vector<1024x128xi1>, vector<1024x128xf32>
    %jit3A_527 = arith.constant 17 : i32
    %broadcast_in_dim3A_528 = vector.broadcast %jit3A_527 : i32 to vector<1024x128xi32>
    %select_n3A_529 = arith.select %lt3A_523, %select_n3A_509, %broadcast_in_dim3A_528 : vector<1024x128xi1>, vector<1024x128xi32>
    %select_n3A_530 = arith.select %lt3A_524, %select_n3A_529, %select_n3A_503 : vector<1024x128xi1>, vector<1024x128xi32>
    %select_n3A_531 = arith.select %lt3A_522, %select_n3A_511, %slice3A_520 : vector<1024x128xi1>, vector<1024x128xf32>
    %select_n3A_532 = arith.select %lt3A_523, %select_n3A_531, %select_n3A_505 : vector<1024x128xi1>, vector<1024x128xf32>
    %jit3A_533 = arith.constant 17 : i32
    %broadcast_in_dim3A_534 = vector.broadcast %jit3A_533 : i32 to vector<1024x128xi32>
    %select_n3A_535 = arith.select %lt3A_522, %select_n3A_515, %broadcast_in_dim3A_534 : vector<1024x128xi1>, vector<1024x128xi32>
    %select_n3A_536 = arith.select %lt3A_523, %select_n3A_535, %select_n3A_509 : vector<1024x128xi1>, vector<1024x128xi32>
    %select_n3A_537 = arith.select %lt3A_521, %select_n3A_516, %slice3A_520 : vector<1024x128xi1>, vector<1024x128xf32>
    %select_n3A_538 = arith.select %lt3A_522, %select_n3A_537, %select_n3A_511 : vector<1024x128xi1>, vector<1024x128xf32>
    %jit3A_539 = arith.constant 17 : i32
    %broadcast_in_dim3A_540 = vector.broadcast %jit3A_539 : i32 to vector<1024x128xi32>
    %select_n3A_541 = arith.select %lt3A_521, %select_n3A_519, %broadcast_in_dim3A_540 : vector<1024x128xi1>, vector<1024x128xi32>
    %select_n3A_542 = arith.select %lt3A_522, %select_n3A_541, %select_n3A_515 : vector<1024x128xi1>, vector<1024x128xi32>
    %select_n3A_543 = arith.select %lt3A_521, %slice3A_520, %select_n3A_516 : vector<1024x128xi1>, vector<1024x128xf32>
    %jit3A_544 = arith.constant 17 : i32
    %broadcast_in_dim3A_545 = vector.broadcast %jit3A_544 : i32 to vector<1024x128xi32>
    %select_n3A_546 = arith.select %lt3A_521, %broadcast_in_dim3A_545, %select_n3A_519 : vector<1024x128xi1>, vector<1024x128xi32>
    %slice3A_547 = vector.extract_strided_slice %sub3A_49 {offsets = [0, 2304], sizes = [1024, 128], strides = [1, 1]} : vector<1024x4096xf32> to vector<1024x128xf32>
    %lt3A_548 = arith.cmpf olt, %slice3A_547, %select_n3A_543 : vector<1024x128xf32>
    %lt3A_549 = arith.cmpf olt, %slice3A_547, %select_n3A_538 : vector<1024x128xf32>
    %lt3A_550 = arith.cmpf olt, %slice3A_547, %select_n3A_532 : vector<1024x128xf32>
    %lt3A_551 = arith.cmpf olt, %slice3A_547, %select_n3A_526 : vector<1024x128xf32>
    %select_n3A_552 = arith.select %lt3A_550, %select_n3A_532, %slice3A_547 : vector<1024x128xi1>, vector<1024x128xf32>
    %select_n3A_553 = arith.select %lt3A_551, %select_n3A_552, %select_n3A_526 : vector<1024x128xi1>, vector<1024x128xf32>
    %jit3A_554 = arith.constant 18 : i32
    %broadcast_in_dim3A_555 = vector.broadcast %jit3A_554 : i32 to vector<1024x128xi32>
    %select_n3A_556 = arith.select %lt3A_550, %select_n3A_536, %broadcast_in_dim3A_555 : vector<1024x128xi1>, vector<1024x128xi32>
    %select_n3A_557 = arith.select %lt3A_551, %select_n3A_556, %select_n3A_530 : vector<1024x128xi1>, vector<1024x128xi32>
    %select_n3A_558 = arith.select %lt3A_549, %select_n3A_538, %slice3A_547 : vector<1024x128xi1>, vector<1024x128xf32>
    %select_n3A_559 = arith.select %lt3A_550, %select_n3A_558, %select_n3A_532 : vector<1024x128xi1>, vector<1024x128xf32>
    %jit3A_560 = arith.constant 18 : i32
    %broadcast_in_dim3A_561 = vector.broadcast %jit3A_560 : i32 to vector<1024x128xi32>
    %select_n3A_562 = arith.select %lt3A_549, %select_n3A_542, %broadcast_in_dim3A_561 : vector<1024x128xi1>, vector<1024x128xi32>
    %select_n3A_563 = arith.select %lt3A_550, %select_n3A_562, %select_n3A_536 : vector<1024x128xi1>, vector<1024x128xi32>
    %select_n3A_564 = arith.select %lt3A_548, %select_n3A_543, %slice3A_547 : vector<1024x128xi1>, vector<1024x128xf32>
    %select_n3A_565 = arith.select %lt3A_549, %select_n3A_564, %select_n3A_538 : vector<1024x128xi1>, vector<1024x128xf32>
    %jit3A_566 = arith.constant 18 : i32
    %broadcast_in_dim3A_567 = vector.broadcast %jit3A_566 : i32 to vector<1024x128xi32>
    %select_n3A_568 = arith.select %lt3A_548, %select_n3A_546, %broadcast_in_dim3A_567 : vector<1024x128xi1>, vector<1024x128xi32>
    %select_n3A_569 = arith.select %lt3A_549, %select_n3A_568, %select_n3A_542 : vector<1024x128xi1>, vector<1024x128xi32>
    %select_n3A_570 = arith.select %lt3A_548, %slice3A_547, %select_n3A_543 : vector<1024x128xi1>, vector<1024x128xf32>
    %jit3A_571 = arith.constant 18 : i32
    %broadcast_in_dim3A_572 = vector.broadcast %jit3A_571 : i32 to vector<1024x128xi32>
    %select_n3A_573 = arith.select %lt3A_548, %broadcast_in_dim3A_572, %select_n3A_546 : vector<1024x128xi1>, vector<1024x128xi32>
    %slice3A_574 = vector.extract_strided_slice %sub3A_49 {offsets = [0, 2432], sizes = [1024, 128], strides = [1, 1]} : vector<1024x4096xf32> to vector<1024x128xf32>
    %lt3A_575 = arith.cmpf olt, %slice3A_574, %select_n3A_570 : vector<1024x128xf32>
    %lt3A_576 = arith.cmpf olt, %slice3A_574, %select_n3A_565 : vector<1024x128xf32>
    %lt3A_577 = arith.cmpf olt, %slice3A_574, %select_n3A_559 : vector<1024x128xf32>
    %lt3A_578 = arith.cmpf olt, %slice3A_574, %select_n3A_553 : vector<1024x128xf32>
    %select_n3A_579 = arith.select %lt3A_577, %select_n3A_559, %slice3A_574 : vector<1024x128xi1>, vector<1024x128xf32>
    %select_n3A_580 = arith.select %lt3A_578, %select_n3A_579, %select_n3A_553 : vector<1024x128xi1>, vector<1024x128xf32>
    %jit3A_581 = arith.constant 19 : i32
    %broadcast_in_dim3A_582 = vector.broadcast %jit3A_581 : i32 to vector<1024x128xi32>
    %select_n3A_583 = arith.select %lt3A_577, %select_n3A_563, %broadcast_in_dim3A_582 : vector<1024x128xi1>, vector<1024x128xi32>
    %select_n3A_584 = arith.select %lt3A_578, %select_n3A_583, %select_n3A_557 : vector<1024x128xi1>, vector<1024x128xi32>
    %select_n3A_585 = arith.select %lt3A_576, %select_n3A_565, %slice3A_574 : vector<1024x128xi1>, vector<1024x128xf32>
    %select_n3A_586 = arith.select %lt3A_577, %select_n3A_585, %select_n3A_559 : vector<1024x128xi1>, vector<1024x128xf32>
    %jit3A_587 = arith.constant 19 : i32
    %broadcast_in_dim3A_588 = vector.broadcast %jit3A_587 : i32 to vector<1024x128xi32>
    %select_n3A_589 = arith.select %lt3A_576, %select_n3A_569, %broadcast_in_dim3A_588 : vector<1024x128xi1>, vector<1024x128xi32>
    %select_n3A_590 = arith.select %lt3A_577, %select_n3A_589, %select_n3A_563 : vector<1024x128xi1>, vector<1024x128xi32>
    %select_n3A_591 = arith.select %lt3A_575, %select_n3A_570, %slice3A_574 : vector<1024x128xi1>, vector<1024x128xf32>
    %select_n3A_592 = arith.select %lt3A_576, %select_n3A_591, %select_n3A_565 : vector<1024x128xi1>, vector<1024x128xf32>
    %jit3A_593 = arith.constant 19 : i32
    %broadcast_in_dim3A_594 = vector.broadcast %jit3A_593 : i32 to vector<1024x128xi32>
    %select_n3A_595 = arith.select %lt3A_575, %select_n3A_573, %broadcast_in_dim3A_594 : vector<1024x128xi1>, vector<1024x128xi32>
    %select_n3A_596 = arith.select %lt3A_576, %select_n3A_595, %select_n3A_569 : vector<1024x128xi1>, vector<1024x128xi32>
    %select_n3A_597 = arith.select %lt3A_575, %slice3A_574, %select_n3A_570 : vector<1024x128xi1>, vector<1024x128xf32>
    %jit3A_598 = arith.constant 19 : i32
    %broadcast_in_dim3A_599 = vector.broadcast %jit3A_598 : i32 to vector<1024x128xi32>
    %select_n3A_600 = arith.select %lt3A_575, %broadcast_in_dim3A_599, %select_n3A_573 : vector<1024x128xi1>, vector<1024x128xi32>
    %slice3A_601 = vector.extract_strided_slice %sub3A_49 {offsets = [0, 2560], sizes = [1024, 128], strides = [1, 1]} : vector<1024x4096xf32> to vector<1024x128xf32>
    %lt3A_602 = arith.cmpf olt, %slice3A_601, %select_n3A_597 : vector<1024x128xf32>
    %lt3A_603 = arith.cmpf olt, %slice3A_601, %select_n3A_592 : vector<1024x128xf32>
    %lt3A_604 = arith.cmpf olt, %slice3A_601, %select_n3A_586 : vector<1024x128xf32>
    %lt3A_605 = arith.cmpf olt, %slice3A_601, %select_n3A_580 : vector<1024x128xf32>
    %select_n3A_606 = arith.select %lt3A_604, %select_n3A_586, %slice3A_601 : vector<1024x128xi1>, vector<1024x128xf32>
    %select_n3A_607 = arith.select %lt3A_605, %select_n3A_606, %select_n3A_580 : vector<1024x128xi1>, vector<1024x128xf32>
    %jit3A_608 = arith.constant 20 : i32
    %broadcast_in_dim3A_609 = vector.broadcast %jit3A_608 : i32 to vector<1024x128xi32>
    %select_n3A_610 = arith.select %lt3A_604, %select_n3A_590, %broadcast_in_dim3A_609 : vector<1024x128xi1>, vector<1024x128xi32>
    %select_n3A_611 = arith.select %lt3A_605, %select_n3A_610, %select_n3A_584 : vector<1024x128xi1>, vector<1024x128xi32>
    %select_n3A_612 = arith.select %lt3A_603, %select_n3A_592, %slice3A_601 : vector<1024x128xi1>, vector<1024x128xf32>
    %select_n3A_613 = arith.select %lt3A_604, %select_n3A_612, %select_n3A_586 : vector<1024x128xi1>, vector<1024x128xf32>
    %jit3A_614 = arith.constant 20 : i32
    %broadcast_in_dim3A_615 = vector.broadcast %jit3A_614 : i32 to vector<1024x128xi32>
    %select_n3A_616 = arith.select %lt3A_603, %select_n3A_596, %broadcast_in_dim3A_615 : vector<1024x128xi1>, vector<1024x128xi32>
    %select_n3A_617 = arith.select %lt3A_604, %select_n3A_616, %select_n3A_590 : vector<1024x128xi1>, vector<1024x128xi32>
    %select_n3A_618 = arith.select %lt3A_602, %select_n3A_597, %slice3A_601 : vector<1024x128xi1>, vector<1024x128xf32>
    %select_n3A_619 = arith.select %lt3A_603, %select_n3A_618, %select_n3A_592 : vector<1024x128xi1>, vector<1024x128xf32>
    %jit3A_620 = arith.constant 20 : i32
    %broadcast_in_dim3A_621 = vector.broadcast %jit3A_620 : i32 to vector<1024x128xi32>
    %select_n3A_622 = arith.select %lt3A_602, %select_n3A_600, %broadcast_in_dim3A_621 : vector<1024x128xi1>, vector<1024x128xi32>
    %select_n3A_623 = arith.select %lt3A_603, %select_n3A_622, %select_n3A_596 : vector<1024x128xi1>, vector<1024x128xi32>
    %select_n3A_624 = arith.select %lt3A_602, %slice3A_601, %select_n3A_597 : vector<1024x128xi1>, vector<1024x128xf32>
    %jit3A_625 = arith.constant 20 : i32
    %broadcast_in_dim3A_626 = vector.broadcast %jit3A_625 : i32 to vector<1024x128xi32>
    %select_n3A_627 = arith.select %lt3A_602, %broadcast_in_dim3A_626, %select_n3A_600 : vector<1024x128xi1>, vector<1024x128xi32>
    %slice3A_628 = vector.extract_strided_slice %sub3A_49 {offsets = [0, 2688], sizes = [1024, 128], strides = [1, 1]} : vector<1024x4096xf32> to vector<1024x128xf32>
    %lt3A_629 = arith.cmpf olt, %slice3A_628, %select_n3A_624 : vector<1024x128xf32>
    %lt3A_630 = arith.cmpf olt, %slice3A_628, %select_n3A_619 : vector<1024x128xf32>
    %lt3A_631 = arith.cmpf olt, %slice3A_628, %select_n3A_613 : vector<1024x128xf32>
    %lt3A_632 = arith.cmpf olt, %slice3A_628, %select_n3A_607 : vector<1024x128xf32>
    %select_n3A_633 = arith.select %lt3A_631, %select_n3A_613, %slice3A_628 : vector<1024x128xi1>, vector<1024x128xf32>
    %select_n3A_634 = arith.select %lt3A_632, %select_n3A_633, %select_n3A_607 : vector<1024x128xi1>, vector<1024x128xf32>
    %jit3A_635 = arith.constant 21 : i32
    %broadcast_in_dim3A_636 = vector.broadcast %jit3A_635 : i32 to vector<1024x128xi32>
    %select_n3A_637 = arith.select %lt3A_631, %select_n3A_617, %broadcast_in_dim3A_636 : vector<1024x128xi1>, vector<1024x128xi32>
    %select_n3A_638 = arith.select %lt3A_632, %select_n3A_637, %select_n3A_611 : vector<1024x128xi1>, vector<1024x128xi32>
    %select_n3A_639 = arith.select %lt3A_630, %select_n3A_619, %slice3A_628 : vector<1024x128xi1>, vector<1024x128xf32>
    %select_n3A_640 = arith.select %lt3A_631, %select_n3A_639, %select_n3A_613 : vector<1024x128xi1>, vector<1024x128xf32>
    %jit3A_641 = arith.constant 21 : i32
    %broadcast_in_dim3A_642 = vector.broadcast %jit3A_641 : i32 to vector<1024x128xi32>
    %select_n3A_643 = arith.select %lt3A_630, %select_n3A_623, %broadcast_in_dim3A_642 : vector<1024x128xi1>, vector<1024x128xi32>
    %select_n3A_644 = arith.select %lt3A_631, %select_n3A_643, %select_n3A_617 : vector<1024x128xi1>, vector<1024x128xi32>
    %select_n3A_645 = arith.select %lt3A_629, %select_n3A_624, %slice3A_628 : vector<1024x128xi1>, vector<1024x128xf32>
    %select_n3A_646 = arith.select %lt3A_630, %select_n3A_645, %select_n3A_619 : vector<1024x128xi1>, vector<1024x128xf32>
    %jit3A_647 = arith.constant 21 : i32
    %broadcast_in_dim3A_648 = vector.broadcast %jit3A_647 : i32 to vector<1024x128xi32>
    %select_n3A_649 = arith.select %lt3A_629, %select_n3A_627, %broadcast_in_dim3A_648 : vector<1024x128xi1>, vector<1024x128xi32>
    %select_n3A_650 = arith.select %lt3A_630, %select_n3A_649, %select_n3A_623 : vector<1024x128xi1>, vector<1024x128xi32>
    %select_n3A_651 = arith.select %lt3A_629, %slice3A_628, %select_n3A_624 : vector<1024x128xi1>, vector<1024x128xf32>
    %jit3A_652 = arith.constant 21 : i32
    %broadcast_in_dim3A_653 = vector.broadcast %jit3A_652 : i32 to vector<1024x128xi32>
    %select_n3A_654 = arith.select %lt3A_629, %broadcast_in_dim3A_653, %select_n3A_627 : vector<1024x128xi1>, vector<1024x128xi32>
    %slice3A_655 = vector.extract_strided_slice %sub3A_49 {offsets = [0, 2816], sizes = [1024, 128], strides = [1, 1]} : vector<1024x4096xf32> to vector<1024x128xf32>
    %lt3A_656 = arith.cmpf olt, %slice3A_655, %select_n3A_651 : vector<1024x128xf32>
    %lt3A_657 = arith.cmpf olt, %slice3A_655, %select_n3A_646 : vector<1024x128xf32>
    %lt3A_658 = arith.cmpf olt, %slice3A_655, %select_n3A_640 : vector<1024x128xf32>
    %lt3A_659 = arith.cmpf olt, %slice3A_655, %select_n3A_634 : vector<1024x128xf32>
    %select_n3A_660 = arith.select %lt3A_658, %select_n3A_640, %slice3A_655 : vector<1024x128xi1>, vector<1024x128xf32>
    %select_n3A_661 = arith.select %lt3A_659, %select_n3A_660, %select_n3A_634 : vector<1024x128xi1>, vector<1024x128xf32>
    %jit3A_662 = arith.constant 22 : i32
    %broadcast_in_dim3A_663 = vector.broadcast %jit3A_662 : i32 to vector<1024x128xi32>
    %select_n3A_664 = arith.select %lt3A_658, %select_n3A_644, %broadcast_in_dim3A_663 : vector<1024x128xi1>, vector<1024x128xi32>
    %select_n3A_665 = arith.select %lt3A_659, %select_n3A_664, %select_n3A_638 : vector<1024x128xi1>, vector<1024x128xi32>
    %select_n3A_666 = arith.select %lt3A_657, %select_n3A_646, %slice3A_655 : vector<1024x128xi1>, vector<1024x128xf32>
    %select_n3A_667 = arith.select %lt3A_658, %select_n3A_666, %select_n3A_640 : vector<1024x128xi1>, vector<1024x128xf32>
    %jit3A_668 = arith.constant 22 : i32
    %broadcast_in_dim3A_669 = vector.broadcast %jit3A_668 : i32 to vector<1024x128xi32>
    %select_n3A_670 = arith.select %lt3A_657, %select_n3A_650, %broadcast_in_dim3A_669 : vector<1024x128xi1>, vector<1024x128xi32>
    %select_n3A_671 = arith.select %lt3A_658, %select_n3A_670, %select_n3A_644 : vector<1024x128xi1>, vector<1024x128xi32>
    %select_n3A_672 = arith.select %lt3A_656, %select_n3A_651, %slice3A_655 : vector<1024x128xi1>, vector<1024x128xf32>
    %select_n3A_673 = arith.select %lt3A_657, %select_n3A_672, %select_n3A_646 : vector<1024x128xi1>, vector<1024x128xf32>
    %jit3A_674 = arith.constant 22 : i32
    %broadcast_in_dim3A_675 = vector.broadcast %jit3A_674 : i32 to vector<1024x128xi32>
    %select_n3A_676 = arith.select %lt3A_656, %select_n3A_654, %broadcast_in_dim3A_675 : vector<1024x128xi1>, vector<1024x128xi32>
    %select_n3A_677 = arith.select %lt3A_657, %select_n3A_676, %select_n3A_650 : vector<1024x128xi1>, vector<1024x128xi32>
    %select_n3A_678 = arith.select %lt3A_656, %slice3A_655, %select_n3A_651 : vector<1024x128xi1>, vector<1024x128xf32>
    %jit3A_679 = arith.constant 22 : i32
    %broadcast_in_dim3A_680 = vector.broadcast %jit3A_679 : i32 to vector<1024x128xi32>
    %select_n3A_681 = arith.select %lt3A_656, %broadcast_in_dim3A_680, %select_n3A_654 : vector<1024x128xi1>, vector<1024x128xi32>
    %slice3A_682 = vector.extract_strided_slice %sub3A_49 {offsets = [0, 2944], sizes = [1024, 128], strides = [1, 1]} : vector<1024x4096xf32> to vector<1024x128xf32>
    %lt3A_683 = arith.cmpf olt, %slice3A_682, %select_n3A_678 : vector<1024x128xf32>
    %lt3A_684 = arith.cmpf olt, %slice3A_682, %select_n3A_673 : vector<1024x128xf32>
    %lt3A_685 = arith.cmpf olt, %slice3A_682, %select_n3A_667 : vector<1024x128xf32>
    %lt3A_686 = arith.cmpf olt, %slice3A_682, %select_n3A_661 : vector<1024x128xf32>
    %select_n3A_687 = arith.select %lt3A_685, %select_n3A_667, %slice3A_682 : vector<1024x128xi1>, vector<1024x128xf32>
    %select_n3A_688 = arith.select %lt3A_686, %select_n3A_687, %select_n3A_661 : vector<1024x128xi1>, vector<1024x128xf32>
    %jit3A_689 = arith.constant 23 : i32
    %broadcast_in_dim3A_690 = vector.broadcast %jit3A_689 : i32 to vector<1024x128xi32>
    %select_n3A_691 = arith.select %lt3A_685, %select_n3A_671, %broadcast_in_dim3A_690 : vector<1024x128xi1>, vector<1024x128xi32>
    %select_n3A_692 = arith.select %lt3A_686, %select_n3A_691, %select_n3A_665 : vector<1024x128xi1>, vector<1024x128xi32>
    %select_n3A_693 = arith.select %lt3A_684, %select_n3A_673, %slice3A_682 : vector<1024x128xi1>, vector<1024x128xf32>
    %select_n3A_694 = arith.select %lt3A_685, %select_n3A_693, %select_n3A_667 : vector<1024x128xi1>, vector<1024x128xf32>
    %jit3A_695 = arith.constant 23 : i32
    %broadcast_in_dim3A_696 = vector.broadcast %jit3A_695 : i32 to vector<1024x128xi32>
    %select_n3A_697 = arith.select %lt3A_684, %select_n3A_677, %broadcast_in_dim3A_696 : vector<1024x128xi1>, vector<1024x128xi32>
    %select_n3A_698 = arith.select %lt3A_685, %select_n3A_697, %select_n3A_671 : vector<1024x128xi1>, vector<1024x128xi32>
    %select_n3A_699 = arith.select %lt3A_683, %select_n3A_678, %slice3A_682 : vector<1024x128xi1>, vector<1024x128xf32>
    %select_n3A_700 = arith.select %lt3A_684, %select_n3A_699, %select_n3A_673 : vector<1024x128xi1>, vector<1024x128xf32>
    %jit3A_701 = arith.constant 23 : i32
    %broadcast_in_dim3A_702 = vector.broadcast %jit3A_701 : i32 to vector<1024x128xi32>
    %select_n3A_703 = arith.select %lt3A_683, %select_n3A_681, %broadcast_in_dim3A_702 : vector<1024x128xi1>, vector<1024x128xi32>
    %select_n3A_704 = arith.select %lt3A_684, %select_n3A_703, %select_n3A_677 : vector<1024x128xi1>, vector<1024x128xi32>
    %select_n3A_705 = arith.select %lt3A_683, %slice3A_682, %select_n3A_678 : vector<1024x128xi1>, vector<1024x128xf32>
    %jit3A_706 = arith.constant 23 : i32
    %broadcast_in_dim3A_707 = vector.broadcast %jit3A_706 : i32 to vector<1024x128xi32>
    %select_n3A_708 = arith.select %lt3A_683, %broadcast_in_dim3A_707, %select_n3A_681 : vector<1024x128xi1>, vector<1024x128xi32>
    %slice3A_709 = vector.extract_strided_slice %sub3A_49 {offsets = [0, 3072], sizes = [1024, 128], strides = [1, 1]} : vector<1024x4096xf32> to vector<1024x128xf32>
    %lt3A_710 = arith.cmpf olt, %slice3A_709, %select_n3A_705 : vector<1024x128xf32>
    %lt3A_711 = arith.cmpf olt, %slice3A_709, %select_n3A_700 : vector<1024x128xf32>
    %lt3A_712 = arith.cmpf olt, %slice3A_709, %select_n3A_694 : vector<1024x128xf32>
    %lt3A_713 = arith.cmpf olt, %slice3A_709, %select_n3A_688 : vector<1024x128xf32>
    %select_n3A_714 = arith.select %lt3A_712, %select_n3A_694, %slice3A_709 : vector<1024x128xi1>, vector<1024x128xf32>
    %select_n3A_715 = arith.select %lt3A_713, %select_n3A_714, %select_n3A_688 : vector<1024x128xi1>, vector<1024x128xf32>
    %jit3A_716 = arith.constant 24 : i32
    %broadcast_in_dim3A_717 = vector.broadcast %jit3A_716 : i32 to vector<1024x128xi32>
    %select_n3A_718 = arith.select %lt3A_712, %select_n3A_698, %broadcast_in_dim3A_717 : vector<1024x128xi1>, vector<1024x128xi32>
    %select_n3A_719 = arith.select %lt3A_713, %select_n3A_718, %select_n3A_692 : vector<1024x128xi1>, vector<1024x128xi32>
    %select_n3A_720 = arith.select %lt3A_711, %select_n3A_700, %slice3A_709 : vector<1024x128xi1>, vector<1024x128xf32>
    %select_n3A_721 = arith.select %lt3A_712, %select_n3A_720, %select_n3A_694 : vector<1024x128xi1>, vector<1024x128xf32>
    %jit3A_722 = arith.constant 24 : i32
    %broadcast_in_dim3A_723 = vector.broadcast %jit3A_722 : i32 to vector<1024x128xi32>
    %select_n3A_724 = arith.select %lt3A_711, %select_n3A_704, %broadcast_in_dim3A_723 : vector<1024x128xi1>, vector<1024x128xi32>
    %select_n3A_725 = arith.select %lt3A_712, %select_n3A_724, %select_n3A_698 : vector<1024x128xi1>, vector<1024x128xi32>
    %select_n3A_726 = arith.select %lt3A_710, %select_n3A_705, %slice3A_709 : vector<1024x128xi1>, vector<1024x128xf32>
    %select_n3A_727 = arith.select %lt3A_711, %select_n3A_726, %select_n3A_700 : vector<1024x128xi1>, vector<1024x128xf32>
    %jit3A_728 = arith.constant 24 : i32
    %broadcast_in_dim3A_729 = vector.broadcast %jit3A_728 : i32 to vector<1024x128xi32>
    %select_n3A_730 = arith.select %lt3A_710, %select_n3A_708, %broadcast_in_dim3A_729 : vector<1024x128xi1>, vector<1024x128xi32>
    %select_n3A_731 = arith.select %lt3A_711, %select_n3A_730, %select_n3A_704 : vector<1024x128xi1>, vector<1024x128xi32>
    %select_n3A_732 = arith.select %lt3A_710, %slice3A_709, %select_n3A_705 : vector<1024x128xi1>, vector<1024x128xf32>
    %jit3A_733 = arith.constant 24 : i32
    %broadcast_in_dim3A_734 = vector.broadcast %jit3A_733 : i32 to vector<1024x128xi32>
    %select_n3A_735 = arith.select %lt3A_710, %broadcast_in_dim3A_734, %select_n3A_708 : vector<1024x128xi1>, vector<1024x128xi32>
    %slice3A_736 = vector.extract_strided_slice %sub3A_49 {offsets = [0, 3200], sizes = [1024, 128], strides = [1, 1]} : vector<1024x4096xf32> to vector<1024x128xf32>
    %lt3A_737 = arith.cmpf olt, %slice3A_736, %select_n3A_732 : vector<1024x128xf32>
    %lt3A_738 = arith.cmpf olt, %slice3A_736, %select_n3A_727 : vector<1024x128xf32>
    %lt3A_739 = arith.cmpf olt, %slice3A_736, %select_n3A_721 : vector<1024x128xf32>
    %lt3A_740 = arith.cmpf olt, %slice3A_736, %select_n3A_715 : vector<1024x128xf32>
    %select_n3A_741 = arith.select %lt3A_739, %select_n3A_721, %slice3A_736 : vector<1024x128xi1>, vector<1024x128xf32>
    %select_n3A_742 = arith.select %lt3A_740, %select_n3A_741, %select_n3A_715 : vector<1024x128xi1>, vector<1024x128xf32>
    %jit3A_743 = arith.constant 25 : i32
    %broadcast_in_dim3A_744 = vector.broadcast %jit3A_743 : i32 to vector<1024x128xi32>
    %select_n3A_745 = arith.select %lt3A_739, %select_n3A_725, %broadcast_in_dim3A_744 : vector<1024x128xi1>, vector<1024x128xi32>
    %select_n3A_746 = arith.select %lt3A_740, %select_n3A_745, %select_n3A_719 : vector<1024x128xi1>, vector<1024x128xi32>
    %select_n3A_747 = arith.select %lt3A_738, %select_n3A_727, %slice3A_736 : vector<1024x128xi1>, vector<1024x128xf32>
    %select_n3A_748 = arith.select %lt3A_739, %select_n3A_747, %select_n3A_721 : vector<1024x128xi1>, vector<1024x128xf32>
    %jit3A_749 = arith.constant 25 : i32
    %broadcast_in_dim3A_750 = vector.broadcast %jit3A_749 : i32 to vector<1024x128xi32>
    %select_n3A_751 = arith.select %lt3A_738, %select_n3A_731, %broadcast_in_dim3A_750 : vector<1024x128xi1>, vector<1024x128xi32>
    %select_n3A_752 = arith.select %lt3A_739, %select_n3A_751, %select_n3A_725 : vector<1024x128xi1>, vector<1024x128xi32>
    %select_n3A_753 = arith.select %lt3A_737, %select_n3A_732, %slice3A_736 : vector<1024x128xi1>, vector<1024x128xf32>
    %select_n3A_754 = arith.select %lt3A_738, %select_n3A_753, %select_n3A_727 : vector<1024x128xi1>, vector<1024x128xf32>
    %jit3A_755 = arith.constant 25 : i32
    %broadcast_in_dim3A_756 = vector.broadcast %jit3A_755 : i32 to vector<1024x128xi32>
    %select_n3A_757 = arith.select %lt3A_737, %select_n3A_735, %broadcast_in_dim3A_756 : vector<1024x128xi1>, vector<1024x128xi32>
    %select_n3A_758 = arith.select %lt3A_738, %select_n3A_757, %select_n3A_731 : vector<1024x128xi1>, vector<1024x128xi32>
    %select_n3A_759 = arith.select %lt3A_737, %slice3A_736, %select_n3A_732 : vector<1024x128xi1>, vector<1024x128xf32>
    %jit3A_760 = arith.constant 25 : i32
    %broadcast_in_dim3A_761 = vector.broadcast %jit3A_760 : i32 to vector<1024x128xi32>
    %select_n3A_762 = arith.select %lt3A_737, %broadcast_in_dim3A_761, %select_n3A_735 : vector<1024x128xi1>, vector<1024x128xi32>
    %slice3A_763 = vector.extract_strided_slice %sub3A_49 {offsets = [0, 3328], sizes = [1024, 128], strides = [1, 1]} : vector<1024x4096xf32> to vector<1024x128xf32>
    %lt3A_764 = arith.cmpf olt, %slice3A_763, %select_n3A_759 : vector<1024x128xf32>
    %lt3A_765 = arith.cmpf olt, %slice3A_763, %select_n3A_754 : vector<1024x128xf32>
    %lt3A_766 = arith.cmpf olt, %slice3A_763, %select_n3A_748 : vector<1024x128xf32>
    %lt3A_767 = arith.cmpf olt, %slice3A_763, %select_n3A_742 : vector<1024x128xf32>
    %select_n3A_768 = arith.select %lt3A_766, %select_n3A_748, %slice3A_763 : vector<1024x128xi1>, vector<1024x128xf32>
    %select_n3A_769 = arith.select %lt3A_767, %select_n3A_768, %select_n3A_742 : vector<1024x128xi1>, vector<1024x128xf32>
    %jit3A_770 = arith.constant 26 : i32
    %broadcast_in_dim3A_771 = vector.broadcast %jit3A_770 : i32 to vector<1024x128xi32>
    %select_n3A_772 = arith.select %lt3A_766, %select_n3A_752, %broadcast_in_dim3A_771 : vector<1024x128xi1>, vector<1024x128xi32>
    %select_n3A_773 = arith.select %lt3A_767, %select_n3A_772, %select_n3A_746 : vector<1024x128xi1>, vector<1024x128xi32>
    %select_n3A_774 = arith.select %lt3A_765, %select_n3A_754, %slice3A_763 : vector<1024x128xi1>, vector<1024x128xf32>
    %select_n3A_775 = arith.select %lt3A_766, %select_n3A_774, %select_n3A_748 : vector<1024x128xi1>, vector<1024x128xf32>
    %jit3A_776 = arith.constant 26 : i32
    %broadcast_in_dim3A_777 = vector.broadcast %jit3A_776 : i32 to vector<1024x128xi32>
    %select_n3A_778 = arith.select %lt3A_765, %select_n3A_758, %broadcast_in_dim3A_777 : vector<1024x128xi1>, vector<1024x128xi32>
    %select_n3A_779 = arith.select %lt3A_766, %select_n3A_778, %select_n3A_752 : vector<1024x128xi1>, vector<1024x128xi32>
    %select_n3A_780 = arith.select %lt3A_764, %select_n3A_759, %slice3A_763 : vector<1024x128xi1>, vector<1024x128xf32>
    %select_n3A_781 = arith.select %lt3A_765, %select_n3A_780, %select_n3A_754 : vector<1024x128xi1>, vector<1024x128xf32>
    %jit3A_782 = arith.constant 26 : i32
    %broadcast_in_dim3A_783 = vector.broadcast %jit3A_782 : i32 to vector<1024x128xi32>
    %select_n3A_784 = arith.select %lt3A_764, %select_n3A_762, %broadcast_in_dim3A_783 : vector<1024x128xi1>, vector<1024x128xi32>
    %select_n3A_785 = arith.select %lt3A_765, %select_n3A_784, %select_n3A_758 : vector<1024x128xi1>, vector<1024x128xi32>
    %select_n3A_786 = arith.select %lt3A_764, %slice3A_763, %select_n3A_759 : vector<1024x128xi1>, vector<1024x128xf32>
    %jit3A_787 = arith.constant 26 : i32
    %broadcast_in_dim3A_788 = vector.broadcast %jit3A_787 : i32 to vector<1024x128xi32>
    %select_n3A_789 = arith.select %lt3A_764, %broadcast_in_dim3A_788, %select_n3A_762 : vector<1024x128xi1>, vector<1024x128xi32>
    %slice3A_790 = vector.extract_strided_slice %sub3A_49 {offsets = [0, 3456], sizes = [1024, 128], strides = [1, 1]} : vector<1024x4096xf32> to vector<1024x128xf32>
    %lt3A_791 = arith.cmpf olt, %slice3A_790, %select_n3A_786 : vector<1024x128xf32>
    %lt3A_792 = arith.cmpf olt, %slice3A_790, %select_n3A_781 : vector<1024x128xf32>
    %lt3A_793 = arith.cmpf olt, %slice3A_790, %select_n3A_775 : vector<1024x128xf32>
    %lt3A_794 = arith.cmpf olt, %slice3A_790, %select_n3A_769 : vector<1024x128xf32>
    %select_n3A_795 = arith.select %lt3A_793, %select_n3A_775, %slice3A_790 : vector<1024x128xi1>, vector<1024x128xf32>
    %select_n3A_796 = arith.select %lt3A_794, %select_n3A_795, %select_n3A_769 : vector<1024x128xi1>, vector<1024x128xf32>
    %jit3A_797 = arith.constant 27 : i32
    %broadcast_in_dim3A_798 = vector.broadcast %jit3A_797 : i32 to vector<1024x128xi32>
    %select_n3A_799 = arith.select %lt3A_793, %select_n3A_779, %broadcast_in_dim3A_798 : vector<1024x128xi1>, vector<1024x128xi32>
    %select_n3A_800 = arith.select %lt3A_794, %select_n3A_799, %select_n3A_773 : vector<1024x128xi1>, vector<1024x128xi32>
    %select_n3A_801 = arith.select %lt3A_792, %select_n3A_781, %slice3A_790 : vector<1024x128xi1>, vector<1024x128xf32>
    %select_n3A_802 = arith.select %lt3A_793, %select_n3A_801, %select_n3A_775 : vector<1024x128xi1>, vector<1024x128xf32>
    %jit3A_803 = arith.constant 27 : i32
    %broadcast_in_dim3A_804 = vector.broadcast %jit3A_803 : i32 to vector<1024x128xi32>
    %select_n3A_805 = arith.select %lt3A_792, %select_n3A_785, %broadcast_in_dim3A_804 : vector<1024x128xi1>, vector<1024x128xi32>
    %select_n3A_806 = arith.select %lt3A_793, %select_n3A_805, %select_n3A_779 : vector<1024x128xi1>, vector<1024x128xi32>
    %select_n3A_807 = arith.select %lt3A_791, %select_n3A_786, %slice3A_790 : vector<1024x128xi1>, vector<1024x128xf32>
    %select_n3A_808 = arith.select %lt3A_792, %select_n3A_807, %select_n3A_781 : vector<1024x128xi1>, vector<1024x128xf32>
    %jit3A_809 = arith.constant 27 : i32
    %broadcast_in_dim3A_810 = vector.broadcast %jit3A_809 : i32 to vector<1024x128xi32>
    %select_n3A_811 = arith.select %lt3A_791, %select_n3A_789, %broadcast_in_dim3A_810 : vector<1024x128xi1>, vector<1024x128xi32>
    %select_n3A_812 = arith.select %lt3A_792, %select_n3A_811, %select_n3A_785 : vector<1024x128xi1>, vector<1024x128xi32>
    %select_n3A_813 = arith.select %lt3A_791, %slice3A_790, %select_n3A_786 : vector<1024x128xi1>, vector<1024x128xf32>
    %jit3A_814 = arith.constant 27 : i32
    %broadcast_in_dim3A_815 = vector.broadcast %jit3A_814 : i32 to vector<1024x128xi32>
    %select_n3A_816 = arith.select %lt3A_791, %broadcast_in_dim3A_815, %select_n3A_789 : vector<1024x128xi1>, vector<1024x128xi32>
    %slice3A_817 = vector.extract_strided_slice %sub3A_49 {offsets = [0, 3584], sizes = [1024, 128], strides = [1, 1]} : vector<1024x4096xf32> to vector<1024x128xf32>
    %lt3A_818 = arith.cmpf olt, %slice3A_817, %select_n3A_813 : vector<1024x128xf32>
    %lt3A_819 = arith.cmpf olt, %slice3A_817, %select_n3A_808 : vector<1024x128xf32>
    %lt3A_820 = arith.cmpf olt, %slice3A_817, %select_n3A_802 : vector<1024x128xf32>
    %lt3A_821 = arith.cmpf olt, %slice3A_817, %select_n3A_796 : vector<1024x128xf32>
    %select_n3A_822 = arith.select %lt3A_820, %select_n3A_802, %slice3A_817 : vector<1024x128xi1>, vector<1024x128xf32>
    %select_n3A_823 = arith.select %lt3A_821, %select_n3A_822, %select_n3A_796 : vector<1024x128xi1>, vector<1024x128xf32>
    %jit3A_824 = arith.constant 28 : i32
    %broadcast_in_dim3A_825 = vector.broadcast %jit3A_824 : i32 to vector<1024x128xi32>
    %select_n3A_826 = arith.select %lt3A_820, %select_n3A_806, %broadcast_in_dim3A_825 : vector<1024x128xi1>, vector<1024x128xi32>
    %select_n3A_827 = arith.select %lt3A_821, %select_n3A_826, %select_n3A_800 : vector<1024x128xi1>, vector<1024x128xi32>
    %select_n3A_828 = arith.select %lt3A_819, %select_n3A_808, %slice3A_817 : vector<1024x128xi1>, vector<1024x128xf32>
    %select_n3A_829 = arith.select %lt3A_820, %select_n3A_828, %select_n3A_802 : vector<1024x128xi1>, vector<1024x128xf32>
    %jit3A_830 = arith.constant 28 : i32
    %broadcast_in_dim3A_831 = vector.broadcast %jit3A_830 : i32 to vector<1024x128xi32>
    %select_n3A_832 = arith.select %lt3A_819, %select_n3A_812, %broadcast_in_dim3A_831 : vector<1024x128xi1>, vector<1024x128xi32>
    %select_n3A_833 = arith.select %lt3A_820, %select_n3A_832, %select_n3A_806 : vector<1024x128xi1>, vector<1024x128xi32>
    %select_n3A_834 = arith.select %lt3A_818, %select_n3A_813, %slice3A_817 : vector<1024x128xi1>, vector<1024x128xf32>
    %select_n3A_835 = arith.select %lt3A_819, %select_n3A_834, %select_n3A_808 : vector<1024x128xi1>, vector<1024x128xf32>
    %jit3A_836 = arith.constant 28 : i32
    %broadcast_in_dim3A_837 = vector.broadcast %jit3A_836 : i32 to vector<1024x128xi32>
    %select_n3A_838 = arith.select %lt3A_818, %select_n3A_816, %broadcast_in_dim3A_837 : vector<1024x128xi1>, vector<1024x128xi32>
    %select_n3A_839 = arith.select %lt3A_819, %select_n3A_838, %select_n3A_812 : vector<1024x128xi1>, vector<1024x128xi32>
    %select_n3A_840 = arith.select %lt3A_818, %slice3A_817, %select_n3A_813 : vector<1024x128xi1>, vector<1024x128xf32>
    %jit3A_841 = arith.constant 28 : i32
    %broadcast_in_dim3A_842 = vector.broadcast %jit3A_841 : i32 to vector<1024x128xi32>
    %select_n3A_843 = arith.select %lt3A_818, %broadcast_in_dim3A_842, %select_n3A_816 : vector<1024x128xi1>, vector<1024x128xi32>
    %slice3A_844 = vector.extract_strided_slice %sub3A_49 {offsets = [0, 3712], sizes = [1024, 128], strides = [1, 1]} : vector<1024x4096xf32> to vector<1024x128xf32>
    %lt3A_845 = arith.cmpf olt, %slice3A_844, %select_n3A_840 : vector<1024x128xf32>
    %lt3A_846 = arith.cmpf olt, %slice3A_844, %select_n3A_835 : vector<1024x128xf32>
    %lt3A_847 = arith.cmpf olt, %slice3A_844, %select_n3A_829 : vector<1024x128xf32>
    %lt3A_848 = arith.cmpf olt, %slice3A_844, %select_n3A_823 : vector<1024x128xf32>
    %select_n3A_849 = arith.select %lt3A_847, %select_n3A_829, %slice3A_844 : vector<1024x128xi1>, vector<1024x128xf32>
    %select_n3A_850 = arith.select %lt3A_848, %select_n3A_849, %select_n3A_823 : vector<1024x128xi1>, vector<1024x128xf32>
    %jit3A_851 = arith.constant 29 : i32
    %broadcast_in_dim3A_852 = vector.broadcast %jit3A_851 : i32 to vector<1024x128xi32>
    %select_n3A_853 = arith.select %lt3A_847, %select_n3A_833, %broadcast_in_dim3A_852 : vector<1024x128xi1>, vector<1024x128xi32>
    %select_n3A_854 = arith.select %lt3A_848, %select_n3A_853, %select_n3A_827 : vector<1024x128xi1>, vector<1024x128xi32>
    %select_n3A_855 = arith.select %lt3A_846, %select_n3A_835, %slice3A_844 : vector<1024x128xi1>, vector<1024x128xf32>
    %select_n3A_856 = arith.select %lt3A_847, %select_n3A_855, %select_n3A_829 : vector<1024x128xi1>, vector<1024x128xf32>
    %jit3A_857 = arith.constant 29 : i32
    %broadcast_in_dim3A_858 = vector.broadcast %jit3A_857 : i32 to vector<1024x128xi32>
    %select_n3A_859 = arith.select %lt3A_846, %select_n3A_839, %broadcast_in_dim3A_858 : vector<1024x128xi1>, vector<1024x128xi32>
    %select_n3A_860 = arith.select %lt3A_847, %select_n3A_859, %select_n3A_833 : vector<1024x128xi1>, vector<1024x128xi32>
    %select_n3A_861 = arith.select %lt3A_845, %select_n3A_840, %slice3A_844 : vector<1024x128xi1>, vector<1024x128xf32>
    %select_n3A_862 = arith.select %lt3A_846, %select_n3A_861, %select_n3A_835 : vector<1024x128xi1>, vector<1024x128xf32>
    %jit3A_863 = arith.constant 29 : i32
    %broadcast_in_dim3A_864 = vector.broadcast %jit3A_863 : i32 to vector<1024x128xi32>
    %select_n3A_865 = arith.select %lt3A_845, %select_n3A_843, %broadcast_in_dim3A_864 : vector<1024x128xi1>, vector<1024x128xi32>
    %select_n3A_866 = arith.select %lt3A_846, %select_n3A_865, %select_n3A_839 : vector<1024x128xi1>, vector<1024x128xi32>
    %select_n3A_867 = arith.select %lt3A_845, %slice3A_844, %select_n3A_840 : vector<1024x128xi1>, vector<1024x128xf32>
    %jit3A_868 = arith.constant 29 : i32
    %broadcast_in_dim3A_869 = vector.broadcast %jit3A_868 : i32 to vector<1024x128xi32>
    %select_n3A_870 = arith.select %lt3A_845, %broadcast_in_dim3A_869, %select_n3A_843 : vector<1024x128xi1>, vector<1024x128xi32>
    %slice3A_871 = vector.extract_strided_slice %sub3A_49 {offsets = [0, 3840], sizes = [1024, 128], strides = [1, 1]} : vector<1024x4096xf32> to vector<1024x128xf32>
    %lt3A_872 = arith.cmpf olt, %slice3A_871, %select_n3A_867 : vector<1024x128xf32>
    %lt3A_873 = arith.cmpf olt, %slice3A_871, %select_n3A_862 : vector<1024x128xf32>
    %lt3A_874 = arith.cmpf olt, %slice3A_871, %select_n3A_856 : vector<1024x128xf32>
    %lt3A_875 = arith.cmpf olt, %slice3A_871, %select_n3A_850 : vector<1024x128xf32>
    %select_n3A_876 = arith.select %lt3A_874, %select_n3A_856, %slice3A_871 : vector<1024x128xi1>, vector<1024x128xf32>
    %select_n3A_877 = arith.select %lt3A_875, %select_n3A_876, %select_n3A_850 : vector<1024x128xi1>, vector<1024x128xf32>
    %jit3A_878 = arith.constant 30 : i32
    %broadcast_in_dim3A_879 = vector.broadcast %jit3A_878 : i32 to vector<1024x128xi32>
    %select_n3A_880 = arith.select %lt3A_874, %select_n3A_860, %broadcast_in_dim3A_879 : vector<1024x128xi1>, vector<1024x128xi32>
    %select_n3A_881 = arith.select %lt3A_875, %select_n3A_880, %select_n3A_854 : vector<1024x128xi1>, vector<1024x128xi32>
    %select_n3A_882 = arith.select %lt3A_873, %select_n3A_862, %slice3A_871 : vector<1024x128xi1>, vector<1024x128xf32>
    %select_n3A_883 = arith.select %lt3A_874, %select_n3A_882, %select_n3A_856 : vector<1024x128xi1>, vector<1024x128xf32>
    %jit3A_884 = arith.constant 30 : i32
    %broadcast_in_dim3A_885 = vector.broadcast %jit3A_884 : i32 to vector<1024x128xi32>
    %select_n3A_886 = arith.select %lt3A_873, %select_n3A_866, %broadcast_in_dim3A_885 : vector<1024x128xi1>, vector<1024x128xi32>
    %select_n3A_887 = arith.select %lt3A_874, %select_n3A_886, %select_n3A_860 : vector<1024x128xi1>, vector<1024x128xi32>
    %select_n3A_888 = arith.select %lt3A_872, %select_n3A_867, %slice3A_871 : vector<1024x128xi1>, vector<1024x128xf32>
    %select_n3A_889 = arith.select %lt3A_873, %select_n3A_888, %select_n3A_862 : vector<1024x128xi1>, vector<1024x128xf32>
    %jit3A_890 = arith.constant 30 : i32
    %broadcast_in_dim3A_891 = vector.broadcast %jit3A_890 : i32 to vector<1024x128xi32>
    %select_n3A_892 = arith.select %lt3A_872, %select_n3A_870, %broadcast_in_dim3A_891 : vector<1024x128xi1>, vector<1024x128xi32>
    %select_n3A_893 = arith.select %lt3A_873, %select_n3A_892, %select_n3A_866 : vector<1024x128xi1>, vector<1024x128xi32>
    %select_n3A_894 = arith.select %lt3A_872, %slice3A_871, %select_n3A_867 : vector<1024x128xi1>, vector<1024x128xf32>
    %jit3A_895 = arith.constant 30 : i32
    %broadcast_in_dim3A_896 = vector.broadcast %jit3A_895 : i32 to vector<1024x128xi32>
    %select_n3A_897 = arith.select %lt3A_872, %broadcast_in_dim3A_896, %select_n3A_870 : vector<1024x128xi1>, vector<1024x128xi32>
    %slice3A_898 = vector.extract_strided_slice %sub3A_49 {offsets = [0, 3968], sizes = [1024, 128], strides = [1, 1]} : vector<1024x4096xf32> to vector<1024x128xf32>
    %lt3A_899 = arith.cmpf olt, %slice3A_898, %select_n3A_894 : vector<1024x128xf32>
    %lt3A_900 = arith.cmpf olt, %slice3A_898, %select_n3A_889 : vector<1024x128xf32>
    %lt3A_901 = arith.cmpf olt, %slice3A_898, %select_n3A_883 : vector<1024x128xf32>
    %lt3A_902 = arith.cmpf olt, %slice3A_898, %select_n3A_877 : vector<1024x128xf32>
    %select_n3A_903 = arith.select %lt3A_901, %select_n3A_883, %slice3A_898 : vector<1024x128xi1>, vector<1024x128xf32>
    %select_n3A_904 = arith.select %lt3A_902, %select_n3A_903, %select_n3A_877 : vector<1024x128xi1>, vector<1024x128xf32>
    %jit3A_905 = arith.constant 31 : i32
    %broadcast_in_dim3A_906 = vector.broadcast %jit3A_905 : i32 to vector<1024x128xi32>
    %select_n3A_907 = arith.select %lt3A_901, %select_n3A_887, %broadcast_in_dim3A_906 : vector<1024x128xi1>, vector<1024x128xi32>
    %select_n3A_908 = arith.select %lt3A_902, %select_n3A_907, %select_n3A_881 : vector<1024x128xi1>, vector<1024x128xi32>
    %select_n3A_909 = arith.select %lt3A_900, %select_n3A_889, %slice3A_898 : vector<1024x128xi1>, vector<1024x128xf32>
    %select_n3A_910 = arith.select %lt3A_901, %select_n3A_909, %select_n3A_883 : vector<1024x128xi1>, vector<1024x128xf32>
    %jit3A_911 = arith.constant 31 : i32
    %broadcast_in_dim3A_912 = vector.broadcast %jit3A_911 : i32 to vector<1024x128xi32>
    %select_n3A_913 = arith.select %lt3A_900, %select_n3A_893, %broadcast_in_dim3A_912 : vector<1024x128xi1>, vector<1024x128xi32>
    %select_n3A_914 = arith.select %lt3A_901, %select_n3A_913, %select_n3A_887 : vector<1024x128xi1>, vector<1024x128xi32>
    %select_n3A_915 = arith.select %lt3A_899, %select_n3A_894, %slice3A_898 : vector<1024x128xi1>, vector<1024x128xf32>
    %select_n3A_916 = arith.select %lt3A_900, %select_n3A_915, %select_n3A_889 : vector<1024x128xi1>, vector<1024x128xf32>
    %jit3A_917 = arith.constant 31 : i32
    %broadcast_in_dim3A_918 = vector.broadcast %jit3A_917 : i32 to vector<1024x128xi32>
    %select_n3A_919 = arith.select %lt3A_899, %select_n3A_897, %broadcast_in_dim3A_918 : vector<1024x128xi1>, vector<1024x128xi32>
    %select_n3A_920 = arith.select %lt3A_900, %select_n3A_919, %select_n3A_893 : vector<1024x128xi1>, vector<1024x128xi32>
    %select_n3A_921 = arith.select %lt3A_899, %slice3A_898, %select_n3A_894 : vector<1024x128xi1>, vector<1024x128xf32>
    %jit3A_922 = arith.constant 31 : i32
    %broadcast_in_dim3A_923 = vector.broadcast %jit3A_922 : i32 to vector<1024x128xi32>
    %select_n3A_924 = arith.select %lt3A_899, %broadcast_in_dim3A_923, %select_n3A_897 : vector<1024x128xi1>, vector<1024x128xi32>
    %iota3A = tpu.iota {dimensions = array<i32: 1>} : vector<1024x128xi32>
    %concatenate3A = tpu.concatenate %select_n3A_921, %select_n3A_916, %select_n3A_910, %select_n3A_904 in 1 : vector<1024x128xf32>, vector<1024x128xf32>, vector<1024x128xf32>, vector<1024x128xf32> -> vector<1024x512xf32>
    %mul3A_925 = arith.constant 128 : i32
    %mul3A_926 = vector.broadcast %mul3A_925 : i32 to vector<1024x128xi32>
    %mul3A_927 = arith.muli %select_n3A_924, %mul3A_926 : vector<1024x128xi32>
    %add3A_928 = arith.addi %mul3A_927, %iota3A : vector<1024x128xi32>
    %mul3A_929 = arith.constant 128 : i32
    %mul3A_930 = vector.broadcast %mul3A_929 : i32 to vector<1024x128xi32>
    %mul3A_931 = arith.muli %select_n3A_920, %mul3A_930 : vector<1024x128xi32>
    %add3A_932 = arith.addi %mul3A_931, %iota3A : vector<1024x128xi32>
    %mul3A_933 = arith.constant 128 : i32
    %mul3A_934 = vector.broadcast %mul3A_933 : i32 to vector<1024x128xi32>
    %mul3A_935 = arith.muli %select_n3A_914, %mul3A_934 : vector<1024x128xi32>
    %add3A_936 = arith.addi %mul3A_935, %iota3A : vector<1024x128xi32>
    %mul3A_937 = arith.constant 128 : i32
    %mul3A_938 = vector.broadcast %mul3A_937 : i32 to vector<1024x128xi32>
    %mul3A_939 = arith.muli %select_n3A_908, %mul3A_938 : vector<1024x128xi32>
    %add3A_940 = arith.addi %mul3A_939, %iota3A : vector<1024x128xi32>
    %concatenate3A_941 = tpu.concatenate %add3A_928, %add3A_932, %add3A_936, %add3A_940 in 1 : vector<1024x128xi32>, vector<1024x128xi32>, vector<1024x128xi32>, vector<1024x128xi32> -> vector<1024x512xi32>
    %reduce_min3A = arith.constant dense<0x7F800000> : vector<1024xf32>
    %reduce_min3A_942 = vector.multi_reduction <minimumf>, %concatenate3A, %reduce_min3A [1] : vector<1024x512xf32> to vector<1024xf32>
    %broadcast_in_dim3A_943 = vector.shape_cast %reduce_min3A_942 : vector<1024xf32> to vector<1024x1xf32>
    %eq3A_944 = vector.broadcast %broadcast_in_dim3A_943 : vector<1024x1xf32> to vector<1024x512xf32>
    %eq3A_945 = arith.cmpf oeq, %concatenate3A, %eq3A_944 : vector<1024x512xf32>
    %jit3A_946 = arith.constant 4096 : i32
    %broadcast_in_dim3A_947 = vector.broadcast %jit3A_946 : i32 to vector<1024x512xi32>
    %select_n3A_948 = arith.select %eq3A_945, %concatenate3A_941, %broadcast_in_dim3A_947 : vector<1024x512xi1>, vector<1024x512xi32>
    %reduce_min3A_949 = arith.constant dense<2147483647> : vector<1024xi32>
    %reduce_min3A_950 = vector.multi_reduction <minsi>, %select_n3A_948, %reduce_min3A_949 [1] : vector<1024x512xi32> to vector<1024xi32>
    %broadcast_in_dim3A_951 = vector.shape_cast %reduce_min3A_950 : vector<1024xi32> to vector<1024x1xi32>
    %transpose3A_952 = tpu.transpose %broadcast_in_dim3A_951, [1, 0] : vector<1024x1xi32> -> vector<1x1024xi32>
    %eq3A_953 = vector.broadcast %broadcast_in_dim3A_951 : vector<1024x1xi32> to vector<1024x512xi32>
    %eq3A_954 = arith.cmpi eq, %concatenate3A_941, %eq3A_953 : vector<1024x512xi32>
    %jit3A_955 = arith.constant 1.000000e+30 : f32
    %broadcast_in_dim3A_956 = vector.broadcast %jit3A_955 : f32 to vector<1024x512xf32>
    %select_n3A_957 = arith.select %eq3A_954, %broadcast_in_dim3A_956, %concatenate3A : vector<1024x512xi1>, vector<1024x512xf32>
    %reduce_min3A_958 = arith.constant dense<0x7F800000> : vector<1024xf32>
    %reduce_min3A_959 = vector.multi_reduction <minimumf>, %select_n3A_957, %reduce_min3A_958 [1] : vector<1024x512xf32> to vector<1024xf32>
    %broadcast_in_dim3A_960 = vector.shape_cast %reduce_min3A_959 : vector<1024xf32> to vector<1024x1xf32>
    %eq3A_961 = vector.broadcast %broadcast_in_dim3A_960 : vector<1024x1xf32> to vector<1024x512xf32>
    %eq3A_962 = arith.cmpf oeq, %select_n3A_957, %eq3A_961 : vector<1024x512xf32>
    %jit3A_963 = arith.constant 4096 : i32
    %broadcast_in_dim3A_964 = vector.broadcast %jit3A_963 : i32 to vector<1024x512xi32>
    %select_n3A_965 = arith.select %eq3A_962, %concatenate3A_941, %broadcast_in_dim3A_964 : vector<1024x512xi1>, vector<1024x512xi32>
    %reduce_min3A_966 = arith.constant dense<2147483647> : vector<1024xi32>
    %reduce_min3A_967 = vector.multi_reduction <minsi>, %select_n3A_965, %reduce_min3A_966 [1] : vector<1024x512xi32> to vector<1024xi32>
    %broadcast_in_dim3A_968 = vector.shape_cast %reduce_min3A_967 : vector<1024xi32> to vector<1024x1xi32>
    %transpose3A_969 = tpu.transpose %broadcast_in_dim3A_968, [1, 0] : vector<1024x1xi32> -> vector<1x1024xi32>
    %eq3A_970 = vector.broadcast %broadcast_in_dim3A_968 : vector<1024x1xi32> to vector<1024x512xi32>
    %eq3A_971 = arith.cmpi eq, %concatenate3A_941, %eq3A_970 : vector<1024x512xi32>
    %jit3A_972 = arith.constant 1.000000e+30 : f32
    %broadcast_in_dim3A_973 = vector.broadcast %jit3A_972 : f32 to vector<1024x512xf32>
    %select_n3A_974 = arith.select %eq3A_971, %broadcast_in_dim3A_973, %select_n3A_957 : vector<1024x512xi1>, vector<1024x512xf32>
    %reduce_min3A_975 = arith.constant dense<0x7F800000> : vector<1024xf32>
    %reduce_min3A_976 = vector.multi_reduction <minimumf>, %select_n3A_974, %reduce_min3A_975 [1] : vector<1024x512xf32> to vector<1024xf32>
    %broadcast_in_dim3A_977 = vector.shape_cast %reduce_min3A_976 : vector<1024xf32> to vector<1024x1xf32>
    %eq3A_978 = vector.broadcast %broadcast_in_dim3A_977 : vector<1024x1xf32> to vector<1024x512xf32>
    %eq3A_979 = arith.cmpf oeq, %select_n3A_974, %eq3A_978 : vector<1024x512xf32>
    %jit3A_980 = arith.constant 4096 : i32
    %broadcast_in_dim3A_981 = vector.broadcast %jit3A_980 : i32 to vector<1024x512xi32>
    %select_n3A_982 = arith.select %eq3A_979, %concatenate3A_941, %broadcast_in_dim3A_981 : vector<1024x512xi1>, vector<1024x512xi32>
    %reduce_min3A_983 = arith.constant dense<2147483647> : vector<1024xi32>
    %reduce_min3A_984 = vector.multi_reduction <minsi>, %select_n3A_982, %reduce_min3A_983 [1] : vector<1024x512xi32> to vector<1024xi32>
    %broadcast_in_dim3A_985 = vector.shape_cast %reduce_min3A_984 : vector<1024xi32> to vector<1024x1xi32>
    %transpose3A_986 = tpu.transpose %broadcast_in_dim3A_985, [1, 0] : vector<1024x1xi32> -> vector<1x1024xi32>
    %eq3A_987 = vector.broadcast %broadcast_in_dim3A_985 : vector<1024x1xi32> to vector<1024x512xi32>
    %eq3A_988 = arith.cmpi eq, %concatenate3A_941, %eq3A_987 : vector<1024x512xi32>
    %jit3A_989 = arith.constant 1.000000e+30 : f32
    %broadcast_in_dim3A_990 = vector.broadcast %jit3A_989 : f32 to vector<1024x512xf32>
    %select_n3A_991 = arith.select %eq3A_988, %broadcast_in_dim3A_990, %select_n3A_974 : vector<1024x512xi1>, vector<1024x512xf32>
    %reduce_min3A_992 = arith.constant dense<0x7F800000> : vector<1024xf32>
    %reduce_min3A_993 = vector.multi_reduction <minimumf>, %select_n3A_991, %reduce_min3A_992 [1] : vector<1024x512xf32> to vector<1024xf32>
    %broadcast_in_dim3A_994 = vector.shape_cast %reduce_min3A_993 : vector<1024xf32> to vector<1024x1xf32>
    %eq3A_995 = vector.broadcast %broadcast_in_dim3A_994 : vector<1024x1xf32> to vector<1024x512xf32>
    %eq3A_996 = arith.cmpf oeq, %select_n3A_991, %eq3A_995 : vector<1024x512xf32>
    %jit3A_997 = arith.constant 4096 : i32
    %broadcast_in_dim3A_998 = vector.broadcast %jit3A_997 : i32 to vector<1024x512xi32>
    %select_n3A_999 = arith.select %eq3A_996, %concatenate3A_941, %broadcast_in_dim3A_998 : vector<1024x512xi1>, vector<1024x512xi32>
    %reduce_min3A_1000 = arith.constant dense<2147483647> : vector<1024xi32>
    %reduce_min3A_1001 = vector.multi_reduction <minsi>, %select_n3A_999, %reduce_min3A_1000 [1] : vector<1024x512xi32> to vector<1024xi32>
    %broadcast_in_dim3A_1002 = vector.shape_cast %reduce_min3A_1001 : vector<1024xi32> to vector<1024x1xi32>
    %transpose3A_1003 = tpu.transpose %broadcast_in_dim3A_1002, [1, 0] : vector<1024x1xi32> -> vector<1x1024xi32>
    %concatenate3A_1004 = tpu.concatenate %transpose3A_952, %transpose3A_969, %transpose3A_986, %transpose3A_1003 in 0 : vector<1x1024xi32>, vector<1x1024xi32>, vector<1x1024xi32>, vector<1x1024xi32> -> vector<4x1024xi32>
    %swap3A = arith.constant 0 : index
    %swap3A_1005 = arith.constant 0 : index
    %swap3A_1006 = arith.constant 0 : index
    %swap3A_1007 = vector.load %arg8[%swap3A, %swap3A_1005, %swap3A_1006] : memref<1x4x1024xi32, #tpu.memory_space<vmem>>, vector<1x4x1024xi32>
    %swap3A_1008 = vector.shape_cast %swap3A_1007 : vector<1x4x1024xi32> to vector<4x1024xi32>
    %swap3A_1009 = vector.shape_cast %concatenate3A_1004 : vector<4x1024xi32> to vector<1x4x1024xi32>
    tpu.vector_store %arg8[%swap3A, %swap3A_1005, %swap3A_1006], %swap3A_1009 {strides = array<i32>} : memref<1x4x1024xi32, #tpu.memory_space<vmem>>, vector<1x4x1024xi32>,
    return
  }
  func.func @transform_0(%arg0: i32, %arg1: i32) -> (i32, i32, i32) {
    %c0_i32 = arith.constant 0 : i32
    %c0_i32_0 = arith.constant 0 : i32
    %c0_i32_1 = arith.constant 0 : i32
    return %arg0, %c0_i32, %c0_i32_0 : i32, i32, i32
  }
  func.func @transform_1(%arg0: i32, %arg1: i32) -> (i32, i32, i32) {
    %c0_i32 = arith.constant 0 : i32
    %c0_i32_0 = arith.constant 0 : i32
    %c0_i32_1 = arith.constant 0 : i32
    return %arg0, %c0_i32, %c0_i32_0 : i32, i32, i32
  }
  func.func @transform_2(%arg0: i32, %arg1: i32) -> (i32, i32, i32) {
    %c0_i32 = arith.constant 0 : i32
    %c0_i32_0 = arith.constant 0 : i32
    %c0_i32_1 = arith.constant 0 : i32
    return %arg0, %c0_i32, %c0_i32_0 : i32, i32, i32
  }
  func.func @transform_3(%arg0: i32, %arg1: i32) -> (i32, i32, i32) {
    %c0_i32 = arith.constant 0 : i32
    %c0_i32_0 = arith.constant 0 : i32
    %c0_i32_1 = arith.constant 0 : i32
    return %arg0, %c0_i32, %c0_i32_0 : i32, i32, i32
  }
  func.func @transform_4(%arg0: i32, %arg1: i32) -> (i32, i32, i32) {
    %c0_i32 = arith.constant 0 : i32
    %c0_i32_0 = arith.constant 0 : i32
    return %arg0, %c0_i32, %arg1 : i32, i32, i32
  }
  func.func @transform_5(%arg0: i32, %arg1: i32) -> (i32, i32, i32) {
    %c0_i32 = arith.constant 0 : i32
    %c0_i32_0 = arith.constant 0 : i32
    return %arg0, %c0_i32, %arg1 : i32, i32, i32
  }
  func.func @transform_6(%arg0: i32, %arg1: i32) -> (i32, i32, i32) {
    %c0_i32 = arith.constant 0 : i32
    %c0_i32_0 = arith.constant 0 : i32
    return %arg0, %c0_i32, %arg1 : i32, i32, i32
  }
  func.func @transform_7(%arg0: i32, %arg1: i32) -> (i32, i32, i32) {
    %c0_i32 = arith.constant 0 : i32
    %c0_i32_0 = arith.constant 0 : i32
    %c0_i32_1 = arith.constant 0 : i32
    return %arg0, %c0_i32, %c0_i32_0 : i32, i32, i32
  }
  func.func @transform_8(%arg0: i32, %arg1: i32) -> (i32, i32, i32) {
    %c0_i32 = arith.constant 0 : i32
    %c0_i32_0 = arith.constant 0 : i32
    %c0_i32_1 = arith.constant 0 : i32
    return %arg0, %c0_i32, %c0_i32_0 : i32, i32, i32
  }
}

</mosaic_0001>

<sc_bundles>
// kernel: kernel.4.cloned.1.call-start
scs
__scs_entry_jumppad:
0x0: {  	(pc) =	sbr.rel $0x88, $3  }
0x1: {  	(tag) =	ssettag $0x0;
	lr =	simm.s32 $0x1  }
0x2: {  	[smem:$0x3F9E] =	sst lr;
	_ =	strace $0xD0000000  }
0x3: {  	_ = 	snop  }
0x4: {  	_ = 	snop  }
0x5: {  	_ = 	snop  }
0x6: {  	_ = 	snop  }
0x7: {  	_ = 	snop  }
__scs_overlays_trampoline_lowered:
0x8: {  	[smem:$0x3FAD] =	sst s0  }
0x9: {  	[smem:$0x3FAE] =	sst s1  }
0xa: {  	[smem:$0x3FAF] =	sst s2  }
0xb: {  	[smem:$0x3FB0] =	sst s3  }
0xc: {  	[smem:$0x3FB1] =	sst s4  }
0xd: {  	[smem:$0x3FB2] =	sst s5  }
0xe: {  	[smem:$0x3FB3] =	sst s6  }
0xf: {  	[smem:$0x3FB4] =	sst s7  }
0x10: {  	[smem:$0x3FB5] =	sst s8  }
0x11: {  	[smem:$0x3FB6] =	sst s9;
	s0 =	simm.s32 @!p0 $0x0  }
0x12: {  	s1 =	sld [smem:$0x3F9C];
	s0 =	simm.s32 @p0 $0x1  }
0x13: {  	[smem:$0x3FB7] =	sst s0;
	s0 =	simm.s32 @!p1 $0x0  }
0x14: {  	s2 =	sld [smem:$0x3F9B];
	s0 =	simm.s32 @p1 $0x1  }
0x15: {  	[smem:$0x3FB8] =	sst s0;
	s0 =	simm.s32 @!p2 $0x0  }
0x16: {  	s3 =	sld [smem:$0x3FDB];
	s0 =	simm.s32 @p2 $0x1  }
0x17: {  	s4 =	simm.s32 $0x1BF5;
	[smem:$0x3FBA] =	sst s0  }
0x18: {  	s0 =	sld [smem:$0x3F9D];
	_ =	swait.ge [sflag:s4], $0x0  }
0x19: {  	s7 =	sld [smem:$0x3F9E]  }
0x1a: {  	s8 =	sadd.s32 $0xFFFFE003, lr  }
0x1b: {  	s9 =	sadd.s32 $0xFFFFFEF7, lr;
	s5 =	simm.s32 $0xFFFFFFFF;
	p2 =	slt.u32 s8, $0xFFFFF086  }
0x1c: {  	p1 =	slt.u32 s9, $0xF7A;
	s5 =	simm.s32 @!p2 $0x0  }
0x1d: {  	s5 =	simm.s32 @p1 $0x1;
	p0 =	seq.s32 s7, s2  }
0x1e: {  	s7 =	smul.u32 @!p0 $0xF7A, s2;
	p2 =	seq.s32 @!p0 s5, $0x0  }
0x1f: {  	s9 =	smul.u32 $0xF7A, s1;
	s8 =	simm.s32 @!p0 $0x1BF5;
	p2 =	por !p2, p0  }
0x20: {  	[sflag:s8] =	ssyncset.s32 @!p0 $0xFFFFF086;
	s6 =	sadd.s32 @!p0 s3, s7;
	s7 =	simm.s32 @!p0 $0x108  }
0x21: {  	s3 =	sadd.s32 s3, s9;
	s6 =	sadd.s32 @!p0 $0x88, s6;
	s7 =	simm.s32 @p2 $0x1082  }
0x22: {  	[simem:s7], [sflag:s8] =	dma.local @!p0 [hbm:s6], $0xF7A  }
0x23: {  	s9 =	sor.u32 $0xD0000000, s2;
	s6 =	simm.s32 $0x108;
	_ =	swait.ge @!p0 [sflag:s8], $0x0  }
0x24: {  	s3 =	sadd.s32 $0x88, s3;
	s6 =	simm.s32 @!p1 $0x1082;
	[sflag:s4] =	ssyncset.s32 $0xFFFFF086  }
0x25: {  	[simem:s6], [sflag:s4] =	dma.local [hbm:s3], $0xF7A  }
0x26: {  	[smem:$0x3F9E] =	sst s1;
	(tag) =	ssettag s2;
	_ =	strace s9  }
0x27: {  	s1 =	sld [smem:$0x3FAE]  }
0x28: {  	s2 =	sld [smem:$0x3FAF]  }
0x29: {  	s4 =	sld [smem:$0x3FB1]  }
0x2a: {  	p0 =	seq.s32 s5, $0x0;
	s5 =	sld [smem:$0x3FB2]  }
0x2b: {  	s6 =	sld [smem:$0x3FB3]  }
0x2c: {  	s7 =	sld [smem:$0x3FB4]  }
0x2d: {  	s3 =	simm.s32 $0x108;
	s8 =	sld [smem:$0x3FB5]  }
0x2e: {  	s3 =	simm.s32 @!p0 $0x1082;
	s9 =	sld [smem:$0x3FB6]  }
0x2f: {  	lr =	sadd.s32 s0, s3;
	s0 =	sld [smem:$0x3FAD]  }
0x30: {  	s3 =	sld [smem:$0x3FB0]  }
0x31: {  	[smem:$0x3FB9] =	sst s10  }
0x32: {  	s10 =	sld [smem:$0x3FB7];
	_ =	sdelay $0x3  }
0x33: {  	p0 =	seq.s32 s10, $0x1;
	s10 =	sld [smem:$0x3FB9];
	_ =	sdelay $0x3  }
0x34: {  	[smem:$0x3FB9] =	sst s10  }
0x35: {  	s10 =	sld [smem:$0x3FB8];
	_ =	sdelay $0x3  }
0x36: {  	p1 =	seq.s32 s10, $0x1;
	s10 =	sld [smem:$0x3FB9];
	_ =	sdelay $0x3  }
0x37: {  	[smem:$0x3FB9] =	sst s10  }
0x38: {  	s10 =	sld [smem:$0x3FBA]  }
0x39: {  	_ = 	snop;
	(pc) =	sbr.ind lr, $3  }
0x3a: {  	_ = 	snop  }
0x3b: {  	_ = 	snop  }
0x3c: {  	p2 =	seq.s32 s10, $0x1;
	s10 =	sld [smem:$0x3FB9]  }
0x3d: {  	_ =	shalt  }
0x3e: {  	_ =	shalt  }
0x3f: {  	_ =	shalt  }
0x40: {  	_ =	shalt  }
0x41: {  	_ =	shalt  }
0x42: {  	_ =	shalt  }
0x43: {  	_ =	shalt  }
0x44: {  	_ =	shalt  }
0x45: {  	_ =	shalt  }
0x46: {  	_ =	shalt  }
0x47: {  	_ =	shalt  }
0x48: {  	_ =	shalt  }
0x49: {  	_ =	shalt  }
0x4a: {  	_ =	shalt  }
0x4b: {  	_ =	shalt  }
0x4c: {  	_ =	shalt  }
0x4d: {  	_ =	shalt  }
0x4e: {  	_ =	shalt  }
0x4f: {  	_ =	shalt  }
0x50: {  	_ =	shalt  }
0x51: {  	_ =	shalt  }
0x52: {  	_ =	shalt  }
0x53: {  	_ =	shalt  }
0x54: {  	_ =	shalt  }
0x55: {  	_ =	shalt  }
0x56: {  	_ =	shalt  }
0x57: {  	_ =	shalt  }
0x58: {  	_ =	shalt  }
0x59: {  	_ =	shalt  }
0x5a: {  	_ =	shalt  }
0x5b: {  	_ =	shalt  }
0x5c: {  	_ =	shalt  }
0x5d: {  	_ =	shalt  }
0x5e: {  	_ =	shalt  }
0x5f: {  	_ =	shalt  }
0x60: {  	_ =	shalt  }
0x61: {  	_ =	shalt  }
0x62: {  	_ =	shalt  }
0x63: {  	_ =	shalt  }
0x64: {  	_ =	shalt  }
0x65: {  	_ =	shalt  }
0x66: {  	_ =	shalt  }
0x67: {  	_ =	shalt  }
0x68: {  	_ =	shalt  }
0x69: {  	_ =	shalt  }
0x6a: {  	_ =	shalt  }
0x6b: {  	_ =	shalt  }
0x6c: {  	_ =	shalt  }
0x6d: {  	_ =	shalt  }
0x6e: {  	_ =	shalt  }
0x6f: {  	_ =	shalt  }
0x70: {  	_ =	shalt  }
0x71: {  	_ =	shalt  }
0x72: {  	_ =	shalt  }
0x73: {  	_ =	shalt  }
0x74: {  	_ =	shalt  }
0x75: {  	_ =	shalt  }
0x76: {  	_ =	shalt  }
0x77: {  	_ =	shalt  }
0x78: {  	_ =	shalt  }
0x79: {  	_ =	shalt  }
0x7a: {  	_ =	shalt  }
0x7b: {  	_ =	shalt  }
0x7c: {  	_ =	shalt  }
0x7d: {  	_ =	shalt  }
0x7e: {  	_ =	shalt  }
0x7f: {  	_ =	shalt  }
0x80: {  	_ =	shalt  }
0x81: {  	_ =	shalt  }
0x82: {  	_ =	shalt  }
0x83: {  	_ =	shalt  }
0x84: {  	_ =	shalt  }
0x85: {  	_ =	shalt  }
0x86: {  	_ =	shalt  }
0x87: {  	_ =	shalt  }
.Lfunc_end0:
.L_simem_size_0:
called_computation_lowered:
.L_overlay_start_0:
0x88: {  	s2 =	sld [smem:$0x3FD9]  }
0x89: {  	s3 =	sld [smem:$0x3FFE];
	_ =	sdelay $0x1  }
0x8a: {  	s1 =	srdreg.scid  }
0x8b: {  	s0 =	sand.u32 $0x1, s1  }
0x8c: {  	s16 =	sshll.u32 s0, $0xA;
	s2 =	sadd.s32 s3, s2  }
0x8d: {  	s2 =	sadd.s32 s2, s16  }
0x8e: {  	[smem:$0x3FC5] =	sst s2  }
0x8f: {  	_ = 	snop  }
0x90: {  	(tm) =	ssettm $0x1  }
0x91: {  	s17 =	sld [smem:$0x3FFB];
	_ =	sdelay $0x3  }
0x92: {  	_ =	strace s17  }
0x93: {  	s2 =	sld [smem:$0x3FFC];
	_ =	sdelay $0x3  }
0x94: {  	_ =	strace s2  }
0x95: {  	s2 =	sld [smem:$0x3FFD];
	_ =	sdelay $0x3  }
0x96: {  	_ =	strace s2  }
0x97: {  	_ =	strace $0x8FFFFFFF  }
0x98: {  	s18 =	sld [smem:$0x3FDB];
	_ =	sdelay $0x1  }
0x99: {  	s19 =	simm.s32 $_scs_section_size  }
0x9a: {  	s4 =	simm.s32 $_size__tile_overlayer_lowered;
	s5 =	simm.s32 $_tile_overlayer_lowered  }
0x9b: {  	s22 =	simm.s32 $0x1BFF;
	s21 =	sshll.u32 s5, $0x1;
	s2 =	sadd.s32 s19, s18  }
0x9c: {  	s6 =	simm.s32 $0x0;
	s20 =	sshll.u32 s4, $0x1;
	s4 =	sadd.s32 s21, s2  }
0x9d: {  	[timem:s6], [sflag:s22] =	dma.local [hbm:s4], s20  }
0x9e: {  	_ =	swait.ge [sflag:s22], s20  }
0x9f: {  	s3 =	ssub.s32 $0x0, s20;
	[sflag:s22] =	ssyncset.done $0x0  }
0xa0: {  	[sflag:s22] =	ssyncadd.s32 s3;
	_ =	sdelay $0x1  }
0xa1: {  	s23 =	simm.s32 $0x1B8B  }
0xa2: {  	_ =	swait.ge [sflag:s23], $0x1  }
0xa3: {  	[sflag:s23] =	ssyncset.done $0x0  }
0xa4: {  	s25 =	simm.s32 $0x1B8E;
	s24 =	sld [smem:$0x3FFE];
	[sflag:s23] =	ssyncadd.s32 $0xFFFFFFFF  }
0xa5: {  	s26 =	simm.s32 $execute0_lowered;
	[smem:$0x3FD2] =	sst s25  }
0xa6: {  	s4 =	sshll.u32 s26, $0x1;
	_ =	strace $0x80000046;
	[dreg:$0x1] =	wrdreg $0xFFFFFFFF  }
0xa7: {  	s28 =	simm.s32 $_size_execute0_lowered;
	s2 =	sadd.s32 s2, s4;
	[dreg:$0x0] =	wrdreg $0x0  }
0xa8: {  	s4 =	sshll.u32 s28, $0x1;
	[dreg:$0x2] =	wrdreg s2  }
0xa9: {  	[dreg:$0x3] =	wrdreg s4  }
0xaa: {  	[dreg:$0x4] =	wrdreg $0xC0  }
0xab: {  	_ =	task [dreg:s6], $0x5FFFF  }
0xac: {  	[dreg:$0x1] =	wrdreg $0xFFFFFFFF  }
0xad: {  	[dreg:$0x0] =	wrdreg $0x60  }
0xae: {  	[dreg:$0x2] =	wrdreg s24  }
0xaf: {  	[dreg:$0x3] =	wrdreg $0x49000  }
0xb0: {  	[dreg:$0x4] =	wrdreg $0x9  }
0xb1: {  	_ =	task.clear_ibuf [dreg:s6], $0x5FFFF;
	_ =	strace $0x90000046  }
0xb2: {  	s29 =	simm.s32 $0x9;
	_ =	strace $0x80000048  }
0xb3: {  	_ =	swait.ge [sflag:s29], $0x1  }
0xb4: {  	[sflag:s29] =	ssyncadd.s32 $0xFFFFFFFF  }
0xb5: {  	_ =	strace $0x90000048  }
0xb6: {  	_ =	sfence  }
0xb7: {  	s30 =	sld [smem:$0x0];
	_ =	sdelay $0x2  }
0xb8: {  	s31 =	sshll.u32 s1, $0xD;
	s1 =	sshrl.u32 s1, $0x2  }
0xb9: {  	s3 =	sand.u32 $0x4000, s31;
	s1 =	sadd.s32 s1, s30  }
0xba: {  	s0 =	sor.u32 s3, s0;
	s1 =	sshll.u32 s1, $0x11  }
0xbb: {  	s0 =	sor.u32 s1, s0  }
0xbc: {  	s0 =	sadd.s32 $0x8F2B, s0  }
0xbd: {  	[sflag:s0] =	ssyncadd.remote.s32 $0x1  }
0xbe: {  	_ =	sfence.sel $0xFFFF  }
0xbf: {  	[dreg:$0x0] =	wrdreg $0xFFFFFFFF;
	(pc) =	sbr.abs _section_cstart, $3  }
0xc0: {  	[dreg:$0x1] =	wrdreg $0xFFFFFFFF  }
0xc1: {  	_ =	task.clear_ibuf [dreg:s6], $0x2FFFF;
	_ =	strace $0x9FFFFFFF  }
0xc2: {  	(tm) =	ssettm $0x7FFFFFFF  }
0xc3: {  	_ =	shalt  }
tec
execute0_lowered:
.L_overlay_start_1:
0x0: {  	(tag) =	ssettag $0x1  }
0x1: {  	s0 =	rddreg [dreg:$0x0]  }
0x2: {  	s2 =	rddreg [dreg:$0x1];
	s8 =	stileid.u32;
	s3 =	simm.s32 $0x0  }
0x3: {  	s6 =	srdreg.scid;
	s17 =	simm.s32 $0x1;
	s18 =	simm.s32 $0x80  }
0x4: {  	s19 =	simm.s32 $0x400;
	s20 =	simm.s32 $0x2800;
	s22 =	simm.s32 $0x3000  }
0x5: {  	s28 =	simm.s32 $0x2E80;
	s29 =	simm.s32 $0x2F00;
	s30 =	simm.s32 $0x2F80  }
0x6: {  	s31 =	simm.s32 $0x1000;
	s1 =	sshll.u32 s8, $0xB;
	s4 =	sshll.u32 s8, $0x8  }
0x7: {  	[smem:$0x7FF] =	sst s3;
	s12 =	sshrl.u32 s8, $0x1;
	s16 =	sand.u32 $0x1, s6  }
0x8: {  	s25 =	sshll.u32 s8, $0x4;
	s5 =	sor.u32 s4, s1;
	_ =	strace $0x80000047  }
0x9: {  	s24 =	sshll.u32 s12, $0x4;
	s6 =	ssub.s32 $0x2, s16;
	s13 =	sadd.s32 s4, s0  }
0xa: {  	s11 =	sadd.s32 s1, s2;
	s21 =	sshll.u32 s12, $0xC;
	p0 =	sne.s32 s16, $0x0  }
0xb: {  	s1 =	simm.s32 $0x4880;
	s5 =	sand.u32 $0x6300, s5;
	s7 =	sadd.s32 s24, s0  }
0xc: {  	s26 =	sshrl.u32 s6, $0x1;
	s12 =	sadd.s32 $0x3C00, s13;
	s13 =	sadd.s32 $0x4C00, s13  }
0xd: {  	s24 =	simm.s32 $0x2D00;
	s5 =	sshrl.u32 s5, $0x3;
	s15 =	ssub.s32 s6, s26  }
.Ltmp0:
0xe: {  	s4 =	sadd.s32 $0x2C00, s7;
	s6 =	sadd.s32 $0x1800, s7;
	(pc) =	sbr.rel .LBB2_1-.Ltmp0, $4  }
0xf: {  	s26 =	simm.s32 $0x2E00;
	s9 =	sadd.s32 s5, s0;
	s0 =	sadd.s32 s25, s0  }
0x10: {  	s5 =	sadd.s32 $0x1C00, s7;
	s7 =	sadd.s32 $0x1400, s7;
	s15 =	smax.u32 s15, $0x1  }
0x11: {  	s25 =	simm.s32 $0x2D80;
	s8 =	sadd.s32 $0x5C00, s9;
	s9 =	sadd.s32 $0x5C10, s9  }
0x12: {  	v1 =	vimm.f32 $0.0e+00;
	v2 =	vimm.f32 $1.000000000e+00;
	v0 =	vmov s21;
	s10 =	sadd.s32 $0x6E00, s0;
	s14 =	sadd.s32 $0x6C00, s0;
	s0 =	simm.s32 $0x0  }
.LBB2_11:
0x13: {  	v9 =	vld [tilespmem:s23+$0x2800];
	_ =	sdelay $0x4  }
0x14: {  	v3 =	vld.idx.msk [tilespmem:v3+s31+$0x0], $0xffff  }
0x15: {  	v10 =	vld [tilespmem:s16+$0x2400]  }
0x16: {  	v11 =	vld [tilespmem:s23+$0x2000]  }
0x17: {  	v12 =	vld.idx.msk [tilespmem:v9+s3+$0x0], $0xffff  }
0x18: {  	v5 =	vadd.f32 v8, v5;
	v7 =	vmul.f32 v7, v7;
	v4 =	vsub.f32 v6, v4;
	v61 =	vld [tilespmem:s23+$0x2400]  }
0x19: {  	v60 =	vld.idx.msk [tilespmem:v9+s31+$0x0], $0xffff  }
0x1a: {  	v5 =	vadd.f32 v7, v5;
	v4 =	vmul.f32 v4, v4;
	v3 =	vsub.f32 v3, v10;
	_ =	sdelay $0x1  }
0x1b: {  	v4 =	vadd.f32 v4, v5;
	v3 =	vmul.f32 v3, v3;
	v62 =	vsub.f32 v12, v11;
	_ =	sdelay $0x1  }
0x1c: {  	v3 =	vadd.f32 v3, v4;
	v63 =	vsub.f32 v60, v61;
	v5 =	vmul.f32 v62, v62;
	_ =	sdelay $0x1  }
0x1d: {  	v4 =	vmul.f32 v63, v63;
	v3 =	vadd.f32 v5, v3;
	_ =	sdelay $0x1  }
0x1e: {  	v3 =	vadd.f32 v4, v3;
	_ =	sdelay $0x1  }
0x1f: {  	[tilespmem:$0x4880] =	vst v3  }
0x20: {  	[hbm4b:s10+s3] =	stream.linear.scatter [tilespmem:s1], [sflag:$0x1], $0x80, $0x38;
	[tilespmem:$0x5100] =	vst v63  }
0x21: {  	_ =	swait.ge [sflag:s17], $0x80  }
0x22: {  	[sflag:s17] =	ssyncset.done $0x0  }
0x23: {  	[sflag:s17] =	ssyncadd.s32 $0xFFFFFF80  }
0x24: {  	[bflag:$0x0] =	sbarrier.arrive $0xFFFF  }
0x25: {  	[bflag:$0x0] =	sbarrier.arrive $0xFFFF  }
.LBB2_12:
0x26: {  	s0 =	sadd.s32 $0x1, s0  }
0x27: {  	p1 =	sne.s32 s0, s15  }
.Ltmp1:
0x28: {  	_ = 	snop;
	(pc) =	sbr.rel @!p1 .LBB2_13-.Ltmp1, $1  }
0x29: {  	_ =	sdelay $0x3  }
.LBB2_1:
.Ltmp2:
0x2a: {  	(pc) =	sbr.rel @p0 .LBB2_7-.Ltmp2, $1  }
0x2b: {  	_ =	sdelay $0x3  }
0x2c: {  	s16 =	simm.s32 $0x40;
	s21 =	simm.s32 $0x0  }
.LBB2_3:
0x2d: {  	p1 =	sne.s32 s16, $0x1FC0;
	[tilespmem:s21+$0x3080] =	vst v1;
	s21 =	smov.u32 s16;
	s16 =	sadd.s32 $0x40, s16  }
.Ltmp3:
0x2e: {  	(pc) =	sbr.rel @p1 .LBB2_3-.Ltmp3, $2  }
0x2f: {  	_ =	sdelay $0x2  }
0x30: {  	s21 =	sshra.s32 s21, $0x2  }
0x31: {  	[tilespmem:s21+$0x3080] =	vst v1;
	s16 =	simm.s32 $0x3080  }
0x32: {  	[spmem:s11] =	stream.linear.scatter [tilespmem:s16], [sflag:$0x1], $0x800, $0x38;
	[tilespmem:$0x5100] =	vst v63  }
0x33: {  	_ =	swait.ge [sflag:s17], $0x800  }
0x34: {  	[sflag:s17] =	ssyncset.done $0x0  }
0x35: {  	[sflag:s17] =	ssyncadd.s32 $0xFFFFF800  }
0x36: {  	[tilespmem:$0x3000] =	vst v2  }
0x37: {  	[tilespmem:$0x3010] =	vst v2  }
0x38: {  	[tilespmem:$0x3020] =	vst v2  }
0x39: {  	[tilespmem:$0x3030] =	vst v2  }
0x3a: {  	[tilespmem:$0x3040] =	vst v2  }
0x3b: {  	[tilespmem:$0x3050] =	vst v2  }
0x3c: {  	[tilespmem:$0x3060] =	vst v2  }
0x3d: {  	[tilespmem:$0x3070] =	vst v2  }
0x3e: {  	[bflag:$0x0] =	sbarrier.arrive $0xFFFF  }
0x3f: {  	[tilespmem:s20], [sflag:$0x1] =	stream.strided.gather [hbm4b:s8+s18], $0x400, s19, s18, $0x38;
	[tilespmem:$0x5100] =	vst v63  }
0x40: {  	_ =	swait.ge [sflag:s17], $0x400  }
0x41: {  	[sflag:s17] =	ssyncset.done $0x0  }
0x42: {  	[sflag:s17] =	ssyncadd.s32 $0xFFFFFC00  }
0x43: {  	v3 =	vld [tilespmem:$0x2800]  }
0x44: {  	v4 =	vld [tilespmem:$0x2810]  }
0x45: {  	v5 =	vld [tilespmem:$0x2820]  }
0x46: {  	v6 =	vld [tilespmem:$0x2830]  }
0x47: {  	v7 =	vld [tilespmem:$0x2840]  }
0x48: {  	v8 =	vld [tilespmem:$0x2850];
	v3 =	vadd.s32 v0, v3  }
0x49: {  	[tilespmem:$0x2C00] =	vst v3;
	v3 =	vadd.s32 v0, v4;
	v4 =	vld [tilespmem:$0x2860]  }
0x4a: {  	[tilespmem:$0x2C10] =	vst v3;
	v3 =	vadd.s32 v0, v5;
	v5 =	vld [tilespmem:$0x2870]  }
0x4b: {  	[tilespmem:$0x2C20] =	vst v3;
	v3 =	vadd.s32 v0, v6  }
0x4c: {  	[tilespmem:$0x2C30] =	vst v3;
	v3 =	vadd.s32 v0, v7  }
0x4d: {  	[tilespmem:$0x2C40] =	vst v3;
	v3 =	vadd.s32 v0, v8  }
0x4e: {  	[tilespmem:$0x2C50] =	vst v3;
	v3 =	vadd.s32 v0, v4  }
0x4f: {  	[tilespmem:$0x2C60] =	vst v3;
	v3 =	vadd.s32 v0, v5  }
0x50: {  	s21 =	simm.s32 $0x2C00;
	[tilespmem:$0x2C70] =	vst v3  }
0x51: {  	[spmem:s2] =	stream.indirect.scatter.add.f32 [tilespmem:s22], [sflag:$0x1], $0x1, s21, s18, $0xb8;
	[tilespmem:$0x5100] =	vst v63  }
0x52: {  	_ =	swait.ge [sflag:s17], $0x80  }
0x53: {  	[sflag:s17] =	ssyncset.done $0x0  }
0x54: {  	[sflag:s17] =	ssyncadd.s32 $0xFFFFFF80  }
0x55: {  	v3 =	vld [tilespmem:$0x2880]  }
0x56: {  	v4 =	vld [tilespmem:$0x2890]  }
0x57: {  	v5 =	vld [tilespmem:$0x28A0]  }
0x58: {  	v6 =	vld [tilespmem:$0x28B0]  }
0x59: {  	v7 =	vld [tilespmem:$0x28C0]  }
0x5a: {  	v8 =	vld [tilespmem:$0x28D0];
	v3 =	vadd.s32 v0, v3  }
0x5b: {  	[tilespmem:$0x2C80] =	vst v3;
	v3 =	vadd.s32 v0, v4;
	v4 =	vld [tilespmem:$0x28E0]  }
0x5c: {  	[tilespmem:$0x2C90] =	vst v3;
	v3 =	vadd.s32 v0, v5;
	v5 =	vld [tilespmem:$0x28F0]  }
0x5d: {  	[tilespmem:$0x2CA0] =	vst v3;
	v3 =	vadd.s32 v0, v6  }
0x5e: {  	[tilespmem:$0x2CB0] =	vst v3;
	v3 =	vadd.s32 v0, v7  }
0x5f: {  	[tilespmem:$0x2CC0] =	vst v3;
	v3 =	vadd.s32 v0, v8  }
0x60: {  	[tilespmem:$0x2CD0] =	vst v3;
	v3 =	vadd.s32 v0, v4  }
0x61: {  	[tilespmem:$0x2CE0] =	vst v3;
	v3 =	vadd.s32 v0, v5  }
0x62: {  	s23 =	simm.s32 $0x2C80;
	[tilespmem:$0x2CF0] =	vst v3  }
0x63: {  	[spmem:s2] =	stream.indirect.scatter.add.f32 [tilespmem:s22], [sflag:$0x1], $0x1, s23, s18, $0xb8;
	[tilespmem:$0x5100] =	vst v63  }
0x64: {  	_ =	swait.ge [sflag:s17], $0x80  }
0x65: {  	[sflag:s17] =	ssyncset.done $0x0  }
0x66: {  	[sflag:s17] =	ssyncadd.s32 $0xFFFFFF80  }
0x67: {  	v3 =	vld [tilespmem:$0x2900]  }
0x68: {  	v4 =	vld [tilespmem:$0x2910]  }
0x69: {  	v5 =	vld [tilespmem:$0x2920]  }
0x6a: {  	v6 =	vld [tilespmem:$0x2930]  }
0x6b: {  	v7 =	vld [tilespmem:$0x2940]  }
0x6c: {  	v8 =	vld [tilespmem:$0x2950];
	v3 =	vadd.s32 v0, v3  }
0x6d: {  	[tilespmem:$0x2D00] =	vst v3;
	v3 =	vadd.s32 v0, v4;
	v4 =	vld [tilespmem:$0x2960]  }
0x6e: {  	[tilespmem:$0x2D10] =	vst v3;
	v3 =	vadd.s32 v0, v5;
	v5 =	vld [tilespmem:$0x2970]  }
0x6f: {  	[tilespmem:$0x2D20] =	vst v3;
	v3 =	vadd.s32 v0, v6  }
0x70: {  	[tilespmem:$0x2D30] =	vst v3;
	v3 =	vadd.s32 v0, v7  }
0x71: {  	[tilespmem:$0x2D40] =	vst v3;
	v3 =	vadd.s32 v0, v8  }
0x72: {  	[tilespmem:$0x2D50] =	vst v3;
	v3 =	vadd.s32 v0, v4  }
0x73: {  	[tilespmem:$0x2D60] =	vst v3;
	v3 =	vadd.s32 v0, v5  }
0x74: {  	[tilespmem:$0x2D70] =	vst v3  }
0x75: {  	[spmem:s2] =	stream.indirect.scatter.add.f32 [tilespmem:s22], [sflag:$0x1], $0x1, s24, s18, $0xb8;
	[tilespmem:$0x5100] =	vst v63  }
0x76: {  	_ =	swait.ge [sflag:s17], $0x80  }
0x77: {  	[sflag:s17] =	ssyncset.done $0x0  }
0x78: {  	[sflag:s17] =	ssyncadd.s32 $0xFFFFFF80  }
0x79: {  	v3 =	vld [tilespmem:$0x2980]  }
0x7a: {  	v4 =	vld [tilespmem:$0x2990]  }
0x7b: {  	v5 =	vld [tilespmem:$0x29A0]  }
0x7c: {  	v6 =	vld [tilespmem:$0x29B0]  }
0x7d: {  	v7 =	vld [tilespmem:$0x29C0]  }
0x7e: {  	v8 =	vld [tilespmem:$0x29D0];
	v3 =	vadd.s32 v0, v3  }
0x7f: {  	[tilespmem:$0x2D80] =	vst v3;
	v3 =	vadd.s32 v0, v4;
	v4 =	vld [tilespmem:$0x29E0]  }
0x80: {  	[tilespmem:$0x2D90] =	vst v3;
	v3 =	vadd.s32 v0, v5;
	v5 =	vld [tilespmem:$0x29F0]  }
0x81: {  	[tilespmem:$0x2DA0] =	vst v3;
	v3 =	vadd.s32 v0, v6  }
0x82: {  	[tilespmem:$0x2DB0] =	vst v3;
	v3 =	vadd.s32 v0, v7  }
0x83: {  	[tilespmem:$0x2DC0] =	vst v3;
	v3 =	vadd.s32 v0, v8  }
0x84: {  	[tilespmem:$0x2DD0] =	vst v3;
	v3 =	vadd.s32 v0, v4  }
0x85: {  	[tilespmem:$0x2DE0] =	vst v3;
	v3 =	vadd.s32 v0, v5  }
0x86: {  	[tilespmem:$0x2DF0] =	vst v3  }
0x87: {  	[spmem:s2] =	stream.indirect.scatter.add.f32 [tilespmem:s22], [sflag:$0x1], $0x1, s25, s18, $0xb8;
	[tilespmem:$0x5100] =	vst v63  }
0x88: {  	_ =	swait.ge [sflag:s17], $0x80  }
0x89: {  	[sflag:s17] =	ssyncset.done $0x0  }
0x8a: {  	[sflag:s17] =	ssyncadd.s32 $0xFFFFFF80  }
0x8b: {  	v3 =	vld [tilespmem:$0x2A00]  }
0x8c: {  	v4 =	vld [tilespmem:$0x2A10]  }
0x8d: {  	v5 =	vld [tilespmem:$0x2A20]  }
0x8e: {  	v6 =	vld [tilespmem:$0x2A30]  }
0x8f: {  	v7 =	vld [tilespmem:$0x2A40]  }
0x90: {  	v8 =	vld [tilespmem:$0x2A50];
	v3 =	vadd.s32 v0, v3  }
0x91: {  	[tilespmem:$0x2E00] =	vst v3;
	v3 =	vadd.s32 v0, v4;
	v4 =	vld [tilespmem:$0x2A60]  }
0x92: {  	[tilespmem:$0x2E10] =	vst v3;
	v3 =	vadd.s32 v0, v5;
	v5 =	vld [tilespmem:$0x2A70]  }
0x93: {  	[tilespmem:$0x2E20] =	vst v3;
	v3 =	vadd.s32 v0, v6  }
0x94: {  	[tilespmem:$0x2E30] =	vst v3;
	v3 =	vadd.s32 v0, v7  }
0x95: {  	[tilespmem:$0x2E40] =	vst v3;
	v3 =	vadd.s32 v0, v8  }
0x96: {  	[tilespmem:$0x2E50] =	vst v3;
	v3 =	vadd.s32 v0, v4  }
0x97: {  	[tilespmem:$0x2E60] =	vst v3;
	v3 =	vadd.s32 v0, v5  }
0x98: {  	[tilespmem:$0x2E70] =	vst v3  }
0x99: {  	[spmem:s2] =	stream.indirect.scatter.add.f32 [tilespmem:s22], [sflag:$0x1], $0x1, s26, s18, $0xb8;
	[tilespmem:$0x5100] =	vst v63  }
0x9a: {  	_ =	swait.ge [sflag:s17], $0x80  }
0x9b: {  	[sflag:s17] =	ssyncset.done $0x0  }
0x9c: {  	[sflag:s17] =	ssyncadd.s32 $0xFFFFFF80  }
0x9d: {  	v3 =	vld [tilespmem:$0x2A80]  }
0x9e: {  	v4 =	vld [tilespmem:$0x2A90]  }
0x9f: {  	v5 =	vld [tilespmem:$0x2AA0]  }
0xa0: {  	v6 =	vld [tilespmem:$0x2AB0]  }
0xa1: {  	v7 =	vld [tilespmem:$0x2AC0]  }
0xa2: {  	v8 =	vld [tilespmem:$0x2AD0];
	v3 =	vadd.s32 v0, v3  }
0xa3: {  	[tilespmem:$0x2E80] =	vst v3;
	v3 =	vadd.s32 v0, v4;
	v4 =	vld [tilespmem:$0x2AE0]  }
0xa4: {  	[tilespmem:$0x2E90] =	vst v3;
	v3 =	vadd.s32 v0, v5;
	v5 =	vld [tilespmem:$0x2AF0]  }
0xa5: {  	[tilespmem:$0x2EA0] =	vst v3;
	v3 =	vadd.s32 v0, v6  }
0xa6: {  	[tilespmem:$0x2EB0] =	vst v3;
	v3 =	vadd.s32 v0, v7  }
0xa7: {  	[tilespmem:$0x2EC0] =	vst v3;
	v3 =	vadd.s32 v0, v8  }
0xa8: {  	[tilespmem:$0x2ED0] =	vst v3;
	v3 =	vadd.s32 v0, v4  }
0xa9: {  	[tilespmem:$0x2EE0] =	vst v3;
	v3 =	vadd.s32 v0, v5  }
0xaa: {  	[tilespmem:$0x2EF0] =	vst v3  }
0xab: {  	[spmem:s2] =	stream.indirect.scatter.add.f32 [tilespmem:s22], [sflag:$0x1], $0x1, s28, s18, $0xb8;
	[tilespmem:$0x5100] =	vst v63  }
0xac: {  	_ =	swait.ge [sflag:s17], $0x80  }
0xad: {  	[sflag:s17] =	ssyncset.done $0x0  }
0xae: {  	[sflag:s17] =	ssyncadd.s32 $0xFFFFFF80  }
0xaf: {  	v3 =	vld [tilespmem:$0x2B00]  }
0xb0: {  	v4 =	vld [tilespmem:$0x2B10]  }
0xb1: {  	v5 =	vld [tilespmem:$0x2B20]  }
0xb2: {  	v6 =	vld [tilespmem:$0x2B30]  }
0xb3: {  	v7 =	vld [tilespmem:$0x2B40]  }
0xb4: {  	v8 =	vld [tilespmem:$0x2B50];
	v3 =	vadd.s32 v0, v3  }
0xb5: {  	[tilespmem:$0x2F00] =	vst v3;
	v3 =	vadd.s32 v0, v4;
	v4 =	vld [tilespmem:$0x2B60]  }
0xb6: {  	[tilespmem:$0x2F10] =	vst v3;
	v3 =	vadd.s32 v0, v5;
	v5 =	vld [tilespmem:$0x2B70]  }
0xb7: {  	[tilespmem:$0x2F20] =	vst v3;
	v3 =	vadd.s32 v0, v6  }
0xb8: {  	[tilespmem:$0x2F30] =	vst v3;
	v3 =	vadd.s32 v0, v7  }
0xb9: {  	[tilespmem:$0x2F40] =	vst v3;
	v3 =	vadd.s32 v0, v8  }
0xba: {  	[tilespmem:$0x2F50] =	vst v3;
	v3 =	vadd.s32 v0, v4  }
0xbb: {  	[tilespmem:$0x2F60] =	vst v3;
	v3 =	vadd.s32 v0, v5  }
0xbc: {  	[tilespmem:$0x2F70] =	vst v3  }
0xbd: {  	[spmem:s2] =	stream.indirect.scatter.add.f32 [tilespmem:s22], [sflag:$0x1], $0x1, s29, s18, $0xb8;
	[tilespmem:$0x5100] =	vst v63  }
0xbe: {  	_ =	swait.ge [sflag:s17], $0x80  }
0xbf: {  	[sflag:s17] =	ssyncset.done $0x0  }
0xc0: {  	[sflag:s17] =	ssyncadd.s32 $0xFFFFFF80  }
0xc1: {  	v3 =	vld [tilespmem:$0x2B80]  }
0xc2: {  	v4 =	vld [tilespmem:$0x2B90]  }
0xc3: {  	v5 =	vld [tilespmem:$0x2BA0]  }
0xc4: {  	v6 =	vld [tilespmem:$0x2BB0]  }
0xc5: {  	v7 =	vld [tilespmem:$0x2BC0]  }
0xc6: {  	v8 =	vld [tilespmem:$0x2BD0];
	v3 =	vadd.s32 v0, v3  }
0xc7: {  	[tilespmem:$0x2F80] =	vst v3;
	v3 =	vadd.s32 v0, v4;
	v4 =	vld [tilespmem:$0x2BE0]  }
0xc8: {  	[tilespmem:$0x2F90] =	vst v3;
	v3 =	vadd.s32 v0, v5;
	v5 =	vld [tilespmem:$0x2BF0]  }
0xc9: {  	[tilespmem:$0x2FA0] =	vst v3;
	v3 =	vadd.s32 v0, v6  }
0xca: {  	[tilespmem:$0x2FB0] =	vst v3;
	v3 =	vadd.s32 v0, v7  }
0xcb: {  	[tilespmem:$0x2FC0] =	vst v3;
	v3 =	vadd.s32 v0, v8  }
0xcc: {  	[tilespmem:$0x2FD0] =	vst v3;
	v3 =	vadd.s32 v0, v4  }
0xcd: {  	[tilespmem:$0x2FE0] =	vst v3;
	v3 =	vadd.s32 v0, v5  }
0xce: {  	[tilespmem:$0x2FF0] =	vst v3  }
0xcf: {  	[spmem:s2] =	stream.indirect.scatter.add.f32 [tilespmem:s22], [sflag:$0x1], $0x1, s30, s18, $0xb8;
	[tilespmem:$0x5100] =	vst v63  }
0xd0: {  	_ =	swait.ge [sflag:s17], $0x80  }
0xd1: {  	[sflag:s17] =	ssyncset.done $0x0  }
0xd2: {  	[sflag:s17] =	ssyncadd.s32 $0xFFFFFF80  }
0xd3: {  	[tilespmem:s20], [sflag:$0x1] =	stream.strided.gather [hbm4b:s9+s18], $0x400, s19, s18, $0x38;
	[tilespmem:$0x5100] =	vst v63  }
0xd4: {  	_ =	swait.ge [sflag:s17], $0x400  }
0xd5: {  	[sflag:s17] =	ssyncset.done $0x0  }
0xd6: {  	[sflag:s17] =	ssyncadd.s32 $0xFFFFFC00  }
0xd7: {  	v3 =	vld [tilespmem:$0x2800]  }
0xd8: {  	v4 =	vld [tilespmem:$0x2810]  }
0xd9: {  	v5 =	vld [tilespmem:$0x2820]  }
0xda: {  	v6 =	vld [tilespmem:$0x2830]  }
0xdb: {  	v7 =	vld [tilespmem:$0x2840]  }
0xdc: {  	v8 =	vld [tilespmem:$0x2850];
	v3 =	vadd.s32 v0, v3  }
0xdd: {  	[tilespmem:$0x2C00] =	vst v3;
	v3 =	vadd.s32 v0, v4;
	v4 =	vld [tilespmem:$0x2860]  }
0xde: {  	[tilespmem:$0x2C10] =	vst v3;
	v3 =	vadd.s32 v0, v5;
	v5 =	vld [tilespmem:$0x2870]  }
0xdf: {  	[tilespmem:$0x2C20] =	vst v3;
	v3 =	vadd.s32 v0, v6  }
0xe0: {  	[tilespmem:$0x2C30] =	vst v3;
	v3 =	vadd.s32 v0, v7  }
0xe1: {  	[tilespmem:$0x2C40] =	vst v3;
	v3 =	vadd.s32 v0, v8  }
0xe2: {  	[tilespmem:$0x2C50] =	vst v3;
	v3 =	vadd.s32 v0, v4  }
0xe3: {  	[tilespmem:$0x2C60] =	vst v3;
	v3 =	vadd.s32 v0, v5  }
0xe4: {  	[tilespmem:$0x2C70] =	vst v3  }
0xe5: {  	[spmem:s2] =	stream.indirect.scatter.add.f32 [tilespmem:s22], [sflag:$0x1], $0x1, s21, s18, $0xb8;
	[tilespmem:$0x5100] =	vst v63  }
0xe6: {  	_ =	swait.ge [sflag:s17], $0x80  }
0xe7: {  	[sflag:s17] =	ssyncset.done $0x0  }
0xe8: {  	[sflag:s17] =	ssyncadd.s32 $0xFFFFFF80  }
0xe9: {  	v3 =	vld [tilespmem:$0x2880]  }
0xea: {  	v4 =	vld [tilespmem:$0x2890]  }
0xeb: {  	v5 =	vld [tilespmem:$0x28A0]  }
0xec: {  	v6 =	vld [tilespmem:$0x28B0]  }
0xed: {  	v7 =	vld [tilespmem:$0x28C0]  }
0xee: {  	v8 =	vld [tilespmem:$0x28D0];
	v3 =	vadd.s32 v0, v3  }
0xef: {  	[tilespmem:$0x2C80] =	vst v3;
	v3 =	vadd.s32 v0, v4;
	v4 =	vld [tilespmem:$0x28E0]  }
0xf0: {  	[tilespmem:$0x2C90] =	vst v3;
	v3 =	vadd.s32 v0, v5;
	v5 =	vld [tilespmem:$0x28F0]  }
0xf1: {  	[tilespmem:$0x2CA0] =	vst v3;
	v3 =	vadd.s32 v0, v6  }
0xf2: {  	[tilespmem:$0x2CB0] =	vst v3;
	v3 =	vadd.s32 v0, v7  }
0xf3: {  	[tilespmem:$0x2CC0] =	vst v3;
	v3 =	vadd.s32 v0, v8  }
0xf4: {  	[tilespmem:$0x2CD0] =	vst v3;
	v3 =	vadd.s32 v0, v4  }
0xf5: {  	[tilespmem:$0x2CE0] =	vst v3;
	v3 =	vadd.s32 v0, v5  }
0xf6: {  	[tilespmem:$0x2CF0] =	vst v3  }
0xf7: {  	[spmem:s2] =	stream.indirect.scatter.add.f32 [tilespmem:s22], [sflag:$0x1], $0x1, s23, s18, $0xb8;
	[tilespmem:$0x5100] =	vst v63  }
0xf8: {  	_ =	swait.ge [sflag:s17], $0x80  }
0xf9: {  	[sflag:s17] =	ssyncset.done $0x0  }
0xfa: {  	[sflag:s17] =	ssyncadd.s32 $0xFFFFFF80  }
0xfb: {  	v3 =	vld [tilespmem:$0x2900]  }
0xfc: {  	v4 =	vld [tilespmem:$0x2910]  }
0xfd: {  	v5 =	vld [tilespmem:$0x2920]  }
0xfe: {  	v6 =	vld [tilespmem:$0x2930]  }
0xff: {  	v7 =	vld [tilespmem:$0x2940]  }
0x100: {  	v8 =	vld [tilespmem:$0x2950];
	v3 =	vadd.s32 v0, v3  }
0x101: {  	[tilespmem:$0x2D00] =	vst v3;
	v3 =	vadd.s32 v0, v4;
	v4 =	vld [tilespmem:$0x2960]  }
0x102: {  	[tilespmem:$0x2D10] =	vst v3;
	v3 =	vadd.s32 v0, v5;
	v5 =	vld [tilespmem:$0x2970]  }
0x103: {  	[tilespmem:$0x2D20] =	vst v3;
	v3 =	vadd.s32 v0, v6  }
0x104: {  	[tilespmem:$0x2D30] =	vst v3;
	v3 =	vadd.s32 v0, v7  }
0x105: {  	[tilespmem:$0x2D40] =	vst v3;
	v3 =	vadd.s32 v0, v8  }
0x106: {  	[tilespmem:$0x2D50] =	vst v3;
	v3 =	vadd.s32 v0, v4  }
0x107: {  	[tilespmem:$0x2D60] =	vst v3;
	v3 =	vadd.s32 v0, v5  }
0x108: {  	[tilespmem:$0x2D70] =	vst v3  }
0x109: {  	[spmem:s2] =	stream.indirect.scatter.add.f32 [tilespmem:s22], [sflag:$0x1], $0x1, s24, s18, $0xb8;
	[tilespmem:$0x5100] =	vst v63  }
0x10a: {  	_ =	swait.ge [sflag:s17], $0x80  }
0x10b: {  	[sflag:s17] =	ssyncset.done $0x0  }
0x10c: {  	[sflag:s17] =	ssyncadd.s32 $0xFFFFFF80  }
0x10d: {  	v3 =	vld [tilespmem:$0x2980]  }
0x10e: {  	v4 =	vld [tilespmem:$0x2990]  }
0x10f: {  	v5 =	vld [tilespmem:$0x29A0]  }
0x110: {  	v6 =	vld [tilespmem:$0x29B0]  }
0x111: {  	v7 =	vld [tilespmem:$0x29C0]  }
0x112: {  	v8 =	vld [tilespmem:$0x29D0];
	v3 =	vadd.s32 v0, v3  }
0x113: {  	[tilespmem:$0x2D80] =	vst v3;
	v3 =	vadd.s32 v0, v4;
	v4 =	vld [tilespmem:$0x29E0]  }
0x114: {  	[tilespmem:$0x2D90] =	vst v3;
	v3 =	vadd.s32 v0, v5;
	v5 =	vld [tilespmem:$0x29F0]  }
0x115: {  	[tilespmem:$0x2DA0] =	vst v3;
	v3 =	vadd.s32 v0, v6  }
0x116: {  	[tilespmem:$0x2DB0] =	vst v3;
	v3 =	vadd.s32 v0, v7  }
0x117: {  	[tilespmem:$0x2DC0] =	vst v3;
	v3 =	vadd.s32 v0, v8  }
0x118: {  	[tilespmem:$0x2DD0] =	vst v3;
	v3 =	vadd.s32 v0, v4  }
0x119: {  	[tilespmem:$0x2DE0] =	vst v3;
	v3 =	vadd.s32 v0, v5  }
0x11a: {  	[tilespmem:$0x2DF0] =	vst v3  }
0x11b: {  	[spmem:s2] =	stream.indirect.scatter.add.f32 [tilespmem:s22], [sflag:$0x1], $0x1, s25, s18, $0xb8;
	[tilespmem:$0x5100] =	vst v63  }
0x11c: {  	_ =	swait.ge [sflag:s17], $0x80  }
0x11d: {  	[sflag:s17] =	ssyncset.done $0x0  }
0x11e: {  	[sflag:s17] =	ssyncadd.s32 $0xFFFFFF80  }
0x11f: {  	v3 =	vld [tilespmem:$0x2A00]  }
0x120: {  	v4 =	vld [tilespmem:$0x2A10]  }
0x121: {  	v5 =	vld [tilespmem:$0x2A20]  }
0x122: {  	v6 =	vld [tilespmem:$0x2A30]  }
0x123: {  	v7 =	vld [tilespmem:$0x2A40]  }
0x124: {  	v8 =	vld [tilespmem:$0x2A50];
	v3 =	vadd.s32 v0, v3  }
0x125: {  	[tilespmem:$0x2E00] =	vst v3;
	v3 =	vadd.s32 v0, v4;
	v4 =	vld [tilespmem:$0x2A60]  }
0x126: {  	[tilespmem:$0x2E10] =	vst v3;
	v3 =	vadd.s32 v0, v5;
	v5 =	vld [tilespmem:$0x2A70]  }
0x127: {  	[tilespmem:$0x2E20] =	vst v3;
	v3 =	vadd.s32 v0, v6  }
0x128: {  	[tilespmem:$0x2E30] =	vst v3;
	v3 =	vadd.s32 v0, v7  }
0x129: {  	[tilespmem:$0x2E40] =	vst v3;
	v3 =	vadd.s32 v0, v8  }
0x12a: {  	[tilespmem:$0x2E50] =	vst v3;
	v3 =	vadd.s32 v0, v4  }
0x12b: {  	[tilespmem:$0x2E60] =	vst v3;
	v3 =	vadd.s32 v0, v5  }
0x12c: {  	[tilespmem:$0x2E70] =	vst v3  }
0x12d: {  	[spmem:s2] =	stream.indirect.scatter.add.f32 [tilespmem:s22], [sflag:$0x1], $0x1, s26, s18, $0xb8;
	[tilespmem:$0x5100] =	vst v63  }
0x12e: {  	_ =	swait.ge [sflag:s17], $0x80  }
0x12f: {  	[sflag:s17] =	ssyncset.done $0x0  }
0x130: {  	[sflag:s17] =	ssyncadd.s32 $0xFFFFFF80  }
0x131: {  	v3 =	vld [tilespmem:$0x2A80]  }
0x132: {  	v4 =	vld [tilespmem:$0x2A90]  }
0x133: {  	v5 =	vld [tilespmem:$0x2AA0]  }
0x134: {  	v6 =	vld [tilespmem:$0x2AB0]  }
0x135: {  	v7 =	vld [tilespmem:$0x2AC0]  }
0x136: {  	v8 =	vld [tilespmem:$0x2AD0];
	v3 =	vadd.s32 v0, v3  }
0x137: {  	[tilespmem:$0x2E80] =	vst v3;
	v3 =	vadd.s32 v0, v4;
	v4 =	vld [tilespmem:$0x2AE0]  }
0x138: {  	[tilespmem:$0x2E90] =	vst v3;
	v3 =	vadd.s32 v0, v5;
	v5 =	vld [tilespmem:$0x2AF0]  }
0x139: {  	[tilespmem:$0x2EA0] =	vst v3;
	v3 =	vadd.s32 v0, v6  }
0x13a: {  	[tilespmem:$0x2EB0] =	vst v3;
	v3 =	vadd.s32 v0, v7  }
0x13b: {  	[tilespmem:$0x2EC0] =	vst v3;
	v3 =	vadd.s32 v0, v8  }
0x13c: {  	[tilespmem:$0x2ED0] =	vst v3;
	v3 =	vadd.s32 v0, v4  }
0x13d: {  	[tilespmem:$0x2EE0] =	vst v3;
	v3 =	vadd.s32 v0, v5  }
0x13e: {  	[tilespmem:$0x2EF0] =	vst v3  }
0x13f: {  	[spmem:s2] =	stream.indirect.scatter.add.f32 [tilespmem:s22], [sflag:$0x1], $0x1, s28, s18, $0xb8;
	[tilespmem:$0x5100] =	vst v63  }
0x140: {  	_ =	swait.ge [sflag:s17], $0x80  }
0x141: {  	[sflag:s17] =	ssyncset.done $0x0  }
0x142: {  	[sflag:s17] =	ssyncadd.s32 $0xFFFFFF80  }
0x143: {  	v3 =	vld [tilespmem:$0x2B00]  }
0x144: {  	v4 =	vld [tilespmem:$0x2B10]  }
0x145: {  	v5 =	vld [tilespmem:$0x2B20]  }
0x146: {  	v6 =	vld [tilespmem:$0x2B30]  }
0x147: {  	v7 =	vld [tilespmem:$0x2B40]  }
0x148: {  	v8 =	vld [tilespmem:$0x2B50];
	v3 =	vadd.s32 v0, v3  }
0x149: {  	[tilespmem:$0x2F00] =	vst v3;
	v3 =	vadd.s32 v0, v4;
	v4 =	vld [tilespmem:$0x2B60]  }
0x14a: {  	[tilespmem:$0x2F10] =	vst v3;
	v3 =	vadd.s32 v0, v5;
	v5 =	vld [tilespmem:$0x2B70]  }
0x14b: {  	[tilespmem:$0x2F20] =	vst v3;
	v3 =	vadd.s32 v0, v6  }
0x14c: {  	[tilespmem:$0x2F30] =	vst v3;
	v3 =	vadd.s32 v0, v7  }
0x14d: {  	[tilespmem:$0x2F40] =	vst v3;
	v3 =	vadd.s32 v0, v8  }
0x14e: {  	[tilespmem:$0x2F50] =	vst v3;
	v3 =	vadd.s32 v0, v4  }
0x14f: {  	[tilespmem:$0x2F60] =	vst v3;
	v3 =	vadd.s32 v0, v5  }
0x150: {  	[tilespmem:$0x2F70] =	vst v3  }
0x151: {  	[spmem:s2] =	stream.indirect.scatter.add.f32 [tilespmem:s22], [sflag:$0x1], $0x1, s29, s18, $0xb8;
	[tilespmem:$0x5100] =	vst v63  }
0x152: {  	_ =	swait.ge [sflag:s17], $0x80  }
0x153: {  	[sflag:s17] =	ssyncset.done $0x0  }
0x154: {  	[sflag:s17] =	ssyncadd.s32 $0xFFFFFF80  }
0x155: {  	v3 =	vld [tilespmem:$0x2B80]  }
0x156: {  	v4 =	vld [tilespmem:$0x2B90]  }
0x157: {  	v5 =	vld [tilespmem:$0x2BA0]  }
0x158: {  	v6 =	vld [tilespmem:$0x2BB0]  }
0x159: {  	v7 =	vld [tilespmem:$0x2BC0]  }
0x15a: {  	v8 =	vld [tilespmem:$0x2BD0];
	v3 =	vadd.s32 v0, v3  }
0x15b: {  	[tilespmem:$0x2F80] =	vst v3;
	v3 =	vadd.s32 v0, v4;
	v4 =	vld [tilespmem:$0x2BE0]  }
0x15c: {  	[tilespmem:$0x2F90] =	vst v3;
	v3 =	vadd.s32 v0, v5;
	v5 =	vld [tilespmem:$0x2BF0]  }
0x15d: {  	[tilespmem:$0x2FA0] =	vst v3;
	v3 =	vadd.s32 v0, v6  }
0x15e: {  	[tilespmem:$0x2FB0] =	vst v3;
	v3 =	vadd.s32 v0, v7  }
0x15f: {  	[tilespmem:$0x2FC0] =	vst v3;
	v3 =	vadd.s32 v0, v8  }
0x160: {  	[tilespmem:$0x2FD0] =	vst v3;
	v3 =	vadd.s32 v0, v4  }
0x161: {  	[tilespmem:$0x2FE0] =	vst v3;
	v3 =	vadd.s32 v0, v5  }
0x162: {  	[tilespmem:$0x2FF0] =	vst v3  }
0x163: {  	[spmem:s2] =	stream.indirect.scatter.add.f32 [tilespmem:s22], [sflag:$0x1], $0x1, s30, s18, $0xb8;
	[tilespmem:$0x5100] =	vst v63  }
0x164: {  	_ =	swait.ge [sflag:s17], $0x80  }
0x165: {  	[sflag:s17] =	ssyncset.done $0x0  }
0x166: {  	[sflag:s17] =	ssyncadd.s32 $0xFFFFFF80  }
0x167: {  	[bflag:$0x0] =	sbarrier.arrive $0xFFFF  }
0x168: {  	[tilespmem:s16], [sflag:$0x1] =	stream.linear.gather [spmem:s11], $0x800, $0x38;
	[tilespmem:$0x5100] =	vst v63  }
0x169: {  	_ =	swait.ge [sflag:s17], $0x800  }
0x16a: {  	[sflag:s17] =	ssyncset.done $0x0  }
0x16b: {  	s23 =	simm.s32 $0x3880;
	s16 =	simm.s32 $0x0;
	[sflag:s17] =	ssyncadd.s32 $0xFFFFF800  }
0x16c: {  	[tilespmem:s23], [sflag:$0x1] =	stream.linear.gather [hbm4b:s12+s16], $0x800, $0x38;
	[tilespmem:$0x5100] =	vst v63  }
0x16d: {  	_ =	swait.ge [sflag:s17], $0x800  }
0x16e: {  	[sflag:s17] =	ssyncset.done $0x0  }
0x16f: {  	s23 =	simm.s32 $0x4080;
	[sflag:s17] =	ssyncadd.s32 $0xFFFFF800  }
0x170: {  	[tilespmem:s23], [sflag:$0x1] =	stream.linear.gather [hbm4b:s13+s16], $0x800, $0x38;
	[tilespmem:$0x5100] =	vst v63  }
0x171: {  	_ =	swait.ge [sflag:s17], $0x800  }
0x172: {  	[sflag:s17] =	ssyncset.done $0x0  }
0x173: {  	s23 =	simm.s32 $0x0;
	[sflag:s17] =	ssyncadd.s32 $0xFFFFF800  }
0x174: {  	v4 =	vld [tilespmem:s23+$0x3880]  }
0x175: {  	v5 =	vld [tilespmem:s23+$0x3080]  }
0x176: {  	v3 =	vimm.f32 $0.0e+00;
	s16 =	simm.s32 $0x40;
	v6 =	vld [tilespmem:s23+$0x4080]  }
.LBB2_5:
0x177: {  	p1 =	sne.s32 s16, $0x1FC0  }
.Ltmp4:
0x178: {  	_ = 	snop;
	(pc) =	sbr.rel @p1 .LBB2_5-.Ltmp4, $4  }
0x179: {  	s21 =	sshra.s32 s16, $0x2  }
0x17a: {  	v7 =	vmov v4;
	v4 =	vld [tilespmem:s21+$0x3880];
	vm0 =	vgt.f32 v5, $0.0e+00  }
0x17b: {  	v5 =	vld [tilespmem:s21+$0x3080];
	v7 =	vsel vm0, v7, v6  }
0x17c: {  	s16 =	sadd.s32 $0x40, s16;
	v6 =	vld [tilespmem:s21+$0x4080];
	v3 =	vadd.f32 v7, v3  }
0x17d: {  	_ =	sdelay $0x2  }
0x17e: {  	vm0 =	vgt.f32 v5, $0.0e+00  }
0x17f: {  	v4 =	vsel vm0, v4, v6  }
0x180: {  	v3 =	vadd.f32 v4, v3;
	_ =	sdelay $0x1  }
.Ltmp5:
0x181: {  	[tilespmem:$0x4880] =	vst v3;
	(pc) =	sbr.rel .LBB2_12-.Ltmp5, $4  }
0x182: {  	[hbm4b:s14+s3] =	stream.linear.scatter [tilespmem:s1], [sflag:$0x1], $0x80, $0x38;
	[tilespmem:$0x5100] =	vst v63  }
0x183: {  	_ =	swait.ge [sflag:s17], $0x80  }
0x184: {  	[sflag:s17] =	ssyncset.done $0x0  }
0x185: {  	[sflag:s17] =	ssyncadd.s32 $0xFFFFFF80  }
.LBB2_7:
0x186: {  	s16 =	simm.s32 $0x0  }
0x187: {  	[tilespmem:s16], [sflag:$0x1] =	stream.strided.gather [hbm4b:s4+s18], $0x1000, s19, s18, $0x38;
	[tilespmem:$0x5100] =	vst v63  }
0x188: {  	_ =	swait.ge [sflag:s17], $0x1000  }
0x189: {  	[sflag:s17] =	ssyncset.done $0x0  }
0x18a: {  	[sflag:s17] =	ssyncadd.s32 $0xFFFFF000  }
0x18b: {  	[tilespmem:s31], [sflag:$0x1] =	stream.strided.gather [hbm4b:s5+s18], $0x1000, s19, s18, $0x38;
	[tilespmem:$0x5100] =	vst v63  }
0x18c: {  	_ =	swait.ge [sflag:s17], $0x1000  }
0x18d: {  	[sflag:s17] =	ssyncset.done $0x0  }
0x18e: {  	s21 =	simm.s32 $0x2000;
	[sflag:s17] =	ssyncadd.s32 $0xFFFFF000  }
0x18f: {  	[tilespmem:s21], [sflag:$0x1] =	stream.strided.gather [hbm4b:s6+s18], $0x400, s19, s18, $0x38;
	[tilespmem:$0x5100] =	vst v63  }
0x190: {  	_ =	swait.ge [sflag:s17], $0x400  }
0x191: {  	[sflag:s17] =	ssyncset.done $0x0  }
0x192: {  	s23 =	simm.s32 $0x2400;
	[sflag:s17] =	ssyncadd.s32 $0xFFFFFC00  }
0x193: {  	[tilespmem:s23], [sflag:$0x1] =	stream.strided.gather [hbm4b:s7+s18], $0x400, s19, s18, $0x38;
	[tilespmem:$0x5100] =	vst v63  }
0x194: {  	_ =	swait.ge [sflag:s17], $0x400  }
0x195: {  	[sflag:s17] =	ssyncset.done $0x0  }
0x196: {  	[sflag:s17] =	ssyncadd.s32 $0xFFFFFC00  }
0x197: {  	[tilespmem:s20], [sflag:$0x1] =	stream.strided.gather [hbm4b:s8+s18], $0x400, s19, s18, $0x38;
	[tilespmem:$0x5100] =	vst v63  }
0x198: {  	_ =	swait.ge [sflag:s17], $0x400  }
0x199: {  	[sflag:s17] =	ssyncset.done $0x0  }
0x19a: {  	s21 =	simm.s32 $0x0;
	[sflag:s17] =	ssyncadd.s32 $0xFFFFFC00  }
0x19b: {  	v3 =	vld [tilespmem:s21+$0x2800];
	_ =	sdelay $0x5  }
0x19c: {  	s16 =	simm.s32 $0x10;
	v4 =	vld [tilespmem:s21+$0x2000]  }
0x19d: {  	v6 =	vld [tilespmem:s16+$0x2800]  }
0x19e: {  	v5 =	vld.idx.msk [tilespmem:v3+s3+$0x0], $0xffff  }
0x19f: {  	v8 =	vld [tilespmem:s21+$0x2400]  }
0x1a0: {  	v7 =	vld.idx.msk [tilespmem:v3+s31+$0x0], $0xffff;
	_ =	sdelay $0x2  }
0x1a1: {  	v5 =	vsub.f32 v5, v4;
	_ =	sdelay $0x1  }
0x1a2: {  	v3 =	vld [tilespmem:s16+$0x2000];
	v7 =	vsub.f32 v7, v8;
	v8 =	vmul.f32 v5, v5  }
0x1a3: {  	s23 =	simm.s32 $0x20;
	s21 =	simm.s32 $0xC0;
	v4 =	vimm.f32 $0.0e+00;
	v5 =	vld.idx.msk [tilespmem:v6+s3+$0x0], $0xffff  }
.LBB2_8:
0x1a4: {  	p1 =	sne.s32 s21, $0xFC0;
	v9 =	vld [tilespmem:s23+$0x2800];
	v4 =	vadd.f32 v8, v4;
	v7 =	vmul.f32 v7, v7  }
0x1a5: {  	v8 =	vld.idx.msk [tilespmem:v6+s31+$0x0], $0xffff  }
0x1a6: {  	v10 =	vld [tilespmem:s16+$0x2400];
	v4 =	vadd.f32 v7, v4;
	s16 =	smov.u32 s23;
	_ =	sdelay $0x1  }
.Ltmp6:
0x1a7: {  	(pc) =	sbr.rel @p1 .LBB2_8-.Ltmp6, $3  }
0x1a8: {  	v5 =	vsub.f32 v5, v3;
	v6 =	vmov v9;
	_ =	sdelay $0x1  }
0x1a9: {  	v3 =	vld [tilespmem:s16+$0x2000];
	v7 =	vsub.f32 v8, v10;
	v8 =	vmul.f32 v5, v5  }
0x1aa: {  	s23 =	sshra.s32 s21, $0x2;
	s21 =	sadd.s32 $0x40, s21;
	v5 =	vld.idx.msk [tilespmem:v9+s3+$0x0], $0xffff  }
0x1ab: {  	v9 =	vld [tilespmem:s23+$0x2800];
	_ =	sdelay $0x3  }
0x1ac: {  	v6 =	vld.idx.msk [tilespmem:v6+s31+$0x0], $0xffff  }
0x1ad: {  	v10 =	vld [tilespmem:s16+$0x2400]  }
0x1ae: {  	v11 =	vld [tilespmem:s23+$0x2000]  }
0x1af: {  	v13 =	vld [tilespmem:s23+$0x2400]  }
0x1b0: {  	v12 =	vld.idx.msk [tilespmem:v9+s3+$0x0], $0xffff  }
0x1b1: {  	v9 =	vld.idx.msk [tilespmem:v9+s31+$0x0], $0xffff;
	[tilespmem:s20], [sflag:$0x1] =	stream.strided.gather [hbm4b:s9+s18], $0x400, s19, s18, $0x38  }
0x1b2: {  	_ =	swait.ge [sflag:s17], $0x400  }
0x1b3: {  	[sflag:s17] =	ssyncset.done $0x0  }
0x1b4: {  	s21 =	simm.s32 $0x0;
	[sflag:s17] =	ssyncadd.s32 $0xFFFFFC00  }
0x1b5: {  	v14 =	vld [tilespmem:s21+$0x2800];
	_ =	sdelay $0x4  }
0x1b6: {  	v4 =	vadd.f32 v8, v4;
	v7 =	vmul.f32 v7, v7;
	v3 =	vsub.f32 v5, v3  }
0x1b7: {  	s16 =	simm.s32 $0x10;
	v5 =	vld [tilespmem:s21+$0x2000]  }
0x1b8: {  	v4 =	vadd.f32 v7, v4;
	v6 =	vsub.f32 v6, v10;
	v7 =	vmul.f32 v3, v3;
	v3 =	vld [tilespmem:s16+$0x2800]  }
0x1b9: {  	v8 =	vld.idx.msk [tilespmem:v14+s3+$0x0], $0xffff  }
0x1ba: {  	v6 =	vmul.f32 v6, v6;
	v4 =	vadd.f32 v7, v4;
	v7 =	vsub.f32 v12, v11;
	v11 =	vld [tilespmem:s21+$0x2400]  }
0x1bb: {  	v10 =	vld.idx.msk [tilespmem:v14+s31+$0x0], $0xffff  }
0x1bc: {  	v4 =	vadd.f32 v6, v4;
	v6 =	vsub.f32 v9, v13;
	v7 =	vmul.f32 v7, v7;
	_ =	sdelay $0x1  }
0x1bd: {  	v6 =	vmul.f32 v6, v6;
	v7 =	vadd.f32 v7, v4;
	v8 =	vsub.f32 v8, v5;
	_ =	sdelay $0x1  }
0x1be: {  	v4 =	vld [tilespmem:s16+$0x2000];
	v5 =	vadd.f32 v6, v7;
	v7 =	vsub.f32 v10, v11;
	v8 =	vmul.f32 v8, v8  }
0x1bf: {  	s23 =	simm.s32 $0x20;
	s21 =	simm.s32 $0xC0;
	v6 =	vld.idx.msk [tilespmem:v3+s3+$0x0], $0xffff  }
.LBB2_10:
0x1c0: {  	p1 =	sne.s32 s21, $0xFC0;
	v9 =	vld [tilespmem:s23+$0x2800];
	v5 =	vadd.f32 v8, v5;
	v7 =	vmul.f32 v7, v7  }
0x1c1: {  	v8 =	vld.idx.msk [tilespmem:v3+s31+$0x0], $0xffff  }
0x1c2: {  	v10 =	vld [tilespmem:s16+$0x2400];
	v5 =	vadd.f32 v7, v5;
	s16 =	smov.u32 s23;
	_ =	sdelay $0x1  }
.Ltmp7:
0x1c3: {  	(pc) =	sbr.rel @p1 .LBB2_10-.Ltmp7, $3  }
0x1c4: {  	v6 =	vsub.f32 v6, v4;
	v3 =	vmov v9;
	_ =	sdelay $0x1  }
0x1c5: {  	v4 =	vld [tilespmem:s16+$0x2000];
	v7 =	vsub.f32 v8, v10;
	v8 =	vmul.f32 v6, v6  }
0x1c6: {  	s23 =	sshra.s32 s21, $0x2;
	s21 =	sadd.s32 $0x40, s21;
	v6 =	vld.idx.msk [tilespmem:v9+s3+$0x0], $0xffff  }
.Ltmp8:
0x1c7: {  	_ = 	snop;
	(pc) =	sbr.rel .LBB2_11-.Ltmp8, $1  }
0x1c8: {  	_ =	sdelay $0x3  }
.LBB2_13:
0x1c9: {  	_ =	sfence.sel $0x180000  }
0x1ca: {  	[bflag:$0x0] =	sbarrier.arrive $0xFFFF  }
0x1cb: {  	_ =	strace $0x90000047  }
0x1cc: {  	s0 =	stileid.u32;
	[bflag:$0x2] =	sbarrier.arrive $0xFFFF  }
0x1cd: {  	p0 =	sne.s32 s0, $0x0;
	s0 =	rddreg [dreg:$0x2]  }
0x1ce: {  	s0 =	sadd.s32 @!p0 $0x100000, s0  }
0x1cf: {  	[sflag:s0] =	ssyncadd.tile.s32 @!p0 $0x1;
	_ =	shalt  }
.Lfunc_end2:
_tile_overlayer_lowered:
.L_overlay_start_2:
0x1d0: {  	(tag) =	ssettag $0x2  }
0x1d1: {  	s0 =	rddreg [dreg:$0x0];
	s2 =	stileid.u32  }
0x1d2: {  	s1 =	rddreg [dreg:$0x1];
	p0 =	sne.s32 s2, $0x0  }
0x1d3: {  	s3 =	rddreg [dreg:$0x2];
	[bflag:$0x3] =	sbarrier.arrive $0xFFFF;
	s2 =	simm.s32 @!p0 $0x1C01  }
0x1d4: {  	[timem:s3], [sflag:s2] =	dma.local @!p0 [hbm:s0], s1  }
0x1d5: {  	s0 =	simm.s32 @!p0 $0x1  }
0x1d6: {  	_ =	swait.ge @!p0 [sflag:s0], s1  }
0x1d7: {  	s1 =	ssub.s32 @!p0 $0x0, s1;
	[sflag:s0] =	ssyncset.done @!p0 $0x0  }
0x1d8: {  	[sflag:s0] =	ssyncadd.s32 @!p0 s1  }
0x1d9: {  	[bflag:$0x3] =	sbarrier.arrive $0xFFFF  }
0x1da: {  	_ =	shalt  }

</sc_bundles>
